<compile_context>
chip_gen: v7x
topology: tpu7x:2x2x1
jax: 0.10.2.dev20260603
libtpu: 0.0.44.dev20260713+nightly
codegen_flags: <defaults>
</compile_context>

<pallas_src>
import functools

import jax
import jax.numpy as jnp
from jax import lax
from jax.experimental import pallas as pl
from jax.experimental.pallas import tpu as pltpu
from jax.experimental.pallas import tpu_sc as plsc

_N = 10000
_E = 320000
_H = 128
_EPS = 1e-5

_NC = 2
_NS = 16
_NW = _NC * _NS
_CE = 128
_NDR = 16
_N2 = _N + _NDR
_NCHW = 79
_EP = _NW * _NCHW * _CE
_PH0 = 40
_RZ = 624
_NREM = _N2 - _NS * _RZ


def _tiled_rows_copy(src, dst, s):
    pltpu.sync_copy(src.at[pl.ds(s * _RZ, _RZ)], dst.at[pl.ds(s * _RZ, _RZ)])

    @pl.when(s == _NS - 1)
    def _():
        pltpu.sync_copy(src.at[pl.ds(_NS * _RZ, _NREM)],
                        dst.at[pl.ds(_NS * _RZ, _NREM)])


_mesh = plsc.VectorSubcoreMesh(
    core_axis_name="c", subcore_axis_name="s", num_cores=_NC, num_subcores=_NS
)


@functools.partial(
    pl.kernel,
    out_type=jax.ShapeDtypeStruct((_NC, _N2, _H), jnp.float32),
    mesh=_mesh,
    scratch_types=[
        pltpu.VMEM((_PH0, _CE), jnp.int32),
        pltpu.VMEM((_PH0, _CE), jnp.int32),
        pltpu.VMEM((2, _CE, _H), jnp.float32),
        pltpu.VMEM_SHARED((_N2, _H), jnp.float32),
        pltpu.SemaphoreType.DMA,
        pltpu.SemaphoreType.DMA,
        pltpu.SemaphoreType.DMA,
        pltpu.SemaphoreType.DMA,
    ],
)
def _sc_edge_pass(xw_hbm, src_hbm, dst_hbm, zeros_hbm, out_hbm,
                  src_v, dst_v, rows_v, acc_sh, gsem0, gsem1, ssem0, ssem1):
    c = lax.axis_index("c")
    s = lax.axis_index("s")
    wid = c * _NS + s
    gsems = (gsem0, gsem1)
    ssems = (ssem0, ssem1)

    def gather(g, b):
        pltpu.async_copy(xw_hbm.at[src_v.at[g]], rows_v.at[b], gsems[b])

    def gather_wait(g, b):
        pltpu.make_async_copy(xw_hbm.at[src_v.at[g]], rows_v.at[b],
                              gsems[b]).wait()

    def scat(g, b):
        pltpu.async_copy(rows_v.at[b], acc_sh.at[dst_v.at[g]], ssems[b],
                         add=True)

    def scat_wait(g, b):
        pltpu.make_async_copy(rows_v.at[b], acc_sh.at[dst_v.at[g]],
                              ssems[b]).wait()

    first = True
    for base, nch in ((0, _PH0), (_PH0, _NCHW - _PH0)):
        pltpu.sync_copy(src_hbm.at[wid, pl.ds(base, nch)],
                        src_v.at[pl.ds(0, nch)])
        pltpu.sync_copy(dst_hbm.at[wid, pl.ds(base, nch)],
                        dst_v.at[pl.ds(0, nch)])
        gather(0, 0)
        if first:
            _tiled_rows_copy(zeros_hbm, acc_sh, s)
            plsc.subcore_barrier()
            first = False

        def body(i, carry):
            g0 = 2 * i
            g1 = g0 + 1
            gather_wait(g0, 0)

            @pl.when(i >= 1)
            def _():
                scat_wait(g1 - 2, 1)
            gather(g1, 1)
            scat(g0, 0)
            gather_wait(g1, 1)
            scat_wait(g0, 0)
            gather(g0 + 2, 0)
            scat(g1, 1)
            return carry

        npairs = (nch - 1) // 2
        lax.fori_loop(0, npairs, body, 0)
        if npairs >= 1:
            scat_wait(2 * npairs - 1, 1)
        if nch % 2 == 1:
            g = nch - 1
            gather_wait(g, 0)
            scat(g, 0)
            scat_wait(g, 0)
        else:
            g0, g1 = nch - 2, nch - 1
            gather_wait(g0, 0)
            gather(g1, 1)
            scat(g0, 0)
            gather_wait(g1, 1)
            scat_wait(g0, 0)
            scat(g1, 1)
            scat_wait(g1, 1)

    plsc.subcore_barrier()
    _tiled_rows_copy(acc_sh, out_hbm.at[c], s)


@functools.partial(
    pl.kernel,
    out_type=jax.ShapeDtypeStruct((_NC, _N2, _H), jnp.float32),
    mesh=_mesh,
    scratch_types=[
        pltpu.VMEM((_NCHW, _CE), jnp.int32),
        pltpu.VMEM((_CE, _H), jnp.float32),
        pltpu.VMEM_SHARED((_N2, _H), jnp.float32),
        pltpu.SemaphoreType.DMA,
    ],
)
def _sc_counts(dst_hbm, zeros_hbm, ones_hbm, out_hbm, dst_v, ones_v, cnt_sh,
               ssem):
    c = lax.axis_index("c")
    s = lax.axis_index("s")
    wid = c * _NS + s
    pltpu.sync_copy(dst_hbm.at[wid], dst_v)
    pltpu.sync_copy(ones_hbm, ones_v)
    _tiled_rows_copy(zeros_hbm, cnt_sh, s)
    plsc.subcore_barrier()

    def body(g, carry):
        pltpu.async_copy(ones_v, cnt_sh.at[dst_v.at[g]], ssem, add=True)

        @pl.when(g >= 8)
        def _():
            pltpu.make_async_copy(ones_v, cnt_sh.at[dst_v.at[g - 8]],
                                  ssem).wait()
        return carry

    lax.fori_loop(0, _NCHW, body, 0)
    for g in range(_NCHW - 8, _NCHW):
        pltpu.make_async_copy(ones_v, cnt_sh.at[dst_v.at[g]], ssem).wait()
    plsc.subcore_barrier()
    _tiled_rows_copy(cnt_sh, out_hbm.at[c], s)


_RB = 2000
_G = _N // _RB


def _dot(a, b):
    return jnp.dot(a, b, preferred_element_type=jnp.float32)


def _proj_body(x_ref, wpt_ref, bp_ref, wlt_ref, x0_ref, xw_ref):
    x0 = jnp.maximum(_dot(x_ref[...], wpt_ref[...]) + bp_ref[...], 0.0)
    x0_ref[...] = x0
    xw_ref[...] = _dot(x0, wlt_ref[...])


_tc_proj = pl.pallas_call(
    _proj_body,
    grid=(_G,),
    in_specs=[
        pl.BlockSpec((_RB, _H), lambda i: (i, 0)),
        pl.BlockSpec((_H, _H), lambda i: (0, 0)),
        pl.BlockSpec((1, _H), lambda i: (0, 0)),
        pl.BlockSpec((_H, _H), lambda i: (0, 0)),
    ],
    out_specs=[pl.BlockSpec((_RB, _H), lambda i: (i, 0))] * 2,
    out_shape=[jax.ShapeDtypeStruct((_N, _H), jnp.float32)] * 2,
)


def _epi_common(acc_ref, cnt_ref, x_ref, wrt_ref, bl_ref, gs_ref, b_ref):
    ssum = acc_ref[0] + acc_ref[1]
    cnt = (cnt_ref[0][:, 0:1].astype(jnp.float32)
           + cnt_ref[1][:, 0:1].astype(jnp.float32))
    recip = 1.0 / jnp.maximum(cnt, 1.0)
    h = ssum * recip + bl_ref[...] + _dot(x_ref[...], wrt_ref[...])
    return jnp.maximum(h * gs_ref[...] + b_ref[...], 0.0)


def _epi_mid_body(acc_ref, cnt_ref, x_ref, wrt_ref, bl_ref, gs_ref, b_ref,
                  wltn_ref, xn_ref, xwn_ref):
    h = _epi_common(acc_ref, cnt_ref, x_ref, wrt_ref, bl_ref, gs_ref, b_ref)
    xn = x_ref[...] + h
    xn_ref[...] = xn
    xwn_ref[...] = _dot(xn, wltn_ref[...])


def _epi_last_body(acc_ref, cnt_ref, x_ref, wrt_ref, bl_ref, gs_ref, b_ref,
                   xn_ref):
    xn_ref[...] = _epi_common(acc_ref, cnt_ref, x_ref, wrt_ref, bl_ref,
                              gs_ref, b_ref)


_epi_in_specs = [
    pl.BlockSpec((_NC, _RB, _H), lambda i: (0, i, 0)),
    pl.BlockSpec((_NC, _RB, _H), lambda i: (0, i, 0)),
    pl.BlockSpec((_RB, _H), lambda i: (i, 0)),
    pl.BlockSpec((_H, _H), lambda i: (0, 0)),
    pl.BlockSpec((1, _H), lambda i: (0, 0)),
    pl.BlockSpec((1, _H), lambda i: (0, 0)),
    pl.BlockSpec((1, _H), lambda i: (0, 0)),
]

_epi_mid = pl.pallas_call(
    _epi_mid_body,
    grid=(_G,),
    in_specs=_epi_in_specs + [pl.BlockSpec((_H, _H), lambda i: (0, 0))],
    out_specs=[pl.BlockSpec((_RB, _H), lambda i: (i, 0))] * 2,
    out_shape=[jax.ShapeDtypeStruct((_N, _H), jnp.float32)] * 2,
)

_epi_last = pl.pallas_call(
    _epi_last_body,
    grid=(_G,),
    in_specs=_epi_in_specs,
    out_specs=pl.BlockSpec((_RB, _H), lambda i: (i, 0)),
    out_shape=jax.ShapeDtypeStruct((_N, _H), jnp.float32),
)


def kernel(x, edge_index, Wp, bp, Wl1, bl1, Wr1, g1, b1,
           Wl2, bl2, Wr2, g2, b2, Wl3, bl3, Wr3, g3, b3,
           Wl4, bl4, Wr4, g4, b4):
    f32 = jnp.float32
    pe = _EP - _E
    pad_iota = jnp.arange(pe, dtype=jnp.int32)
    src_p = jnp.concatenate([edge_index[0], pad_iota % _N])
    dst_p = jnp.concatenate([edge_index[1], _N + (pad_iota % _NDR)])
    src3 = src_p.reshape(_NW, _NCHW, _CE)
    dst3 = dst_p.reshape(_NW, _NCHW, _CE)
    zeros_nh = jnp.zeros((_N2, _H), f32)
    ones_ch = jnp.ones((_CE, _H), f32)
    bnscale = 1.0 / float((1.0 + _EPS) ** 0.5)

    Wls = [Wl1, Wl2, Wl3, Wl4]
    Wrs = [Wr1, Wr2, Wr3, Wr4]
    bls = [b.reshape(1, _H) for b in (bl1, bl2, bl3, bl4)]
    gss = [(g * bnscale).reshape(1, _H) for g in (g1, g2, g3, g4)]
    bbs = [b.reshape(1, _H) for b in (b1, b2, b3, b4)]

    cnt = _sc_counts(dst3, zeros_nh, ones_ch)
    xk, xw = _tc_proj(x, Wp.T, bp.reshape(1, _H), Wls[0].T)
    for k in range(4):
        acc = _sc_edge_pass(xw, src3, dst3, zeros_nh)
        if k < 3:
            xk, xw = _epi_mid(acc, cnt, xk, Wrs[k].T, bls[k], gss[k], bbs[k],
                              Wls[k + 1].T)
        else:
            xk = _epi_last(acc, cnt, xk, Wrs[k].T, bls[k], gss[k], bbs[k])
    return xk

# --- scband reference (transcript-rebuilt; emitter-appended) ---
"""Pipeline reference for scband-deep-graph-sage-24163486007932 (READ-ONLY COPY).

The authoritative reference and input builder live on the scoring server;
editing this copy changes nothing except your own understanding.
"""

import jax, jax.numpy as jnp
import numpy as np

N = 10000
E = 320000
D = 128
H = 128
EPS = 1e-5

def _uni(k, shape):
    s = 1.0 / np.sqrt(shape[-1])
    return jax.random.uniform(k, shape, minval=-s, maxval=s, dtype=jnp.float32)

def setup_inputs(seed: int = 0):
    key = jax.random.key(seed)
    k = lambda i: jax.random.fold_in(key, i)
    inp = {}
    inp["x"] = jax.random.normal(k(0), (N, D), dtype=jnp.float32)
    inp["edge_index"] = jax.random.randint(k(1), (2, E), 0, N, dtype=jnp.int32)
    inp["Wp"] = _uni(k(2), (H, D))
    inp["bp"] = jnp.zeros((H,), jnp.float32)
    for i in range(1, 5):
        inp["Wl%d" % i] = _uni(k(10 + i), (H, H))
        inp["bl%d" % i] = jnp.zeros((H,), jnp.float32)
        inp["Wr%d" % i] = _uni(k(20 + i), (H, H))
        inp["g%d" % i] = jnp.ones((H,), jnp.float32)
        inp["b%d" % i] = jnp.zeros((H,), jnp.float32)
    return inp

def _sage(x, src, dst, Wl, bl, Wr):
    # PyG SAGEConv(aggr='mean'): out = lin_l(mean_agg(x_src -> dst)) + lin_r(x)
    agg = jax.ops.segment_sum(x[src], dst, num_segments=N)
    cnt = jax.ops.segment_sum(jnp.ones((src.shape[0], 1), jnp.float32), dst, num_segments=N)
    agg = agg / jnp.maximum(cnt, 1.0)
    return agg @ Wl.T + bl + x @ Wr.T

def _bn(h, g, b):
    # eval-mode BatchNorm1d with freshly-initialized running stats (mean=0, var=1)
    return (h / jnp.sqrt(1.0 + EPS)) * g + b

def reference(x, edge_index, Wp, bp, Wl1, bl1, Wr1, g1, b1, Wl2, bl2, Wr2, g2, b2, Wl3, bl3, Wr3, g3, b3, Wl4, bl4, Wr4, g4, b4):
    src = edge_index[0]
    dst = edge_index[1]
    x = jax.nn.relu(x @ Wp.T + bp)
    h = jax.nn.relu(_bn(_sage(x, src, dst, Wl1, bl1, Wr1), g1, b1))
    x = x + h  # dropout is identity in eval mode
    h = jax.nn.relu(_bn(_sage(x, src, dst, Wl2, bl2, Wr2), g2, b2))
    x = x + h
    h = jax.nn.relu(_bn(_sage(x, src, dst, Wl3, bl3, Wr3), g3, b3))
    x = x + h
    x = jax.nn.relu(_bn(_sage(x, src, dst, Wl4, bl4, Wr4), g4, b4))
    return x

if __name__ == "__main__":
    import jax
    _d = setup_inputs()
    print(jax.jit(kernel)(*tuple(_d.values())))

</pallas_src>

<mosaic_0001>
#map = affine_map<(d0, d1) -> (0, 0)>
#map1 = affine_map<(d0, d1) -> (0, 0, 0)>
module attributes {stable_mosaic.version = 14 : i64} {
  func.func @_sc_edge_pass(%arg0: i32, %arg1: i32, %arg2: memref<10000x128xf32, #tpu.memory_space<hbm>>, %arg3: memref<32x79x128xi32, #tpu.memory_space<hbm>>, %arg4: memref<32x79x128xi32, #tpu.memory_space<hbm>>, %arg5: memref<10016x128xf32, #tpu.memory_space<hbm>>, %arg6: memref<2x10016x128xf32, #tpu.memory_space<hbm>>, %arg7: memref<40x128xi32, #tpu.memory_space<vmem>>, %arg8: memref<40x128xi32, #tpu.memory_space<vmem>>, %arg9: memref<2x128x128xf32, #tpu.memory_space<vmem>>, %arg10: memref<10016x128xf32, #tpu.memory_space<vmem_shared>>, %arg11: memref<!tpu.dma_semaphore, #tpu.memory_space<semaphore_mem>>, %arg12: memref<!tpu.dma_semaphore, #tpu.memory_space<semaphore_mem>>, %arg13: memref<!tpu.dma_semaphore, #tpu.memory_space<semaphore_mem>>, %arg14: memref<!tpu.dma_semaphore, #tpu.memory_space<semaphore_mem>>) attributes {dimension_semantics = [#tpu.dimension_semantics<core_parallel>, #tpu.dimension_semantics<subcore_parallel>], iteration_bounds = array<i64: 2, 16>, scalar_prefetch = 0 : i64, scratch_operands = 8 : i64, tpu.core_type = #tpu.core_type<sc_vector_subcore>, window_params = [{transform_indices = #map}, {transform_indices = #map1}, {transform_indices = #map1}, {transform_indices = #map}, {transform_indices = #map1}]} {
    %mul3A = arith.constant 16 : i32
    %mul3A_0 = arith.muli %arg0, %mul3A : i32
    %add3A = arith.addi %mul3A_0, %arg1 : i32
    "tpu.region"() ({
      %run_scoped3A = tpu.sem_alloc : memref<!tpu.dma_semaphore, #tpu.memory_space<semaphore_mem>>
      %dma_start3A_194 = arith.constant 0 : i32
      %dma_start3A_195 = arith.constant 0 : i32
      %dma_start3A_196 = tpu.memref_slice %arg7[%dma_start3A_194, %dma_start3A_195] : memref<40x128xi32, #tpu.memory_space<vmem>> -> memref<40x128xi32, #tpu.memory_space<vmem>>
      %dma_start3A_197 = arith.constant 0 : i32
      %dma_start3A_198 = arith.constant 0 : i32
      %dma_start3A_199 = tpu.memref_slice %arg3[%add3A, %dma_start3A_197, %dma_start3A_198] : memref<32x79x128xi32, #tpu.memory_space<hbm>> -> memref<1x40x128xi32, #tpu.memory_space<hbm>>
      %dma_start3A_200 = tpu.memref_squeeze %dma_start3A_199 : memref<1x40x128xi32, #tpu.memory_space<hbm>> -> memref<40x128xi32, #tpu.memory_space<hbm>>
      %dma_start3A_201 = arith.constant 0 : i32
      %dma_start3A_202 = arith.constant 0 : i32
      %dma_start3A_203 = tpu.memref_slice %arg7[%dma_start3A_201, %dma_start3A_202] : memref<40x128xi32, #tpu.memory_space<vmem>> -> memref<40x128xi32, #tpu.memory_space<vmem>>
      %dma_start3A_204 = arith.constant 0 : i32
      %dma_start3A_205 = arith.constant 0 : i32
      %dma_start3A_206 = tpu.memref_slice %arg3[%add3A, %dma_start3A_204, %dma_start3A_205] : memref<32x79x128xi32, #tpu.memory_space<hbm>> -> memref<1x40x128xi32, #tpu.memory_space<hbm>>
      %dma_start3A_207 = tpu.memref_squeeze %dma_start3A_206 : memref<1x40x128xi32, #tpu.memory_space<hbm>> -> memref<40x128xi32, #tpu.memory_space<hbm>>
      tpu.enqueue_dma source(%dma_start3A_207 : memref<40x128xi32, #tpu.memory_space<hbm>>) target(%dma_start3A_203 : memref<40x128xi32, #tpu.memory_space<vmem>>) target_semaphore(%run_scoped3A : memref<!tpu.dma_semaphore, #tpu.memory_space<semaphore_mem>>)
      %dma_wait3A_208 = arith.constant 0 : i32
      %dma_wait3A_209 = arith.constant 0 : i32
      %dma_wait3A_210 = tpu.memref_slice %arg7[%dma_wait3A_208, %dma_wait3A_209] : memref<40x128xi32, #tpu.memory_space<vmem>> -> memref<40x128xi32, #tpu.memory_space<vmem>>
      %dma_wait3A_211 = arith.constant 0 : i32
      %dma_wait3A_212 = arith.constant 0 : i32
      %dma_wait3A_213 = tpu.memref_slice %arg3[%add3A, %dma_wait3A_211, %dma_wait3A_212] : memref<32x79x128xi32, #tpu.memory_space<hbm>> -> memref<1x40x128xi32, #tpu.memory_space<hbm>>
      %dma_wait3A_214 = tpu.memref_squeeze %dma_wait3A_213 : memref<1x40x128xi32, #tpu.memory_space<hbm>> -> memref<40x128xi32, #tpu.memory_space<hbm>>
      %dma_wait3A_215 = arith.constant 0 : i32
      %dma_wait3A_216 = arith.constant 0 : i32
      %dma_wait3A_217 = tpu.memref_slice %arg7[%dma_wait3A_215, %dma_wait3A_216] : memref<40x128xi32, #tpu.memory_space<vmem>> -> memref<40x128xi32, #tpu.memory_space<vmem>>
      %dma_wait3A_218 = arith.constant 0 : i32
      %dma_wait3A_219 = arith.constant 0 : i32
      %dma_wait3A_220 = tpu.memref_slice %arg3[%add3A, %dma_wait3A_218, %dma_wait3A_219] : memref<32x79x128xi32, #tpu.memory_space<hbm>> -> memref<1x40x128xi32, #tpu.memory_space<hbm>>
      %dma_wait3A_221 = tpu.memref_squeeze %dma_wait3A_220 : memref<1x40x128xi32, #tpu.memory_space<hbm>> -> memref<40x128xi32, #tpu.memory_space<hbm>>
      tpu.wait_dma2 semaphore(%run_scoped3A : memref<!tpu.dma_semaphore, #tpu.memory_space<semaphore_mem>>) src(%dma_wait3A_221 : memref<40x128xi32, #tpu.memory_space<hbm>>) dst(%dma_wait3A_217 : memref<40x128xi32, #tpu.memory_space<vmem>>)
      tpu.yield
    }) : () -> ()
    "tpu.region"() ({
      %run_scoped3A = tpu.sem_alloc : memref<!tpu.dma_semaphore, #tpu.memory_space<semaphore_mem>>
      %dma_start3A_194 = arith.constant 0 : i32
      %dma_start3A_195 = arith.constant 0 : i32
      %dma_start3A_196 = tpu.memref_slice %arg8[%dma_start3A_194, %dma_start3A_195] : memref<40x128xi32, #tpu.memory_space<vmem>> -> memref<40x128xi32, #tpu.memory_space<vmem>>
      %dma_start3A_197 = arith.constant 0 : i32
      %dma_start3A_198 = arith.constant 0 : i32
      %dma_start3A_199 = tpu.memref_slice %arg4[%add3A, %dma_start3A_197, %dma_start3A_198] : memref<32x79x128xi32, #tpu.memory_space<hbm>> -> memref<1x40x128xi32, #tpu.memory_space<hbm>>
      %dma_start3A_200 = tpu.memref_squeeze %dma_start3A_199 : memref<1x40x128xi32, #tpu.memory_space<hbm>> -> memref<40x128xi32, #tpu.memory_space<hbm>>
      %dma_start3A_201 = arith.constant 0 : i32
      %dma_start3A_202 = arith.constant 0 : i32
      %dma_start3A_203 = tpu.memref_slice %arg8[%dma_start3A_201, %dma_start3A_202] : memref<40x128xi32, #tpu.memory_space<vmem>> -> memref<40x128xi32, #tpu.memory_space<vmem>>
      %dma_start3A_204 = arith.constant 0 : i32
      %dma_start3A_205 = arith.constant 0 : i32
      %dma_start3A_206 = tpu.memref_slice %arg4[%add3A, %dma_start3A_204, %dma_start3A_205] : memref<32x79x128xi32, #tpu.memory_space<hbm>> -> memref<1x40x128xi32, #tpu.memory_space<hbm>>
      %dma_start3A_207 = tpu.memref_squeeze %dma_start3A_206 : memref<1x40x128xi32, #tpu.memory_space<hbm>> -> memref<40x128xi32, #tpu.memory_space<hbm>>
      tpu.enqueue_dma source(%dma_start3A_207 : memref<40x128xi32, #tpu.memory_space<hbm>>) target(%dma_start3A_203 : memref<40x128xi32, #tpu.memory_space<vmem>>) target_semaphore(%run_scoped3A : memref<!tpu.dma_semaphore, #tpu.memory_space<semaphore_mem>>)
      %dma_wait3A_208 = arith.constant 0 : i32
      %dma_wait3A_209 = arith.constant 0 : i32
      %dma_wait3A_210 = tpu.memref_slice %arg8[%dma_wait3A_208, %dma_wait3A_209] : memref<40x128xi32, #tpu.memory_space<vmem>> -> memref<40x128xi32, #tpu.memory_space<vmem>>
      %dma_wait3A_211 = arith.constant 0 : i32
      %dma_wait3A_212 = arith.constant 0 : i32
      %dma_wait3A_213 = tpu.memref_slice %arg4[%add3A, %dma_wait3A_211, %dma_wait3A_212] : memref<32x79x128xi32, #tpu.memory_space<hbm>> -> memref<1x40x128xi32, #tpu.memory_space<hbm>>
      %dma_wait3A_214 = tpu.memref_squeeze %dma_wait3A_213 : memref<1x40x128xi32, #tpu.memory_space<hbm>> -> memref<40x128xi32, #tpu.memory_space<hbm>>
      %dma_wait3A_215 = arith.constant 0 : i32
      %dma_wait3A_216 = arith.constant 0 : i32
      %dma_wait3A_217 = tpu.memref_slice %arg8[%dma_wait3A_215, %dma_wait3A_216] : memref<40x128xi32, #tpu.memory_space<vmem>> -> memref<40x128xi32, #tpu.memory_space<vmem>>
      %dma_wait3A_218 = arith.constant 0 : i32
      %dma_wait3A_219 = arith.constant 0 : i32
      %dma_wait3A_220 = tpu.memref_slice %arg4[%add3A, %dma_wait3A_218, %dma_wait3A_219] : memref<32x79x128xi32, #tpu.memory_space<hbm>> -> memref<1x40x128xi32, #tpu.memory_space<hbm>>
      %dma_wait3A_221 = tpu.memref_squeeze %dma_wait3A_220 : memref<1x40x128xi32, #tpu.memory_space<hbm>> -> memref<40x128xi32, #tpu.memory_space<hbm>>
      tpu.wait_dma2 semaphore(%run_scoped3A : memref<!tpu.dma_semaphore, #tpu.memory_space<semaphore_mem>>) src(%dma_wait3A_221 : memref<40x128xi32, #tpu.memory_space<hbm>>) dst(%dma_wait3A_217 : memref<40x128xi32, #tpu.memory_space<vmem>>)
      tpu.yield
    }) : () -> ()
    %dma_start3A = arith.constant 0 : i32
    %dma_start3A_1 = arith.constant 0 : i32
    %dma_start3A_2 = arith.constant 0 : i32
    %dma_start3A_3 = arith.constant 0 : i32
    %dma_start3A_4 = tpu.memref_slice %arg9[%dma_start3A_1, %dma_start3A_2, %dma_start3A_3] : memref<2x128x128xf32, #tpu.memory_space<vmem>> -> memref<1x128x128xf32, #tpu.memory_space<vmem>>
    %dma_start3A_5 = tpu.memref_squeeze %dma_start3A_4 : memref<1x128x128xf32, #tpu.memory_space<vmem>> -> memref<128x128xf32, #tpu.memory_space<vmem>>
    %dma_start3A_6 = arith.constant 0 : i32
    %dma_start3A_7 = tpu.memref_slice %arg7[%dma_start3A, %dma_start3A_6] : memref<40x128xi32, #tpu.memory_space<vmem>> -> memref<1x128xi32, #tpu.memory_space<vmem>>
    %dma_start3A_8 = tpu.memref_squeeze %dma_start3A_7 : memref<1x128xi32, #tpu.memory_space<vmem>> -> memref<128xi32, #tpu.memory_space<vmem>>
    %dma_start3A_9 = arith.constant 0 : i32
    %dma_start3A_10 = arith.constant 0 : i32
    %dma_start3A_11 = tpu.memref_slice %arg2[%dma_start3A_9, %dma_start3A_10] : memref<10000x128xf32, #tpu.memory_space<hbm>> -> memref<10000x128xf32, #tpu.memory_space<hbm>>
    tpu.enqueue_indirect_dma source(%dma_start3A_11 : memref<10000x128xf32, #tpu.memory_space<hbm>>) target(%dma_start3A_5 : memref<128x128xf32, #tpu.memory_space<vmem>>) offsets(%dma_start3A_8 : memref<128xi32, #tpu.memory_space<vmem>>) semaphore(%arg11 : memref<!tpu.dma_semaphore, #tpu.memory_space<semaphore_mem>>)
    %mul3A_12 = arith.constant 624 : i32
    %mul3A_13 = arith.muli %arg1, %mul3A_12 : i32
    %mul3A_14 = arith.constant 624 : i32
    %mul3A_15 = arith.muli %arg1, %mul3A_14 : i32
    "tpu.region"() ({
      %run_scoped3A = tpu.sem_alloc : memref<!tpu.dma_semaphore, #tpu.memory_space<semaphore_mem>>
      %dma_start3A_194 = arith.constant 0 : i32
      %dma_start3A_195 = tpu.memref_slice %arg10[%mul3A_15, %dma_start3A_194] : memref<10016x128xf32, #tpu.memory_space<vmem_shared>> -> memref<624x128xf32, #tpu.memory_space<vmem_shared>>
      %dma_start3A_196 = arith.constant 0 : i32
      %dma_start3A_197 = tpu.memref_slice %arg5[%mul3A_13, %dma_start3A_196] : memref<10016x128xf32, #tpu.memory_space<hbm>> -> memref<624x128xf32, #tpu.memory_space<hbm>>
      tpu.enqueue_dma source(%dma_start3A_197 : memref<624x128xf32, #tpu.memory_space<hbm>>) target(%dma_start3A_195 : memref<624x128xf32, #tpu.memory_space<vmem_shared>>) target_semaphore(%run_scoped3A : memref<!tpu.dma_semaphore, #tpu.memory_space<semaphore_mem>>)
      %dma_wait3A_198 = arith.constant 0 : i32
      %dma_wait3A_199 = tpu.memref_slice %arg10[%mul3A_15, %dma_wait3A_198] : memref<10016x128xf32, #tpu.memory_space<vmem_shared>> -> memref<624x128xf32, #tpu.memory_space<vmem_shared>>
      %dma_wait3A_200 = arith.constant 0 : i32
      %dma_wait3A_201 = tpu.memref_slice %arg5[%mul3A_13, %dma_wait3A_200] : memref<10016x128xf32, #tpu.memory_space<hbm>> -> memref<624x128xf32, #tpu.memory_space<hbm>>
      tpu.wait_dma2 semaphore(%run_scoped3A : memref<!tpu.dma_semaphore, #tpu.memory_space<semaphore_mem>>) src(%dma_wait3A_201 : memref<624x128xf32, #tpu.memory_space<hbm>>) dst(%dma_wait3A_199 : memref<624x128xf32, #tpu.memory_space<vmem_shared>>)
      tpu.yield
    }) : () -> ()
    %eq3A = arith.constant 15 : i32
    %eq3A_16 = arith.cmpi eq, %arg1, %eq3A : i32
    %convert_element_type3A = arith.extui %eq3A_16 : i1 to i32
    %cond3A = arith.constant 0 : i32
    %cond3A_17 = arith.cmpi ne, %convert_element_type3A, %cond3A : i32
    scf.if %cond3A_17 {
      "tpu.region"() ({
        %run_scoped3A = tpu.sem_alloc : memref<!tpu.dma_semaphore, #tpu.memory_space<semaphore_mem>>
        %dma_start3A_194 = arith.constant 9984 : i32
        %dma_start3A_195 = arith.constant 0 : i32
        %dma_start3A_196 = tpu.memref_slice %arg10[%dma_start3A_194, %dma_start3A_195] : memref<10016x128xf32, #tpu.memory_space<vmem_shared>> -> memref<32x128xf32, #tpu.memory_space<vmem_shared>>
        %dma_start3A_197 = arith.constant 9984 : i32
        %dma_start3A_198 = arith.constant 0 : i32
        %dma_start3A_199 = tpu.memref_slice %arg5[%dma_start3A_197, %dma_start3A_198] : memref<10016x128xf32, #tpu.memory_space<hbm>> -> memref<32x128xf32, #tpu.memory_space<hbm>>
        tpu.enqueue_dma source(%dma_start3A_199 : memref<32x128xf32, #tpu.memory_space<hbm>>) target(%dma_start3A_196 : memref<32x128xf32, #tpu.memory_space<vmem_shared>>) target_semaphore(%run_scoped3A : memref<!tpu.dma_semaphore, #tpu.memory_space<semaphore_mem>>)
        %dma_wait3A_200 = arith.constant 9984 : i32
        %dma_wait3A_201 = arith.constant 0 : i32
        %dma_wait3A_202 = tpu.memref_slice %arg10[%dma_wait3A_200, %dma_wait3A_201] : memref<10016x128xf32, #tpu.memory_space<vmem_shared>> -> memref<32x128xf32, #tpu.memory_space<vmem_shared>>
        %dma_wait3A_203 = arith.constant 9984 : i32
        %dma_wait3A_204 = arith.constant 0 : i32
        %dma_wait3A_205 = tpu.memref_slice %arg5[%dma_wait3A_203, %dma_wait3A_204] : memref<10016x128xf32, #tpu.memory_space<hbm>> -> memref<32x128xf32, #tpu.memory_space<hbm>>
        tpu.wait_dma2 semaphore(%run_scoped3A : memref<!tpu.dma_semaphore, #tpu.memory_space<semaphore_mem>>) src(%dma_wait3A_205 : memref<32x128xf32, #tpu.memory_space<hbm>>) dst(%dma_wait3A_202 : memref<32x128xf32, #tpu.memory_space<vmem_shared>>)
        tpu.yield
      }) : () -> ()
    } else {
    }
    %barrier3A = arith.constant 0 : index
    tpu.barrier barrier_id(%barrier3A)
    %scan3A = arith.constant 0 : i32
    %scan3A_18 = arith.constant 0 : i32
    %scan3A_19 = arith.constant 19 : i32
    %scan3A_20 = arith.addi %scan3A_18, %scan3A_19 : i32
    %scan3A_21 = arith.constant 1 : i32
    scf.for %scan3A_194 = %scan3A_18 to %scan3A_20 step %scan3A_21  : i32 {
      %mul3A_195 = arith.constant 2 : i32
      %mul3A_196 = arith.muli %mul3A_195, %scan3A_194 : i32
      %add3A_197 = arith.constant 1 : i32
      %add3A_198 = arith.addi %mul3A_196, %add3A_197 : i32
      %dma_wait3A_199 = arith.constant 0 : i32
      %dma_wait3A_200 = arith.constant 0 : i32
      %dma_wait3A_201 = arith.constant 0 : i32
      %dma_wait3A_202 = tpu.memref_slice %arg9[%dma_wait3A_199, %dma_wait3A_200, %dma_wait3A_201] : memref<2x128x128xf32, #tpu.memory_space<vmem>> -> memref<1x128x128xf32, #tpu.memory_space<vmem>>
      %dma_wait3A_203 = tpu.memref_squeeze %dma_wait3A_202 : memref<1x128x128xf32, #tpu.memory_space<vmem>> -> memref<128x128xf32, #tpu.memory_space<vmem>>
      %dma_wait3A_204 = arith.constant 0 : i32
      %dma_wait3A_205 = tpu.memref_slice %arg7[%mul3A_196, %dma_wait3A_204] : memref<40x128xi32, #tpu.memory_space<vmem>> -> memref<1x128xi32, #tpu.memory_space<vmem>>
      %dma_wait3A_206 = tpu.memref_squeeze %dma_wait3A_205 : memref<1x128xi32, #tpu.memory_space<vmem>> -> memref<128xi32, #tpu.memory_space<vmem>>
      %dma_wait3A_207 = arith.constant 0 : i32
      %dma_wait3A_208 = arith.constant 0 : i32
      %dma_wait3A_209 = tpu.memref_slice %arg2[%dma_wait3A_207, %dma_wait3A_208] : memref<10000x128xf32, #tpu.memory_space<hbm>> -> memref<10000x128xf32, #tpu.memory_space<hbm>>
      tpu.wait_indirect_dma semaphore(%arg11 : memref<!tpu.dma_semaphore, #tpu.memory_space<semaphore_mem>>) src(%dma_wait3A_209 : memref<10000x128xf32, #tpu.memory_space<hbm>>) dst(%dma_wait3A_203 : memref<128x128xf32, #tpu.memory_space<vmem>>)
      %ge3A = arith.constant 1 : i32
      %ge3A_210 = arith.cmpi sge, %scan3A_194, %ge3A : i32
      %convert_element_type3A_211 = arith.extui %ge3A_210 : i1 to i32
      %cond3A_212 = arith.constant 0 : i32
      %cond3A_213 = arith.cmpi ne, %convert_element_type3A_211, %cond3A_212 : i32
      scf.if %cond3A_213 {
        %sub3A = arith.constant 2 : i32
        %sub3A_282 = arith.subi %add3A_198, %sub3A : i32
        %dma_wait3A_283 = arith.constant 1 : i32
        %dma_wait3A_284 = arith.constant 0 : i32
        %dma_wait3A_285 = arith.constant 0 : i32
        %dma_wait3A_286 = tpu.memref_slice %arg9[%dma_wait3A_283, %dma_wait3A_284, %dma_wait3A_285] : memref<2x128x128xf32, #tpu.memory_space<vmem>> -> memref<1x128x128xf32, #tpu.memory_space<vmem>>
        %dma_wait3A_287 = tpu.memref_squeeze %dma_wait3A_286 : memref<1x128x128xf32, #tpu.memory_space<vmem>> -> memref<128x128xf32, #tpu.memory_space<vmem>>
        %dma_wait3A_288 = arith.constant 0 : i32
        %dma_wait3A_289 = tpu.memref_slice %arg8[%sub3A_282, %dma_wait3A_288] : memref<40x128xi32, #tpu.memory_space<vmem>> -> memref<1x128xi32, #tpu.memory_space<vmem>>
        %dma_wait3A_290 = tpu.memref_squeeze %dma_wait3A_289 : memref<1x128xi32, #tpu.memory_space<vmem>> -> memref<128xi32, #tpu.memory_space<vmem>>
        %dma_wait3A_291 = arith.constant 0 : i32
        %dma_wait3A_292 = arith.constant 0 : i32
        %dma_wait3A_293 = tpu.memref_slice %arg10[%dma_wait3A_291, %dma_wait3A_292] : memref<10016x128xf32, #tpu.memory_space<vmem_shared>> -> memref<10016x128xf32, #tpu.memory_space<vmem_shared>>
        tpu.wait_indirect_dma semaphore(%arg14 : memref<!tpu.dma_semaphore, #tpu.memory_space<semaphore_mem>>) src(%dma_wait3A_287 : memref<128x128xf32, #tpu.memory_space<vmem>>) dst(%dma_wait3A_293 : memref<10016x128xf32, #tpu.memory_space<vmem_shared>>)
      } else {
      }
      %dma_start3A_214 = arith.constant 1 : i32
      %dma_start3A_215 = arith.constant 0 : i32
      %dma_start3A_216 = arith.constant 0 : i32
      %dma_start3A_217 = tpu.memref_slice %arg9[%dma_start3A_214, %dma_start3A_215, %dma_start3A_216] : memref<2x128x128xf32, #tpu.memory_space<vmem>> -> memref<1x128x128xf32, #tpu.memory_space<vmem>>
      %dma_start3A_218 = tpu.memref_squeeze %dma_start3A_217 : memref<1x128x128xf32, #tpu.memory_space<vmem>> -> memref<128x128xf32, #tpu.memory_space<vmem>>
      %dma_start3A_219 = arith.constant 0 : i32
      %dma_start3A_220 = tpu.memref_slice %arg7[%add3A_198, %dma_start3A_219] : memref<40x128xi32, #tpu.memory_space<vmem>> -> memref<1x128xi32, #tpu.memory_space<vmem>>
      %dma_start3A_221 = tpu.memref_squeeze %dma_start3A_220 : memref<1x128xi32, #tpu.memory_space<vmem>> -> memref<128xi32, #tpu.memory_space<vmem>>
      %dma_start3A_222 = arith.constant 0 : i32
      %dma_start3A_223 = arith.constant 0 : i32
      %dma_start3A_224 = tpu.memref_slice %arg2[%dma_start3A_222, %dma_start3A_223] : memref<10000x128xf32, #tpu.memory_space<hbm>> -> memref<10000x128xf32, #tpu.memory_space<hbm>>
      tpu.enqueue_indirect_dma source(%dma_start3A_224 : memref<10000x128xf32, #tpu.memory_space<hbm>>) target(%dma_start3A_218 : memref<128x128xf32, #tpu.memory_space<vmem>>) offsets(%dma_start3A_221 : memref<128xi32, #tpu.memory_space<vmem>>) semaphore(%arg12 : memref<!tpu.dma_semaphore, #tpu.memory_space<semaphore_mem>>)
      %dma_start3A_225 = arith.constant 0 : i32
      %dma_start3A_226 = arith.constant 0 : i32
      %dma_start3A_227 = arith.constant 0 : i32
      %dma_start3A_228 = tpu.memref_slice %arg9[%dma_start3A_225, %dma_start3A_226, %dma_start3A_227] : memref<2x128x128xf32, #tpu.memory_space<vmem>> -> memref<1x128x128xf32, #tpu.memory_space<vmem>>
      %dma_start3A_229 = tpu.memref_squeeze %dma_start3A_228 : memref<1x128x128xf32, #tpu.memory_space<vmem>> -> memref<128x128xf32, #tpu.memory_space<vmem>>
      %dma_start3A_230 = arith.constant 0 : i32
      %dma_start3A_231 = tpu.memref_slice %arg8[%mul3A_196, %dma_start3A_230] : memref<40x128xi32, #tpu.memory_space<vmem>> -> memref<1x128xi32, #tpu.memory_space<vmem>>
      %dma_start3A_232 = tpu.memref_squeeze %dma_start3A_231 : memref<1x128xi32, #tpu.memory_space<vmem>> -> memref<128xi32, #tpu.memory_space<vmem>>
      %dma_start3A_233 = arith.constant 0 : i32
      %dma_start3A_234 = arith.constant 0 : i32
      %dma_start3A_235 = tpu.memref_slice %arg10[%dma_start3A_233, %dma_start3A_234] : memref<10016x128xf32, #tpu.memory_space<vmem_shared>> -> memref<10016x128xf32, #tpu.memory_space<vmem_shared>>
      tpu.enqueue_indirect_dma source(%dma_start3A_229 : memref<128x128xf32, #tpu.memory_space<vmem>>) target(%dma_start3A_235 : memref<10016x128xf32, #tpu.memory_space<vmem_shared>>) offsets(%dma_start3A_232 : memref<128xi32, #tpu.memory_space<vmem>>) semaphore(%arg13 : memref<!tpu.dma_semaphore, #tpu.memory_space<semaphore_mem>>) {add = true}
      %dma_wait3A_236 = arith.constant 1 : i32
      %dma_wait3A_237 = arith.constant 0 : i32
      %dma_wait3A_238 = arith.constant 0 : i32
      %dma_wait3A_239 = tpu.memref_slice %arg9[%dma_wait3A_236, %dma_wait3A_237, %dma_wait3A_238] : memref<2x128x128xf32, #tpu.memory_space<vmem>> -> memref<1x128x128xf32, #tpu.memory_space<vmem>>
      %dma_wait3A_240 = tpu.memref_squeeze %dma_wait3A_239 : memref<1x128x128xf32, #tpu.memory_space<vmem>> -> memref<128x128xf32, #tpu.memory_space<vmem>>
      %dma_wait3A_241 = arith.constant 0 : i32
      %dma_wait3A_242 = tpu.memref_slice %arg7[%add3A_198, %dma_wait3A_241] : memref<40x128xi32, #tpu.memory_space<vmem>> -> memref<1x128xi32, #tpu.memory_space<vmem>>
      %dma_wait3A_243 = tpu.memref_squeeze %dma_wait3A_242 : memref<1x128xi32, #tpu.memory_space<vmem>> -> memref<128xi32, #tpu.memory_space<vmem>>
      %dma_wait3A_244 = arith.constant 0 : i32
      %dma_wait3A_245 = arith.constant 0 : i32
      %dma_wait3A_246 = tpu.memref_slice %arg2[%dma_wait3A_244, %dma_wait3A_245] : memref<10000x128xf32, #tpu.memory_space<hbm>> -> memref<10000x128xf32, #tpu.memory_space<hbm>>
      tpu.wait_indirect_dma semaphore(%arg12 : memref<!tpu.dma_semaphore, #tpu.memory_space<semaphore_mem>>) src(%dma_wait3A_246 : memref<10000x128xf32, #tpu.memory_space<hbm>>) dst(%dma_wait3A_240 : memref<128x128xf32, #tpu.memory_space<vmem>>)
      %dma_wait3A_247 = arith.constant 0 : i32
      %dma_wait3A_248 = arith.constant 0 : i32
      %dma_wait3A_249 = arith.constant 0 : i32
      %dma_wait3A_250 = tpu.memref_slice %arg9[%dma_wait3A_247, %dma_wait3A_248, %dma_wait3A_249] : memref<2x128x128xf32, #tpu.memory_space<vmem>> -> memref<1x128x128xf32, #tpu.memory_space<vmem>>
      %dma_wait3A_251 = tpu.memref_squeeze %dma_wait3A_250 : memref<1x128x128xf32, #tpu.memory_space<vmem>> -> memref<128x128xf32, #tpu.memory_space<vmem>>
      %dma_wait3A_252 = arith.constant 0 : i32
      %dma_wait3A_253 = tpu.memref_slice %arg8[%mul3A_196, %dma_wait3A_252] : memref<40x128xi32, #tpu.memory_space<vmem>> -> memref<1x128xi32, #tpu.memory_space<vmem>>
      %dma_wait3A_254 = tpu.memref_squeeze %dma_wait3A_253 : memref<1x128xi32, #tpu.memory_space<vmem>> -> memref<128xi32, #tpu.memory_space<vmem>>
      %dma_wait3A_255 = arith.constant 0 : i32
      %dma_wait3A_256 = arith.constant 0 : i32
      %dma_wait3A_257 = tpu.memref_slice %arg10[%dma_wait3A_255, %dma_wait3A_256] : memref<10016x128xf32, #tpu.memory_space<vmem_shared>> -> memref<10016x128xf32, #tpu.memory_space<vmem_shared>>
      tpu.wait_indirect_dma semaphore(%arg13 : memref<!tpu.dma_semaphore, #tpu.memory_space<semaphore_mem>>) src(%dma_wait3A_251 : memref<128x128xf32, #tpu.memory_space<vmem>>) dst(%dma_wait3A_257 : memref<10016x128xf32, #tpu.memory_space<vmem_shared>>)
      %add3A_258 = arith.constant 2 : i32
      %add3A_259 = arith.addi %mul3A_196, %add3A_258 : i32
      %dma_start3A_260 = arith.constant 0 : i32
      %dma_start3A_261 = arith.constant 0 : i32
      %dma_start3A_262 = arith.constant 0 : i32
      %dma_start3A_263 = tpu.memref_slice %arg9[%dma_start3A_260, %dma_start3A_261, %dma_start3A_262] : memref<2x128x128xf32, #tpu.memory_space<vmem>> -> memref<1x128x128xf32, #tpu.memory_space<vmem>>
      %dma_start3A_264 = tpu.memref_squeeze %dma_start3A_263 : memref<1x128x128xf32, #tpu.memory_space<vmem>> -> memref<128x128xf32, #tpu.memory_space<vmem>>
      %dma_start3A_265 = arith.constant 0 : i32
      %dma_start3A_266 = tpu.memref_slice %arg7[%add3A_259, %dma_start3A_265] : memref<40x128xi32, #tpu.memory_space<vmem>> -> memref<1x128xi32, #tpu.memory_space<vmem>>
      %dma_start3A_267 = tpu.memref_squeeze %dma_start3A_266 : memref<1x128xi32, #tpu.memory_space<vmem>> -> memref<128xi32, #tpu.memory_space<vmem>>
      %dma_start3A_268 = arith.constant 0 : i32
      %dma_start3A_269 = arith.constant 0 : i32
      %dma_start3A_270 = tpu.memref_slice %arg2[%dma_start3A_268, %dma_start3A_269] : memref<10000x128xf32, #tpu.memory_space<hbm>> -> memref<10000x128xf32, #tpu.memory_space<hbm>>
      tpu.enqueue_indirect_dma source(%dma_start3A_270 : memref<10000x128xf32, #tpu.memory_space<hbm>>) target(%dma_start3A_264 : memref<128x128xf32, #tpu.memory_space<vmem>>) offsets(%dma_start3A_267 : memref<128xi32, #tpu.memory_space<vmem>>) semaphore(%arg11 : memref<!tpu.dma_semaphore, #tpu.memory_space<semaphore_mem>>)
      %dma_start3A_271 = arith.constant 1 : i32
      %dma_start3A_272 = arith.constant 0 : i32
      %dma_start3A_273 = arith.constant 0 : i32
      %dma_start3A_274 = tpu.memref_slice %arg9[%dma_start3A_271, %dma_start3A_272, %dma_start3A_273] : memref<2x128x128xf32, #tpu.memory_space<vmem>> -> memref<1x128x128xf32, #tpu.memory_space<vmem>>
      %dma_start3A_275 = tpu.memref_squeeze %dma_start3A_274 : memref<1x128x128xf32, #tpu.memory_space<vmem>> -> memref<128x128xf32, #tpu.memory_space<vmem>>
      %dma_start3A_276 = arith.constant 0 : i32
      %dma_start3A_277 = tpu.memref_slice %arg8[%add3A_198, %dma_start3A_276] : memref<40x128xi32, #tpu.memory_space<vmem>> -> memref<1x128xi32, #tpu.memory_space<vmem>>
      %dma_start3A_278 = tpu.memref_squeeze %dma_start3A_277 : memref<1x128xi32, #tpu.memory_space<vmem>> -> memref<128xi32, #tpu.memory_space<vmem>>
      %dma_start3A_279 = arith.constant 0 : i32
      %dma_start3A_280 = arith.constant 0 : i32
      %dma_start3A_281 = tpu.memref_slice %arg10[%dma_start3A_279, %dma_start3A_280] : memref<10016x128xf32, #tpu.memory_space<vmem_shared>> -> memref<10016x128xf32, #tpu.memory_space<vmem_shared>>
      tpu.enqueue_indirect_dma source(%dma_start3A_275 : memref<128x128xf32, #tpu.memory_space<vmem>>) target(%dma_start3A_281 : memref<10016x128xf32, #tpu.memory_space<vmem_shared>>) offsets(%dma_start3A_278 : memref<128xi32, #tpu.memory_space<vmem>>) semaphore(%arg14 : memref<!tpu.dma_semaphore, #tpu.memory_space<semaphore_mem>>) {add = true}
    }
    %scan3A_22 = arith.constant 19 : i32
    %dma_wait3A = arith.constant 1 : i32
    %dma_wait3A_23 = arith.constant 37 : i32
    %dma_wait3A_24 = arith.constant 0 : i32
    %dma_wait3A_25 = arith.constant 0 : i32
    %dma_wait3A_26 = tpu.memref_slice %arg9[%dma_wait3A, %dma_wait3A_24, %dma_wait3A_25] : memref<2x128x128xf32, #tpu.memory_space<vmem>> -> memref<1x128x128xf32, #tpu.memory_space<vmem>>
    %dma_wait3A_27 = tpu.memref_squeeze %dma_wait3A_26 : memref<1x128x128xf32, #tpu.memory_space<vmem>> -> memref<128x128xf32, #tpu.memory_space<vmem>>
    %dma_wait3A_28 = arith.constant 0 : i32
    %dma_wait3A_29 = tpu.memref_slice %arg8[%dma_wait3A_23, %dma_wait3A_28] : memref<40x128xi32, #tpu.memory_space<vmem>> -> memref<1x128xi32, #tpu.memory_space<vmem>>
    %dma_wait3A_30 = tpu.memref_squeeze %dma_wait3A_29 : memref<1x128xi32, #tpu.memory_space<vmem>> -> memref<128xi32, #tpu.memory_space<vmem>>
    %dma_wait3A_31 = arith.constant 0 : i32
    %dma_wait3A_32 = arith.constant 0 : i32
    %dma_wait3A_33 = tpu.memref_slice %arg10[%dma_wait3A_31, %dma_wait3A_32] : memref<10016x128xf32, #tpu.memory_space<vmem_shared>> -> memref<10016x128xf32, #tpu.memory_space<vmem_shared>>
    tpu.wait_indirect_dma semaphore(%arg14 : memref<!tpu.dma_semaphore, #tpu.memory_space<semaphore_mem>>) src(%dma_wait3A_27 : memref<128x128xf32, #tpu.memory_space<vmem>>) dst(%dma_wait3A_33 : memref<10016x128xf32, #tpu.memory_space<vmem_shared>>)
    %dma_wait3A_34 = arith.constant 38 : i32
    %dma_wait3A_35 = arith.constant 0 : i32
    %dma_wait3A_36 = arith.constant 0 : i32
    %dma_wait3A_37 = arith.constant 0 : i32
    %dma_wait3A_38 = tpu.memref_slice %arg9[%dma_wait3A_35, %dma_wait3A_36, %dma_wait3A_37] : memref<2x128x128xf32, #tpu.memory_space<vmem>> -> memref<1x128x128xf32, #tpu.memory_space<vmem>>
    %dma_wait3A_39 = tpu.memref_squeeze %dma_wait3A_38 : memref<1x128x128xf32, #tpu.memory_space<vmem>> -> memref<128x128xf32, #tpu.memory_space<vmem>>
    %dma_wait3A_40 = arith.constant 0 : i32
    %dma_wait3A_41 = tpu.memref_slice %arg7[%dma_wait3A_34, %dma_wait3A_40] : memref<40x128xi32, #tpu.memory_space<vmem>> -> memref<1x128xi32, #tpu.memory_space<vmem>>
    %dma_wait3A_42 = tpu.memref_squeeze %dma_wait3A_41 : memref<1x128xi32, #tpu.memory_space<vmem>> -> memref<128xi32, #tpu.memory_space<vmem>>
    %dma_wait3A_43 = arith.constant 0 : i32
    %dma_wait3A_44 = arith.constant 0 : i32
    %dma_wait3A_45 = tpu.memref_slice %arg2[%dma_wait3A_43, %dma_wait3A_44] : memref<10000x128xf32, #tpu.memory_space<hbm>> -> memref<10000x128xf32, #tpu.memory_space<hbm>>
    tpu.wait_indirect_dma semaphore(%arg11 : memref<!tpu.dma_semaphore, #tpu.memory_space<semaphore_mem>>) src(%dma_wait3A_45 : memref<10000x128xf32, #tpu.memory_space<hbm>>) dst(%dma_wait3A_39 : memref<128x128xf32, #tpu.memory_space<vmem>>)
    %dma_start3A_46 = arith.constant 39 : i32
    %dma_start3A_47 = arith.constant 1 : i32
    %dma_start3A_48 = arith.constant 0 : i32
    %dma_start3A_49 = arith.constant 0 : i32
    %dma_start3A_50 = tpu.memref_slice %arg9[%dma_start3A_47, %dma_start3A_48, %dma_start3A_49] : memref<2x128x128xf32, #tpu.memory_space<vmem>> -> memref<1x128x128xf32, #tpu.memory_space<vmem>>
    %dma_start3A_51 = tpu.memref_squeeze %dma_start3A_50 : memref<1x128x128xf32, #tpu.memory_space<vmem>> -> memref<128x128xf32, #tpu.memory_space<vmem>>
    %dma_start3A_52 = arith.constant 0 : i32
    %dma_start3A_53 = tpu.memref_slice %arg7[%dma_start3A_46, %dma_start3A_52] : memref<40x128xi32, #tpu.memory_space<vmem>> -> memref<1x128xi32, #tpu.memory_space<vmem>>
    %dma_start3A_54 = tpu.memref_squeeze %dma_start3A_53 : memref<1x128xi32, #tpu.memory_space<vmem>> -> memref<128xi32, #tpu.memory_space<vmem>>
    %dma_start3A_55 = arith.constant 0 : i32
    %dma_start3A_56 = arith.constant 0 : i32
    %dma_start3A_57 = tpu.memref_slice %arg2[%dma_start3A_55, %dma_start3A_56] : memref<10000x128xf32, #tpu.memory_space<hbm>> -> memref<10000x128xf32, #tpu.memory_space<hbm>>
    tpu.enqueue_indirect_dma source(%dma_start3A_57 : memref<10000x128xf32, #tpu.memory_space<hbm>>) target(%dma_start3A_51 : memref<128x128xf32, #tpu.memory_space<vmem>>) offsets(%dma_start3A_54 : memref<128xi32, #tpu.memory_space<vmem>>) semaphore(%arg12 : memref<!tpu.dma_semaphore, #tpu.memory_space<semaphore_mem>>)
    %dma_start3A_58 = arith.constant 0 : i32
    %dma_start3A_59 = arith.constant 38 : i32
    %dma_start3A_60 = arith.constant 0 : i32
    %dma_start3A_61 = arith.constant 0 : i32
    %dma_start3A_62 = tpu.memref_slice %arg9[%dma_start3A_58, %dma_start3A_60, %dma_start3A_61] : memref<2x128x128xf32, #tpu.memory_space<vmem>> -> memref<1x128x128xf32, #tpu.memory_space<vmem>>
    %dma_start3A_63 = tpu.memref_squeeze %dma_start3A_62 : memref<1x128x128xf32, #tpu.memory_space<vmem>> -> memref<128x128xf32, #tpu.memory_space<vmem>>
    %dma_start3A_64 = arith.constant 0 : i32
    %dma_start3A_65 = tpu.memref_slice %arg8[%dma_start3A_59, %dma_start3A_64] : memref<40x128xi32, #tpu.memory_space<vmem>> -> memref<1x128xi32, #tpu.memory_space<vmem>>
    %dma_start3A_66 = tpu.memref_squeeze %dma_start3A_65 : memref<1x128xi32, #tpu.memory_space<vmem>> -> memref<128xi32, #tpu.memory_space<vmem>>
    %dma_start3A_67 = arith.constant 0 : i32
    %dma_start3A_68 = arith.constant 0 : i32
    %dma_start3A_69 = tpu.memref_slice %arg10[%dma_start3A_67, %dma_start3A_68] : memref<10016x128xf32, #tpu.memory_space<vmem_shared>> -> memref<10016x128xf32, #tpu.memory_space<vmem_shared>>
    tpu.enqueue_indirect_dma source(%dma_start3A_63 : memref<128x128xf32, #tpu.memory_space<vmem>>) target(%dma_start3A_69 : memref<10016x128xf32, #tpu.memory_space<vmem_shared>>) offsets(%dma_start3A_66 : memref<128xi32, #tpu.memory_space<vmem>>) semaphore(%arg13 : memref<!tpu.dma_semaphore, #tpu.memory_space<semaphore_mem>>) {add = true}
    %dma_wait3A_70 = arith.constant 39 : i32
    %dma_wait3A_71 = arith.constant 1 : i32
    %dma_wait3A_72 = arith.constant 0 : i32
    %dma_wait3A_73 = arith.constant 0 : i32
    %dma_wait3A_74 = tpu.memref_slice %arg9[%dma_wait3A_71, %dma_wait3A_72, %dma_wait3A_73] : memref<2x128x128xf32, #tpu.memory_space<vmem>> -> memref<1x128x128xf32, #tpu.memory_space<vmem>>
    %dma_wait3A_75 = tpu.memref_squeeze %dma_wait3A_74 : memref<1x128x128xf32, #tpu.memory_space<vmem>> -> memref<128x128xf32, #tpu.memory_space<vmem>>
    %dma_wait3A_76 = arith.constant 0 : i32
    %dma_wait3A_77 = tpu.memref_slice %arg7[%dma_wait3A_70, %dma_wait3A_76] : memref<40x128xi32, #tpu.memory_space<vmem>> -> memref<1x128xi32, #tpu.memory_space<vmem>>
    %dma_wait3A_78 = tpu.memref_squeeze %dma_wait3A_77 : memref<1x128xi32, #tpu.memory_space<vmem>> -> memref<128xi32, #tpu.memory_space<vmem>>
    %dma_wait3A_79 = arith.constant 0 : i32
    %dma_wait3A_80 = arith.constant 0 : i32
    %dma_wait3A_81 = tpu.memref_slice %arg2[%dma_wait3A_79, %dma_wait3A_80] : memref<10000x128xf32, #tpu.memory_space<hbm>> -> memref<10000x128xf32, #tpu.memory_space<hbm>>
    tpu.wait_indirect_dma semaphore(%arg12 : memref<!tpu.dma_semaphore, #tpu.memory_space<semaphore_mem>>) src(%dma_wait3A_81 : memref<10000x128xf32, #tpu.memory_space<hbm>>) dst(%dma_wait3A_75 : memref<128x128xf32, #tpu.memory_space<vmem>>)
    %dma_wait3A_82 = arith.constant 0 : i32
    %dma_wait3A_83 = arith.constant 38 : i32
    %dma_wait3A_84 = arith.constant 0 : i32
    %dma_wait3A_85 = arith.constant 0 : i32
    %dma_wait3A_86 = tpu.memref_slice %arg9[%dma_wait3A_82, %dma_wait3A_84, %dma_wait3A_85] : memref<2x128x128xf32, #tpu.memory_space<vmem>> -> memref<1x128x128xf32, #tpu.memory_space<vmem>>
    %dma_wait3A_87 = tpu.memref_squeeze %dma_wait3A_86 : memref<1x128x128xf32, #tpu.memory_space<vmem>> -> memref<128x128xf32, #tpu.memory_space<vmem>>
    %dma_wait3A_88 = arith.constant 0 : i32
    %dma_wait3A_89 = tpu.memref_slice %arg8[%dma_wait3A_83, %dma_wait3A_88] : memref<40x128xi32, #tpu.memory_space<vmem>> -> memref<1x128xi32, #tpu.memory_space<vmem>>
    %dma_wait3A_90 = tpu.memref_squeeze %dma_wait3A_89 : memref<1x128xi32, #tpu.memory_space<vmem>> -> memref<128xi32, #tpu.memory_space<vmem>>
    %dma_wait3A_91 = arith.constant 0 : i32
    %dma_wait3A_92 = arith.constant 0 : i32
    %dma_wait3A_93 = tpu.memref_slice %arg10[%dma_wait3A_91, %dma_wait3A_92] : memref<10016x128xf32, #tpu.memory_space<vmem_shared>> -> memref<10016x128xf32, #tpu.memory_space<vmem_shared>>
    tpu.wait_indirect_dma semaphore(%arg13 : memref<!tpu.dma_semaphore, #tpu.memory_space<semaphore_mem>>) src(%dma_wait3A_87 : memref<128x128xf32, #tpu.memory_space<vmem>>) dst(%dma_wait3A_93 : memref<10016x128xf32, #tpu.memory_space<vmem_shared>>)
    %dma_start3A_94 = arith.constant 1 : i32
    %dma_start3A_95 = arith.constant 39 : i32
    %dma_start3A_96 = arith.constant 0 : i32
    %dma_start3A_97 = arith.constant 0 : i32
    %dma_start3A_98 = tpu.memref_slice %arg9[%dma_start3A_94, %dma_start3A_96, %dma_start3A_97] : memref<2x128x128xf32, #tpu.memory_space<vmem>> -> memref<1x128x128xf32, #tpu.memory_space<vmem>>
    %dma_start3A_99 = tpu.memref_squeeze %dma_start3A_98 : memref<1x128x128xf32, #tpu.memory_space<vmem>> -> memref<128x128xf32, #tpu.memory_space<vmem>>
    %dma_start3A_100 = arith.constant 0 : i32
    %dma_start3A_101 = tpu.memref_slice %arg8[%dma_start3A_95, %dma_start3A_100] : memref<40x128xi32, #tpu.memory_space<vmem>> -> memref<1x128xi32, #tpu.memory_space<vmem>>
    %dma_start3A_102 = tpu.memref_squeeze %dma_start3A_101 : memref<1x128xi32, #tpu.memory_space<vmem>> -> memref<128xi32, #tpu.memory_space<vmem>>
    %dma_start3A_103 = arith.constant 0 : i32
    %dma_start3A_104 = arith.constant 0 : i32
    %dma_start3A_105 = tpu.memref_slice %arg10[%dma_start3A_103, %dma_start3A_104] : memref<10016x128xf32, #tpu.memory_space<vmem_shared>> -> memref<10016x128xf32, #tpu.memory_space<vmem_shared>>
    tpu.enqueue_indirect_dma source(%dma_start3A_99 : memref<128x128xf32, #tpu.memory_space<vmem>>) target(%dma_start3A_105 : memref<10016x128xf32, #tpu.memory_space<vmem_shared>>) offsets(%dma_start3A_102 : memref<128xi32, #tpu.memory_space<vmem>>) semaphore(%arg14 : memref<!tpu.dma_semaphore, #tpu.memory_space<semaphore_mem>>) {add = true}
    %dma_wait3A_106 = arith.constant 1 : i32
    %dma_wait3A_107 = arith.constant 39 : i32
    %dma_wait3A_108 = arith.constant 0 : i32
    %dma_wait3A_109 = arith.constant 0 : i32
    %dma_wait3A_110 = tpu.memref_slice %arg9[%dma_wait3A_106, %dma_wait3A_108, %dma_wait3A_109] : memref<2x128x128xf32, #tpu.memory_space<vmem>> -> memref<1x128x128xf32, #tpu.memory_space<vmem>>
    %dma_wait3A_111 = tpu.memref_squeeze %dma_wait3A_110 : memref<1x128x128xf32, #tpu.memory_space<vmem>> -> memref<128x128xf32, #tpu.memory_space<vmem>>
    %dma_wait3A_112 = arith.constant 0 : i32
    %dma_wait3A_113 = tpu.memref_slice %arg8[%dma_wait3A_107, %dma_wait3A_112] : memref<40x128xi32, #tpu.memory_space<vmem>> -> memref<1x128xi32, #tpu.memory_space<vmem>>
    %dma_wait3A_114 = tpu.memref_squeeze %dma_wait3A_113 : memref<1x128xi32, #tpu.memory_space<vmem>> -> memref<128xi32, #tpu.memory_space<vmem>>
    %dma_wait3A_115 = arith.constant 0 : i32
    %dma_wait3A_116 = arith.constant 0 : i32
    %dma_wait3A_117 = tpu.memref_slice %arg10[%dma_wait3A_115, %dma_wait3A_116] : memref<10016x128xf32, #tpu.memory_space<vmem_shared>> -> memref<10016x128xf32, #tpu.memory_space<vmem_shared>>
    tpu.wait_indirect_dma semaphore(%arg14 : memref<!tpu.dma_semaphore, #tpu.memory_space<semaphore_mem>>) src(%dma_wait3A_111 : memref<128x128xf32, #tpu.memory_space<vmem>>) dst(%dma_wait3A_117 : memref<10016x128xf32, #tpu.memory_space<vmem_shared>>)
    "tpu.region"() ({
      %run_scoped3A = tpu.sem_alloc : memref<!tpu.dma_semaphore, #tpu.memory_space<semaphore_mem>>
      %dma_start3A_194 = arith.constant 0 : i32
      %dma_start3A_195 = arith.constant 0 : i32
      %dma_start3A_196 = tpu.memref_slice %arg7[%dma_start3A_194, %dma_start3A_195] : memref<40x128xi32, #tpu.memory_space<vmem>> -> memref<39x128xi32, #tpu.memory_space<vmem>>
      %dma_start3A_197 = arith.constant 40 : i32
      %dma_start3A_198 = arith.constant 0 : i32
      %dma_start3A_199 = tpu.memref_slice %arg3[%add3A, %dma_start3A_197, %dma_start3A_198] : memref<32x79x128xi32, #tpu.memory_space<hbm>> -> memref<1x39x128xi32, #tpu.memory_space<hbm>>
      %dma_start3A_200 = tpu.memref_squeeze %dma_start3A_199 : memref<1x39x128xi32, #tpu.memory_space<hbm>> -> memref<39x128xi32, #tpu.memory_space<hbm>>
      %dma_start3A_201 = arith.constant 0 : i32
      %dma_start3A_202 = arith.constant 0 : i32
      %dma_start3A_203 = tpu.memref_slice %arg7[%dma_start3A_201, %dma_start3A_202] : memref<40x128xi32, #tpu.memory_space<vmem>> -> memref<39x128xi32, #tpu.memory_space<vmem>>
      %dma_start3A_204 = arith.constant 40 : i32
      %dma_start3A_205 = arith.constant 0 : i32
      %dma_start3A_206 = tpu.memref_slice %arg3[%add3A, %dma_start3A_204, %dma_start3A_205] : memref<32x79x128xi32, #tpu.memory_space<hbm>> -> memref<1x39x128xi32, #tpu.memory_space<hbm>>
      %dma_start3A_207 = tpu.memref_squeeze %dma_start3A_206 : memref<1x39x128xi32, #tpu.memory_space<hbm>> -> memref<39x128xi32, #tpu.memory_space<hbm>>
      tpu.enqueue_dma source(%dma_start3A_207 : memref<39x128xi32, #tpu.memory_space<hbm>>) target(%dma_start3A_203 : memref<39x128xi32, #tpu.memory_space<vmem>>) target_semaphore(%run_scoped3A : memref<!tpu.dma_semaphore, #tpu.memory_space<semaphore_mem>>)
      %dma_wait3A_208 = arith.constant 0 : i32
      %dma_wait3A_209 = arith.constant 0 : i32
      %dma_wait3A_210 = tpu.memref_slice %arg7[%dma_wait3A_208, %dma_wait3A_209] : memref<40x128xi32, #tpu.memory_space<vmem>> -> memref<39x128xi32, #tpu.memory_space<vmem>>
      %dma_wait3A_211 = arith.constant 40 : i32
      %dma_wait3A_212 = arith.constant 0 : i32
      %dma_wait3A_213 = tpu.memref_slice %arg3[%add3A, %dma_wait3A_211, %dma_wait3A_212] : memref<32x79x128xi32, #tpu.memory_space<hbm>> -> memref<1x39x128xi32, #tpu.memory_space<hbm>>
      %dma_wait3A_214 = tpu.memref_squeeze %dma_wait3A_213 : memref<1x39x128xi32, #tpu.memory_space<hbm>> -> memref<39x128xi32, #tpu.memory_space<hbm>>
      %dma_wait3A_215 = arith.constant 0 : i32
      %dma_wait3A_216 = arith.constant 0 : i32
      %dma_wait3A_217 = tpu.memref_slice %arg7[%dma_wait3A_215, %dma_wait3A_216] : memref<40x128xi32, #tpu.memory_space<vmem>> -> memref<39x128xi32, #tpu.memory_space<vmem>>
      %dma_wait3A_218 = arith.constant 40 : i32
      %dma_wait3A_219 = arith.constant 0 : i32
      %dma_wait3A_220 = tpu.memref_slice %arg3[%add3A, %dma_wait3A_218, %dma_wait3A_219] : memref<32x79x128xi32, #tpu.memory_space<hbm>> -> memref<1x39x128xi32, #tpu.memory_space<hbm>>
      %dma_wait3A_221 = tpu.memref_squeeze %dma_wait3A_220 : memref<1x39x128xi32, #tpu.memory_space<hbm>> -> memref<39x128xi32, #tpu.memory_space<hbm>>
      tpu.wait_dma2 semaphore(%run_scoped3A : memref<!tpu.dma_semaphore, #tpu.memory_space<semaphore_mem>>) src(%dma_wait3A_221 : memref<39x128xi32, #tpu.memory_space<hbm>>) dst(%dma_wait3A_217 : memref<39x128xi32, #tpu.memory_space<vmem>>)
      tpu.yield
    }) : () -> ()
    "tpu.region"() ({
      %run_scoped3A = tpu.sem_alloc : memref<!tpu.dma_semaphore, #tpu.memory_space<semaphore_mem>>
      %dma_start3A_194 = arith.constant 0 : i32
      %dma_start3A_195 = arith.constant 0 : i32
      %dma_start3A_196 = tpu.memref_slice %arg8[%dma_start3A_194, %dma_start3A_195] : memref<40x128xi32, #tpu.memory_space<vmem>> -> memref<39x128xi32, #tpu.memory_space<vmem>>
      %dma_start3A_197 = arith.constant 40 : i32
      %dma_start3A_198 = arith.constant 0 : i32
      %dma_start3A_199 = tpu.memref_slice %arg4[%add3A, %dma_start3A_197, %dma_start3A_198] : memref<32x79x128xi32, #tpu.memory_space<hbm>> -> memref<1x39x128xi32, #tpu.memory_space<hbm>>
      %dma_start3A_200 = tpu.memref_squeeze %dma_start3A_199 : memref<1x39x128xi32, #tpu.memory_space<hbm>> -> memref<39x128xi32, #tpu.memory_space<hbm>>
      %dma_start3A_201 = arith.constant 0 : i32
      %dma_start3A_202 = arith.constant 0 : i32
      %dma_start3A_203 = tpu.memref_slice %arg8[%dma_start3A_201, %dma_start3A_202] : memref<40x128xi32, #tpu.memory_space<vmem>> -> memref<39x128xi32, #tpu.memory_space<vmem>>
      %dma_start3A_204 = arith.constant 40 : i32
      %dma_start3A_205 = arith.constant 0 : i32
      %dma_start3A_206 = tpu.memref_slice %arg4[%add3A, %dma_start3A_204, %dma_start3A_205] : memref<32x79x128xi32, #tpu.memory_space<hbm>> -> memref<1x39x128xi32, #tpu.memory_space<hbm>>
      %dma_start3A_207 = tpu.memref_squeeze %dma_start3A_206 : memref<1x39x128xi32, #tpu.memory_space<hbm>> -> memref<39x128xi32, #tpu.memory_space<hbm>>
      tpu.enqueue_dma source(%dma_start3A_207 : memref<39x128xi32, #tpu.memory_space<hbm>>) target(%dma_start3A_203 : memref<39x128xi32, #tpu.memory_space<vmem>>) target_semaphore(%run_scoped3A : memref<!tpu.dma_semaphore, #tpu.memory_space<semaphore_mem>>)
      %dma_wait3A_208 = arith.constant 0 : i32
      %dma_wait3A_209 = arith.constant 0 : i32
      %dma_wait3A_210 = tpu.memref_slice %arg8[%dma_wait3A_208, %dma_wait3A_209] : memref<40x128xi32, #tpu.memory_space<vmem>> -> memref<39x128xi32, #tpu.memory_space<vmem>>
      %dma_wait3A_211 = arith.constant 40 : i32
      %dma_wait3A_212 = arith.constant 0 : i32
      %dma_wait3A_213 = tpu.memref_slice %arg4[%add3A, %dma_wait3A_211, %dma_wait3A_212] : memref<32x79x128xi32, #tpu.memory_space<hbm>> -> memref<1x39x128xi32, #tpu.memory_space<hbm>>
      %dma_wait3A_214 = tpu.memref_squeeze %dma_wait3A_213 : memref<1x39x128xi32, #tpu.memory_space<hbm>> -> memref<39x128xi32, #tpu.memory_space<hbm>>
      %dma_wait3A_215 = arith.constant 0 : i32
      %dma_wait3A_216 = arith.constant 0 : i32
      %dma_wait3A_217 = tpu.memref_slice %arg8[%dma_wait3A_215, %dma_wait3A_216] : memref<40x128xi32, #tpu.memory_space<vmem>> -> memref<39x128xi32, #tpu.memory_space<vmem>>
      %dma_wait3A_218 = arith.constant 40 : i32
      %dma_wait3A_219 = arith.constant 0 : i32
      %dma_wait3A_220 = tpu.memref_slice %arg4[%add3A, %dma_wait3A_218, %dma_wait3A_219] : memref<32x79x128xi32, #tpu.memory_space<hbm>> -> memref<1x39x128xi32, #tpu.memory_space<hbm>>
      %dma_wait3A_221 = tpu.memref_squeeze %dma_wait3A_220 : memref<1x39x128xi32, #tpu.memory_space<hbm>> -> memref<39x128xi32, #tpu.memory_space<hbm>>
      tpu.wait_dma2 semaphore(%run_scoped3A : memref<!tpu.dma_semaphore, #tpu.memory_space<semaphore_mem>>) src(%dma_wait3A_221 : memref<39x128xi32, #tpu.memory_space<hbm>>) dst(%dma_wait3A_217 : memref<39x128xi32, #tpu.memory_space<vmem>>)
      tpu.yield
    }) : () -> ()
    %dma_start3A_118 = arith.constant 0 : i32
    %dma_start3A_119 = arith.constant 0 : i32
    %dma_start3A_120 = arith.constant 0 : i32
    %dma_start3A_121 = arith.constant 0 : i32
    %dma_start3A_122 = tpu.memref_slice %arg9[%dma_start3A_119, %dma_start3A_120, %dma_start3A_121] : memref<2x128x128xf32, #tpu.memory_space<vmem>> -> memref<1x128x128xf32, #tpu.memory_space<vmem>>
    %dma_start3A_123 = tpu.memref_squeeze %dma_start3A_122 : memref<1x128x128xf32, #tpu.memory_space<vmem>> -> memref<128x128xf32, #tpu.memory_space<vmem>>
    %dma_start3A_124 = arith.constant 0 : i32
    %dma_start3A_125 = tpu.memref_slice %arg7[%dma_start3A_118, %dma_start3A_124] : memref<40x128xi32, #tpu.memory_space<vmem>> -> memref<1x128xi32, #tpu.memory_space<vmem>>
    %dma_start3A_126 = tpu.memref_squeeze %dma_start3A_125 : memref<1x128xi32, #tpu.memory_space<vmem>> -> memref<128xi32, #tpu.memory_space<vmem>>
    %dma_start3A_127 = arith.constant 0 : i32
    %dma_start3A_128 = arith.constant 0 : i32
    %dma_start3A_129 = tpu.memref_slice %arg2[%dma_start3A_127, %dma_start3A_128] : memref<10000x128xf32, #tpu.memory_space<hbm>> -> memref<10000x128xf32, #tpu.memory_space<hbm>>
    tpu.enqueue_indirect_dma source(%dma_start3A_129 : memref<10000x128xf32, #tpu.memory_space<hbm>>) target(%dma_start3A_123 : memref<128x128xf32, #tpu.memory_space<vmem>>) offsets(%dma_start3A_126 : memref<128xi32, #tpu.memory_space<vmem>>) semaphore(%arg11 : memref<!tpu.dma_semaphore, #tpu.memory_space<semaphore_mem>>)
    %scan3A_130 = arith.constant 0 : i32
    %scan3A_131 = arith.constant 0 : i32
    %scan3A_132 = arith.constant 19 : i32
    %scan3A_133 = arith.addi %scan3A_131, %scan3A_132 : i32
    %scan3A_134 = arith.constant 1 : i32
    scf.for %scan3A_194 = %scan3A_131 to %scan3A_133 step %scan3A_134  : i32 {
      %mul3A_195 = arith.constant 2 : i32
      %mul3A_196 = arith.muli %mul3A_195, %scan3A_194 : i32
      %add3A_197 = arith.constant 1 : i32
      %add3A_198 = arith.addi %mul3A_196, %add3A_197 : i32
      %dma_wait3A_199 = arith.constant 0 : i32
      %dma_wait3A_200 = arith.constant 0 : i32
      %dma_wait3A_201 = arith.constant 0 : i32
      %dma_wait3A_202 = tpu.memref_slice %arg9[%dma_wait3A_199, %dma_wait3A_200, %dma_wait3A_201] : memref<2x128x128xf32, #tpu.memory_space<vmem>> -> memref<1x128x128xf32, #tpu.memory_space<vmem>>
      %dma_wait3A_203 = tpu.memref_squeeze %dma_wait3A_202 : memref<1x128x128xf32, #tpu.memory_space<vmem>> -> memref<128x128xf32, #tpu.memory_space<vmem>>
      %dma_wait3A_204 = arith.constant 0 : i32
      %dma_wait3A_205 = tpu.memref_slice %arg7[%mul3A_196, %dma_wait3A_204] : memref<40x128xi32, #tpu.memory_space<vmem>> -> memref<1x128xi32, #tpu.memory_space<vmem>>
      %dma_wait3A_206 = tpu.memref_squeeze %dma_wait3A_205 : memref<1x128xi32, #tpu.memory_space<vmem>> -> memref<128xi32, #tpu.memory_space<vmem>>
      %dma_wait3A_207 = arith.constant 0 : i32
      %dma_wait3A_208 = arith.constant 0 : i32
      %dma_wait3A_209 = tpu.memref_slice %arg2[%dma_wait3A_207, %dma_wait3A_208] : memref<10000x128xf32, #tpu.memory_space<hbm>> -> memref<10000x128xf32, #tpu.memory_space<hbm>>
      tpu.wait_indirect_dma semaphore(%arg11 : memref<!tpu.dma_semaphore, #tpu.memory_space<semaphore_mem>>) src(%dma_wait3A_209 : memref<10000x128xf32, #tpu.memory_space<hbm>>) dst(%dma_wait3A_203 : memref<128x128xf32, #tpu.memory_space<vmem>>)
      %ge3A = arith.constant 1 : i32
      %ge3A_210 = arith.cmpi sge, %scan3A_194, %ge3A : i32
      %convert_element_type3A_211 = arith.extui %ge3A_210 : i1 to i32
      %cond3A_212 = arith.constant 0 : i32
      %cond3A_213 = arith.cmpi ne, %convert_element_type3A_211, %cond3A_212 : i32
      scf.if %cond3A_213 {
        %sub3A = arith.constant 2 : i32
        %sub3A_282 = arith.subi %add3A_198, %sub3A : i32
        %dma_wait3A_283 = arith.constant 1 : i32
        %dma_wait3A_284 = arith.constant 0 : i32
        %dma_wait3A_285 = arith.constant 0 : i32
        %dma_wait3A_286 = tpu.memref_slice %arg9[%dma_wait3A_283, %dma_wait3A_284, %dma_wait3A_285] : memref<2x128x128xf32, #tpu.memory_space<vmem>> -> memref<1x128x128xf32, #tpu.memory_space<vmem>>
        %dma_wait3A_287 = tpu.memref_squeeze %dma_wait3A_286 : memref<1x128x128xf32, #tpu.memory_space<vmem>> -> memref<128x128xf32, #tpu.memory_space<vmem>>
        %dma_wait3A_288 = arith.constant 0 : i32
        %dma_wait3A_289 = tpu.memref_slice %arg8[%sub3A_282, %dma_wait3A_288] : memref<40x128xi32, #tpu.memory_space<vmem>> -> memref<1x128xi32, #tpu.memory_space<vmem>>
        %dma_wait3A_290 = tpu.memref_squeeze %dma_wait3A_289 : memref<1x128xi32, #tpu.memory_space<vmem>> -> memref<128xi32, #tpu.memory_space<vmem>>
        %dma_wait3A_291 = arith.constant 0 : i32
        %dma_wait3A_292 = arith.constant 0 : i32
        %dma_wait3A_293 = tpu.memref_slice %arg10[%dma_wait3A_291, %dma_wait3A_292] : memref<10016x128xf32, #tpu.memory_space<vmem_shared>> -> memref<10016x128xf32, #tpu.memory_space<vmem_shared>>
        tpu.wait_indirect_dma semaphore(%arg14 : memref<!tpu.dma_semaphore, #tpu.memory_space<semaphore_mem>>) src(%dma_wait3A_287 : memref<128x128xf32, #tpu.memory_space<vmem>>) dst(%dma_wait3A_293 : memref<10016x128xf32, #tpu.memory_space<vmem_shared>>)
      } else {
      }
      %dma_start3A_214 = arith.constant 1 : i32
      %dma_start3A_215 = arith.constant 0 : i32
      %dma_start3A_216 = arith.constant 0 : i32
      %dma_start3A_217 = tpu.memref_slice %arg9[%dma_start3A_214, %dma_start3A_215, %dma_start3A_216] : memref<2x128x128xf32, #tpu.memory_space<vmem>> -> memref<1x128x128xf32, #tpu.memory_space<vmem>>
      %dma_start3A_218 = tpu.memref_squeeze %dma_start3A_217 : memref<1x128x128xf32, #tpu.memory_space<vmem>> -> memref<128x128xf32, #tpu.memory_space<vmem>>
      %dma_start3A_219 = arith.constant 0 : i32
      %dma_start3A_220 = tpu.memref_slice %arg7[%add3A_198, %dma_start3A_219] : memref<40x128xi32, #tpu.memory_space<vmem>> -> memref<1x128xi32, #tpu.memory_space<vmem>>
      %dma_start3A_221 = tpu.memref_squeeze %dma_start3A_220 : memref<1x128xi32, #tpu.memory_space<vmem>> -> memref<128xi32, #tpu.memory_space<vmem>>
      %dma_start3A_222 = arith.constant 0 : i32
      %dma_start3A_223 = arith.constant 0 : i32
      %dma_start3A_224 = tpu.memref_slice %arg2[%dma_start3A_222, %dma_start3A_223] : memref<10000x128xf32, #tpu.memory_space<hbm>> -> memref<10000x128xf32, #tpu.memory_space<hbm>>
      tpu.enqueue_indirect_dma source(%dma_start3A_224 : memref<10000x128xf32, #tpu.memory_space<hbm>>) target(%dma_start3A_218 : memref<128x128xf32, #tpu.memory_space<vmem>>) offsets(%dma_start3A_221 : memref<128xi32, #tpu.memory_space<vmem>>) semaphore(%arg12 : memref<!tpu.dma_semaphore, #tpu.memory_space<semaphore_mem>>)
      %dma_start3A_225 = arith.constant 0 : i32
      %dma_start3A_226 = arith.constant 0 : i32
      %dma_start3A_227 = arith.constant 0 : i32
      %dma_start3A_228 = tpu.memref_slice %arg9[%dma_start3A_225, %dma_start3A_226, %dma_start3A_227] : memref<2x128x128xf32, #tpu.memory_space<vmem>> -> memref<1x128x128xf32, #tpu.memory_space<vmem>>
      %dma_start3A_229 = tpu.memref_squeeze %dma_start3A_228 : memref<1x128x128xf32, #tpu.memory_space<vmem>> -> memref<128x128xf32, #tpu.memory_space<vmem>>
      %dma_start3A_230 = arith.constant 0 : i32
      %dma_start3A_231 = tpu.memref_slice %arg8[%mul3A_196, %dma_start3A_230] : memref<40x128xi32, #tpu.memory_space<vmem>> -> memref<1x128xi32, #tpu.memory_space<vmem>>
      %dma_start3A_232 = tpu.memref_squeeze %dma_start3A_231 : memref<1x128xi32, #tpu.memory_space<vmem>> -> memref<128xi32, #tpu.memory_space<vmem>>
      %dma_start3A_233 = arith.constant 0 : i32
      %dma_start3A_234 = arith.constant 0 : i32
      %dma_start3A_235 = tpu.memref_slice %arg10[%dma_start3A_233, %dma_start3A_234] : memref<10016x128xf32, #tpu.memory_space<vmem_shared>> -> memref<10016x128xf32, #tpu.memory_space<vmem_shared>>
      tpu.enqueue_indirect_dma source(%dma_start3A_229 : memref<128x128xf32, #tpu.memory_space<vmem>>) target(%dma_start3A_235 : memref<10016x128xf32, #tpu.memory_space<vmem_shared>>) offsets(%dma_start3A_232 : memref<128xi32, #tpu.memory_space<vmem>>) semaphore(%arg13 : memref<!tpu.dma_semaphore, #tpu.memory_space<semaphore_mem>>) {add = true}
      %dma_wait3A_236 = arith.constant 1 : i32
      %dma_wait3A_237 = arith.constant 0 : i32
      %dma_wait3A_238 = arith.constant 0 : i32
      %dma_wait3A_239 = tpu.memref_slice %arg9[%dma_wait3A_236, %dma_wait3A_237, %dma_wait3A_238] : memref<2x128x128xf32, #tpu.memory_space<vmem>> -> memref<1x128x128xf32, #tpu.memory_space<vmem>>
      %dma_wait3A_240 = tpu.memref_squeeze %dma_wait3A_239 : memref<1x128x128xf32, #tpu.memory_space<vmem>> -> memref<128x128xf32, #tpu.memory_space<vmem>>
      %dma_wait3A_241 = arith.constant 0 : i32
      %dma_wait3A_242 = tpu.memref_slice %arg7[%add3A_198, %dma_wait3A_241] : memref<40x128xi32, #tpu.memory_space<vmem>> -> memref<1x128xi32, #tpu.memory_space<vmem>>
      %dma_wait3A_243 = tpu.memref_squeeze %dma_wait3A_242 : memref<1x128xi32, #tpu.memory_space<vmem>> -> memref<128xi32, #tpu.memory_space<vmem>>
      %dma_wait3A_244 = arith.constant 0 : i32
      %dma_wait3A_245 = arith.constant 0 : i32
      %dma_wait3A_246 = tpu.memref_slice %arg2[%dma_wait3A_244, %dma_wait3A_245] : memref<10000x128xf32, #tpu.memory_space<hbm>> -> memref<10000x128xf32, #tpu.memory_space<hbm>>
      tpu.wait_indirect_dma semaphore(%arg12 : memref<!tpu.dma_semaphore, #tpu.memory_space<semaphore_mem>>) src(%dma_wait3A_246 : memref<10000x128xf32, #tpu.memory_space<hbm>>) dst(%dma_wait3A_240 : memref<128x128xf32, #tpu.memory_space<vmem>>)
      %dma_wait3A_247 = arith.constant 0 : i32
      %dma_wait3A_248 = arith.constant 0 : i32
      %dma_wait3A_249 = arith.constant 0 : i32
      %dma_wait3A_250 = tpu.memref_slice %arg9[%dma_wait3A_247, %dma_wait3A_248, %dma_wait3A_249] : memref<2x128x128xf32, #tpu.memory_space<vmem>> -> memref<1x128x128xf32, #tpu.memory_space<vmem>>
      %dma_wait3A_251 = tpu.memref_squeeze %dma_wait3A_250 : memref<1x128x128xf32, #tpu.memory_space<vmem>> -> memref<128x128xf32, #tpu.memory_space<vmem>>
      %dma_wait3A_252 = arith.constant 0 : i32
      %dma_wait3A_253 = tpu.memref_slice %arg8[%mul3A_196, %dma_wait3A_252] : memref<40x128xi32, #tpu.memory_space<vmem>> -> memref<1x128xi32, #tpu.memory_space<vmem>>
      %dma_wait3A_254 = tpu.memref_squeeze %dma_wait3A_253 : memref<1x128xi32, #tpu.memory_space<vmem>> -> memref<128xi32, #tpu.memory_space<vmem>>
      %dma_wait3A_255 = arith.constant 0 : i32
      %dma_wait3A_256 = arith.constant 0 : i32
      %dma_wait3A_257 = tpu.memref_slice %arg10[%dma_wait3A_255, %dma_wait3A_256] : memref<10016x128xf32, #tpu.memory_space<vmem_shared>> -> memref<10016x128xf32, #tpu.memory_space<vmem_shared>>
      tpu.wait_indirect_dma semaphore(%arg13 : memref<!tpu.dma_semaphore, #tpu.memory_space<semaphore_mem>>) src(%dma_wait3A_251 : memref<128x128xf32, #tpu.memory_space<vmem>>) dst(%dma_wait3A_257 : memref<10016x128xf32, #tpu.memory_space<vmem_shared>>)
      %add3A_258 = arith.constant 2 : i32
      %add3A_259 = arith.addi %mul3A_196, %add3A_258 : i32
      %dma_start3A_260 = arith.constant 0 : i32
      %dma_start3A_261 = arith.constant 0 : i32
      %dma_start3A_262 = arith.constant 0 : i32
      %dma_start3A_263 = tpu.memref_slice %arg9[%dma_start3A_260, %dma_start3A_261, %dma_start3A_262] : memref<2x128x128xf32, #tpu.memory_space<vmem>> -> memref<1x128x128xf32, #tpu.memory_space<vmem>>
      %dma_start3A_264 = tpu.memref_squeeze %dma_start3A_263 : memref<1x128x128xf32, #tpu.memory_space<vmem>> -> memref<128x128xf32, #tpu.memory_space<vmem>>
      %dma_start3A_265 = arith.constant 0 : i32
      %dma_start3A_266 = tpu.memref_slice %arg7[%add3A_259, %dma_start3A_265] : memref<40x128xi32, #tpu.memory_space<vmem>> -> memref<1x128xi32, #tpu.memory_space<vmem>>
      %dma_start3A_267 = tpu.memref_squeeze %dma_start3A_266 : memref<1x128xi32, #tpu.memory_space<vmem>> -> memref<128xi32, #tpu.memory_space<vmem>>
      %dma_start3A_268 = arith.constant 0 : i32
      %dma_start3A_269 = arith.constant 0 : i32
      %dma_start3A_270 = tpu.memref_slice %arg2[%dma_start3A_268, %dma_start3A_269] : memref<10000x128xf32, #tpu.memory_space<hbm>> -> memref<10000x128xf32, #tpu.memory_space<hbm>>
      tpu.enqueue_indirect_dma source(%dma_start3A_270 : memref<10000x128xf32, #tpu.memory_space<hbm>>) target(%dma_start3A_264 : memref<128x128xf32, #tpu.memory_space<vmem>>) offsets(%dma_start3A_267 : memref<128xi32, #tpu.memory_space<vmem>>) semaphore(%arg11 : memref<!tpu.dma_semaphore, #tpu.memory_space<semaphore_mem>>)
      %dma_start3A_271 = arith.constant 1 : i32
      %dma_start3A_272 = arith.constant 0 : i32
      %dma_start3A_273 = arith.constant 0 : i32
      %dma_start3A_274 = tpu.memref_slice %arg9[%dma_start3A_271, %dma_start3A_272, %dma_start3A_273] : memref<2x128x128xf32, #tpu.memory_space<vmem>> -> memref<1x128x128xf32, #tpu.memory_space<vmem>>
      %dma_start3A_275 = tpu.memref_squeeze %dma_start3A_274 : memref<1x128x128xf32, #tpu.memory_space<vmem>> -> memref<128x128xf32, #tpu.memory_space<vmem>>
      %dma_start3A_276 = arith.constant 0 : i32
      %dma_start3A_277 = tpu.memref_slice %arg8[%add3A_198, %dma_start3A_276] : memref<40x128xi32, #tpu.memory_space<vmem>> -> memref<1x128xi32, #tpu.memory_space<vmem>>
      %dma_start3A_278 = tpu.memref_squeeze %dma_start3A_277 : memref<1x128xi32, #tpu.memory_space<vmem>> -> memref<128xi32, #tpu.memory_space<vmem>>
      %dma_start3A_279 = arith.constant 0 : i32
      %dma_start3A_280 = arith.constant 0 : i32
      %dma_start3A_281 = tpu.memref_slice %arg10[%dma_start3A_279, %dma_start3A_280] : memref<10016x128xf32, #tpu.memory_space<vmem_shared>> -> memref<10016x128xf32, #tpu.memory_space<vmem_shared>>
      tpu.enqueue_indirect_dma source(%dma_start3A_275 : memref<128x128xf32, #tpu.memory_space<vmem>>) target(%dma_start3A_281 : memref<10016x128xf32, #tpu.memory_space<vmem_shared>>) offsets(%dma_start3A_278 : memref<128xi32, #tpu.memory_space<vmem>>) semaphore(%arg14 : memref<!tpu.dma_semaphore, #tpu.memory_space<semaphore_mem>>) {add = true}
    }
    %scan3A_135 = arith.constant 19 : i32
    %dma_wait3A_136 = arith.constant 1 : i32
    %dma_wait3A_137 = arith.constant 37 : i32
    %dma_wait3A_138 = arith.constant 0 : i32
    %dma_wait3A_139 = arith.constant 0 : i32
    %dma_wait3A_140 = tpu.memref_slice %arg9[%dma_wait3A_136, %dma_wait3A_138, %dma_wait3A_139] : memref<2x128x128xf32, #tpu.memory_space<vmem>> -> memref<1x128x128xf32, #tpu.memory_space<vmem>>
    %dma_wait3A_141 = tpu.memref_squeeze %dma_wait3A_140 : memref<1x128x128xf32, #tpu.memory_space<vmem>> -> memref<128x128xf32, #tpu.memory_space<vmem>>
    %dma_wait3A_142 = arith.constant 0 : i32
    %dma_wait3A_143 = tpu.memref_slice %arg8[%dma_wait3A_137, %dma_wait3A_142] : memref<40x128xi32, #tpu.memory_space<vmem>> -> memref<1x128xi32, #tpu.memory_space<vmem>>
    %dma_wait3A_144 = tpu.memref_squeeze %dma_wait3A_143 : memref<1x128xi32, #tpu.memory_space<vmem>> -> memref<128xi32, #tpu.memory_space<vmem>>
    %dma_wait3A_145 = arith.constant 0 : i32
    %dma_wait3A_146 = arith.constant 0 : i32
    %dma_wait3A_147 = tpu.memref_slice %arg10[%dma_wait3A_145, %dma_wait3A_146] : memref<10016x128xf32, #tpu.memory_space<vmem_shared>> -> memref<10016x128xf32, #tpu.memory_space<vmem_shared>>
    tpu.wait_indirect_dma semaphore(%arg14 : memref<!tpu.dma_semaphore, #tpu.memory_space<semaphore_mem>>) src(%dma_wait3A_141 : memref<128x128xf32, #tpu.memory_space<vmem>>) dst(%dma_wait3A_147 : memref<10016x128xf32, #tpu.memory_space<vmem_shared>>)
    %dma_wait3A_148 = arith.constant 38 : i32
    %dma_wait3A_149 = arith.constant 0 : i32
    %dma_wait3A_150 = arith.constant 0 : i32
    %dma_wait3A_151 = arith.constant 0 : i32
    %dma_wait3A_152 = tpu.memref_slice %arg9[%dma_wait3A_149, %dma_wait3A_150, %dma_wait3A_151] : memref<2x128x128xf32, #tpu.memory_space<vmem>> -> memref<1x128x128xf32, #tpu.memory_space<vmem>>
    %dma_wait3A_153 = tpu.memref_squeeze %dma_wait3A_152 : memref<1x128x128xf32, #tpu.memory_space<vmem>> -> memref<128x128xf32, #tpu.memory_space<vmem>>
    %dma_wait3A_154 = arith.constant 0 : i32
    %dma_wait3A_155 = tpu.memref_slice %arg7[%dma_wait3A_148, %dma_wait3A_154] : memref<40x128xi32, #tpu.memory_space<vmem>> -> memref<1x128xi32, #tpu.memory_space<vmem>>
    %dma_wait3A_156 = tpu.memref_squeeze %dma_wait3A_155 : memref<1x128xi32, #tpu.memory_space<vmem>> -> memref<128xi32, #tpu.memory_space<vmem>>
    %dma_wait3A_157 = arith.constant 0 : i32
    %dma_wait3A_158 = arith.constant 0 : i32
    %dma_wait3A_159 = tpu.memref_slice %arg2[%dma_wait3A_157, %dma_wait3A_158] : memref<10000x128xf32, #tpu.memory_space<hbm>> -> memref<10000x128xf32, #tpu.memory_space<hbm>>
    tpu.wait_indirect_dma semaphore(%arg11 : memref<!tpu.dma_semaphore, #tpu.memory_space<semaphore_mem>>) src(%dma_wait3A_159 : memref<10000x128xf32, #tpu.memory_space<hbm>>) dst(%dma_wait3A_153 : memref<128x128xf32, #tpu.memory_space<vmem>>)
    %dma_start3A_160 = arith.constant 0 : i32
    %dma_start3A_161 = arith.constant 38 : i32
    %dma_start3A_162 = arith.constant 0 : i32
    %dma_start3A_163 = arith.constant 0 : i32
    %dma_start3A_164 = tpu.memref_slice %arg9[%dma_start3A_160, %dma_start3A_162, %dma_start3A_163] : memref<2x128x128xf32, #tpu.memory_space<vmem>> -> memref<1x128x128xf32, #tpu.memory_space<vmem>>
    %dma_start3A_165 = tpu.memref_squeeze %dma_start3A_164 : memref<1x128x128xf32, #tpu.memory_space<vmem>> -> memref<128x128xf32, #tpu.memory_space<vmem>>
    %dma_start3A_166 = arith.constant 0 : i32
    %dma_start3A_167 = tpu.memref_slice %arg8[%dma_start3A_161, %dma_start3A_166] : memref<40x128xi32, #tpu.memory_space<vmem>> -> memref<1x128xi32, #tpu.memory_space<vmem>>
    %dma_start3A_168 = tpu.memref_squeeze %dma_start3A_167 : memref<1x128xi32, #tpu.memory_space<vmem>> -> memref<128xi32, #tpu.memory_space<vmem>>
    %dma_start3A_169 = arith.constant 0 : i32
    %dma_start3A_170 = arith.constant 0 : i32
    %dma_start3A_171 = tpu.memref_slice %arg10[%dma_start3A_169, %dma_start3A_170] : memref<10016x128xf32, #tpu.memory_space<vmem_shared>> -> memref<10016x128xf32, #tpu.memory_space<vmem_shared>>
    tpu.enqueue_indirect_dma source(%dma_start3A_165 : memref<128x128xf32, #tpu.memory_space<vmem>>) target(%dma_start3A_171 : memref<10016x128xf32, #tpu.memory_space<vmem_shared>>) offsets(%dma_start3A_168 : memref<128xi32, #tpu.memory_space<vmem>>) semaphore(%arg13 : memref<!tpu.dma_semaphore, #tpu.memory_space<semaphore_mem>>) {add = true}
    %dma_wait3A_172 = arith.constant 0 : i32
    %dma_wait3A_173 = arith.constant 38 : i32
    %dma_wait3A_174 = arith.constant 0 : i32
    %dma_wait3A_175 = arith.constant 0 : i32
    %dma_wait3A_176 = tpu.memref_slice %arg9[%dma_wait3A_172, %dma_wait3A_174, %dma_wait3A_175] : memref<2x128x128xf32, #tpu.memory_space<vmem>> -> memref<1x128x128xf32, #tpu.memory_space<vmem>>
    %dma_wait3A_177 = tpu.memref_squeeze %dma_wait3A_176 : memref<1x128x128xf32, #tpu.memory_space<vmem>> -> memref<128x128xf32, #tpu.memory_space<vmem>>
    %dma_wait3A_178 = arith.constant 0 : i32
    %dma_wait3A_179 = tpu.memref_slice %arg8[%dma_wait3A_173, %dma_wait3A_178] : memref<40x128xi32, #tpu.memory_space<vmem>> -> memref<1x128xi32, #tpu.memory_space<vmem>>
    %dma_wait3A_180 = tpu.memref_squeeze %dma_wait3A_179 : memref<1x128xi32, #tpu.memory_space<vmem>> -> memref<128xi32, #tpu.memory_space<vmem>>
    %dma_wait3A_181 = arith.constant 0 : i32
    %dma_wait3A_182 = arith.constant 0 : i32
    %dma_wait3A_183 = tpu.memref_slice %arg10[%dma_wait3A_181, %dma_wait3A_182] : memref<10016x128xf32, #tpu.memory_space<vmem_shared>> -> memref<10016x128xf32, #tpu.memory_space<vmem_shared>>
    tpu.wait_indirect_dma semaphore(%arg13 : memref<!tpu.dma_semaphore, #tpu.memory_space<semaphore_mem>>) src(%dma_wait3A_177 : memref<128x128xf32, #tpu.memory_space<vmem>>) dst(%dma_wait3A_183 : memref<10016x128xf32, #tpu.memory_space<vmem_shared>>)
    %barrier3A_184 = arith.constant 0 : index
    tpu.barrier barrier_id(%barrier3A_184)
    %mul3A_185 = arith.constant 624 : i32
    %mul3A_186 = arith.muli %arg1, %mul3A_185 : i32
    %mul3A_187 = arith.constant 624 : i32
    %mul3A_188 = arith.muli %arg1, %mul3A_187 : i32
    "tpu.region"() ({
      %run_scoped3A = tpu.sem_alloc : memref<!tpu.dma_semaphore, #tpu.memory_space<semaphore_mem>>
      %dma_start3A_194 = arith.constant 0 : i32
      %dma_start3A_195 = arith.constant 0 : i32
      %dma_start3A_196 = tpu.memref_slice %arg6[%arg0, %dma_start3A_194, %dma_start3A_195] : memref<2x10016x128xf32, #tpu.memory_space<hbm>> -> memref<1x10016x128xf32, #tpu.memory_space<hbm>>
      %dma_start3A_197 = tpu.memref_squeeze %dma_start3A_196 : memref<1x10016x128xf32, #tpu.memory_space<hbm>> -> memref<10016x128xf32, #tpu.memory_space<hbm>>
      %dma_start3A_198 = arith.constant 0 : i32
      %dma_start3A_199 = tpu.memref_slice %dma_start3A_197[%mul3A_188, %dma_start3A_198] : memref<10016x128xf32, #tpu.memory_space<hbm>> -> memref<624x128xf32, #tpu.memory_space<hbm>>
      %dma_start3A_200 = arith.constant 0 : i32
      %dma_start3A_201 = tpu.memref_slice %arg10[%mul3A_186, %dma_start3A_200] : memref<10016x128xf32, #tpu.memory_space<vmem_shared>> -> memref<624x128xf32, #tpu.memory_space<vmem_shared>>
      tpu.enqueue_dma source(%dma_start3A_201 : memref<624x128xf32, #tpu.memory_space<vmem_shared>>) target(%dma_start3A_199 : memref<624x128xf32, #tpu.memory_space<hbm>>) target_semaphore(%run_scoped3A : memref<!tpu.dma_semaphore, #tpu.memory_space<semaphore_mem>>)
      %dma_wait3A_202 = arith.constant 0 : i32
      %dma_wait3A_203 = arith.constant 0 : i32
      %dma_wait3A_204 = tpu.memref_slice %arg6[%arg0, %dma_wait3A_202, %dma_wait3A_203] : memref<2x10016x128xf32, #tpu.memory_space<hbm>> -> memref<1x10016x128xf32, #tpu.memory_space<hbm>>
      %dma_wait3A_205 = tpu.memref_squeeze %dma_wait3A_204 : memref<1x10016x128xf32, #tpu.memory_space<hbm>> -> memref<10016x128xf32, #tpu.memory_space<hbm>>
      %dma_wait3A_206 = arith.constant 0 : i32
      %dma_wait3A_207 = tpu.memref_slice %dma_wait3A_205[%mul3A_188, %dma_wait3A_206] : memref<10016x128xf32, #tpu.memory_space<hbm>> -> memref<624x128xf32, #tpu.memory_space<hbm>>
      %dma_wait3A_208 = arith.constant 0 : i32
      %dma_wait3A_209 = tpu.memref_slice %arg10[%mul3A_186, %dma_wait3A_208] : memref<10016x128xf32, #tpu.memory_space<vmem_shared>> -> memref<624x128xf32, #tpu.memory_space<vmem_shared>>
      tpu.wait_dma2 semaphore(%run_scoped3A : memref<!tpu.dma_semaphore, #tpu.memory_space<semaphore_mem>>) src(%dma_wait3A_209 : memref<624x128xf32, #tpu.memory_space<vmem_shared>>) dst(%dma_wait3A_207 : memref<624x128xf32, #tpu.memory_space<hbm>>)
      tpu.yield
    }) : () -> ()
    %eq3A_189 = arith.constant 15 : i32
    %eq3A_190 = arith.cmpi eq, %arg1, %eq3A_189 : i32
    %convert_element_type3A_191 = arith.extui %eq3A_190 : i1 to i32
    %cond3A_192 = arith.constant 0 : i32
    %cond3A_193 = arith.cmpi ne, %convert_element_type3A_191, %cond3A_192 : i32
    scf.if %cond3A_193 {
      "tpu.region"() ({
        %run_scoped3A = tpu.sem_alloc : memref<!tpu.dma_semaphore, #tpu.memory_space<semaphore_mem>>
        %dma_start3A_194 = arith.constant 0 : i32
        %dma_start3A_195 = arith.constant 0 : i32
        %dma_start3A_196 = tpu.memref_slice %arg6[%arg0, %dma_start3A_194, %dma_start3A_195] : memref<2x10016x128xf32, #tpu.memory_space<hbm>> -> memref<1x10016x128xf32, #tpu.memory_space<hbm>>
        %dma_start3A_197 = tpu.memref_squeeze %dma_start3A_196 : memref<1x10016x128xf32, #tpu.memory_space<hbm>> -> memref<10016x128xf32, #tpu.memory_space<hbm>>
        %dma_start3A_198 = arith.constant 9984 : i32
        %dma_start3A_199 = arith.constant 0 : i32
        %dma_start3A_200 = tpu.memref_slice %dma_start3A_197[%dma_start3A_198, %dma_start3A_199] : memref<10016x128xf32, #tpu.memory_space<hbm>> -> memref<32x128xf32, #tpu.memory_space<hbm>>
        %dma_start3A_201 = arith.constant 9984 : i32
        %dma_start3A_202 = arith.constant 0 : i32
        %dma_start3A_203 = tpu.memref_slice %arg10[%dma_start3A_201, %dma_start3A_202] : memref<10016x128xf32, #tpu.memory_space<vmem_shared>> -> memref<32x128xf32, #tpu.memory_space<vmem_shared>>
        tpu.enqueue_dma source(%dma_start3A_203 : memref<32x128xf32, #tpu.memory_space<vmem_shared>>) target(%dma_start3A_200 : memref<32x128xf32, #tpu.memory_space<hbm>>) target_semaphore(%run_scoped3A : memref<!tpu.dma_semaphore, #tpu.memory_space<semaphore_mem>>)
        %dma_wait3A_204 = arith.constant 0 : i32
        %dma_wait3A_205 = arith.constant 0 : i32
        %dma_wait3A_206 = tpu.memref_slice %arg6[%arg0, %dma_wait3A_204, %dma_wait3A_205] : memref<2x10016x128xf32, #tpu.memory_space<hbm>> -> memref<1x10016x128xf32, #tpu.memory_space<hbm>>
        %dma_wait3A_207 = tpu.memref_squeeze %dma_wait3A_206 : memref<1x10016x128xf32, #tpu.memory_space<hbm>> -> memref<10016x128xf32, #tpu.memory_space<hbm>>
        %dma_wait3A_208 = arith.constant 9984 : i32
        %dma_wait3A_209 = arith.constant 0 : i32
        %dma_wait3A_210 = tpu.memref_slice %dma_wait3A_207[%dma_wait3A_208, %dma_wait3A_209] : memref<10016x128xf32, #tpu.memory_space<hbm>> -> memref<32x128xf32, #tpu.memory_space<hbm>>
        %dma_wait3A_211 = arith.constant 9984 : i32
        %dma_wait3A_212 = arith.constant 0 : i32
        %dma_wait3A_213 = tpu.memref_slice %arg10[%dma_wait3A_211, %dma_wait3A_212] : memref<10016x128xf32, #tpu.memory_space<vmem_shared>> -> memref<32x128xf32, #tpu.memory_space<vmem_shared>>
        tpu.wait_dma2 semaphore(%run_scoped3A : memref<!tpu.dma_semaphore, #tpu.memory_space<semaphore_mem>>) src(%dma_wait3A_213 : memref<32x128xf32, #tpu.memory_space<vmem_shared>>) dst(%dma_wait3A_210 : memref<32x128xf32, #tpu.memory_space<hbm>>)
        tpu.yield
      }) : () -> ()
    } else {
    }
    return
  }
}

#map = affine_map<(d0, d1) -> (0, 0)>
#map1 = affine_map<(d0, d1) -> (0, 0, 0)>
module attributes {stable_mosaic.version = 14 : i64} {
  func.func @_sc_edge_pass(%arg0: i32, %arg1: i32, %arg2: memref<10000x128xf32, #tpu.memory_space<hbm>>, %arg3: memref<32x79x128xi32, #tpu.memory_space<hbm>>, %arg4: memref<32x79x128xi32, #tpu.memory_space<hbm>>, %arg5: memref<10016x128xf32, #tpu.memory_space<hbm>>, %arg6: memref<2x10016x128xf32, #tpu.memory_space<hbm>>, %arg7: memref<40x128xi32, #tpu.memory_space<vmem>>, %arg8: memref<40x128xi32, #tpu.memory_space<vmem>>, %arg9: memref<2x128x128xf32, #tpu.memory_space<vmem>>, %arg10: memref<10016x128xf32, #tpu.memory_space<vmem_shared>>, %arg11: memref<!tpu.dma_semaphore, #tpu.memory_space<semaphore_mem>>, %arg12: memref<!tpu.dma_semaphore, #tpu.memory_space<semaphore_mem>>, %arg13: memref<!tpu.dma_semaphore, #tpu.memory_space<semaphore_mem>>, %arg14: memref<!tpu.dma_semaphore, #tpu.memory_space<semaphore_mem>>) attributes {dimension_semantics = [#tpu.dimension_semantics<core_parallel>, #tpu.dimension_semantics<subcore_parallel>], iteration_bounds = array<i64: 2, 16>, scalar_prefetch = 0 : i64, scratch_operands = 8 : i64, tpu.core_type = #tpu.core_type<sc_vector_subcore>, window_params = [{transform_indices = #map}, {transform_indices = #map1}, {transform_indices = #map1}, {transform_indices = #map}, {transform_indices = #map1}]} {
    %mul3A = arith.constant 16 : i32
    %mul3A_0 = arith.muli %arg0, %mul3A : i32
    %add3A = arith.addi %mul3A_0, %arg1 : i32
    "tpu.region"() ({
      %run_scoped3A = tpu.sem_alloc : memref<!tpu.dma_semaphore, #tpu.memory_space<semaphore_mem>>
      %dma_start3A_194 = arith.constant 0 : i32
      %dma_start3A_195 = arith.constant 0 : i32
      %dma_start3A_196 = tpu.memref_slice %arg7[%dma_start3A_194, %dma_start3A_195] : memref<40x128xi32, #tpu.memory_space<vmem>> -> memref<40x128xi32, #tpu.memory_space<vmem>>
      %dma_start3A_197 = arith.constant 0 : i32
      %dma_start3A_198 = arith.constant 0 : i32
      %dma_start3A_199 = tpu.memref_slice %arg3[%add3A, %dma_start3A_197, %dma_start3A_198] : memref<32x79x128xi32, #tpu.memory_space<hbm>> -> memref<1x40x128xi32, #tpu.memory_space<hbm>>
      %dma_start3A_200 = tpu.memref_squeeze %dma_start3A_199 : memref<1x40x128xi32, #tpu.memory_space<hbm>> -> memref<40x128xi32, #tpu.memory_space<hbm>>
      %dma_start3A_201 = arith.constant 0 : i32
      %dma_start3A_202 = arith.constant 0 : i32
      %dma_start3A_203 = tpu.memref_slice %arg7[%dma_start3A_201, %dma_start3A_202] : memref<40x128xi32, #tpu.memory_space<vmem>> -> memref<40x128xi32, #tpu.memory_space<vmem>>
      %dma_start3A_204 = arith.constant 0 : i32
      %dma_start3A_205 = arith.constant 0 : i32
      %dma_start3A_206 = tpu.memref_slice %arg3[%add3A, %dma_start3A_204, %dma_start3A_205] : memref<32x79x128xi32, #tpu.memory_space<hbm>> -> memref<1x40x128xi32, #tpu.memory_space<hbm>>
      %dma_start3A_207 = tpu.memref_squeeze %dma_start3A_206 : memref<1x40x128xi32, #tpu.memory_space<hbm>> -> memref<40x128xi32, #tpu.memory_space<hbm>>
      tpu.enqueue_dma source(%dma_start3A_207 : memref<40x128xi32, #tpu.memory_space<hbm>>) target(%dma_start3A_203 : memref<40x128xi32, #tpu.memory_space<vmem>>) target_semaphore(%run_scoped3A : memref<!tpu.dma_semaphore, #tpu.memory_space<semaphore_mem>>)
      %dma_wait3A_208 = arith.constant 0 : i32
      %dma_wait3A_209 = arith.constant 0 : i32
      %dma_wait3A_210 = tpu.memref_slice %arg7[%dma_wait3A_208, %dma_wait3A_209] : memref<40x128xi32, #tpu.memory_space<vmem>> -> memref<40x128xi32, #tpu.memory_space<vmem>>
      %dma_wait3A_211 = arith.constant 0 : i32
      %dma_wait3A_212 = arith.constant 0 : i32
      %dma_wait3A_213 = tpu.memref_slice %arg3[%add3A, %dma_wait3A_211, %dma_wait3A_212] : memref<32x79x128xi32, #tpu.memory_space<hbm>> -> memref<1x40x128xi32, #tpu.memory_space<hbm>>
      %dma_wait3A_214 = tpu.memref_squeeze %dma_wait3A_213 : memref<1x40x128xi32, #tpu.memory_space<hbm>> -> memref<40x128xi32, #tpu.memory_space<hbm>>
      %dma_wait3A_215 = arith.constant 0 : i32
      %dma_wait3A_216 = arith.constant 0 : i32
      %dma_wait3A_217 = tpu.memref_slice %arg7[%dma_wait3A_215, %dma_wait3A_216] : memref<40x128xi32, #tpu.memory_space<vmem>> -> memref<40x128xi32, #tpu.memory_space<vmem>>
      %dma_wait3A_218 = arith.constant 0 : i32
      %dma_wait3A_219 = arith.constant 0 : i32
      %dma_wait3A_220 = tpu.memref_slice %arg3[%add3A, %dma_wait3A_218, %dma_wait3A_219] : memref<32x79x128xi32, #tpu.memory_space<hbm>> -> memref<1x40x128xi32, #tpu.memory_space<hbm>>
      %dma_wait3A_221 = tpu.memref_squeeze %dma_wait3A_220 : memref<1x40x128xi32, #tpu.memory_space<hbm>> -> memref<40x128xi32, #tpu.memory_space<hbm>>
      tpu.wait_dma2 semaphore(%run_scoped3A : memref<!tpu.dma_semaphore, #tpu.memory_space<semaphore_mem>>) src(%dma_wait3A_221 : memref<40x128xi32, #tpu.memory_space<hbm>>) dst(%dma_wait3A_217 : memref<40x128xi32, #tpu.memory_space<vmem>>)
      tpu.yield
    }) : () -> ()
    "tpu.region"() ({
      %run_scoped3A = tpu.sem_alloc : memref<!tpu.dma_semaphore, #tpu.memory_space<semaphore_mem>>
      %dma_start3A_194 = arith.constant 0 : i32
      %dma_start3A_195 = arith.constant 0 : i32
      %dma_start3A_196 = tpu.memref_slice %arg8[%dma_start3A_194, %dma_start3A_195] : memref<40x128xi32, #tpu.memory_space<vmem>> -> memref<40x128xi32, #tpu.memory_space<vmem>>
      %dma_start3A_197 = arith.constant 0 : i32
      %dma_start3A_198 = arith.constant 0 : i32
      %dma_start3A_199 = tpu.memref_slice %arg4[%add3A, %dma_start3A_197, %dma_start3A_198] : memref<32x79x128xi32, #tpu.memory_space<hbm>> -> memref<1x40x128xi32, #tpu.memory_space<hbm>>
      %dma_start3A_200 = tpu.memref_squeeze %dma_start3A_199 : memref<1x40x128xi32, #tpu.memory_space<hbm>> -> memref<40x128xi32, #tpu.memory_space<hbm>>
      %dma_start3A_201 = arith.constant 0 : i32
      %dma_start3A_202 = arith.constant 0 : i32
      %dma_start3A_203 = tpu.memref_slice %arg8[%dma_start3A_201, %dma_start3A_202] : memref<40x128xi32, #tpu.memory_space<vmem>> -> memref<40x128xi32, #tpu.memory_space<vmem>>
      %dma_start3A_204 = arith.constant 0 : i32
      %dma_start3A_205 = arith.constant 0 : i32
      %dma_start3A_206 = tpu.memref_slice %arg4[%add3A, %dma_start3A_204, %dma_start3A_205] : memref<32x79x128xi32, #tpu.memory_space<hbm>> -> memref<1x40x128xi32, #tpu.memory_space<hbm>>
      %dma_start3A_207 = tpu.memref_squeeze %dma_start3A_206 : memref<1x40x128xi32, #tpu.memory_space<hbm>> -> memref<40x128xi32, #tpu.memory_space<hbm>>
      tpu.enqueue_dma source(%dma_start3A_207 : memref<40x128xi32, #tpu.memory_space<hbm>>) target(%dma_start3A_203 : memref<40x128xi32, #tpu.memory_space<vmem>>) target_semaphore(%run_scoped3A : memref<!tpu.dma_semaphore, #tpu.memory_space<semaphore_mem>>)
      %dma_wait3A_208 = arith.constant 0 : i32
      %dma_wait3A_209 = arith.constant 0 : i32
      %dma_wait3A_210 = tpu.memref_slice %arg8[%dma_wait3A_208, %dma_wait3A_209] : memref<40x128xi32, #tpu.memory_space<vmem>> -> memref<40x128xi32, #tpu.memory_space<vmem>>
      %dma_wait3A_211 = arith.constant 0 : i32
      %dma_wait3A_212 = arith.constant 0 : i32
      %dma_wait3A_213 = tpu.memref_slice %arg4[%add3A, %dma_wait3A_211, %dma_wait3A_212] : memref<32x79x128xi32, #tpu.memory_space<hbm>> -> memref<1x40x128xi32, #tpu.memory_space<hbm>>
      %dma_wait3A_214 = tpu.memref_squeeze %dma_wait3A_213 : memref<1x40x128xi32, #tpu.memory_space<hbm>> -> memref<40x128xi32, #tpu.memory_space<hbm>>
      %dma_wait3A_215 = arith.constant 0 : i32
      %dma_wait3A_216 = arith.constant 0 : i32
      %dma_wait3A_217 = tpu.memref_slice %arg8[%dma_wait3A_215, %dma_wait3A_216] : memref<40x128xi32, #tpu.memory_space<vmem>> -> memref<40x128xi32, #tpu.memory_space<vmem>>
      %dma_wait3A_218 = arith.constant 0 : i32
      %dma_wait3A_219 = arith.constant 0 : i32
      %dma_wait3A_220 = tpu.memref_slice %arg4[%add3A, %dma_wait3A_218, %dma_wait3A_219] : memref<32x79x128xi32, #tpu.memory_space<hbm>> -> memref<1x40x128xi32, #tpu.memory_space<hbm>>
      %dma_wait3A_221 = tpu.memref_squeeze %dma_wait3A_220 : memref<1x40x128xi32, #tpu.memory_space<hbm>> -> memref<40x128xi32, #tpu.memory_space<hbm>>
      tpu.wait_dma2 semaphore(%run_scoped3A : memref<!tpu.dma_semaphore, #tpu.memory_space<semaphore_mem>>) src(%dma_wait3A_221 : memref<40x128xi32, #tpu.memory_space<hbm>>) dst(%dma_wait3A_217 : memref<40x128xi32, #tpu.memory_space<vmem>>)
      tpu.yield
    }) : () -> ()
    %dma_start3A = arith.constant 0 : i32
    %dma_start3A_1 = arith.constant 0 : i32
    %dma_start3A_2 = arith.constant 0 : i32
    %dma_start3A_3 = arith.constant 0 : i32
    %dma_start3A_4 = tpu.memref_slice %arg9[%dma_start3A_1, %dma_start3A_2, %dma_start3A_3] : memref<2x128x128xf32, #tpu.memory_space<vmem>> -> memref<1x128x128xf32, #tpu.memory_space<vmem>>
    %dma_start3A_5 = tpu.memref_squeeze %dma_start3A_4 : memref<1x128x128xf32, #tpu.memory_space<vmem>> -> memref<128x128xf32, #tpu.memory_space<vmem>>
    %dma_start3A_6 = arith.constant 0 : i32
    %dma_start3A_7 = tpu.memref_slice %arg7[%dma_start3A, %dma_start3A_6] : memref<40x128xi32, #tpu.memory_space<vmem>> -> memref<1x128xi32, #tpu.memory_space<vmem>>
    %dma_start3A_8 = tpu.memref_squeeze %dma_start3A_7 : memref<1x128xi32, #tpu.memory_space<vmem>> -> memref<128xi32, #tpu.memory_space<vmem>>
    %dma_start3A_9 = arith.constant 0 : i32
    %dma_start3A_10 = arith.constant 0 : i32
    %dma_start3A_11 = tpu.memref_slice %arg2[%dma_start3A_9, %dma_start3A_10] : memref<10000x128xf32, #tpu.memory_space<hbm>> -> memref<10000x128xf32, #tpu.memory_space<hbm>>
    tpu.enqueue_indirect_dma source(%dma_start3A_11 : memref<10000x128xf32, #tpu.memory_space<hbm>>) target(%dma_start3A_5 : memref<128x128xf32, #tpu.memory_space<vmem>>) offsets(%dma_start3A_8 : memref<128xi32, #tpu.memory_space<vmem>>) semaphore(%arg11 : memref<!tpu.dma_semaphore, #tpu.memory_space<semaphore_mem>>)
    %mul3A_12 = arith.constant 624 : i32
    %mul3A_13 = arith.muli %arg1, %mul3A_12 : i32
    %mul3A_14 = arith.constant 624 : i32
    %mul3A_15 = arith.muli %arg1, %mul3A_14 : i32
    "tpu.region"() ({
      %run_scoped3A = tpu.sem_alloc : memref<!tpu.dma_semaphore, #tpu.memory_space<semaphore_mem>>
      %dma_start3A_194 = arith.constant 0 : i32
      %dma_start3A_195 = tpu.memref_slice %arg10[%mul3A_15, %dma_start3A_194] : memref<10016x128xf32, #tpu.memory_space<vmem_shared>> -> memref<624x128xf32, #tpu.memory_space<vmem_shared>>
      %dma_start3A_196 = arith.constant 0 : i32
      %dma_start3A_197 = tpu.memref_slice %arg5[%mul3A_13, %dma_start3A_196] : memref<10016x128xf32, #tpu.memory_space<hbm>> -> memref<624x128xf32, #tpu.memory_space<hbm>>
      tpu.enqueue_dma source(%dma_start3A_197 : memref<624x128xf32, #tpu.memory_space<hbm>>) target(%dma_start3A_195 : memref<624x128xf32, #tpu.memory_space<vmem_shared>>) target_semaphore(%run_scoped3A : memref<!tpu.dma_semaphore, #tpu.memory_space<semaphore_mem>>)
      %dma_wait3A_198 = arith.constant 0 : i32
      %dma_wait3A_199 = tpu.memref_slice %arg10[%mul3A_15, %dma_wait3A_198] : memref<10016x128xf32, #tpu.memory_space<vmem_shared>> -> memref<624x128xf32, #tpu.memory_space<vmem_shared>>
      %dma_wait3A_200 = arith.constant 0 : i32
      %dma_wait3A_201 = tpu.memref_slice %arg5[%mul3A_13, %dma_wait3A_200] : memref<10016x128xf32, #tpu.memory_space<hbm>> -> memref<624x128xf32, #tpu.memory_space<hbm>>
      tpu.wait_dma2 semaphore(%run_scoped3A : memref<!tpu.dma_semaphore, #tpu.memory_space<semaphore_mem>>) src(%dma_wait3A_201 : memref<624x128xf32, #tpu.memory_space<hbm>>) dst(%dma_wait3A_199 : memref<624x128xf32, #tpu.memory_space<vmem_shared>>)
      tpu.yield
    }) : () -> ()
    %eq3A = arith.constant 15 : i32
    %eq3A_16 = arith.cmpi eq, %arg1, %eq3A : i32
    %convert_element_type3A = arith.extui %eq3A_16 : i1 to i32
    %cond3A = arith.constant 0 : i32
    %cond3A_17 = arith.cmpi ne, %convert_element_type3A, %cond3A : i32
    scf.if %cond3A_17 {
      "tpu.region"() ({
        %run_scoped3A = tpu.sem_alloc : memref<!tpu.dma_semaphore, #tpu.memory_space<semaphore_mem>>
        %dma_start3A_194 = arith.constant 9984 : i32
        %dma_start3A_195 = arith.constant 0 : i32
        %dma_start3A_196 = tpu.memref_slice %arg10[%dma_start3A_194, %dma_start3A_195] : memref<10016x128xf32, #tpu.memory_space<vmem_shared>> -> memref<32x128xf32, #tpu.memory_space<vmem_shared>>
        %dma_start3A_197 = arith.constant 9984 : i32
        %dma_start3A_198 = arith.constant 0 : i32
        %dma_start3A_199 = tpu.memref_slice %arg5[%dma_start3A_197, %dma_start3A_198] : memref<10016x128xf32, #tpu.memory_space<hbm>> -> memref<32x128xf32, #tpu.memory_space<hbm>>
        tpu.enqueue_dma source(%dma_start3A_199 : memref<32x128xf32, #tpu.memory_space<hbm>>) target(%dma_start3A_196 : memref<32x128xf32, #tpu.memory_space<vmem_shared>>) target_semaphore(%run_scoped3A : memref<!tpu.dma_semaphore, #tpu.memory_space<semaphore_mem>>)
        %dma_wait3A_200 = arith.constant 9984 : i32
        %dma_wait3A_201 = arith.constant 0 : i32
        %dma_wait3A_202 = tpu.memref_slice %arg10[%dma_wait3A_200, %dma_wait3A_201] : memref<10016x128xf32, #tpu.memory_space<vmem_shared>> -> memref<32x128xf32, #tpu.memory_space<vmem_shared>>
        %dma_wait3A_203 = arith.constant 9984 : i32
        %dma_wait3A_204 = arith.constant 0 : i32
        %dma_wait3A_205 = tpu.memref_slice %arg5[%dma_wait3A_203, %dma_wait3A_204] : memref<10016x128xf32, #tpu.memory_space<hbm>> -> memref<32x128xf32, #tpu.memory_space<hbm>>
        tpu.wait_dma2 semaphore(%run_scoped3A : memref<!tpu.dma_semaphore, #tpu.memory_space<semaphore_mem>>) src(%dma_wait3A_205 : memref<32x128xf32, #tpu.memory_space<hbm>>) dst(%dma_wait3A_202 : memref<32x128xf32, #tpu.memory_space<vmem_shared>>)
        tpu.yield
      }) : () -> ()
    } else {
    }
    %barrier3A = arith.constant 0 : index
    tpu.barrier barrier_id(%barrier3A)
    %scan3A = arith.constant 0 : i32
    %scan3A_18 = arith.constant 0 : i32
    %scan3A_19 = arith.constant 19 : i32
    %scan3A_20 = arith.addi %scan3A_18, %scan3A_19 : i32
    %scan3A_21 = arith.constant 1 : i32
    scf.for %scan3A_194 = %scan3A_18 to %scan3A_20 step %scan3A_21  : i32 {
      %mul3A_195 = arith.constant 2 : i32
      %mul3A_196 = arith.muli %mul3A_195, %scan3A_194 : i32
      %add3A_197 = arith.constant 1 : i32
      %add3A_198 = arith.addi %mul3A_196, %add3A_197 : i32
      %dma_wait3A_199 = arith.constant 0 : i32
      %dma_wait3A_200 = arith.constant 0 : i32
      %dma_wait3A_201 = arith.constant 0 : i32
      %dma_wait3A_202 = tpu.memref_slice %arg9[%dma_wait3A_199, %dma_wait3A_200, %dma_wait3A_201] : memref<2x128x128xf32, #tpu.memory_space<vmem>> -> memref<1x128x128xf32, #tpu.memory_space<vmem>>
      %dma_wait3A_203 = tpu.memref_squeeze %dma_wait3A_202 : memref<1x128x128xf32, #tpu.memory_space<vmem>> -> memref<128x128xf32, #tpu.memory_space<vmem>>
      %dma_wait3A_204 = arith.constant 0 : i32
      %dma_wait3A_205 = tpu.memref_slice %arg7[%mul3A_196, %dma_wait3A_204] : memref<40x128xi32, #tpu.memory_space<vmem>> -> memref<1x128xi32, #tpu.memory_space<vmem>>
      %dma_wait3A_206 = tpu.memref_squeeze %dma_wait3A_205 : memref<1x128xi32, #tpu.memory_space<vmem>> -> memref<128xi32, #tpu.memory_space<vmem>>
      %dma_wait3A_207 = arith.constant 0 : i32
      %dma_wait3A_208 = arith.constant 0 : i32
      %dma_wait3A_209 = tpu.memref_slice %arg2[%dma_wait3A_207, %dma_wait3A_208] : memref<10000x128xf32, #tpu.memory_space<hbm>> -> memref<10000x128xf32, #tpu.memory_space<hbm>>
      tpu.wait_indirect_dma semaphore(%arg11 : memref<!tpu.dma_semaphore, #tpu.memory_space<semaphore_mem>>) src(%dma_wait3A_209 : memref<10000x128xf32, #tpu.memory_space<hbm>>) dst(%dma_wait3A_203 : memref<128x128xf32, #tpu.memory_space<vmem>>)
      %ge3A = arith.constant 1 : i32
      %ge3A_210 = arith.cmpi sge, %scan3A_194, %ge3A : i32
      %convert_element_type3A_211 = arith.extui %ge3A_210 : i1 to i32
      %cond3A_212 = arith.constant 0 : i32
      %cond3A_213 = arith.cmpi ne, %convert_element_type3A_211, %cond3A_212 : i32
      scf.if %cond3A_213 {
        %sub3A = arith.constant 2 : i32
        %sub3A_282 = arith.subi %add3A_198, %sub3A : i32
        %dma_wait3A_283 = arith.constant 1 : i32
        %dma_wait3A_284 = arith.constant 0 : i32
        %dma_wait3A_285 = arith.constant 0 : i32
        %dma_wait3A_286 = tpu.memref_slice %arg9[%dma_wait3A_283, %dma_wait3A_284, %dma_wait3A_285] : memref<2x128x128xf32, #tpu.memory_space<vmem>> -> memref<1x128x128xf32, #tpu.memory_space<vmem>>
        %dma_wait3A_287 = tpu.memref_squeeze %dma_wait3A_286 : memref<1x128x128xf32, #tpu.memory_space<vmem>> -> memref<128x128xf32, #tpu.memory_space<vmem>>
        %dma_wait3A_288 = arith.constant 0 : i32
        %dma_wait3A_289 = tpu.memref_slice %arg8[%sub3A_282, %dma_wait3A_288] : memref<40x128xi32, #tpu.memory_space<vmem>> -> memref<1x128xi32, #tpu.memory_space<vmem>>
        %dma_wait3A_290 = tpu.memref_squeeze %dma_wait3A_289 : memref<1x128xi32, #tpu.memory_space<vmem>> -> memref<128xi32, #tpu.memory_space<vmem>>
        %dma_wait3A_291 = arith.constant 0 : i32
        %dma_wait3A_292 = arith.constant 0 : i32
        %dma_wait3A_293 = tpu.memref_slice %arg10[%dma_wait3A_291, %dma_wait3A_292] : memref<10016x128xf32, #tpu.memory_space<vmem_shared>> -> memref<10016x128xf32, #tpu.memory_space<vmem_shared>>
        tpu.wait_indirect_dma semaphore(%arg14 : memref<!tpu.dma_semaphore, #tpu.memory_space<semaphore_mem>>) src(%dma_wait3A_287 : memref<128x128xf32, #tpu.memory_space<vmem>>) dst(%dma_wait3A_293 : memref<10016x128xf32, #tpu.memory_space<vmem_shared>>)
      } else {
      }
      %dma_start3A_214 = arith.constant 1 : i32
      %dma_start3A_215 = arith.constant 0 : i32
      %dma_start3A_216 = arith.constant 0 : i32
      %dma_start3A_217 = tpu.memref_slice %arg9[%dma_start3A_214, %dma_start3A_215, %dma_start3A_216] : memref<2x128x128xf32, #tpu.memory_space<vmem>> -> memref<1x128x128xf32, #tpu.memory_space<vmem>>
      %dma_start3A_218 = tpu.memref_squeeze %dma_start3A_217 : memref<1x128x128xf32, #tpu.memory_space<vmem>> -> memref<128x128xf32, #tpu.memory_space<vmem>>
      %dma_start3A_219 = arith.constant 0 : i32
      %dma_start3A_220 = tpu.memref_slice %arg7[%add3A_198, %dma_start3A_219] : memref<40x128xi32, #tpu.memory_space<vmem>> -> memref<1x128xi32, #tpu.memory_space<vmem>>
      %dma_start3A_221 = tpu.memref_squeeze %dma_start3A_220 : memref<1x128xi32, #tpu.memory_space<vmem>> -> memref<128xi32, #tpu.memory_space<vmem>>
      %dma_start3A_222 = arith.constant 0 : i32
      %dma_start3A_223 = arith.constant 0 : i32
      %dma_start3A_224 = tpu.memref_slice %arg2[%dma_start3A_222, %dma_start3A_223] : memref<10000x128xf32, #tpu.memory_space<hbm>> -> memref<10000x128xf32, #tpu.memory_space<hbm>>
      tpu.enqueue_indirect_dma source(%dma_start3A_224 : memref<10000x128xf32, #tpu.memory_space<hbm>>) target(%dma_start3A_218 : memref<128x128xf32, #tpu.memory_space<vmem>>) offsets(%dma_start3A_221 : memref<128xi32, #tpu.memory_space<vmem>>) semaphore(%arg12 : memref<!tpu.dma_semaphore, #tpu.memory_space<semaphore_mem>>)
      %dma_start3A_225 = arith.constant 0 : i32
      %dma_start3A_226 = arith.constant 0 : i32
      %dma_start3A_227 = arith.constant 0 : i32
      %dma_start3A_228 = tpu.memref_slice %arg9[%dma_start3A_225, %dma_start3A_226, %dma_start3A_227] : memref<2x128x128xf32, #tpu.memory_space<vmem>> -> memref<1x128x128xf32, #tpu.memory_space<vmem>>
      %dma_start3A_229 = tpu.memref_squeeze %dma_start3A_228 : memref<1x128x128xf32, #tpu.memory_space<vmem>> -> memref<128x128xf32, #tpu.memory_space<vmem>>
      %dma_start3A_230 = arith.constant 0 : i32
      %dma_start3A_231 = tpu.memref_slice %arg8[%mul3A_196, %dma_start3A_230] : memref<40x128xi32, #tpu.memory_space<vmem>> -> memref<1x128xi32, #tpu.memory_space<vmem>>
      %dma_start3A_232 = tpu.memref_squeeze %dma_start3A_231 : memref<1x128xi32, #tpu.memory_space<vmem>> -> memref<128xi32, #tpu.memory_space<vmem>>
      %dma_start3A_233 = arith.constant 0 : i32
      %dma_start3A_234 = arith.constant 0 : i32
      %dma_start3A_235 = tpu.memref_slice %arg10[%dma_start3A_233, %dma_start3A_234] : memref<10016x128xf32, #tpu.memory_space<vmem_shared>> -> memref<10016x128xf32, #tpu.memory_space<vmem_shared>>
      tpu.enqueue_indirect_dma source(%dma_start3A_229 : memref<128x128xf32, #tpu.memory_space<vmem>>) target(%dma_start3A_235 : memref<10016x128xf32, #tpu.memory_space<vmem_shared>>) offsets(%dma_start3A_232 : memref<128xi32, #tpu.memory_space<vmem>>) semaphore(%arg13 : memref<!tpu.dma_semaphore, #tpu.memory_space<semaphore_mem>>) {add = true}
      %dma_wait3A_236 = arith.constant 1 : i32
      %dma_wait3A_237 = arith.constant 0 : i32
      %dma_wait3A_238 = arith.constant 0 : i32
      %dma_wait3A_239 = tpu.memref_slice %arg9[%dma_wait3A_236, %dma_wait3A_237, %dma_wait3A_238] : memref<2x128x128xf32, #tpu.memory_space<vmem>> -> memref<1x128x128xf32, #tpu.memory_space<vmem>>
      %dma_wait3A_240 = tpu.memref_squeeze %dma_wait3A_239 : memref<1x128x128xf32, #tpu.memory_space<vmem>> -> memref<128x128xf32, #tpu.memory_space<vmem>>
      %dma_wait3A_241 = arith.constant 0 : i32
      %dma_wait3A_242 = tpu.memref_slice %arg7[%add3A_198, %dma_wait3A_241] : memref<40x128xi32, #tpu.memory_space<vmem>> -> memref<1x128xi32, #tpu.memory_space<vmem>>
      %dma_wait3A_243 = tpu.memref_squeeze %dma_wait3A_242 : memref<1x128xi32, #tpu.memory_space<vmem>> -> memref<128xi32, #tpu.memory_space<vmem>>
      %dma_wait3A_244 = arith.constant 0 : i32
      %dma_wait3A_245 = arith.constant 0 : i32
      %dma_wait3A_246 = tpu.memref_slice %arg2[%dma_wait3A_244, %dma_wait3A_245] : memref<10000x128xf32, #tpu.memory_space<hbm>> -> memref<10000x128xf32, #tpu.memory_space<hbm>>
      tpu.wait_indirect_dma semaphore(%arg12 : memref<!tpu.dma_semaphore, #tpu.memory_space<semaphore_mem>>) src(%dma_wait3A_246 : memref<10000x128xf32, #tpu.memory_space<hbm>>) dst(%dma_wait3A_240 : memref<128x128xf32, #tpu.memory_space<vmem>>)
      %dma_wait3A_247 = arith.constant 0 : i32
      %dma_wait3A_248 = arith.constant 0 : i32
      %dma_wait3A_249 = arith.constant 0 : i32
      %dma_wait3A_250 = tpu.memref_slice %arg9[%dma_wait3A_247, %dma_wait3A_248, %dma_wait3A_249] : memref<2x128x128xf32, #tpu.memory_space<vmem>> -> memref<1x128x128xf32, #tpu.memory_space<vmem>>
      %dma_wait3A_251 = tpu.memref_squeeze %dma_wait3A_250 : memref<1x128x128xf32, #tpu.memory_space<vmem>> -> memref<128x128xf32, #tpu.memory_space<vmem>>
      %dma_wait3A_252 = arith.constant 0 : i32
      %dma_wait3A_253 = tpu.memref_slice %arg8[%mul3A_196, %dma_wait3A_252] : memref<40x128xi32, #tpu.memory_space<vmem>> -> memref<1x128xi32, #tpu.memory_space<vmem>>
      %dma_wait3A_254 = tpu.memref_squeeze %dma_wait3A_253 : memref<1x128xi32, #tpu.memory_space<vmem>> -> memref<128xi32, #tpu.memory_space<vmem>>
      %dma_wait3A_255 = arith.constant 0 : i32
      %dma_wait3A_256 = arith.constant 0 : i32
      %dma_wait3A_257 = tpu.memref_slice %arg10[%dma_wait3A_255, %dma_wait3A_256] : memref<10016x128xf32, #tpu.memory_space<vmem_shared>> -> memref<10016x128xf32, #tpu.memory_space<vmem_shared>>
      tpu.wait_indirect_dma semaphore(%arg13 : memref<!tpu.dma_semaphore, #tpu.memory_space<semaphore_mem>>) src(%dma_wait3A_251 : memref<128x128xf32, #tpu.memory_space<vmem>>) dst(%dma_wait3A_257 : memref<10016x128xf32, #tpu.memory_space<vmem_shared>>)
      %add3A_258 = arith.constant 2 : i32
      %add3A_259 = arith.addi %mul3A_196, %add3A_258 : i32
      %dma_start3A_260 = arith.constant 0 : i32
      %dma_start3A_261 = arith.constant 0 : i32
      %dma_start3A_262 = arith.constant 0 : i32
      %dma_start3A_263 = tpu.memref_slice %arg9[%dma_start3A_260, %dma_start3A_261, %dma_start3A_262] : memref<2x128x128xf32, #tpu.memory_space<vmem>> -> memref<1x128x128xf32, #tpu.memory_space<vmem>>
      %dma_start3A_264 = tpu.memref_squeeze %dma_start3A_263 : memref<1x128x128xf32, #tpu.memory_space<vmem>> -> memref<128x128xf32, #tpu.memory_space<vmem>>
      %dma_start3A_265 = arith.constant 0 : i32
      %dma_start3A_266 = tpu.memref_slice %arg7[%add3A_259, %dma_start3A_265] : memref<40x128xi32, #tpu.memory_space<vmem>> -> memref<1x128xi32, #tpu.memory_space<vmem>>
      %dma_start3A_267 = tpu.memref_squeeze %dma_start3A_266 : memref<1x128xi32, #tpu.memory_space<vmem>> -> memref<128xi32, #tpu.memory_space<vmem>>
      %dma_start3A_268 = arith.constant 0 : i32
      %dma_start3A_269 = arith.constant 0 : i32
      %dma_start3A_270 = tpu.memref_slice %arg2[%dma_start3A_268, %dma_start3A_269] : memref<10000x128xf32, #tpu.memory_space<hbm>> -> memref<10000x128xf32, #tpu.memory_space<hbm>>
      tpu.enqueue_indirect_dma source(%dma_start3A_270 : memref<10000x128xf32, #tpu.memory_space<hbm>>) target(%dma_start3A_264 : memref<128x128xf32, #tpu.memory_space<vmem>>) offsets(%dma_start3A_267 : memref<128xi32, #tpu.memory_space<vmem>>) semaphore(%arg11 : memref<!tpu.dma_semaphore, #tpu.memory_space<semaphore_mem>>)
      %dma_start3A_271 = arith.constant 1 : i32
      %dma_start3A_272 = arith.constant 0 : i32
      %dma_start3A_273 = arith.constant 0 : i32
      %dma_start3A_274 = tpu.memref_slice %arg9[%dma_start3A_271, %dma_start3A_272, %dma_start3A_273] : memref<2x128x128xf32, #tpu.memory_space<vmem>> -> memref<1x128x128xf32, #tpu.memory_space<vmem>>
      %dma_start3A_275 = tpu.memref_squeeze %dma_start3A_274 : memref<1x128x128xf32, #tpu.memory_space<vmem>> -> memref<128x128xf32, #tpu.memory_space<vmem>>
      %dma_start3A_276 = arith.constant 0 : i32
      %dma_start3A_277 = tpu.memref_slice %arg8[%add3A_198, %dma_start3A_276] : memref<40x128xi32, #tpu.memory_space<vmem>> -> memref<1x128xi32, #tpu.memory_space<vmem>>
      %dma_start3A_278 = tpu.memref_squeeze %dma_start3A_277 : memref<1x128xi32, #tpu.memory_space<vmem>> -> memref<128xi32, #tpu.memory_space<vmem>>
      %dma_start3A_279 = arith.constant 0 : i32
      %dma_start3A_280 = arith.constant 0 : i32
      %dma_start3A_281 = tpu.memref_slice %arg10[%dma_start3A_279, %dma_start3A_280] : memref<10016x128xf32, #tpu.memory_space<vmem_shared>> -> memref<10016x128xf32, #tpu.memory_space<vmem_shared>>
      tpu.enqueue_indirect_dma source(%dma_start3A_275 : memref<128x128xf32, #tpu.memory_space<vmem>>) target(%dma_start3A_281 : memref<10016x128xf32, #tpu.memory_space<vmem_shared>>) offsets(%dma_start3A_278 : memref<128xi32, #tpu.memory_space<vmem>>) semaphore(%arg14 : memref<!tpu.dma_semaphore, #tpu.memory_space<semaphore_mem>>) {add = true}
    }
    %scan3A_22 = arith.constant 19 : i32
    %dma_wait3A = arith.constant 1 : i32
    %dma_wait3A_23 = arith.constant 37 : i32
    %dma_wait3A_24 = arith.constant 0 : i32
    %dma_wait3A_25 = arith.constant 0 : i32
    %dma_wait3A_26 = tpu.memref_slice %arg9[%dma_wait3A, %dma_wait3A_24, %dma_wait3A_25] : memref<2x128x128xf32, #tpu.memory_space<vmem>> -> memref<1x128x128xf32, #tpu.memory_space<vmem>>
    %dma_wait3A_27 = tpu.memref_squeeze %dma_wait3A_26 : memref<1x128x128xf32, #tpu.memory_space<vmem>> -> memref<128x128xf32, #tpu.memory_space<vmem>>
    %dma_wait3A_28 = arith.constant 0 : i32
    %dma_wait3A_29 = tpu.memref_slice %arg8[%dma_wait3A_23, %dma_wait3A_28] : memref<40x128xi32, #tpu.memory_space<vmem>> -> memref<1x128xi32, #tpu.memory_space<vmem>>
    %dma_wait3A_30 = tpu.memref_squeeze %dma_wait3A_29 : memref<1x128xi32, #tpu.memory_space<vmem>> -> memref<128xi32, #tpu.memory_space<vmem>>
    %dma_wait3A_31 = arith.constant 0 : i32
    %dma_wait3A_32 = arith.constant 0 : i32
    %dma_wait3A_33 = tpu.memref_slice %arg10[%dma_wait3A_31, %dma_wait3A_32] : memref<10016x128xf32, #tpu.memory_space<vmem_shared>> -> memref<10016x128xf32, #tpu.memory_space<vmem_shared>>
    tpu.wait_indirect_dma semaphore(%arg14 : memref<!tpu.dma_semaphore, #tpu.memory_space<semaphore_mem>>) src(%dma_wait3A_27 : memref<128x128xf32, #tpu.memory_space<vmem>>) dst(%dma_wait3A_33 : memref<10016x128xf32, #tpu.memory_space<vmem_shared>>)
    %dma_wait3A_34 = arith.constant 38 : i32
    %dma_wait3A_35 = arith.constant 0 : i32
    %dma_wait3A_36 = arith.constant 0 : i32
    %dma_wait3A_37 = arith.constant 0 : i32
    %dma_wait3A_38 = tpu.memref_slice %arg9[%dma_wait3A_35, %dma_wait3A_36, %dma_wait3A_37] : memref<2x128x128xf32, #tpu.memory_space<vmem>> -> memref<1x128x128xf32, #tpu.memory_space<vmem>>
    %dma_wait3A_39 = tpu.memref_squeeze %dma_wait3A_38 : memref<1x128x128xf32, #tpu.memory_space<vmem>> -> memref<128x128xf32, #tpu.memory_space<vmem>>
    %dma_wait3A_40 = arith.constant 0 : i32
    %dma_wait3A_41 = tpu.memref_slice %arg7[%dma_wait3A_34, %dma_wait3A_40] : memref<40x128xi32, #tpu.memory_space<vmem>> -> memref<1x128xi32, #tpu.memory_space<vmem>>
    %dma_wait3A_42 = tpu.memref_squeeze %dma_wait3A_41 : memref<1x128xi32, #tpu.memory_space<vmem>> -> memref<128xi32, #tpu.memory_space<vmem>>
    %dma_wait3A_43 = arith.constant 0 : i32
    %dma_wait3A_44 = arith.constant 0 : i32
    %dma_wait3A_45 = tpu.memref_slice %arg2[%dma_wait3A_43, %dma_wait3A_44] : memref<10000x128xf32, #tpu.memory_space<hbm>> -> memref<10000x128xf32, #tpu.memory_space<hbm>>
    tpu.wait_indirect_dma semaphore(%arg11 : memref<!tpu.dma_semaphore, #tpu.memory_space<semaphore_mem>>) src(%dma_wait3A_45 : memref<10000x128xf32, #tpu.memory_space<hbm>>) dst(%dma_wait3A_39 : memref<128x128xf32, #tpu.memory_space<vmem>>)
    %dma_start3A_46 = arith.constant 39 : i32
    %dma_start3A_47 = arith.constant 1 : i32
    %dma_start3A_48 = arith.constant 0 : i32
    %dma_start3A_49 = arith.constant 0 : i32
    %dma_start3A_50 = tpu.memref_slice %arg9[%dma_start3A_47, %dma_start3A_48, %dma_start3A_49] : memref<2x128x128xf32, #tpu.memory_space<vmem>> -> memref<1x128x128xf32, #tpu.memory_space<vmem>>
    %dma_start3A_51 = tpu.memref_squeeze %dma_start3A_50 : memref<1x128x128xf32, #tpu.memory_space<vmem>> -> memref<128x128xf32, #tpu.memory_space<vmem>>
    %dma_start3A_52 = arith.constant 0 : i32
    %dma_start3A_53 = tpu.memref_slice %arg7[%dma_start3A_46, %dma_start3A_52] : memref<40x128xi32, #tpu.memory_space<vmem>> -> memref<1x128xi32, #tpu.memory_space<vmem>>
    %dma_start3A_54 = tpu.memref_squeeze %dma_start3A_53 : memref<1x128xi32, #tpu.memory_space<vmem>> -> memref<128xi32, #tpu.memory_space<vmem>>
    %dma_start3A_55 = arith.constant 0 : i32
    %dma_start3A_56 = arith.constant 0 : i32
    %dma_start3A_57 = tpu.memref_slice %arg2[%dma_start3A_55, %dma_start3A_56] : memref<10000x128xf32, #tpu.memory_space<hbm>> -> memref<10000x128xf32, #tpu.memory_space<hbm>>
    tpu.enqueue_indirect_dma source(%dma_start3A_57 : memref<10000x128xf32, #tpu.memory_space<hbm>>) target(%dma_start3A_51 : memref<128x128xf32, #tpu.memory_space<vmem>>) offsets(%dma_start3A_54 : memref<128xi32, #tpu.memory_space<vmem>>) semaphore(%arg12 : memref<!tpu.dma_semaphore, #tpu.memory_space<semaphore_mem>>)
    %dma_start3A_58 = arith.constant 0 : i32
    %dma_start3A_59 = arith.constant 38 : i32
    %dma_start3A_60 = arith.constant 0 : i32
    %dma_start3A_61 = arith.constant 0 : i32
    %dma_start3A_62 = tpu.memref_slice %arg9[%dma_start3A_58, %dma_start3A_60, %dma_start3A_61] : memref<2x128x128xf32, #tpu.memory_space<vmem>> -> memref<1x128x128xf32, #tpu.memory_space<vmem>>
    %dma_start3A_63 = tpu.memref_squeeze %dma_start3A_62 : memref<1x128x128xf32, #tpu.memory_space<vmem>> -> memref<128x128xf32, #tpu.memory_space<vmem>>
    %dma_start3A_64 = arith.constant 0 : i32
    %dma_start3A_65 = tpu.memref_slice %arg8[%dma_start3A_59, %dma_start3A_64] : memref<40x128xi32, #tpu.memory_space<vmem>> -> memref<1x128xi32, #tpu.memory_space<vmem>>
    %dma_start3A_66 = tpu.memref_squeeze %dma_start3A_65 : memref<1x128xi32, #tpu.memory_space<vmem>> -> memref<128xi32, #tpu.memory_space<vmem>>
    %dma_start3A_67 = arith.constant 0 : i32
    %dma_start3A_68 = arith.constant 0 : i32
    %dma_start3A_69 = tpu.memref_slice %arg10[%dma_start3A_67, %dma_start3A_68] : memref<10016x128xf32, #tpu.memory_space<vmem_shared>> -> memref<10016x128xf32, #tpu.memory_space<vmem_shared>>
    tpu.enqueue_indirect_dma source(%dma_start3A_63 : memref<128x128xf32, #tpu.memory_space<vmem>>) target(%dma_start3A_69 : memref<10016x128xf32, #tpu.memory_space<vmem_shared>>) offsets(%dma_start3A_66 : memref<128xi32, #tpu.memory_space<vmem>>) semaphore(%arg13 : memref<!tpu.dma_semaphore, #tpu.memory_space<semaphore_mem>>) {add = true}
    %dma_wait3A_70 = arith.constant 39 : i32
    %dma_wait3A_71 = arith.constant 1 : i32
    %dma_wait3A_72 = arith.constant 0 : i32
    %dma_wait3A_73 = arith.constant 0 : i32
    %dma_wait3A_74 = tpu.memref_slice %arg9[%dma_wait3A_71, %dma_wait3A_72, %dma_wait3A_73] : memref<2x128x128xf32, #tpu.memory_space<vmem>> -> memref<1x128x128xf32, #tpu.memory_space<vmem>>
    %dma_wait3A_75 = tpu.memref_squeeze %dma_wait3A_74 : memref<1x128x128xf32, #tpu.memory_space<vmem>> -> memref<128x128xf32, #tpu.memory_space<vmem>>
    %dma_wait3A_76 = arith.constant 0 : i32
    %dma_wait3A_77 = tpu.memref_slice %arg7[%dma_wait3A_70, %dma_wait3A_76] : memref<40x128xi32, #tpu.memory_space<vmem>> -> memref<1x128xi32, #tpu.memory_space<vmem>>
    %dma_wait3A_78 = tpu.memref_squeeze %dma_wait3A_77 : memref<1x128xi32, #tpu.memory_space<vmem>> -> memref<128xi32, #tpu.memory_space<vmem>>
    %dma_wait3A_79 = arith.constant 0 : i32
    %dma_wait3A_80 = arith.constant 0 : i32
    %dma_wait3A_81 = tpu.memref_slice %arg2[%dma_wait3A_79, %dma_wait3A_80] : memref<10000x128xf32, #tpu.memory_space<hbm>> -> memref<10000x128xf32, #tpu.memory_space<hbm>>
    tpu.wait_indirect_dma semaphore(%arg12 : memref<!tpu.dma_semaphore, #tpu.memory_space<semaphore_mem>>) src(%dma_wait3A_81 : memref<10000x128xf32, #tpu.memory_space<hbm>>) dst(%dma_wait3A_75 : memref<128x128xf32, #tpu.memory_space<vmem>>)
    %dma_wait3A_82 = arith.constant 0 : i32
    %dma_wait3A_83 = arith.constant 38 : i32
    %dma_wait3A_84 = arith.constant 0 : i32
    %dma_wait3A_85 = arith.constant 0 : i32
    %dma_wait3A_86 = tpu.memref_slice %arg9[%dma_wait3A_82, %dma_wait3A_84, %dma_wait3A_85] : memref<2x128x128xf32, #tpu.memory_space<vmem>> -> memref<1x128x128xf32, #tpu.memory_space<vmem>>
    %dma_wait3A_87 = tpu.memref_squeeze %dma_wait3A_86 : memref<1x128x128xf32, #tpu.memory_space<vmem>> -> memref<128x128xf32, #tpu.memory_space<vmem>>
    %dma_wait3A_88 = arith.constant 0 : i32
    %dma_wait3A_89 = tpu.memref_slice %arg8[%dma_wait3A_83, %dma_wait3A_88] : memref<40x128xi32, #tpu.memory_space<vmem>> -> memref<1x128xi32, #tpu.memory_space<vmem>>
    %dma_wait3A_90 = tpu.memref_squeeze %dma_wait3A_89 : memref<1x128xi32, #tpu.memory_space<vmem>> -> memref<128xi32, #tpu.memory_space<vmem>>
    %dma_wait3A_91 = arith.constant 0 : i32
    %dma_wait3A_92 = arith.constant 0 : i32
    %dma_wait3A_93 = tpu.memref_slice %arg10[%dma_wait3A_91, %dma_wait3A_92] : memref<10016x128xf32, #tpu.memory_space<vmem_shared>> -> memref<10016x128xf32, #tpu.memory_space<vmem_shared>>
    tpu.wait_indirect_dma semaphore(%arg13 : memref<!tpu.dma_semaphore, #tpu.memory_space<semaphore_mem>>) src(%dma_wait3A_87 : memref<128x128xf32, #tpu.memory_space<vmem>>) dst(%dma_wait3A_93 : memref<10016x128xf32, #tpu.memory_space<vmem_shared>>)
    %dma_start3A_94 = arith.constant 1 : i32
    %dma_start3A_95 = arith.constant 39 : i32
    %dma_start3A_96 = arith.constant 0 : i32
    %dma_start3A_97 = arith.constant 0 : i32
    %dma_start3A_98 = tpu.memref_slice %arg9[%dma_start3A_94, %dma_start3A_96, %dma_start3A_97] : memref<2x128x128xf32, #tpu.memory_space<vmem>> -> memref<1x128x128xf32, #tpu.memory_space<vmem>>
    %dma_start3A_99 = tpu.memref_squeeze %dma_start3A_98 : memref<1x128x128xf32, #tpu.memory_space<vmem>> -> memref<128x128xf32, #tpu.memory_space<vmem>>
    %dma_start3A_100 = arith.constant 0 : i32
    %dma_start3A_101 = tpu.memref_slice %arg8[%dma_start3A_95, %dma_start3A_100] : memref<40x128xi32, #tpu.memory_space<vmem>> -> memref<1x128xi32, #tpu.memory_space<vmem>>
    %dma_start3A_102 = tpu.memref_squeeze %dma_start3A_101 : memref<1x128xi32, #tpu.memory_space<vmem>> -> memref<128xi32, #tpu.memory_space<vmem>>
    %dma_start3A_103 = arith.constant 0 : i32
    %dma_start3A_104 = arith.constant 0 : i32
    %dma_start3A_105 = tpu.memref_slice %arg10[%dma_start3A_103, %dma_start3A_104] : memref<10016x128xf32, #tpu.memory_space<vmem_shared>> -> memref<10016x128xf32, #tpu.memory_space<vmem_shared>>
    tpu.enqueue_indirect_dma source(%dma_start3A_99 : memref<128x128xf32, #tpu.memory_space<vmem>>) target(%dma_start3A_105 : memref<10016x128xf32, #tpu.memory_space<vmem_shared>>) offsets(%dma_start3A_102 : memref<128xi32, #tpu.memory_space<vmem>>) semaphore(%arg14 : memref<!tpu.dma_semaphore, #tpu.memory_space<semaphore_mem>>) {add = true}
    %dma_wait3A_106 = arith.constant 1 : i32
    %dma_wait3A_107 = arith.constant 39 : i32
    %dma_wait3A_108 = arith.constant 0 : i32
    %dma_wait3A_109 = arith.constant 0 : i32
    %dma_wait3A_110 = tpu.memref_slice %arg9[%dma_wait3A_106, %dma_wait3A_108, %dma_wait3A_109] : memref<2x128x128xf32, #tpu.memory_space<vmem>> -> memref<1x128x128xf32, #tpu.memory_space<vmem>>
    %dma_wait3A_111 = tpu.memref_squeeze %dma_wait3A_110 : memref<1x128x128xf32, #tpu.memory_space<vmem>> -> memref<128x128xf32, #tpu.memory_space<vmem>>
    %dma_wait3A_112 = arith.constant 0 : i32
    %dma_wait3A_113 = tpu.memref_slice %arg8[%dma_wait3A_107, %dma_wait3A_112] : memref<40x128xi32, #tpu.memory_space<vmem>> -> memref<1x128xi32, #tpu.memory_space<vmem>>
    %dma_wait3A_114 = tpu.memref_squeeze %dma_wait3A_113 : memref<1x128xi32, #tpu.memory_space<vmem>> -> memref<128xi32, #tpu.memory_space<vmem>>
    %dma_wait3A_115 = arith.constant 0 : i32
    %dma_wait3A_116 = arith.constant 0 : i32
    %dma_wait3A_117 = tpu.memref_slice %arg10[%dma_wait3A_115, %dma_wait3A_116] : memref<10016x128xf32, #tpu.memory_space<vmem_shared>> -> memref<10016x128xf32, #tpu.memory_space<vmem_shared>>
    tpu.wait_indirect_dma semaphore(%arg14 : memref<!tpu.dma_semaphore, #tpu.memory_space<semaphore_mem>>) src(%dma_wait3A_111 : memref<128x128xf32, #tpu.memory_space<vmem>>) dst(%dma_wait3A_117 : memref<10016x128xf32, #tpu.memory_space<vmem_shared>>)
    "tpu.region"() ({
      %run_scoped3A = tpu.sem_alloc : memref<!tpu.dma_semaphore, #tpu.memory_space<semaphore_mem>>
      %dma_start3A_194 = arith.constant 0 : i32
      %dma_start3A_195 = arith.constant 0 : i32
      %dma_start3A_196 = tpu.memref_slice %arg7[%dma_start3A_194, %dma_start3A_195] : memref<40x128xi32, #tpu.memory_space<vmem>> -> memref<39x128xi32, #tpu.memory_space<vmem>>
      %dma_start3A_197 = arith.constant 40 : i32
      %dma_start3A_198 = arith.constant 0 : i32
      %dma_start3A_199 = tpu.memref_slice %arg3[%add3A, %dma_start3A_197, %dma_start3A_198] : memref<32x79x128xi32, #tpu.memory_space<hbm>> -> memref<1x39x128xi32, #tpu.memory_space<hbm>>
      %dma_start3A_200 = tpu.memref_squeeze %dma_start3A_199 : memref<1x39x128xi32, #tpu.memory_space<hbm>> -> memref<39x128xi32, #tpu.memory_space<hbm>>
      %dma_start3A_201 = arith.constant 0 : i32
      %dma_start3A_202 = arith.constant 0 : i32
      %dma_start3A_203 = tpu.memref_slice %arg7[%dma_start3A_201, %dma_start3A_202] : memref<40x128xi32, #tpu.memory_space<vmem>> -> memref<39x128xi32, #tpu.memory_space<vmem>>
      %dma_start3A_204 = arith.constant 40 : i32
      %dma_start3A_205 = arith.constant 0 : i32
      %dma_start3A_206 = tpu.memref_slice %arg3[%add3A, %dma_start3A_204, %dma_start3A_205] : memref<32x79x128xi32, #tpu.memory_space<hbm>> -> memref<1x39x128xi32, #tpu.memory_space<hbm>>
      %dma_start3A_207 = tpu.memref_squeeze %dma_start3A_206 : memref<1x39x128xi32, #tpu.memory_space<hbm>> -> memref<39x128xi32, #tpu.memory_space<hbm>>
      tpu.enqueue_dma source(%dma_start3A_207 : memref<39x128xi32, #tpu.memory_space<hbm>>) target(%dma_start3A_203 : memref<39x128xi32, #tpu.memory_space<vmem>>) target_semaphore(%run_scoped3A : memref<!tpu.dma_semaphore, #tpu.memory_space<semaphore_mem>>)
      %dma_wait3A_208 = arith.constant 0 : i32
      %dma_wait3A_209 = arith.constant 0 : i32
      %dma_wait3A_210 = tpu.memref_slice %arg7[%dma_wait3A_208, %dma_wait3A_209] : memref<40x128xi32, #tpu.memory_space<vmem>> -> memref<39x128xi32, #tpu.memory_space<vmem>>
      %dma_wait3A_211 = arith.constant 40 : i32
      %dma_wait3A_212 = arith.constant 0 : i32
      %dma_wait3A_213 = tpu.memref_slice %arg3[%add3A, %dma_wait3A_211, %dma_wait3A_212] : memref<32x79x128xi32, #tpu.memory_space<hbm>> -> memref<1x39x128xi32, #tpu.memory_space<hbm>>
      %dma_wait3A_214 = tpu.memref_squeeze %dma_wait3A_213 : memref<1x39x128xi32, #tpu.memory_space<hbm>> -> memref<39x128xi32, #tpu.memory_space<hbm>>
      %dma_wait3A_215 = arith.constant 0 : i32
      %dma_wait3A_216 = arith.constant 0 : i32
      %dma_wait3A_217 = tpu.memref_slice %arg7[%dma_wait3A_215, %dma_wait3A_216] : memref<40x128xi32, #tpu.memory_space<vmem>> -> memref<39x128xi32, #tpu.memory_space<vmem>>
      %dma_wait3A_218 = arith.constant 40 : i32
      %dma_wait3A_219 = arith.constant 0 : i32
      %dma_wait3A_220 = tpu.memref_slice %arg3[%add3A, %dma_wait3A_218, %dma_wait3A_219] : memref<32x79x128xi32, #tpu.memory_space<hbm>> -> memref<1x39x128xi32, #tpu.memory_space<hbm>>
      %dma_wait3A_221 = tpu.memref_squeeze %dma_wait3A_220 : memref<1x39x128xi32, #tpu.memory_space<hbm>> -> memref<39x128xi32, #tpu.memory_space<hbm>>
      tpu.wait_dma2 semaphore(%run_scoped3A : memref<!tpu.dma_semaphore, #tpu.memory_space<semaphore_mem>>) src(%dma_wait3A_221 : memref<39x128xi32, #tpu.memory_space<hbm>>) dst(%dma_wait3A_217 : memref<39x128xi32, #tpu.memory_space<vmem>>)
      tpu.yield
    }) : () -> ()
    "tpu.region"() ({
      %run_scoped3A = tpu.sem_alloc : memref<!tpu.dma_semaphore, #tpu.memory_space<semaphore_mem>>
      %dma_start3A_194 = arith.constant 0 : i32
      %dma_start3A_195 = arith.constant 0 : i32
      %dma_start3A_196 = tpu.memref_slice %arg8[%dma_start3A_194, %dma_start3A_195] : memref<40x128xi32, #tpu.memory_space<vmem>> -> memref<39x128xi32, #tpu.memory_space<vmem>>
      %dma_start3A_197 = arith.constant 40 : i32
      %dma_start3A_198 = arith.constant 0 : i32
      %dma_start3A_199 = tpu.memref_slice %arg4[%add3A, %dma_start3A_197, %dma_start3A_198] : memref<32x79x128xi32, #tpu.memory_space<hbm>> -> memref<1x39x128xi32, #tpu.memory_space<hbm>>
      %dma_start3A_200 = tpu.memref_squeeze %dma_start3A_199 : memref<1x39x128xi32, #tpu.memory_space<hbm>> -> memref<39x128xi32, #tpu.memory_space<hbm>>
      %dma_start3A_201 = arith.constant 0 : i32
      %dma_start3A_202 = arith.constant 0 : i32
      %dma_start3A_203 = tpu.memref_slice %arg8[%dma_start3A_201, %dma_start3A_202] : memref<40x128xi32, #tpu.memory_space<vmem>> -> memref<39x128xi32, #tpu.memory_space<vmem>>
      %dma_start3A_204 = arith.constant 40 : i32
      %dma_start3A_205 = arith.constant 0 : i32
      %dma_start3A_206 = tpu.memref_slice %arg4[%add3A, %dma_start3A_204, %dma_start3A_205] : memref<32x79x128xi32, #tpu.memory_space<hbm>> -> memref<1x39x128xi32, #tpu.memory_space<hbm>>
      %dma_start3A_207 = tpu.memref_squeeze %dma_start3A_206 : memref<1x39x128xi32, #tpu.memory_space<hbm>> -> memref<39x128xi32, #tpu.memory_space<hbm>>
      tpu.enqueue_dma source(%dma_start3A_207 : memref<39x128xi32, #tpu.memory_space<hbm>>) target(%dma_start3A_203 : memref<39x128xi32, #tpu.memory_space<vmem>>) target_semaphore(%run_scoped3A : memref<!tpu.dma_semaphore, #tpu.memory_space<semaphore_mem>>)
      %dma_wait3A_208 = arith.constant 0 : i32
      %dma_wait3A_209 = arith.constant 0 : i32
      %dma_wait3A_210 = tpu.memref_slice %arg8[%dma_wait3A_208, %dma_wait3A_209] : memref<40x128xi32, #tpu.memory_space<vmem>> -> memref<39x128xi32, #tpu.memory_space<vmem>>
      %dma_wait3A_211 = arith.constant 40 : i32
      %dma_wait3A_212 = arith.constant 0 : i32
      %dma_wait3A_213 = tpu.memref_slice %arg4[%add3A, %dma_wait3A_211, %dma_wait3A_212] : memref<32x79x128xi32, #tpu.memory_space<hbm>> -> memref<1x39x128xi32, #tpu.memory_space<hbm>>
      %dma_wait3A_214 = tpu.memref_squeeze %dma_wait3A_213 : memref<1x39x128xi32, #tpu.memory_space<hbm>> -> memref<39x128xi32, #tpu.memory_space<hbm>>
      %dma_wait3A_215 = arith.constant 0 : i32
      %dma_wait3A_216 = arith.constant 0 : i32
      %dma_wait3A_217 = tpu.memref_slice %arg8[%dma_wait3A_215, %dma_wait3A_216] : memref<40x128xi32, #tpu.memory_space<vmem>> -> memref<39x128xi32, #tpu.memory_space<vmem>>
      %dma_wait3A_218 = arith.constant 40 : i32
      %dma_wait3A_219 = arith.constant 0 : i32
      %dma_wait3A_220 = tpu.memref_slice %arg4[%add3A, %dma_wait3A_218, %dma_wait3A_219] : memref<32x79x128xi32, #tpu.memory_space<hbm>> -> memref<1x39x128xi32, #tpu.memory_space<hbm>>
      %dma_wait3A_221 = tpu.memref_squeeze %dma_wait3A_220 : memref<1x39x128xi32, #tpu.memory_space<hbm>> -> memref<39x128xi32, #tpu.memory_space<hbm>>
      tpu.wait_dma2 semaphore(%run_scoped3A : memref<!tpu.dma_semaphore, #tpu.memory_space<semaphore_mem>>) src(%dma_wait3A_221 : memref<39x128xi32, #tpu.memory_space<hbm>>) dst(%dma_wait3A_217 : memref<39x128xi32, #tpu.memory_space<vmem>>)
      tpu.yield
    }) : () -> ()
    %dma_start3A_118 = arith.constant 0 : i32
    %dma_start3A_119 = arith.constant 0 : i32
    %dma_start3A_120 = arith.constant 0 : i32
    %dma_start3A_121 = arith.constant 0 : i32
    %dma_start3A_122 = tpu.memref_slice %arg9[%dma_start3A_119, %dma_start3A_120, %dma_start3A_121] : memref<2x128x128xf32, #tpu.memory_space<vmem>> -> memref<1x128x128xf32, #tpu.memory_space<vmem>>
    %dma_start3A_123 = tpu.memref_squeeze %dma_start3A_122 : memref<1x128x128xf32, #tpu.memory_space<vmem>> -> memref<128x128xf32, #tpu.memory_space<vmem>>
    %dma_start3A_124 = arith.constant 0 : i32
    %dma_start3A_125 = tpu.memref_slice %arg7[%dma_start3A_118, %dma_start3A_124] : memref<40x128xi32, #tpu.memory_space<vmem>> -> memref<1x128xi32, #tpu.memory_space<vmem>>
    %dma_start3A_126 = tpu.memref_squeeze %dma_start3A_125 : memref<1x128xi32, #tpu.memory_space<vmem>> -> memref<128xi32, #tpu.memory_space<vmem>>
    %dma_start3A_127 = arith.constant 0 : i32
    %dma_start3A_128 = arith.constant 0 : i32
    %dma_start3A_129 = tpu.memref_slice %arg2[%dma_start3A_127, %dma_start3A_128] : memref<10000x128xf32, #tpu.memory_space<hbm>> -> memref<10000x128xf32, #tpu.memory_space<hbm>>
    tpu.enqueue_indirect_dma source(%dma_start3A_129 : memref<10000x128xf32, #tpu.memory_space<hbm>>) target(%dma_start3A_123 : memref<128x128xf32, #tpu.memory_space<vmem>>) offsets(%dma_start3A_126 : memref<128xi32, #tpu.memory_space<vmem>>) semaphore(%arg11 : memref<!tpu.dma_semaphore, #tpu.memory_space<semaphore_mem>>)
    %scan3A_130 = arith.constant 0 : i32
    %scan3A_131 = arith.constant 0 : i32
    %scan3A_132 = arith.constant 19 : i32
    %scan3A_133 = arith.addi %scan3A_131, %scan3A_132 : i32
    %scan3A_134 = arith.constant 1 : i32
    scf.for %scan3A_194 = %scan3A_131 to %scan3A_133 step %scan3A_134  : i32 {
      %mul3A_195 = arith.constant 2 : i32
      %mul3A_196 = arith.muli %mul3A_195, %scan3A_194 : i32
      %add3A_197 = arith.constant 1 : i32
      %add3A_198 = arith.addi %mul3A_196, %add3A_197 : i32
      %dma_wait3A_199 = arith.constant 0 : i32
      %dma_wait3A_200 = arith.constant 0 : i32
      %dma_wait3A_201 = arith.constant 0 : i32
      %dma_wait3A_202 = tpu.memref_slice %arg9[%dma_wait3A_199, %dma_wait3A_200, %dma_wait3A_201] : memref<2x128x128xf32, #tpu.memory_space<vmem>> -> memref<1x128x128xf32, #tpu.memory_space<vmem>>
      %dma_wait3A_203 = tpu.memref_squeeze %dma_wait3A_202 : memref<1x128x128xf32, #tpu.memory_space<vmem>> -> memref<128x128xf32, #tpu.memory_space<vmem>>
      %dma_wait3A_204 = arith.constant 0 : i32
      %dma_wait3A_205 = tpu.memref_slice %arg7[%mul3A_196, %dma_wait3A_204] : memref<40x128xi32, #tpu.memory_space<vmem>> -> memref<1x128xi32, #tpu.memory_space<vmem>>
      %dma_wait3A_206 = tpu.memref_squeeze %dma_wait3A_205 : memref<1x128xi32, #tpu.memory_space<vmem>> -> memref<128xi32, #tpu.memory_space<vmem>>
      %dma_wait3A_207 = arith.constant 0 : i32
      %dma_wait3A_208 = arith.constant 0 : i32
      %dma_wait3A_209 = tpu.memref_slice %arg2[%dma_wait3A_207, %dma_wait3A_208] : memref<10000x128xf32, #tpu.memory_space<hbm>> -> memref<10000x128xf32, #tpu.memory_space<hbm>>
      tpu.wait_indirect_dma semaphore(%arg11 : memref<!tpu.dma_semaphore, #tpu.memory_space<semaphore_mem>>) src(%dma_wait3A_209 : memref<10000x128xf32, #tpu.memory_space<hbm>>) dst(%dma_wait3A_203 : memref<128x128xf32, #tpu.memory_space<vmem>>)
      %ge3A = arith.constant 1 : i32
      %ge3A_210 = arith.cmpi sge, %scan3A_194, %ge3A : i32
      %convert_element_type3A_211 = arith.extui %ge3A_210 : i1 to i32
      %cond3A_212 = arith.constant 0 : i32
      %cond3A_213 = arith.cmpi ne, %convert_element_type3A_211, %cond3A_212 : i32
      scf.if %cond3A_213 {
        %sub3A = arith.constant 2 : i32
        %sub3A_282 = arith.subi %add3A_198, %sub3A : i32
        %dma_wait3A_283 = arith.constant 1 : i32
        %dma_wait3A_284 = arith.constant 0 : i32
        %dma_wait3A_285 = arith.constant 0 : i32
        %dma_wait3A_286 = tpu.memref_slice %arg9[%dma_wait3A_283, %dma_wait3A_284, %dma_wait3A_285] : memref<2x128x128xf32, #tpu.memory_space<vmem>> -> memref<1x128x128xf32, #tpu.memory_space<vmem>>
        %dma_wait3A_287 = tpu.memref_squeeze %dma_wait3A_286 : memref<1x128x128xf32, #tpu.memory_space<vmem>> -> memref<128x128xf32, #tpu.memory_space<vmem>>
        %dma_wait3A_288 = arith.constant 0 : i32
        %dma_wait3A_289 = tpu.memref_slice %arg8[%sub3A_282, %dma_wait3A_288] : memref<40x128xi32, #tpu.memory_space<vmem>> -> memref<1x128xi32, #tpu.memory_space<vmem>>
        %dma_wait3A_290 = tpu.memref_squeeze %dma_wait3A_289 : memref<1x128xi32, #tpu.memory_space<vmem>> -> memref<128xi32, #tpu.memory_space<vmem>>
        %dma_wait3A_291 = arith.constant 0 : i32
        %dma_wait3A_292 = arith.constant 0 : i32
        %dma_wait3A_293 = tpu.memref_slice %arg10[%dma_wait3A_291, %dma_wait3A_292] : memref<10016x128xf32, #tpu.memory_space<vmem_shared>> -> memref<10016x128xf32, #tpu.memory_space<vmem_shared>>
        tpu.wait_indirect_dma semaphore(%arg14 : memref<!tpu.dma_semaphore, #tpu.memory_space<semaphore_mem>>) src(%dma_wait3A_287 : memref<128x128xf32, #tpu.memory_space<vmem>>) dst(%dma_wait3A_293 : memref<10016x128xf32, #tpu.memory_space<vmem_shared>>)
      } else {
      }
      %dma_start3A_214 = arith.constant 1 : i32
      %dma_start3A_215 = arith.constant 0 : i32
      %dma_start3A_216 = arith.constant 0 : i32
      %dma_start3A_217 = tpu.memref_slice %arg9[%dma_start3A_214, %dma_start3A_215, %dma_start3A_216] : memref<2x128x128xf32, #tpu.memory_space<vmem>> -> memref<1x128x128xf32, #tpu.memory_space<vmem>>
      %dma_start3A_218 = tpu.memref_squeeze %dma_start3A_217 : memref<1x128x128xf32, #tpu.memory_space<vmem>> -> memref<128x128xf32, #tpu.memory_space<vmem>>
      %dma_start3A_219 = arith.constant 0 : i32
      %dma_start3A_220 = tpu.memref_slice %arg7[%add3A_198, %dma_start3A_219] : memref<40x128xi32, #tpu.memory_space<vmem>> -> memref<1x128xi32, #tpu.memory_space<vmem>>
      %dma_start3A_221 = tpu.memref_squeeze %dma_start3A_220 : memref<1x128xi32, #tpu.memory_space<vmem>> -> memref<128xi32, #tpu.memory_space<vmem>>
      %dma_start3A_222 = arith.constant 0 : i32
      %dma_start3A_223 = arith.constant 0 : i32
      %dma_start3A_224 = tpu.memref_slice %arg2[%dma_start3A_222, %dma_start3A_223] : memref<10000x128xf32, #tpu.memory_space<hbm>> -> memref<10000x128xf32, #tpu.memory_space<hbm>>
      tpu.enqueue_indirect_dma source(%dma_start3A_224 : memref<10000x128xf32, #tpu.memory_space<hbm>>) target(%dma_start3A_218 : memref<128x128xf32, #tpu.memory_space<vmem>>) offsets(%dma_start3A_221 : memref<128xi32, #tpu.memory_space<vmem>>) semaphore(%arg12 : memref<!tpu.dma_semaphore, #tpu.memory_space<semaphore_mem>>)
      %dma_start3A_225 = arith.constant 0 : i32
      %dma_start3A_226 = arith.constant 0 : i32
      %dma_start3A_227 = arith.constant 0 : i32
      %dma_start3A_228 = tpu.memref_slice %arg9[%dma_start3A_225, %dma_start3A_226, %dma_start3A_227] : memref<2x128x128xf32, #tpu.memory_space<vmem>> -> memref<1x128x128xf32, #tpu.memory_space<vmem>>
      %dma_start3A_229 = tpu.memref_squeeze %dma_start3A_228 : memref<1x128x128xf32, #tpu.memory_space<vmem>> -> memref<128x128xf32, #tpu.memory_space<vmem>>
      %dma_start3A_230 = arith.constant 0 : i32
      %dma_start3A_231 = tpu.memref_slice %arg8[%mul3A_196, %dma_start3A_230] : memref<40x128xi32, #tpu.memory_space<vmem>> -> memref<1x128xi32, #tpu.memory_space<vmem>>
      %dma_start3A_232 = tpu.memref_squeeze %dma_start3A_231 : memref<1x128xi32, #tpu.memory_space<vmem>> -> memref<128xi32, #tpu.memory_space<vmem>>
      %dma_start3A_233 = arith.constant 0 : i32
      %dma_start3A_234 = arith.constant 0 : i32
      %dma_start3A_235 = tpu.memref_slice %arg10[%dma_start3A_233, %dma_start3A_234] : memref<10016x128xf32, #tpu.memory_space<vmem_shared>> -> memref<10016x128xf32, #tpu.memory_space<vmem_shared>>
      tpu.enqueue_indirect_dma source(%dma_start3A_229 : memref<128x128xf32, #tpu.memory_space<vmem>>) target(%dma_start3A_235 : memref<10016x128xf32, #tpu.memory_space<vmem_shared>>) offsets(%dma_start3A_232 : memref<128xi32, #tpu.memory_space<vmem>>) semaphore(%arg13 : memref<!tpu.dma_semaphore, #tpu.memory_space<semaphore_mem>>) {add = true}
      %dma_wait3A_236 = arith.constant 1 : i32
      %dma_wait3A_237 = arith.constant 0 : i32
      %dma_wait3A_238 = arith.constant 0 : i32
      %dma_wait3A_239 = tpu.memref_slice %arg9[%dma_wait3A_236, %dma_wait3A_237, %dma_wait3A_238] : memref<2x128x128xf32, #tpu.memory_space<vmem>> -> memref<1x128x128xf32, #tpu.memory_space<vmem>>
      %dma_wait3A_240 = tpu.memref_squeeze %dma_wait3A_239 : memref<1x128x128xf32, #tpu.memory_space<vmem>> -> memref<128x128xf32, #tpu.memory_space<vmem>>
      %dma_wait3A_241 = arith.constant 0 : i32
      %dma_wait3A_242 = tpu.memref_slice %arg7[%add3A_198, %dma_wait3A_241] : memref<40x128xi32, #tpu.memory_space<vmem>> -> memref<1x128xi32, #tpu.memory_space<vmem>>
      %dma_wait3A_243 = tpu.memref_squeeze %dma_wait3A_242 : memref<1x128xi32, #tpu.memory_space<vmem>> -> memref<128xi32, #tpu.memory_space<vmem>>
      %dma_wait3A_244 = arith.constant 0 : i32
      %dma_wait3A_245 = arith.constant 0 : i32
      %dma_wait3A_246 = tpu.memref_slice %arg2[%dma_wait3A_244, %dma_wait3A_245] : memref<10000x128xf32, #tpu.memory_space<hbm>> -> memref<10000x128xf32, #tpu.memory_space<hbm>>
      tpu.wait_indirect_dma semaphore(%arg12 : memref<!tpu.dma_semaphore, #tpu.memory_space<semaphore_mem>>) src(%dma_wait3A_246 : memref<10000x128xf32, #tpu.memory_space<hbm>>) dst(%dma_wait3A_240 : memref<128x128xf32, #tpu.memory_space<vmem>>)
      %dma_wait3A_247 = arith.constant 0 : i32
      %dma_wait3A_248 = arith.constant 0 : i32
      %dma_wait3A_249 = arith.constant 0 : i32
      %dma_wait3A_250 = tpu.memref_slice %arg9[%dma_wait3A_247, %dma_wait3A_248, %dma_wait3A_249] : memref<2x128x128xf32, #tpu.memory_space<vmem>> -> memref<1x128x128xf32, #tpu.memory_space<vmem>>
      %dma_wait3A_251 = tpu.memref_squeeze %dma_wait3A_250 : memref<1x128x128xf32, #tpu.memory_space<vmem>> -> memref<128x128xf32, #tpu.memory_space<vmem>>
      %dma_wait3A_252 = arith.constant 0 : i32
      %dma_wait3A_253 = tpu.memref_slice %arg8[%mul3A_196, %dma_wait3A_252] : memref<40x128xi32, #tpu.memory_space<vmem>> -> memref<1x128xi32, #tpu.memory_space<vmem>>
      %dma_wait3A_254 = tpu.memref_squeeze %dma_wait3A_253 : memref<1x128xi32, #tpu.memory_space<vmem>> -> memref<128xi32, #tpu.memory_space<vmem>>
      %dma_wait3A_255 = arith.constant 0 : i32
      %dma_wait3A_256 = arith.constant 0 : i32
      %dma_wait3A_257 = tpu.memref_slice %arg10[%dma_wait3A_255, %dma_wait3A_256] : memref<10016x128xf32, #tpu.memory_space<vmem_shared>> -> memref<10016x128xf32, #tpu.memory_space<vmem_shared>>
      tpu.wait_indirect_dma semaphore(%arg13 : memref<!tpu.dma_semaphore, #tpu.memory_space<semaphore_mem>>) src(%dma_wait3A_251 : memref<128x128xf32, #tpu.memory_space<vmem>>) dst(%dma_wait3A_257 : memref<10016x128xf32, #tpu.memory_space<vmem_shared>>)
      %add3A_258 = arith.constant 2 : i32
      %add3A_259 = arith.addi %mul3A_196, %add3A_258 : i32
      %dma_start3A_260 = arith.constant 0 : i32
      %dma_start3A_261 = arith.constant 0 : i32
      %dma_start3A_262 = arith.constant 0 : i32
      %dma_start3A_263 = tpu.memref_slice %arg9[%dma_start3A_260, %dma_start3A_261, %dma_start3A_262] : memref<2x128x128xf32, #tpu.memory_space<vmem>> -> memref<1x128x128xf32, #tpu.memory_space<vmem>>
      %dma_start3A_264 = tpu.memref_squeeze %dma_start3A_263 : memref<1x128x128xf32, #tpu.memory_space<vmem>> -> memref<128x128xf32, #tpu.memory_space<vmem>>
      %dma_start3A_265 = arith.constant 0 : i32
      %dma_start3A_266 = tpu.memref_slice %arg7[%add3A_259, %dma_start3A_265] : memref<40x128xi32, #tpu.memory_space<vmem>> -> memref<1x128xi32, #tpu.memory_space<vmem>>
      %dma_start3A_267 = tpu.memref_squeeze %dma_start3A_266 : memref<1x128xi32, #tpu.memory_space<vmem>> -> memref<128xi32, #tpu.memory_space<vmem>>
      %dma_start3A_268 = arith.constant 0 : i32
      %dma_start3A_269 = arith.constant 0 : i32
      %dma_start3A_270 = tpu.memref_slice %arg2[%dma_start3A_268, %dma_start3A_269] : memref<10000x128xf32, #tpu.memory_space<hbm>> -> memref<10000x128xf32, #tpu.memory_space<hbm>>
      tpu.enqueue_indirect_dma source(%dma_start3A_270 : memref<10000x128xf32, #tpu.memory_space<hbm>>) target(%dma_start3A_264 : memref<128x128xf32, #tpu.memory_space<vmem>>) offsets(%dma_start3A_267 : memref<128xi32, #tpu.memory_space<vmem>>) semaphore(%arg11 : memref<!tpu.dma_semaphore, #tpu.memory_space<semaphore_mem>>)
      %dma_start3A_271 = arith.constant 1 : i32
      %dma_start3A_272 = arith.constant 0 : i32
      %dma_start3A_273 = arith.constant 0 : i32
      %dma_start3A_274 = tpu.memref_slice %arg9[%dma_start3A_271, %dma_start3A_272, %dma_start3A_273] : memref<2x128x128xf32, #tpu.memory_space<vmem>> -> memref<1x128x128xf32, #tpu.memory_space<vmem>>
      %dma_start3A_275 = tpu.memref_squeeze %dma_start3A_274 : memref<1x128x128xf32, #tpu.memory_space<vmem>> -> memref<128x128xf32, #tpu.memory_space<vmem>>
      %dma_start3A_276 = arith.constant 0 : i32
      %dma_start3A_277 = tpu.memref_slice %arg8[%add3A_198, %dma_start3A_276] : memref<40x128xi32, #tpu.memory_space<vmem>> -> memref<1x128xi32, #tpu.memory_space<vmem>>
      %dma_start3A_278 = tpu.memref_squeeze %dma_start3A_277 : memref<1x128xi32, #tpu.memory_space<vmem>> -> memref<128xi32, #tpu.memory_space<vmem>>
      %dma_start3A_279 = arith.constant 0 : i32
      %dma_start3A_280 = arith.constant 0 : i32
      %dma_start3A_281 = tpu.memref_slice %arg10[%dma_start3A_279, %dma_start3A_280] : memref<10016x128xf32, #tpu.memory_space<vmem_shared>> -> memref<10016x128xf32, #tpu.memory_space<vmem_shared>>
      tpu.enqueue_indirect_dma source(%dma_start3A_275 : memref<128x128xf32, #tpu.memory_space<vmem>>) target(%dma_start3A_281 : memref<10016x128xf32, #tpu.memory_space<vmem_shared>>) offsets(%dma_start3A_278 : memref<128xi32, #tpu.memory_space<vmem>>) semaphore(%arg14 : memref<!tpu.dma_semaphore, #tpu.memory_space<semaphore_mem>>) {add = true}
    }
    %scan3A_135 = arith.constant 19 : i32
    %dma_wait3A_136 = arith.constant 1 : i32
    %dma_wait3A_137 = arith.constant 37 : i32
    %dma_wait3A_138 = arith.constant 0 : i32
    %dma_wait3A_139 = arith.constant 0 : i32
    %dma_wait3A_140 = tpu.memref_slice %arg9[%dma_wait3A_136, %dma_wait3A_138, %dma_wait3A_139] : memref<2x128x128xf32, #tpu.memory_space<vmem>> -> memref<1x128x128xf32, #tpu.memory_space<vmem>>
    %dma_wait3A_141 = tpu.memref_squeeze %dma_wait3A_140 : memref<1x128x128xf32, #tpu.memory_space<vmem>> -> memref<128x128xf32, #tpu.memory_space<vmem>>
    %dma_wait3A_142 = arith.constant 0 : i32
    %dma_wait3A_143 = tpu.memref_slice %arg8[%dma_wait3A_137, %dma_wait3A_142] : memref<40x128xi32, #tpu.memory_space<vmem>> -> memref<1x128xi32, #tpu.memory_space<vmem>>
    %dma_wait3A_144 = tpu.memref_squeeze %dma_wait3A_143 : memref<1x128xi32, #tpu.memory_space<vmem>> -> memref<128xi32, #tpu.memory_space<vmem>>
    %dma_wait3A_145 = arith.constant 0 : i32
    %dma_wait3A_146 = arith.constant 0 : i32
    %dma_wait3A_147 = tpu.memref_slice %arg10[%dma_wait3A_145, %dma_wait3A_146] : memref<10016x128xf32, #tpu.memory_space<vmem_shared>> -> memref<10016x128xf32, #tpu.memory_space<vmem_shared>>
    tpu.wait_indirect_dma semaphore(%arg14 : memref<!tpu.dma_semaphore, #tpu.memory_space<semaphore_mem>>) src(%dma_wait3A_141 : memref<128x128xf32, #tpu.memory_space<vmem>>) dst(%dma_wait3A_147 : memref<10016x128xf32, #tpu.memory_space<vmem_shared>>)
    %dma_wait3A_148 = arith.constant 38 : i32
    %dma_wait3A_149 = arith.constant 0 : i32
    %dma_wait3A_150 = arith.constant 0 : i32
    %dma_wait3A_151 = arith.constant 0 : i32
    %dma_wait3A_152 = tpu.memref_slice %arg9[%dma_wait3A_149, %dma_wait3A_150, %dma_wait3A_151] : memref<2x128x128xf32, #tpu.memory_space<vmem>> -> memref<1x128x128xf32, #tpu.memory_space<vmem>>
    %dma_wait3A_153 = tpu.memref_squeeze %dma_wait3A_152 : memref<1x128x128xf32, #tpu.memory_space<vmem>> -> memref<128x128xf32, #tpu.memory_space<vmem>>
    %dma_wait3A_154 = arith.constant 0 : i32
    %dma_wait3A_155 = tpu.memref_slice %arg7[%dma_wait3A_148, %dma_wait3A_154] : memref<40x128xi32, #tpu.memory_space<vmem>> -> memref<1x128xi32, #tpu.memory_space<vmem>>
    %dma_wait3A_156 = tpu.memref_squeeze %dma_wait3A_155 : memref<1x128xi32, #tpu.memory_space<vmem>> -> memref<128xi32, #tpu.memory_space<vmem>>
    %dma_wait3A_157 = arith.constant 0 : i32
    %dma_wait3A_158 = arith.constant 0 : i32
    %dma_wait3A_159 = tpu.memref_slice %arg2[%dma_wait3A_157, %dma_wait3A_158] : memref<10000x128xf32, #tpu.memory_space<hbm>> -> memref<10000x128xf32, #tpu.memory_space<hbm>>
    tpu.wait_indirect_dma semaphore(%arg11 : memref<!tpu.dma_semaphore, #tpu.memory_space<semaphore_mem>>) src(%dma_wait3A_159 : memref<10000x128xf32, #tpu.memory_space<hbm>>) dst(%dma_wait3A_153 : memref<128x128xf32, #tpu.memory_space<vmem>>)
    %dma_start3A_160 = arith.constant 0 : i32
    %dma_start3A_161 = arith.constant 38 : i32
    %dma_start3A_162 = arith.constant 0 : i32
    %dma_start3A_163 = arith.constant 0 : i32
    %dma_start3A_164 = tpu.memref_slice %arg9[%dma_start3A_160, %dma_start3A_162, %dma_start3A_163] : memref<2x128x128xf32, #tpu.memory_space<vmem>> -> memref<1x128x128xf32, #tpu.memory_space<vmem>>
    %dma_start3A_165 = tpu.memref_squeeze %dma_start3A_164 : memref<1x128x128xf32, #tpu.memory_space<vmem>> -> memref<128x128xf32, #tpu.memory_space<vmem>>
    %dma_start3A_166 = arith.constant 0 : i32
    %dma_start3A_167 = tpu.memref_slice %arg8[%dma_start3A_161, %dma_start3A_166] : memref<40x128xi32, #tpu.memory_space<vmem>> -> memref<1x128xi32, #tpu.memory_space<vmem>>
    %dma_start3A_168 = tpu.memref_squeeze %dma_start3A_167 : memref<1x128xi32, #tpu.memory_space<vmem>> -> memref<128xi32, #tpu.memory_space<vmem>>
    %dma_start3A_169 = arith.constant 0 : i32
    %dma_start3A_170 = arith.constant 0 : i32
    %dma_start3A_171 = tpu.memref_slice %arg10[%dma_start3A_169, %dma_start3A_170] : memref<10016x128xf32, #tpu.memory_space<vmem_shared>> -> memref<10016x128xf32, #tpu.memory_space<vmem_shared>>
    tpu.enqueue_indirect_dma source(%dma_start3A_165 : memref<128x128xf32, #tpu.memory_space<vmem>>) target(%dma_start3A_171 : memref<10016x128xf32, #tpu.memory_space<vmem_shared>>) offsets(%dma_start3A_168 : memref<128xi32, #tpu.memory_space<vmem>>) semaphore(%arg13 : memref<!tpu.dma_semaphore, #tpu.memory_space<semaphore_mem>>) {add = true}
    %dma_wait3A_172 = arith.constant 0 : i32
    %dma_wait3A_173 = arith.constant 38 : i32
    %dma_wait3A_174 = arith.constant 0 : i32
    %dma_wait3A_175 = arith.constant 0 : i32
    %dma_wait3A_176 = tpu.memref_slice %arg9[%dma_wait3A_172, %dma_wait3A_174, %dma_wait3A_175] : memref<2x128x128xf32, #tpu.memory_space<vmem>> -> memref<1x128x128xf32, #tpu.memory_space<vmem>>
    %dma_wait3A_177 = tpu.memref_squeeze %dma_wait3A_176 : memref<1x128x128xf32, #tpu.memory_space<vmem>> -> memref<128x128xf32, #tpu.memory_space<vmem>>
    %dma_wait3A_178 = arith.constant 0 : i32
    %dma_wait3A_179 = tpu.memref_slice %arg8[%dma_wait3A_173, %dma_wait3A_178] : memref<40x128xi32, #tpu.memory_space<vmem>> -> memref<1x128xi32, #tpu.memory_space<vmem>>
    %dma_wait3A_180 = tpu.memref_squeeze %dma_wait3A_179 : memref<1x128xi32, #tpu.memory_space<vmem>> -> memref<128xi32, #tpu.memory_space<vmem>>
    %dma_wait3A_181 = arith.constant 0 : i32
    %dma_wait3A_182 = arith.constant 0 : i32
    %dma_wait3A_183 = tpu.memref_slice %arg10[%dma_wait3A_181, %dma_wait3A_182] : memref<10016x128xf32, #tpu.memory_space<vmem_shared>> -> memref<10016x128xf32, #tpu.memory_space<vmem_shared>>
    tpu.wait_indirect_dma semaphore(%arg13 : memref<!tpu.dma_semaphore, #tpu.memory_space<semaphore_mem>>) src(%dma_wait3A_177 : memref<128x128xf32, #tpu.memory_space<vmem>>) dst(%dma_wait3A_183 : memref<10016x128xf32, #tpu.memory_space<vmem_shared>>)
    %barrier3A_184 = arith.constant 0 : index
    tpu.barrier barrier_id(%barrier3A_184)
    %mul3A_185 = arith.constant 624 : i32
    %mul3A_186 = arith.muli %arg1, %mul3A_185 : i32
    %mul3A_187 = arith.constant 624 : i32
    %mul3A_188 = arith.muli %arg1, %mul3A_187 : i32
    "tpu.region"() ({
      %run_scoped3A = tpu.sem_alloc : memref<!tpu.dma_semaphore, #tpu.memory_space<semaphore_mem>>
      %dma_start3A_194 = arith.constant 0 : i32
      %dma_start3A_195 = arith.constant 0 : i32
      %dma_start3A_196 = tpu.memref_slice %arg6[%arg0, %dma_start3A_194, %dma_start3A_195] : memref<2x10016x128xf32, #tpu.memory_space<hbm>> -> memref<1x10016x128xf32, #tpu.memory_space<hbm>>
      %dma_start3A_197 = tpu.memref_squeeze %dma_start3A_196 : memref<1x10016x128xf32, #tpu.memory_space<hbm>> -> memref<10016x128xf32, #tpu.memory_space<hbm>>
      %dma_start3A_198 = arith.constant 0 : i32
      %dma_start3A_199 = tpu.memref_slice %dma_start3A_197[%mul3A_188, %dma_start3A_198] : memref<10016x128xf32, #tpu.memory_space<hbm>> -> memref<624x128xf32, #tpu.memory_space<hbm>>
      %dma_start3A_200 = arith.constant 0 : i32
      %dma_start3A_201 = tpu.memref_slice %arg10[%mul3A_186, %dma_start3A_200] : memref<10016x128xf32, #tpu.memory_space<vmem_shared>> -> memref<624x128xf32, #tpu.memory_space<vmem_shared>>
      tpu.enqueue_dma source(%dma_start3A_201 : memref<624x128xf32, #tpu.memory_space<vmem_shared>>) target(%dma_start3A_199 : memref<624x128xf32, #tpu.memory_space<hbm>>) target_semaphore(%run_scoped3A : memref<!tpu.dma_semaphore, #tpu.memory_space<semaphore_mem>>)
      %dma_wait3A_202 = arith.constant 0 : i32
      %dma_wait3A_203 = arith.constant 0 : i32
      %dma_wait3A_204 = tpu.memref_slice %arg6[%arg0, %dma_wait3A_202, %dma_wait3A_203] : memref<2x10016x128xf32, #tpu.memory_space<hbm>> -> memref<1x10016x128xf32, #tpu.memory_space<hbm>>
      %dma_wait3A_205 = tpu.memref_squeeze %dma_wait3A_204 : memref<1x10016x128xf32, #tpu.memory_space<hbm>> -> memref<10016x128xf32, #tpu.memory_space<hbm>>
      %dma_wait3A_206 = arith.constant 0 : i32
      %dma_wait3A_207 = tpu.memref_slice %dma_wait3A_205[%mul3A_188, %dma_wait3A_206] : memref<10016x128xf32, #tpu.memory_space<hbm>> -> memref<624x128xf32, #tpu.memory_space<hbm>>
      %dma_wait3A_208 = arith.constant 0 : i32
      %dma_wait3A_209 = tpu.memref_slice %arg10[%mul3A_186, %dma_wait3A_208] : memref<10016x128xf32, #tpu.memory_space<vmem_shared>> -> memref<624x128xf32, #tpu.memory_space<vmem_shared>>
      tpu.wait_dma2 semaphore(%run_scoped3A : memref<!tpu.dma_semaphore, #tpu.memory_space<semaphore_mem>>) src(%dma_wait3A_209 : memref<624x128xf32, #tpu.memory_space<vmem_shared>>) dst(%dma_wait3A_207 : memref<624x128xf32, #tpu.memory_space<hbm>>)
      tpu.yield
    }) : () -> ()
    %eq3A_189 = arith.constant 15 : i32
    %eq3A_190 = arith.cmpi eq, %arg1, %eq3A_189 : i32
    %convert_element_type3A_191 = arith.extui %eq3A_190 : i1 to i32
    %cond3A_192 = arith.constant 0 : i32
    %cond3A_193 = arith.cmpi ne, %convert_element_type3A_191, %cond3A_192 : i32
    scf.if %cond3A_193 {
      "tpu.region"() ({
        %run_scoped3A = tpu.sem_alloc : memref<!tpu.dma_semaphore, #tpu.memory_space<semaphore_mem>>
        %dma_start3A_194 = arith.constant 0 : i32
        %dma_start3A_195 = arith.constant 0 : i32
        %dma_start3A_196 = tpu.memref_slice %arg6[%arg0, %dma_start3A_194, %dma_start3A_195] : memref<2x10016x128xf32, #tpu.memory_space<hbm>> -> memref<1x10016x128xf32, #tpu.memory_space<hbm>>
        %dma_start3A_197 = tpu.memref_squeeze %dma_start3A_196 : memref<1x10016x128xf32, #tpu.memory_space<hbm>> -> memref<10016x128xf32, #tpu.memory_space<hbm>>
        %dma_start3A_198 = arith.constant 9984 : i32
        %dma_start3A_199 = arith.constant 0 : i32
        %dma_start3A_200 = tpu.memref_slice %dma_start3A_197[%dma_start3A_198, %dma_start3A_199] : memref<10016x128xf32, #tpu.memory_space<hbm>> -> memref<32x128xf32, #tpu.memory_space<hbm>>
        %dma_start3A_201 = arith.constant 9984 : i32
        %dma_start3A_202 = arith.constant 0 : i32
        %dma_start3A_203 = tpu.memref_slice %arg10[%dma_start3A_201, %dma_start3A_202] : memref<10016x128xf32, #tpu.memory_space<vmem_shared>> -> memref<32x128xf32, #tpu.memory_space<vmem_shared>>
        tpu.enqueue_dma source(%dma_start3A_203 : memref<32x128xf32, #tpu.memory_space<vmem_shared>>) target(%dma_start3A_200 : memref<32x128xf32, #tpu.memory_space<hbm>>) target_semaphore(%run_scoped3A : memref<!tpu.dma_semaphore, #tpu.memory_space<semaphore_mem>>)
        %dma_wait3A_204 = arith.constant 0 : i32
        %dma_wait3A_205 = arith.constant 0 : i32
        %dma_wait3A_206 = tpu.memref_slice %arg6[%arg0, %dma_wait3A_204, %dma_wait3A_205] : memref<2x10016x128xf32, #tpu.memory_space<hbm>> -> memref<1x10016x128xf32, #tpu.memory_space<hbm>>
        %dma_wait3A_207 = tpu.memref_squeeze %dma_wait3A_206 : memref<1x10016x128xf32, #tpu.memory_space<hbm>> -> memref<10016x128xf32, #tpu.memory_space<hbm>>
        %dma_wait3A_208 = arith.constant 9984 : i32
        %dma_wait3A_209 = arith.constant 0 : i32
        %dma_wait3A_210 = tpu.memref_slice %dma_wait3A_207[%dma_wait3A_208, %dma_wait3A_209] : memref<10016x128xf32, #tpu.memory_space<hbm>> -> memref<32x128xf32, #tpu.memory_space<hbm>>
        %dma_wait3A_211 = arith.constant 9984 : i32
        %dma_wait3A_212 = arith.constant 0 : i32
        %dma_wait3A_213 = tpu.memref_slice %arg10[%dma_wait3A_211, %dma_wait3A_212] : memref<10016x128xf32, #tpu.memory_space<vmem_shared>> -> memref<32x128xf32, #tpu.memory_space<vmem_shared>>
        tpu.wait_dma2 semaphore(%run_scoped3A : memref<!tpu.dma_semaphore, #tpu.memory_space<semaphore_mem>>) src(%dma_wait3A_213 : memref<32x128xf32, #tpu.memory_space<vmem_shared>>) dst(%dma_wait3A_210 : memref<32x128xf32, #tpu.memory_space<hbm>>)
        tpu.yield
      }) : () -> ()
    } else {
    }
    return
  }
}

#map = affine_map<(d0, d1) -> (0, 0)>
#map1 = affine_map<(d0, d1) -> (0, 0, 0)>
module attributes {stable_mosaic.version = 14 : i64} {
  func.func @_sc_edge_pass(%arg0: i32, %arg1: i32, %arg2: memref<10000x128xf32, #tpu.memory_space<hbm>>, %arg3: memref<32x79x128xi32, #tpu.memory_space<hbm>>, %arg4: memref<32x79x128xi32, #tpu.memory_space<hbm>>, %arg5: memref<10016x128xf32, #tpu.memory_space<hbm>>, %arg6: memref<2x10016x128xf32, #tpu.memory_space<hbm>>, %arg7: memref<40x128xi32, #tpu.memory_space<vmem>>, %arg8: memref<40x128xi32, #tpu.memory_space<vmem>>, %arg9: memref<2x128x128xf32, #tpu.memory_space<vmem>>, %arg10: memref<10016x128xf32, #tpu.memory_space<vmem_shared>>, %arg11: memref<!tpu.dma_semaphore, #tpu.memory_space<semaphore_mem>>, %arg12: memref<!tpu.dma_semaphore, #tpu.memory_space<semaphore_mem>>, %arg13: memref<!tpu.dma_semaphore, #tpu.memory_space<semaphore_mem>>, %arg14: memref<!tpu.dma_semaphore, #tpu.memory_space<semaphore_mem>>) attributes {dimension_semantics = [#tpu.dimension_semantics<core_parallel>, #tpu.dimension_semantics<subcore_parallel>], iteration_bounds = array<i64: 2, 16>, scalar_prefetch = 0 : i64, scratch_operands = 8 : i64, tpu.core_type = #tpu.core_type<sc_vector_subcore>, window_params = [{transform_indices = #map}, {transform_indices = #map1}, {transform_indices = #map1}, {transform_indices = #map}, {transform_indices = #map1}]} {
    %mul3A = arith.constant 16 : i32
    %mul3A_0 = arith.muli %arg0, %mul3A : i32
    %add3A = arith.addi %mul3A_0, %arg1 : i32
    "tpu.region"() ({
      %run_scoped3A = tpu.sem_alloc : memref<!tpu.dma_semaphore, #tpu.memory_space<semaphore_mem>>
      %dma_start3A_194 = arith.constant 0 : i32
      %dma_start3A_195 = arith.constant 0 : i32
      %dma_start3A_196 = tpu.memref_slice %arg7[%dma_start3A_194, %dma_start3A_195] : memref<40x128xi32, #tpu.memory_space<vmem>> -> memref<40x128xi32, #tpu.memory_space<vmem>>
      %dma_start3A_197 = arith.constant 0 : i32
      %dma_start3A_198 = arith.constant 0 : i32
      %dma_start3A_199 = tpu.memref_slice %arg3[%add3A, %dma_start3A_197, %dma_start3A_198] : memref<32x79x128xi32, #tpu.memory_space<hbm>> -> memref<1x40x128xi32, #tpu.memory_space<hbm>>
      %dma_start3A_200 = tpu.memref_squeeze %dma_start3A_199 : memref<1x40x128xi32, #tpu.memory_space<hbm>> -> memref<40x128xi32, #tpu.memory_space<hbm>>
      %dma_start3A_201 = arith.constant 0 : i32
      %dma_start3A_202 = arith.constant 0 : i32
      %dma_start3A_203 = tpu.memref_slice %arg7[%dma_start3A_201, %dma_start3A_202] : memref<40x128xi32, #tpu.memory_space<vmem>> -> memref<40x128xi32, #tpu.memory_space<vmem>>
      %dma_start3A_204 = arith.constant 0 : i32
      %dma_start3A_205 = arith.constant 0 : i32
      %dma_start3A_206 = tpu.memref_slice %arg3[%add3A, %dma_start3A_204, %dma_start3A_205] : memref<32x79x128xi32, #tpu.memory_space<hbm>> -> memref<1x40x128xi32, #tpu.memory_space<hbm>>
      %dma_start3A_207 = tpu.memref_squeeze %dma_start3A_206 : memref<1x40x128xi32, #tpu.memory_space<hbm>> -> memref<40x128xi32, #tpu.memory_space<hbm>>
      tpu.enqueue_dma source(%dma_start3A_207 : memref<40x128xi32, #tpu.memory_space<hbm>>) target(%dma_start3A_203 : memref<40x128xi32, #tpu.memory_space<vmem>>) target_semaphore(%run_scoped3A : memref<!tpu.dma_semaphore, #tpu.memory_space<semaphore_mem>>)
      %dma_wait3A_208 = arith.constant 0 : i32
      %dma_wait3A_209 = arith.constant 0 : i32
      %dma_wait3A_210 = tpu.memref_slice %arg7[%dma_wait3A_208, %dma_wait3A_209] : memref<40x128xi32, #tpu.memory_space<vmem>> -> memref<40x128xi32, #tpu.memory_space<vmem>>
      %dma_wait3A_211 = arith.constant 0 : i32
      %dma_wait3A_212 = arith.constant 0 : i32
      %dma_wait3A_213 = tpu.memref_slice %arg3[%add3A, %dma_wait3A_211, %dma_wait3A_212] : memref<32x79x128xi32, #tpu.memory_space<hbm>> -> memref<1x40x128xi32, #tpu.memory_space<hbm>>
      %dma_wait3A_214 = tpu.memref_squeeze %dma_wait3A_213 : memref<1x40x128xi32, #tpu.memory_space<hbm>> -> memref<40x128xi32, #tpu.memory_space<hbm>>
      %dma_wait3A_215 = arith.constant 0 : i32
      %dma_wait3A_216 = arith.constant 0 : i32
      %dma_wait3A_217 = tpu.memref_slice %arg7[%dma_wait3A_215, %dma_wait3A_216] : memref<40x128xi32, #tpu.memory_space<vmem>> -> memref<40x128xi32, #tpu.memory_space<vmem>>
      %dma_wait3A_218 = arith.constant 0 : i32
      %dma_wait3A_219 = arith.constant 0 : i32
      %dma_wait3A_220 = tpu.memref_slice %arg3[%add3A, %dma_wait3A_218, %dma_wait3A_219] : memref<32x79x128xi32, #tpu.memory_space<hbm>> -> memref<1x40x128xi32, #tpu.memory_space<hbm>>
      %dma_wait3A_221 = tpu.memref_squeeze %dma_wait3A_220 : memref<1x40x128xi32, #tpu.memory_space<hbm>> -> memref<40x128xi32, #tpu.memory_space<hbm>>
      tpu.wait_dma2 semaphore(%run_scoped3A : memref<!tpu.dma_semaphore, #tpu.memory_space<semaphore_mem>>) src(%dma_wait3A_221 : memref<40x128xi32, #tpu.memory_space<hbm>>) dst(%dma_wait3A_217 : memref<40x128xi32, #tpu.memory_space<vmem>>)
      tpu.yield
    }) : () -> ()
    "tpu.region"() ({
      %run_scoped3A = tpu.sem_alloc : memref<!tpu.dma_semaphore, #tpu.memory_space<semaphore_mem>>
      %dma_start3A_194 = arith.constant 0 : i32
      %dma_start3A_195 = arith.constant 0 : i32
      %dma_start3A_196 = tpu.memref_slice %arg8[%dma_start3A_194, %dma_start3A_195] : memref<40x128xi32, #tpu.memory_space<vmem>> -> memref<40x128xi32, #tpu.memory_space<vmem>>
      %dma_start3A_197 = arith.constant 0 : i32
      %dma_start3A_198 = arith.constant 0 : i32
      %dma_start3A_199 = tpu.memref_slice %arg4[%add3A, %dma_start3A_197, %dma_start3A_198] : memref<32x79x128xi32, #tpu.memory_space<hbm>> -> memref<1x40x128xi32, #tpu.memory_space<hbm>>
      %dma_start3A_200 = tpu.memref_squeeze %dma_start3A_199 : memref<1x40x128xi32, #tpu.memory_space<hbm>> -> memref<40x128xi32, #tpu.memory_space<hbm>>
      %dma_start3A_201 = arith.constant 0 : i32
      %dma_start3A_202 = arith.constant 0 : i32
      %dma_start3A_203 = tpu.memref_slice %arg8[%dma_start3A_201, %dma_start3A_202] : memref<40x128xi32, #tpu.memory_space<vmem>> -> memref<40x128xi32, #tpu.memory_space<vmem>>
      %dma_start3A_204 = arith.constant 0 : i32
      %dma_start3A_205 = arith.constant 0 : i32
      %dma_start3A_206 = tpu.memref_slice %arg4[%add3A, %dma_start3A_204, %dma_start3A_205] : memref<32x79x128xi32, #tpu.memory_space<hbm>> -> memref<1x40x128xi32, #tpu.memory_space<hbm>>
      %dma_start3A_207 = tpu.memref_squeeze %dma_start3A_206 : memref<1x40x128xi32, #tpu.memory_space<hbm>> -> memref<40x128xi32, #tpu.memory_space<hbm>>
      tpu.enqueue_dma source(%dma_start3A_207 : memref<40x128xi32, #tpu.memory_space<hbm>>) target(%dma_start3A_203 : memref<40x128xi32, #tpu.memory_space<vmem>>) target_semaphore(%run_scoped3A : memref<!tpu.dma_semaphore, #tpu.memory_space<semaphore_mem>>)
      %dma_wait3A_208 = arith.constant 0 : i32
      %dma_wait3A_209 = arith.constant 0 : i32
      %dma_wait3A_210 = tpu.memref_slice %arg8[%dma_wait3A_208, %dma_wait3A_209] : memref<40x128xi32, #tpu.memory_space<vmem>> -> memref<40x128xi32, #tpu.memory_space<vmem>>
      %dma_wait3A_211 = arith.constant 0 : i32
      %dma_wait3A_212 = arith.constant 0 : i32
      %dma_wait3A_213 = tpu.memref_slice %arg4[%add3A, %dma_wait3A_211, %dma_wait3A_212] : memref<32x79x128xi32, #tpu.memory_space<hbm>> -> memref<1x40x128xi32, #tpu.memory_space<hbm>>
      %dma_wait3A_214 = tpu.memref_squeeze %dma_wait3A_213 : memref<1x40x128xi32, #tpu.memory_space<hbm>> -> memref<40x128xi32, #tpu.memory_space<hbm>>
      %dma_wait3A_215 = arith.constant 0 : i32
      %dma_wait3A_216 = arith.constant 0 : i32
      %dma_wait3A_217 = tpu.memref_slice %arg8[%dma_wait3A_215, %dma_wait3A_216] : memref<40x128xi32, #tpu.memory_space<vmem>> -> memref<40x128xi32, #tpu.memory_space<vmem>>
      %dma_wait3A_218 = arith.constant 0 : i32
      %dma_wait3A_219 = arith.constant 0 : i32
      %dma_wait3A_220 = tpu.memref_slice %arg4[%add3A, %dma_wait3A_218, %dma_wait3A_219] : memref<32x79x128xi32, #tpu.memory_space<hbm>> -> memref<1x40x128xi32, #tpu.memory_space<hbm>>
      %dma_wait3A_221 = tpu.memref_squeeze %dma_wait3A_220 : memref<1x40x128xi32, #tpu.memory_space<hbm>> -> memref<40x128xi32, #tpu.memory_space<hbm>>
      tpu.wait_dma2 semaphore(%run_scoped3A : memref<!tpu.dma_semaphore, #tpu.memory_space<semaphore_mem>>) src(%dma_wait3A_221 : memref<40x128xi32, #tpu.memory_space<hbm>>) dst(%dma_wait3A_217 : memref<40x128xi32, #tpu.memory_space<vmem>>)
      tpu.yield
    }) : () -> ()
    %dma_start3A = arith.constant 0 : i32
    %dma_start3A_1 = arith.constant 0 : i32
    %dma_start3A_2 = arith.constant 0 : i32
    %dma_start3A_3 = arith.constant 0 : i32
    %dma_start3A_4 = tpu.memref_slice %arg9[%dma_start3A_1, %dma_start3A_2, %dma_start3A_3] : memref<2x128x128xf32, #tpu.memory_space<vmem>> -> memref<1x128x128xf32, #tpu.memory_space<vmem>>
    %dma_start3A_5 = tpu.memref_squeeze %dma_start3A_4 : memref<1x128x128xf32, #tpu.memory_space<vmem>> -> memref<128x128xf32, #tpu.memory_space<vmem>>
    %dma_start3A_6 = arith.constant 0 : i32
    %dma_start3A_7 = tpu.memref_slice %arg7[%dma_start3A, %dma_start3A_6] : memref<40x128xi32, #tpu.memory_space<vmem>> -> memref<1x128xi32, #tpu.memory_space<vmem>>
    %dma_start3A_8 = tpu.memref_squeeze %dma_start3A_7 : memref<1x128xi32, #tpu.memory_space<vmem>> -> memref<128xi32, #tpu.memory_space<vmem>>
    %dma_start3A_9 = arith.constant 0 : i32
    %dma_start3A_10 = arith.constant 0 : i32
    %dma_start3A_11 = tpu.memref_slice %arg2[%dma_start3A_9, %dma_start3A_10] : memref<10000x128xf32, #tpu.memory_space<hbm>> -> memref<10000x128xf32, #tpu.memory_space<hbm>>
    tpu.enqueue_indirect_dma source(%dma_start3A_11 : memref<10000x128xf32, #tpu.memory_space<hbm>>) target(%dma_start3A_5 : memref<128x128xf32, #tpu.memory_space<vmem>>) offsets(%dma_start3A_8 : memref<128xi32, #tpu.memory_space<vmem>>) semaphore(%arg11 : memref<!tpu.dma_semaphore, #tpu.memory_space<semaphore_mem>>)
    %mul3A_12 = arith.constant 624 : i32
    %mul3A_13 = arith.muli %arg1, %mul3A_12 : i32
    %mul3A_14 = arith.constant 624 : i32
    %mul3A_15 = arith.muli %arg1, %mul3A_14 : i32
    "tpu.region"() ({
      %run_scoped3A = tpu.sem_alloc : memref<!tpu.dma_semaphore, #tpu.memory_space<semaphore_mem>>
      %dma_start3A_194 = arith.constant 0 : i32
      %dma_start3A_195 = tpu.memref_slice %arg10[%mul3A_15, %dma_start3A_194] : memref<10016x128xf32, #tpu.memory_space<vmem_shared>> -> memref<624x128xf32, #tpu.memory_space<vmem_shared>>
      %dma_start3A_196 = arith.constant 0 : i32
      %dma_start3A_197 = tpu.memref_slice %arg5[%mul3A_13, %dma_start3A_196] : memref<10016x128xf32, #tpu.memory_space<hbm>> -> memref<624x128xf32, #tpu.memory_space<hbm>>
      tpu.enqueue_dma source(%dma_start3A_197 : memref<624x128xf32, #tpu.memory_space<hbm>>) target(%dma_start3A_195 : memref<624x128xf32, #tpu.memory_space<vmem_shared>>) target_semaphore(%run_scoped3A : memref<!tpu.dma_semaphore, #tpu.memory_space<semaphore_mem>>)
      %dma_wait3A_198 = arith.constant 0 : i32
      %dma_wait3A_199 = tpu.memref_slice %arg10[%mul3A_15, %dma_wait3A_198] : memref<10016x128xf32, #tpu.memory_space<vmem_shared>> -> memref<624x128xf32, #tpu.memory_space<vmem_shared>>
      %dma_wait3A_200 = arith.constant 0 : i32
      %dma_wait3A_201 = tpu.memref_slice %arg5[%mul3A_13, %dma_wait3A_200] : memref<10016x128xf32, #tpu.memory_space<hbm>> -> memref<624x128xf32, #tpu.memory_space<hbm>>
      tpu.wait_dma2 semaphore(%run_scoped3A : memref<!tpu.dma_semaphore, #tpu.memory_space<semaphore_mem>>) src(%dma_wait3A_201 : memref<624x128xf32, #tpu.memory_space<hbm>>) dst(%dma_wait3A_199 : memref<624x128xf32, #tpu.memory_space<vmem_shared>>)
      tpu.yield
    }) : () -> ()
    %eq3A = arith.constant 15 : i32
    %eq3A_16 = arith.cmpi eq, %arg1, %eq3A : i32
    %convert_element_type3A = arith.extui %eq3A_16 : i1 to i32
    %cond3A = arith.constant 0 : i32
    %cond3A_17 = arith.cmpi ne, %convert_element_type3A, %cond3A : i32
    scf.if %cond3A_17 {
      "tpu.region"() ({
        %run_scoped3A = tpu.sem_alloc : memref<!tpu.dma_semaphore, #tpu.memory_space<semaphore_mem>>
        %dma_start3A_194 = arith.constant 9984 : i32
        %dma_start3A_195 = arith.constant 0 : i32
        %dma_start3A_196 = tpu.memref_slice %arg10[%dma_start3A_194, %dma_start3A_195] : memref<10016x128xf32, #tpu.memory_space<vmem_shared>> -> memref<32x128xf32, #tpu.memory_space<vmem_shared>>
        %dma_start3A_197 = arith.constant 9984 : i32
        %dma_start3A_198 = arith.constant 0 : i32
        %dma_start3A_199 = tpu.memref_slice %arg5[%dma_start3A_197, %dma_start3A_198] : memref<10016x128xf32, #tpu.memory_space<hbm>> -> memref<32x128xf32, #tpu.memory_space<hbm>>
        tpu.enqueue_dma source(%dma_start3A_199 : memref<32x128xf32, #tpu.memory_space<hbm>>) target(%dma_start3A_196 : memref<32x128xf32, #tpu.memory_space<vmem_shared>>) target_semaphore(%run_scoped3A : memref<!tpu.dma_semaphore, #tpu.memory_space<semaphore_mem>>)
        %dma_wait3A_200 = arith.constant 9984 : i32
        %dma_wait3A_201 = arith.constant 0 : i32
        %dma_wait3A_202 = tpu.memref_slice %arg10[%dma_wait3A_200, %dma_wait3A_201] : memref<10016x128xf32, #tpu.memory_space<vmem_shared>> -> memref<32x128xf32, #tpu.memory_space<vmem_shared>>
        %dma_wait3A_203 = arith.constant 9984 : i32
        %dma_wait3A_204 = arith.constant 0 : i32
        %dma_wait3A_205 = tpu.memref_slice %arg5[%dma_wait3A_203, %dma_wait3A_204] : memref<10016x128xf32, #tpu.memory_space<hbm>> -> memref<32x128xf32, #tpu.memory_space<hbm>>
        tpu.wait_dma2 semaphore(%run_scoped3A : memref<!tpu.dma_semaphore, #tpu.memory_space<semaphore_mem>>) src(%dma_wait3A_205 : memref<32x128xf32, #tpu.memory_space<hbm>>) dst(%dma_wait3A_202 : memref<32x128xf32, #tpu.memory_space<vmem_shared>>)
        tpu.yield
      }) : () -> ()
    } else {
    }
    %barrier3A = arith.constant 0 : index
    tpu.barrier barrier_id(%barrier3A)
    %scan3A = arith.constant 0 : i32
    %scan3A_18 = arith.constant 0 : i32
    %scan3A_19 = arith.constant 19 : i32
    %scan3A_20 = arith.addi %scan3A_18, %scan3A_19 : i32
    %scan3A_21 = arith.constant 1 : i32
    scf.for %scan3A_194 = %scan3A_18 to %scan3A_20 step %scan3A_21  : i32 {
      %mul3A_195 = arith.constant 2 : i32
      %mul3A_196 = arith.muli %mul3A_195, %scan3A_194 : i32
      %add3A_197 = arith.constant 1 : i32
      %add3A_198 = arith.addi %mul3A_196, %add3A_197 : i32
      %dma_wait3A_199 = arith.constant 0 : i32
      %dma_wait3A_200 = arith.constant 0 : i32
      %dma_wait3A_201 = arith.constant 0 : i32
      %dma_wait3A_202 = tpu.memref_slice %arg9[%dma_wait3A_199, %dma_wait3A_200, %dma_wait3A_201] : memref<2x128x128xf32, #tpu.memory_space<vmem>> -> memref<1x128x128xf32, #tpu.memory_space<vmem>>
      %dma_wait3A_203 = tpu.memref_squeeze %dma_wait3A_202 : memref<1x128x128xf32, #tpu.memory_space<vmem>> -> memref<128x128xf32, #tpu.memory_space<vmem>>
      %dma_wait3A_204 = arith.constant 0 : i32
      %dma_wait3A_205 = tpu.memref_slice %arg7[%mul3A_196, %dma_wait3A_204] : memref<40x128xi32, #tpu.memory_space<vmem>> -> memref<1x128xi32, #tpu.memory_space<vmem>>
      %dma_wait3A_206 = tpu.memref_squeeze %dma_wait3A_205 : memref<1x128xi32, #tpu.memory_space<vmem>> -> memref<128xi32, #tpu.memory_space<vmem>>
      %dma_wait3A_207 = arith.constant 0 : i32
      %dma_wait3A_208 = arith.constant 0 : i32
      %dma_wait3A_209 = tpu.memref_slice %arg2[%dma_wait3A_207, %dma_wait3A_208] : memref<10000x128xf32, #tpu.memory_space<hbm>> -> memref<10000x128xf32, #tpu.memory_space<hbm>>
      tpu.wait_indirect_dma semaphore(%arg11 : memref<!tpu.dma_semaphore, #tpu.memory_space<semaphore_mem>>) src(%dma_wait3A_209 : memref<10000x128xf32, #tpu.memory_space<hbm>>) dst(%dma_wait3A_203 : memref<128x128xf32, #tpu.memory_space<vmem>>)
      %ge3A = arith.constant 1 : i32
      %ge3A_210 = arith.cmpi sge, %scan3A_194, %ge3A : i32
      %convert_element_type3A_211 = arith.extui %ge3A_210 : i1 to i32
      %cond3A_212 = arith.constant 0 : i32
      %cond3A_213 = arith.cmpi ne, %convert_element_type3A_211, %cond3A_212 : i32
      scf.if %cond3A_213 {
        %sub3A = arith.constant 2 : i32
        %sub3A_282 = arith.subi %add3A_198, %sub3A : i32
        %dma_wait3A_283 = arith.constant 1 : i32
        %dma_wait3A_284 = arith.constant 0 : i32
        %dma_wait3A_285 = arith.constant 0 : i32
        %dma_wait3A_286 = tpu.memref_slice %arg9[%dma_wait3A_283, %dma_wait3A_284, %dma_wait3A_285] : memref<2x128x128xf32, #tpu.memory_space<vmem>> -> memref<1x128x128xf32, #tpu.memory_space<vmem>>
        %dma_wait3A_287 = tpu.memref_squeeze %dma_wait3A_286 : memref<1x128x128xf32, #tpu.memory_space<vmem>> -> memref<128x128xf32, #tpu.memory_space<vmem>>
        %dma_wait3A_288 = arith.constant 0 : i32
        %dma_wait3A_289 = tpu.memref_slice %arg8[%sub3A_282, %dma_wait3A_288] : memref<40x128xi32, #tpu.memory_space<vmem>> -> memref<1x128xi32, #tpu.memory_space<vmem>>
        %dma_wait3A_290 = tpu.memref_squeeze %dma_wait3A_289 : memref<1x128xi32, #tpu.memory_space<vmem>> -> memref<128xi32, #tpu.memory_space<vmem>>
        %dma_wait3A_291 = arith.constant 0 : i32
        %dma_wait3A_292 = arith.constant 0 : i32
        %dma_wait3A_293 = tpu.memref_slice %arg10[%dma_wait3A_291, %dma_wait3A_292] : memref<10016x128xf32, #tpu.memory_space<vmem_shared>> -> memref<10016x128xf32, #tpu.memory_space<vmem_shared>>
        tpu.wait_indirect_dma semaphore(%arg14 : memref<!tpu.dma_semaphore, #tpu.memory_space<semaphore_mem>>) src(%dma_wait3A_287 : memref<128x128xf32, #tpu.memory_space<vmem>>) dst(%dma_wait3A_293 : memref<10016x128xf32, #tpu.memory_space<vmem_shared>>)
      } else {
      }
      %dma_start3A_214 = arith.constant 1 : i32
      %dma_start3A_215 = arith.constant 0 : i32
      %dma_start3A_216 = arith.constant 0 : i32
      %dma_start3A_217 = tpu.memref_slice %arg9[%dma_start3A_214, %dma_start3A_215, %dma_start3A_216] : memref<2x128x128xf32, #tpu.memory_space<vmem>> -> memref<1x128x128xf32, #tpu.memory_space<vmem>>
      %dma_start3A_218 = tpu.memref_squeeze %dma_start3A_217 : memref<1x128x128xf32, #tpu.memory_space<vmem>> -> memref<128x128xf32, #tpu.memory_space<vmem>>
      %dma_start3A_219 = arith.constant 0 : i32
      %dma_start3A_220 = tpu.memref_slice %arg7[%add3A_198, %dma_start3A_219] : memref<40x128xi32, #tpu.memory_space<vmem>> -> memref<1x128xi32, #tpu.memory_space<vmem>>
      %dma_start3A_221 = tpu.memref_squeeze %dma_start3A_220 : memref<1x128xi32, #tpu.memory_space<vmem>> -> memref<128xi32, #tpu.memory_space<vmem>>
      %dma_start3A_222 = arith.constant 0 : i32
      %dma_start3A_223 = arith.constant 0 : i32
      %dma_start3A_224 = tpu.memref_slice %arg2[%dma_start3A_222, %dma_start3A_223] : memref<10000x128xf32, #tpu.memory_space<hbm>> -> memref<10000x128xf32, #tpu.memory_space<hbm>>
      tpu.enqueue_indirect_dma source(%dma_start3A_224 : memref<10000x128xf32, #tpu.memory_space<hbm>>) target(%dma_start3A_218 : memref<128x128xf32, #tpu.memory_space<vmem>>) offsets(%dma_start3A_221 : memref<128xi32, #tpu.memory_space<vmem>>) semaphore(%arg12 : memref<!tpu.dma_semaphore, #tpu.memory_space<semaphore_mem>>)
      %dma_start3A_225 = arith.constant 0 : i32
      %dma_start3A_226 = arith.constant 0 : i32
      %dma_start3A_227 = arith.constant 0 : i32
      %dma_start3A_228 = tpu.memref_slice %arg9[%dma_start3A_225, %dma_start3A_226, %dma_start3A_227] : memref<2x128x128xf32, #tpu.memory_space<vmem>> -> memref<1x128x128xf32, #tpu.memory_space<vmem>>
      %dma_start3A_229 = tpu.memref_squeeze %dma_start3A_228 : memref<1x128x128xf32, #tpu.memory_space<vmem>> -> memref<128x128xf32, #tpu.memory_space<vmem>>
      %dma_start3A_230 = arith.constant 0 : i32
      %dma_start3A_231 = tpu.memref_slice %arg8[%mul3A_196, %dma_start3A_230] : memref<40x128xi32, #tpu.memory_space<vmem>> -> memref<1x128xi32, #tpu.memory_space<vmem>>
      %dma_start3A_232 = tpu.memref_squeeze %dma_start3A_231 : memref<1x128xi32, #tpu.memory_space<vmem>> -> memref<128xi32, #tpu.memory_space<vmem>>
      %dma_start3A_233 = arith.constant 0 : i32
      %dma_start3A_234 = arith.constant 0 : i32
      %dma_start3A_235 = tpu.memref_slice %arg10[%dma_start3A_233, %dma_start3A_234] : memref<10016x128xf32, #tpu.memory_space<vmem_shared>> -> memref<10016x128xf32, #tpu.memory_space<vmem_shared>>
      tpu.enqueue_indirect_dma source(%dma_start3A_229 : memref<128x128xf32, #tpu.memory_space<vmem>>) target(%dma_start3A_235 : memref<10016x128xf32, #tpu.memory_space<vmem_shared>>) offsets(%dma_start3A_232 : memref<128xi32, #tpu.memory_space<vmem>>) semaphore(%arg13 : memref<!tpu.dma_semaphore, #tpu.memory_space<semaphore_mem>>) {add = true}
      %dma_wait3A_236 = arith.constant 1 : i32
      %dma_wait3A_237 = arith.constant 0 : i32
      %dma_wait3A_238 = arith.constant 0 : i32
      %dma_wait3A_239 = tpu.memref_slice %arg9[%dma_wait3A_236, %dma_wait3A_237, %dma_wait3A_238] : memref<2x128x128xf32, #tpu.memory_space<vmem>> -> memref<1x128x128xf32, #tpu.memory_space<vmem>>
      %dma_wait3A_240 = tpu.memref_squeeze %dma_wait3A_239 : memref<1x128x128xf32, #tpu.memory_space<vmem>> -> memref<128x128xf32, #tpu.memory_space<vmem>>
      %dma_wait3A_241 = arith.constant 0 : i32
      %dma_wait3A_242 = tpu.memref_slice %arg7[%add3A_198, %dma_wait3A_241] : memref<40x128xi32, #tpu.memory_space<vmem>> -> memref<1x128xi32, #tpu.memory_space<vmem>>
      %dma_wait3A_243 = tpu.memref_squeeze %dma_wait3A_242 : memref<1x128xi32, #tpu.memory_space<vmem>> -> memref<128xi32, #tpu.memory_space<vmem>>
      %dma_wait3A_244 = arith.constant 0 : i32
      %dma_wait3A_245 = arith.constant 0 : i32
      %dma_wait3A_246 = tpu.memref_slice %arg2[%dma_wait3A_244, %dma_wait3A_245] : memref<10000x128xf32, #tpu.memory_space<hbm>> -> memref<10000x128xf32, #tpu.memory_space<hbm>>
      tpu.wait_indirect_dma semaphore(%arg12 : memref<!tpu.dma_semaphore, #tpu.memory_space<semaphore_mem>>) src(%dma_wait3A_246 : memref<10000x128xf32, #tpu.memory_space<hbm>>) dst(%dma_wait3A_240 : memref<128x128xf32, #tpu.memory_space<vmem>>)
      %dma_wait3A_247 = arith.constant 0 : i32
      %dma_wait3A_248 = arith.constant 0 : i32
      %dma_wait3A_249 = arith.constant 0 : i32
      %dma_wait3A_250 = tpu.memref_slice %arg9[%dma_wait3A_247, %dma_wait3A_248, %dma_wait3A_249] : memref<2x128x128xf32, #tpu.memory_space<vmem>> -> memref<1x128x128xf32, #tpu.memory_space<vmem>>
      %dma_wait3A_251 = tpu.memref_squeeze %dma_wait3A_250 : memref<1x128x128xf32, #tpu.memory_space<vmem>> -> memref<128x128xf32, #tpu.memory_space<vmem>>
      %dma_wait3A_252 = arith.constant 0 : i32
      %dma_wait3A_253 = tpu.memref_slice %arg8[%mul3A_196, %dma_wait3A_252] : memref<40x128xi32, #tpu.memory_space<vmem>> -> memref<1x128xi32, #tpu.memory_space<vmem>>
      %dma_wait3A_254 = tpu.memref_squeeze %dma_wait3A_253 : memref<1x128xi32, #tpu.memory_space<vmem>> -> memref<128xi32, #tpu.memory_space<vmem>>
      %dma_wait3A_255 = arith.constant 0 : i32
      %dma_wait3A_256 = arith.constant 0 : i32
      %dma_wait3A_257 = tpu.memref_slice %arg10[%dma_wait3A_255, %dma_wait3A_256] : memref<10016x128xf32, #tpu.memory_space<vmem_shared>> -> memref<10016x128xf32, #tpu.memory_space<vmem_shared>>
      tpu.wait_indirect_dma semaphore(%arg13 : memref<!tpu.dma_semaphore, #tpu.memory_space<semaphore_mem>>) src(%dma_wait3A_251 : memref<128x128xf32, #tpu.memory_space<vmem>>) dst(%dma_wait3A_257 : memref<10016x128xf32, #tpu.memory_space<vmem_shared>>)
      %add3A_258 = arith.constant 2 : i32
      %add3A_259 = arith.addi %mul3A_196, %add3A_258 : i32
      %dma_start3A_260 = arith.constant 0 : i32
      %dma_start3A_261 = arith.constant 0 : i32
      %dma_start3A_262 = arith.constant 0 : i32
      %dma_start3A_263 = tpu.memref_slice %arg9[%dma_start3A_260, %dma_start3A_261, %dma_start3A_262] : memref<2x128x128xf32, #tpu.memory_space<vmem>> -> memref<1x128x128xf32, #tpu.memory_space<vmem>>
      %dma_start3A_264 = tpu.memref_squeeze %dma_start3A_263 : memref<1x128x128xf32, #tpu.memory_space<vmem>> -> memref<128x128xf32, #tpu.memory_space<vmem>>
      %dma_start3A_265 = arith.constant 0 : i32
      %dma_start3A_266 = tpu.memref_slice %arg7[%add3A_259, %dma_start3A_265] : memref<40x128xi32, #tpu.memory_space<vmem>> -> memref<1x128xi32, #tpu.memory_space<vmem>>
      %dma_start3A_267 = tpu.memref_squeeze %dma_start3A_266 : memref<1x128xi32, #tpu.memory_space<vmem>> -> memref<128xi32, #tpu.memory_space<vmem>>
      %dma_start3A_268 = arith.constant 0 : i32
      %dma_start3A_269 = arith.constant 0 : i32
      %dma_start3A_270 = tpu.memref_slice %arg2[%dma_start3A_268, %dma_start3A_269] : memref<10000x128xf32, #tpu.memory_space<hbm>> -> memref<10000x128xf32, #tpu.memory_space<hbm>>
      tpu.enqueue_indirect_dma source(%dma_start3A_270 : memref<10000x128xf32, #tpu.memory_space<hbm>>) target(%dma_start3A_264 : memref<128x128xf32, #tpu.memory_space<vmem>>) offsets(%dma_start3A_267 : memref<128xi32, #tpu.memory_space<vmem>>) semaphore(%arg11 : memref<!tpu.dma_semaphore, #tpu.memory_space<semaphore_mem>>)
      %dma_start3A_271 = arith.constant 1 : i32
      %dma_start3A_272 = arith.constant 0 : i32
      %dma_start3A_273 = arith.constant 0 : i32
      %dma_start3A_274 = tpu.memref_slice %arg9[%dma_start3A_271, %dma_start3A_272, %dma_start3A_273] : memref<2x128x128xf32, #tpu.memory_space<vmem>> -> memref<1x128x128xf32, #tpu.memory_space<vmem>>
      %dma_start3A_275 = tpu.memref_squeeze %dma_start3A_274 : memref<1x128x128xf32, #tpu.memory_space<vmem>> -> memref<128x128xf32, #tpu.memory_space<vmem>>
      %dma_start3A_276 = arith.constant 0 : i32
      %dma_start3A_277 = tpu.memref_slice %arg8[%add3A_198, %dma_start3A_276] : memref<40x128xi32, #tpu.memory_space<vmem>> -> memref<1x128xi32, #tpu.memory_space<vmem>>
      %dma_start3A_278 = tpu.memref_squeeze %dma_start3A_277 : memref<1x128xi32, #tpu.memory_space<vmem>> -> memref<128xi32, #tpu.memory_space<vmem>>
      %dma_start3A_279 = arith.constant 0 : i32
      %dma_start3A_280 = arith.constant 0 : i32
      %dma_start3A_281 = tpu.memref_slice %arg10[%dma_start3A_279, %dma_start3A_280] : memref<10016x128xf32, #tpu.memory_space<vmem_shared>> -> memref<10016x128xf32, #tpu.memory_space<vmem_shared>>
      tpu.enqueue_indirect_dma source(%dma_start3A_275 : memref<128x128xf32, #tpu.memory_space<vmem>>) target(%dma_start3A_281 : memref<10016x128xf32, #tpu.memory_space<vmem_shared>>) offsets(%dma_start3A_278 : memref<128xi32, #tpu.memory_space<vmem>>) semaphore(%arg14 : memref<!tpu.dma_semaphore, #tpu.memory_space<semaphore_mem>>) {add = true}
    }
    %scan3A_22 = arith.constant 19 : i32
    %dma_wait3A = arith.constant 1 : i32
    %dma_wait3A_23 = arith.constant 37 : i32
    %dma_wait3A_24 = arith.constant 0 : i32
    %dma_wait3A_25 = arith.constant 0 : i32
    %dma_wait3A_26 = tpu.memref_slice %arg9[%dma_wait3A, %dma_wait3A_24, %dma_wait3A_25] : memref<2x128x128xf32, #tpu.memory_space<vmem>> -> memref<1x128x128xf32, #tpu.memory_space<vmem>>
    %dma_wait3A_27 = tpu.memref_squeeze %dma_wait3A_26 : memref<1x128x128xf32, #tpu.memory_space<vmem>> -> memref<128x128xf32, #tpu.memory_space<vmem>>
    %dma_wait3A_28 = arith.constant 0 : i32
    %dma_wait3A_29 = tpu.memref_slice %arg8[%dma_wait3A_23, %dma_wait3A_28] : memref<40x128xi32, #tpu.memory_space<vmem>> -> memref<1x128xi32, #tpu.memory_space<vmem>>
    %dma_wait3A_30 = tpu.memref_squeeze %dma_wait3A_29 : memref<1x128xi32, #tpu.memory_space<vmem>> -> memref<128xi32, #tpu.memory_space<vmem>>
    %dma_wait3A_31 = arith.constant 0 : i32
    %dma_wait3A_32 = arith.constant 0 : i32
    %dma_wait3A_33 = tpu.memref_slice %arg10[%dma_wait3A_31, %dma_wait3A_32] : memref<10016x128xf32, #tpu.memory_space<vmem_shared>> -> memref<10016x128xf32, #tpu.memory_space<vmem_shared>>
    tpu.wait_indirect_dma semaphore(%arg14 : memref<!tpu.dma_semaphore, #tpu.memory_space<semaphore_mem>>) src(%dma_wait3A_27 : memref<128x128xf32, #tpu.memory_space<vmem>>) dst(%dma_wait3A_33 : memref<10016x128xf32, #tpu.memory_space<vmem_shared>>)
    %dma_wait3A_34 = arith.constant 38 : i32
    %dma_wait3A_35 = arith.constant 0 : i32
    %dma_wait3A_36 = arith.constant 0 : i32
    %dma_wait3A_37 = arith.constant 0 : i32
    %dma_wait3A_38 = tpu.memref_slice %arg9[%dma_wait3A_35, %dma_wait3A_36, %dma_wait3A_37] : memref<2x128x128xf32, #tpu.memory_space<vmem>> -> memref<1x128x128xf32, #tpu.memory_space<vmem>>
    %dma_wait3A_39 = tpu.memref_squeeze %dma_wait3A_38 : memref<1x128x128xf32, #tpu.memory_space<vmem>> -> memref<128x128xf32, #tpu.memory_space<vmem>>
    %dma_wait3A_40 = arith.constant 0 : i32
    %dma_wait3A_41 = tpu.memref_slice %arg7[%dma_wait3A_34, %dma_wait3A_40] : memref<40x128xi32, #tpu.memory_space<vmem>> -> memref<1x128xi32, #tpu.memory_space<vmem>>
    %dma_wait3A_42 = tpu.memref_squeeze %dma_wait3A_41 : memref<1x128xi32, #tpu.memory_space<vmem>> -> memref<128xi32, #tpu.memory_space<vmem>>
    %dma_wait3A_43 = arith.constant 0 : i32
    %dma_wait3A_44 = arith.constant 0 : i32
    %dma_wait3A_45 = tpu.memref_slice %arg2[%dma_wait3A_43, %dma_wait3A_44] : memref<10000x128xf32, #tpu.memory_space<hbm>> -> memref<10000x128xf32, #tpu.memory_space<hbm>>
    tpu.wait_indirect_dma semaphore(%arg11 : memref<!tpu.dma_semaphore, #tpu.memory_space<semaphore_mem>>) src(%dma_wait3A_45 : memref<10000x128xf32, #tpu.memory_space<hbm>>) dst(%dma_wait3A_39 : memref<128x128xf32, #tpu.memory_space<vmem>>)
    %dma_start3A_46 = arith.constant 39 : i32
    %dma_start3A_47 = arith.constant 1 : i32
    %dma_start3A_48 = arith.constant 0 : i32
    %dma_start3A_49 = arith.constant 0 : i32
    %dma_start3A_50 = tpu.memref_slice %arg9[%dma_start3A_47, %dma_start3A_48, %dma_start3A_49] : memref<2x128x128xf32, #tpu.memory_space<vmem>> -> memref<1x128x128xf32, #tpu.memory_space<vmem>>
    %dma_start3A_51 = tpu.memref_squeeze %dma_start3A_50 : memref<1x128x128xf32, #tpu.memory_space<vmem>> -> memref<128x128xf32, #tpu.memory_space<vmem>>
    %dma_start3A_52 = arith.constant 0 : i32
    %dma_start3A_53 = tpu.memref_slice %arg7[%dma_start3A_46, %dma_start3A_52] : memref<40x128xi32, #tpu.memory_space<vmem>> -> memref<1x128xi32, #tpu.memory_space<vmem>>
    %dma_start3A_54 = tpu.memref_squeeze %dma_start3A_53 : memref<1x128xi32, #tpu.memory_space<vmem>> -> memref<128xi32, #tpu.memory_space<vmem>>
    %dma_start3A_55 = arith.constant 0 : i32
    %dma_start3A_56 = arith.constant 0 : i32
    %dma_start3A_57 = tpu.memref_slice %arg2[%dma_start3A_55, %dma_start3A_56] : memref<10000x128xf32, #tpu.memory_space<hbm>> -> memref<10000x128xf32, #tpu.memory_space<hbm>>
    tpu.enqueue_indirect_dma source(%dma_start3A_57 : memref<10000x128xf32, #tpu.memory_space<hbm>>) target(%dma_start3A_51 : memref<128x128xf32, #tpu.memory_space<vmem>>) offsets(%dma_start3A_54 : memref<128xi32, #tpu.memory_space<vmem>>) semaphore(%arg12 : memref<!tpu.dma_semaphore, #tpu.memory_space<semaphore_mem>>)
    %dma_start3A_58 = arith.constant 0 : i32
    %dma_start3A_59 = arith.constant 38 : i32
    %dma_start3A_60 = arith.constant 0 : i32
    %dma_start3A_61 = arith.constant 0 : i32
    %dma_start3A_62 = tpu.memref_slice %arg9[%dma_start3A_58, %dma_start3A_60, %dma_start3A_61] : memref<2x128x128xf32, #tpu.memory_space<vmem>> -> memref<1x128x128xf32, #tpu.memory_space<vmem>>
    %dma_start3A_63 = tpu.memref_squeeze %dma_start3A_62 : memref<1x128x128xf32, #tpu.memory_space<vmem>> -> memref<128x128xf32, #tpu.memory_space<vmem>>
    %dma_start3A_64 = arith.constant 0 : i32
    %dma_start3A_65 = tpu.memref_slice %arg8[%dma_start3A_59, %dma_start3A_64] : memref<40x128xi32, #tpu.memory_space<vmem>> -> memref<1x128xi32, #tpu.memory_space<vmem>>
    %dma_start3A_66 = tpu.memref_squeeze %dma_start3A_65 : memref<1x128xi32, #tpu.memory_space<vmem>> -> memref<128xi32, #tpu.memory_space<vmem>>
    %dma_start3A_67 = arith.constant 0 : i32
    %dma_start3A_68 = arith.constant 0 : i32
    %dma_start3A_69 = tpu.memref_slice %arg10[%dma_start3A_67, %dma_start3A_68] : memref<10016x128xf32, #tpu.memory_space<vmem_shared>> -> memref<10016x128xf32, #tpu.memory_space<vmem_shared>>
    tpu.enqueue_indirect_dma source(%dma_start3A_63 : memref<128x128xf32, #tpu.memory_space<vmem>>) target(%dma_start3A_69 : memref<10016x128xf32, #tpu.memory_space<vmem_shared>>) offsets(%dma_start3A_66 : memref<128xi32, #tpu.memory_space<vmem>>) semaphore(%arg13 : memref<!tpu.dma_semaphore, #tpu.memory_space<semaphore_mem>>) {add = true}
    %dma_wait3A_70 = arith.constant 39 : i32
    %dma_wait3A_71 = arith.constant 1 : i32
    %dma_wait3A_72 = arith.constant 0 : i32
    %dma_wait3A_73 = arith.constant 0 : i32
    %dma_wait3A_74 = tpu.memref_slice %arg9[%dma_wait3A_71, %dma_wait3A_72, %dma_wait3A_73] : memref<2x128x128xf32, #tpu.memory_space<vmem>> -> memref<1x128x128xf32, #tpu.memory_space<vmem>>
    %dma_wait3A_75 = tpu.memref_squeeze %dma_wait3A_74 : memref<1x128x128xf32, #tpu.memory_space<vmem>> -> memref<128x128xf32, #tpu.memory_space<vmem>>
    %dma_wait3A_76 = arith.constant 0 : i32
    %dma_wait3A_77 = tpu.memref_slice %arg7[%dma_wait3A_70, %dma_wait3A_76] : memref<40x128xi32, #tpu.memory_space<vmem>> -> memref<1x128xi32, #tpu.memory_space<vmem>>
    %dma_wait3A_78 = tpu.memref_squeeze %dma_wait3A_77 : memref<1x128xi32, #tpu.memory_space<vmem>> -> memref<128xi32, #tpu.memory_space<vmem>>
    %dma_wait3A_79 = arith.constant 0 : i32
    %dma_wait3A_80 = arith.constant 0 : i32
    %dma_wait3A_81 = tpu.memref_slice %arg2[%dma_wait3A_79, %dma_wait3A_80] : memref<10000x128xf32, #tpu.memory_space<hbm>> -> memref<10000x128xf32, #tpu.memory_space<hbm>>
    tpu.wait_indirect_dma semaphore(%arg12 : memref<!tpu.dma_semaphore, #tpu.memory_space<semaphore_mem>>) src(%dma_wait3A_81 : memref<10000x128xf32, #tpu.memory_space<hbm>>) dst(%dma_wait3A_75 : memref<128x128xf32, #tpu.memory_space<vmem>>)
    %dma_wait3A_82 = arith.constant 0 : i32
    %dma_wait3A_83 = arith.constant 38 : i32
    %dma_wait3A_84 = arith.constant 0 : i32
    %dma_wait3A_85 = arith.constant 0 : i32
    %dma_wait3A_86 = tpu.memref_slice %arg9[%dma_wait3A_82, %dma_wait3A_84, %dma_wait3A_85] : memref<2x128x128xf32, #tpu.memory_space<vmem>> -> memref<1x128x128xf32, #tpu.memory_space<vmem>>
    %dma_wait3A_87 = tpu.memref_squeeze %dma_wait3A_86 : memref<1x128x128xf32, #tpu.memory_space<vmem>> -> memref<128x128xf32, #tpu.memory_space<vmem>>
    %dma_wait3A_88 = arith.constant 0 : i32
    %dma_wait3A_89 = tpu.memref_slice %arg8[%dma_wait3A_83, %dma_wait3A_88] : memref<40x128xi32, #tpu.memory_space<vmem>> -> memref<1x128xi32, #tpu.memory_space<vmem>>
    %dma_wait3A_90 = tpu.memref_squeeze %dma_wait3A_89 : memref<1x128xi32, #tpu.memory_space<vmem>> -> memref<128xi32, #tpu.memory_space<vmem>>
    %dma_wait3A_91 = arith.constant 0 : i32
    %dma_wait3A_92 = arith.constant 0 : i32
    %dma_wait3A_93 = tpu.memref_slice %arg10[%dma_wait3A_91, %dma_wait3A_92] : memref<10016x128xf32, #tpu.memory_space<vmem_shared>> -> memref<10016x128xf32, #tpu.memory_space<vmem_shared>>
    tpu.wait_indirect_dma semaphore(%arg13 : memref<!tpu.dma_semaphore, #tpu.memory_space<semaphore_mem>>) src(%dma_wait3A_87 : memref<128x128xf32, #tpu.memory_space<vmem>>) dst(%dma_wait3A_93 : memref<10016x128xf32, #tpu.memory_space<vmem_shared>>)
    %dma_start3A_94 = arith.constant 1 : i32
    %dma_start3A_95 = arith.constant 39 : i32
    %dma_start3A_96 = arith.constant 0 : i32
    %dma_start3A_97 = arith.constant 0 : i32
    %dma_start3A_98 = tpu.memref_slice %arg9[%dma_start3A_94, %dma_start3A_96, %dma_start3A_97] : memref<2x128x128xf32, #tpu.memory_space<vmem>> -> memref<1x128x128xf32, #tpu.memory_space<vmem>>
    %dma_start3A_99 = tpu.memref_squeeze %dma_start3A_98 : memref<1x128x128xf32, #tpu.memory_space<vmem>> -> memref<128x128xf32, #tpu.memory_space<vmem>>
    %dma_start3A_100 = arith.constant 0 : i32
    %dma_start3A_101 = tpu.memref_slice %arg8[%dma_start3A_95, %dma_start3A_100] : memref<40x128xi32, #tpu.memory_space<vmem>> -> memref<1x128xi32, #tpu.memory_space<vmem>>
    %dma_start3A_102 = tpu.memref_squeeze %dma_start3A_101 : memref<1x128xi32, #tpu.memory_space<vmem>> -> memref<128xi32, #tpu.memory_space<vmem>>
    %dma_start3A_103 = arith.constant 0 : i32
    %dma_start3A_104 = arith.constant 0 : i32
    %dma_start3A_105 = tpu.memref_slice %arg10[%dma_start3A_103, %dma_start3A_104] : memref<10016x128xf32, #tpu.memory_space<vmem_shared>> -> memref<10016x128xf32, #tpu.memory_space<vmem_shared>>
    tpu.enqueue_indirect_dma source(%dma_start3A_99 : memref<128x128xf32, #tpu.memory_space<vmem>>) target(%dma_start3A_105 : memref<10016x128xf32, #tpu.memory_space<vmem_shared>>) offsets(%dma_start3A_102 : memref<128xi32, #tpu.memory_space<vmem>>) semaphore(%arg14 : memref<!tpu.dma_semaphore, #tpu.memory_space<semaphore_mem>>) {add = true}
    %dma_wait3A_106 = arith.constant 1 : i32
    %dma_wait3A_107 = arith.constant 39 : i32
    %dma_wait3A_108 = arith.constant 0 : i32
    %dma_wait3A_109 = arith.constant 0 : i32
    %dma_wait3A_110 = tpu.memref_slice %arg9[%dma_wait3A_106, %dma_wait3A_108, %dma_wait3A_109] : memref<2x128x128xf32, #tpu.memory_space<vmem>> -> memref<1x128x128xf32, #tpu.memory_space<vmem>>
    %dma_wait3A_111 = tpu.memref_squeeze %dma_wait3A_110 : memref<1x128x128xf32, #tpu.memory_space<vmem>> -> memref<128x128xf32, #tpu.memory_space<vmem>>
    %dma_wait3A_112 = arith.constant 0 : i32
    %dma_wait3A_113 = tpu.memref_slice %arg8[%dma_wait3A_107, %dma_wait3A_112] : memref<40x128xi32, #tpu.memory_space<vmem>> -> memref<1x128xi32, #tpu.memory_space<vmem>>
    %dma_wait3A_114 = tpu.memref_squeeze %dma_wait3A_113 : memref<1x128xi32, #tpu.memory_space<vmem>> -> memref<128xi32, #tpu.memory_space<vmem>>
    %dma_wait3A_115 = arith.constant 0 : i32
    %dma_wait3A_116 = arith.constant 0 : i32
    %dma_wait3A_117 = tpu.memref_slice %arg10[%dma_wait3A_115, %dma_wait3A_116] : memref<10016x128xf32, #tpu.memory_space<vmem_shared>> -> memref<10016x128xf32, #tpu.memory_space<vmem_shared>>
    tpu.wait_indirect_dma semaphore(%arg14 : memref<!tpu.dma_semaphore, #tpu.memory_space<semaphore_mem>>) src(%dma_wait3A_111 : memref<128x128xf32, #tpu.memory_space<vmem>>) dst(%dma_wait3A_117 : memref<10016x128xf32, #tpu.memory_space<vmem_shared>>)
    "tpu.region"() ({
      %run_scoped3A = tpu.sem_alloc : memref<!tpu.dma_semaphore, #tpu.memory_space<semaphore_mem>>
      %dma_start3A_194 = arith.constant 0 : i32
      %dma_start3A_195 = arith.constant 0 : i32
      %dma_start3A_196 = tpu.memref_slice %arg7[%dma_start3A_194, %dma_start3A_195] : memref<40x128xi32, #tpu.memory_space<vmem>> -> memref<39x128xi32, #tpu.memory_space<vmem>>
      %dma_start3A_197 = arith.constant 40 : i32
      %dma_start3A_198 = arith.constant 0 : i32
      %dma_start3A_199 = tpu.memref_slice %arg3[%add3A, %dma_start3A_197, %dma_start3A_198] : memref<32x79x128xi32, #tpu.memory_space<hbm>> -> memref<1x39x128xi32, #tpu.memory_space<hbm>>
      %dma_start3A_200 = tpu.memref_squeeze %dma_start3A_199 : memref<1x39x128xi32, #tpu.memory_space<hbm>> -> memref<39x128xi32, #tpu.memory_space<hbm>>
      %dma_start3A_201 = arith.constant 0 : i32
      %dma_start3A_202 = arith.constant 0 : i32
      %dma_start3A_203 = tpu.memref_slice %arg7[%dma_start3A_201, %dma_start3A_202] : memref<40x128xi32, #tpu.memory_space<vmem>> -> memref<39x128xi32, #tpu.memory_space<vmem>>
      %dma_start3A_204 = arith.constant 40 : i32
      %dma_start3A_205 = arith.constant 0 : i32
      %dma_start3A_206 = tpu.memref_slice %arg3[%add3A, %dma_start3A_204, %dma_start3A_205] : memref<32x79x128xi32, #tpu.memory_space<hbm>> -> memref<1x39x128xi32, #tpu.memory_space<hbm>>
      %dma_start3A_207 = tpu.memref_squeeze %dma_start3A_206 : memref<1x39x128xi32, #tpu.memory_space<hbm>> -> memref<39x128xi32, #tpu.memory_space<hbm>>
      tpu.enqueue_dma source(%dma_start3A_207 : memref<39x128xi32, #tpu.memory_space<hbm>>) target(%dma_start3A_203 : memref<39x128xi32, #tpu.memory_space<vmem>>) target_semaphore(%run_scoped3A : memref<!tpu.dma_semaphore, #tpu.memory_space<semaphore_mem>>)
      %dma_wait3A_208 = arith.constant 0 : i32
      %dma_wait3A_209 = arith.constant 0 : i32
      %dma_wait3A_210 = tpu.memref_slice %arg7[%dma_wait3A_208, %dma_wait3A_209] : memref<40x128xi32, #tpu.memory_space<vmem>> -> memref<39x128xi32, #tpu.memory_space<vmem>>
      %dma_wait3A_211 = arith.constant 40 : i32
      %dma_wait3A_212 = arith.constant 0 : i32
      %dma_wait3A_213 = tpu.memref_slice %arg3[%add3A, %dma_wait3A_211, %dma_wait3A_212] : memref<32x79x128xi32, #tpu.memory_space<hbm>> -> memref<1x39x128xi32, #tpu.memory_space<hbm>>
      %dma_wait3A_214 = tpu.memref_squeeze %dma_wait3A_213 : memref<1x39x128xi32, #tpu.memory_space<hbm>> -> memref<39x128xi32, #tpu.memory_space<hbm>>
      %dma_wait3A_215 = arith.constant 0 : i32
      %dma_wait3A_216 = arith.constant 0 : i32
      %dma_wait3A_217 = tpu.memref_slice %arg7[%dma_wait3A_215, %dma_wait3A_216] : memref<40x128xi32, #tpu.memory_space<vmem>> -> memref<39x128xi32, #tpu.memory_space<vmem>>
      %dma_wait3A_218 = arith.constant 40 : i32
      %dma_wait3A_219 = arith.constant 0 : i32
      %dma_wait3A_220 = tpu.memref_slice %arg3[%add3A, %dma_wait3A_218, %dma_wait3A_219] : memref<32x79x128xi32, #tpu.memory_space<hbm>> -> memref<1x39x128xi32, #tpu.memory_space<hbm>>
      %dma_wait3A_221 = tpu.memref_squeeze %dma_wait3A_220 : memref<1x39x128xi32, #tpu.memory_space<hbm>> -> memref<39x128xi32, #tpu.memory_space<hbm>>
      tpu.wait_dma2 semaphore(%run_scoped3A : memref<!tpu.dma_semaphore, #tpu.memory_space<semaphore_mem>>) src(%dma_wait3A_221 : memref<39x128xi32, #tpu.memory_space<hbm>>) dst(%dma_wait3A_217 : memref<39x128xi32, #tpu.memory_space<vmem>>)
      tpu.yield
    }) : () -> ()
    "tpu.region"() ({
      %run_scoped3A = tpu.sem_alloc : memref<!tpu.dma_semaphore, #tpu.memory_space<semaphore_mem>>
      %dma_start3A_194 = arith.constant 0 : i32
      %dma_start3A_195 = arith.constant 0 : i32
      %dma_start3A_196 = tpu.memref_slice %arg8[%dma_start3A_194, %dma_start3A_195] : memref<40x128xi32, #tpu.memory_space<vmem>> -> memref<39x128xi32, #tpu.memory_space<vmem>>
      %dma_start3A_197 = arith.constant 40 : i32
      %dma_start3A_198 = arith.constant 0 : i32
      %dma_start3A_199 = tpu.memref_slice %arg4[%add3A, %dma_start3A_197, %dma_start3A_198] : memref<32x79x128xi32, #tpu.memory_space<hbm>> -> memref<1x39x128xi32, #tpu.memory_space<hbm>>
      %dma_start3A_200 = tpu.memref_squeeze %dma_start3A_199 : memref<1x39x128xi32, #tpu.memory_space<hbm>> -> memref<39x128xi32, #tpu.memory_space<hbm>>
      %dma_start3A_201 = arith.constant 0 : i32
      %dma_start3A_202 = arith.constant 0 : i32
      %dma_start3A_203 = tpu.memref_slice %arg8[%dma_start3A_201, %dma_start3A_202] : memref<40x128xi32, #tpu.memory_space<vmem>> -> memref<39x128xi32, #tpu.memory_space<vmem>>
      %dma_start3A_204 = arith.constant 40 : i32
      %dma_start3A_205 = arith.constant 0 : i32
      %dma_start3A_206 = tpu.memref_slice %arg4[%add3A, %dma_start3A_204, %dma_start3A_205] : memref<32x79x128xi32, #tpu.memory_space<hbm>> -> memref<1x39x128xi32, #tpu.memory_space<hbm>>
      %dma_start3A_207 = tpu.memref_squeeze %dma_start3A_206 : memref<1x39x128xi32, #tpu.memory_space<hbm>> -> memref<39x128xi32, #tpu.memory_space<hbm>>
      tpu.enqueue_dma source(%dma_start3A_207 : memref<39x128xi32, #tpu.memory_space<hbm>>) target(%dma_start3A_203 : memref<39x128xi32, #tpu.memory_space<vmem>>) target_semaphore(%run_scoped3A : memref<!tpu.dma_semaphore, #tpu.memory_space<semaphore_mem>>)
      %dma_wait3A_208 = arith.constant 0 : i32
      %dma_wait3A_209 = arith.constant 0 : i32
      %dma_wait3A_210 = tpu.memref_slice %arg8[%dma_wait3A_208, %dma_wait3A_209] : memref<40x128xi32, #tpu.memory_space<vmem>> -> memref<39x128xi32, #tpu.memory_space<vmem>>
      %dma_wait3A_211 = arith.constant 40 : i32
      %dma_wait3A_212 = arith.constant 0 : i32
      %dma_wait3A_213 = tpu.memref_slice %arg4[%add3A, %dma_wait3A_211, %dma_wait3A_212] : memref<32x79x128xi32, #tpu.memory_space<hbm>> -> memref<1x39x128xi32, #tpu.memory_space<hbm>>
      %dma_wait3A_214 = tpu.memref_squeeze %dma_wait3A_213 : memref<1x39x128xi32, #tpu.memory_space<hbm>> -> memref<39x128xi32, #tpu.memory_space<hbm>>
      %dma_wait3A_215 = arith.constant 0 : i32
      %dma_wait3A_216 = arith.constant 0 : i32
      %dma_wait3A_217 = tpu.memref_slice %arg8[%dma_wait3A_215, %dma_wait3A_216] : memref<40x128xi32, #tpu.memory_space<vmem>> -> memref<39x128xi32, #tpu.memory_space<vmem>>
      %dma_wait3A_218 = arith.constant 40 : i32
      %dma_wait3A_219 = arith.constant 0 : i32
      %dma_wait3A_220 = tpu.memref_slice %arg4[%add3A, %dma_wait3A_218, %dma_wait3A_219] : memref<32x79x128xi32, #tpu.memory_space<hbm>> -> memref<1x39x128xi32, #tpu.memory_space<hbm>>
      %dma_wait3A_221 = tpu.memref_squeeze %dma_wait3A_220 : memref<1x39x128xi32, #tpu.memory_space<hbm>> -> memref<39x128xi32, #tpu.memory_space<hbm>>
      tpu.wait_dma2 semaphore(%run_scoped3A : memref<!tpu.dma_semaphore, #tpu.memory_space<semaphore_mem>>) src(%dma_wait3A_221 : memref<39x128xi32, #tpu.memory_space<hbm>>) dst(%dma_wait3A_217 : memref<39x128xi32, #tpu.memory_space<vmem>>)
      tpu.yield
    }) : () -> ()
    %dma_start3A_118 = arith.constant 0 : i32
    %dma_start3A_119 = arith.constant 0 : i32
    %dma_start3A_120 = arith.constant 0 : i32
    %dma_start3A_121 = arith.constant 0 : i32
    %dma_start3A_122 = tpu.memref_slice %arg9[%dma_start3A_119, %dma_start3A_120, %dma_start3A_121] : memref<2x128x128xf32, #tpu.memory_space<vmem>> -> memref<1x128x128xf32, #tpu.memory_space<vmem>>
    %dma_start3A_123 = tpu.memref_squeeze %dma_start3A_122 : memref<1x128x128xf32, #tpu.memory_space<vmem>> -> memref<128x128xf32, #tpu.memory_space<vmem>>
    %dma_start3A_124 = arith.constant 0 : i32
    %dma_start3A_125 = tpu.memref_slice %arg7[%dma_start3A_118, %dma_start3A_124] : memref<40x128xi32, #tpu.memory_space<vmem>> -> memref<1x128xi32, #tpu.memory_space<vmem>>
    %dma_start3A_126 = tpu.memref_squeeze %dma_start3A_125 : memref<1x128xi32, #tpu.memory_space<vmem>> -> memref<128xi32, #tpu.memory_space<vmem>>
    %dma_start3A_127 = arith.constant 0 : i32
    %dma_start3A_128 = arith.constant 0 : i32
    %dma_start3A_129 = tpu.memref_slice %arg2[%dma_start3A_127, %dma_start3A_128] : memref<10000x128xf32, #tpu.memory_space<hbm>> -> memref<10000x128xf32, #tpu.memory_space<hbm>>
    tpu.enqueue_indirect_dma source(%dma_start3A_129 : memref<10000x128xf32, #tpu.memory_space<hbm>>) target(%dma_start3A_123 : memref<128x128xf32, #tpu.memory_space<vmem>>) offsets(%dma_start3A_126 : memref<128xi32, #tpu.memory_space<vmem>>) semaphore(%arg11 : memref<!tpu.dma_semaphore, #tpu.memory_space<semaphore_mem>>)
    %scan3A_130 = arith.constant 0 : i32
    %scan3A_131 = arith.constant 0 : i32
    %scan3A_132 = arith.constant 19 : i32
    %scan3A_133 = arith.addi %scan3A_131, %scan3A_132 : i32
    %scan3A_134 = arith.constant 1 : i32
    scf.for %scan3A_194 = %scan3A_131 to %scan3A_133 step %scan3A_134  : i32 {
      %mul3A_195 = arith.constant 2 : i32
      %mul3A_196 = arith.muli %mul3A_195, %scan3A_194 : i32
      %add3A_197 = arith.constant 1 : i32
      %add3A_198 = arith.addi %mul3A_196, %add3A_197 : i32
      %dma_wait3A_199 = arith.constant 0 : i32
      %dma_wait3A_200 = arith.constant 0 : i32
      %dma_wait3A_201 = arith.constant 0 : i32
      %dma_wait3A_202 = tpu.memref_slice %arg9[%dma_wait3A_199, %dma_wait3A_200, %dma_wait3A_201] : memref<2x128x128xf32, #tpu.memory_space<vmem>> -> memref<1x128x128xf32, #tpu.memory_space<vmem>>
      %dma_wait3A_203 = tpu.memref_squeeze %dma_wait3A_202 : memref<1x128x128xf32, #tpu.memory_space<vmem>> -> memref<128x128xf32, #tpu.memory_space<vmem>>
      %dma_wait3A_204 = arith.constant 0 : i32
      %dma_wait3A_205 = tpu.memref_slice %arg7[%mul3A_196, %dma_wait3A_204] : memref<40x128xi32, #tpu.memory_space<vmem>> -> memref<1x128xi32, #tpu.memory_space<vmem>>
      %dma_wait3A_206 = tpu.memref_squeeze %dma_wait3A_205 : memref<1x128xi32, #tpu.memory_space<vmem>> -> memref<128xi32, #tpu.memory_space<vmem>>
      %dma_wait3A_207 = arith.constant 0 : i32
      %dma_wait3A_208 = arith.constant 0 : i32
      %dma_wait3A_209 = tpu.memref_slice %arg2[%dma_wait3A_207, %dma_wait3A_208] : memref<10000x128xf32, #tpu.memory_space<hbm>> -> memref<10000x128xf32, #tpu.memory_space<hbm>>
      tpu.wait_indirect_dma semaphore(%arg11 : memref<!tpu.dma_semaphore, #tpu.memory_space<semaphore_mem>>) src(%dma_wait3A_209 : memref<10000x128xf32, #tpu.memory_space<hbm>>) dst(%dma_wait3A_203 : memref<128x128xf32, #tpu.memory_space<vmem>>)
      %ge3A = arith.constant 1 : i32
      %ge3A_210 = arith.cmpi sge, %scan3A_194, %ge3A : i32
      %convert_element_type3A_211 = arith.extui %ge3A_210 : i1 to i32
      %cond3A_212 = arith.constant 0 : i32
      %cond3A_213 = arith.cmpi ne, %convert_element_type3A_211, %cond3A_212 : i32
      scf.if %cond3A_213 {
        %sub3A = arith.constant 2 : i32
        %sub3A_282 = arith.subi %add3A_198, %sub3A : i32
        %dma_wait3A_283 = arith.constant 1 : i32
        %dma_wait3A_284 = arith.constant 0 : i32
        %dma_wait3A_285 = arith.constant 0 : i32
        %dma_wait3A_286 = tpu.memref_slice %arg9[%dma_wait3A_283, %dma_wait3A_284, %dma_wait3A_285] : memref<2x128x128xf32, #tpu.memory_space<vmem>> -> memref<1x128x128xf32, #tpu.memory_space<vmem>>
        %dma_wait3A_287 = tpu.memref_squeeze %dma_wait3A_286 : memref<1x128x128xf32, #tpu.memory_space<vmem>> -> memref<128x128xf32, #tpu.memory_space<vmem>>
        %dma_wait3A_288 = arith.constant 0 : i32
        %dma_wait3A_289 = tpu.memref_slice %arg8[%sub3A_282, %dma_wait3A_288] : memref<40x128xi32, #tpu.memory_space<vmem>> -> memref<1x128xi32, #tpu.memory_space<vmem>>
        %dma_wait3A_290 = tpu.memref_squeeze %dma_wait3A_289 : memref<1x128xi32, #tpu.memory_space<vmem>> -> memref<128xi32, #tpu.memory_space<vmem>>
        %dma_wait3A_291 = arith.constant 0 : i32
        %dma_wait3A_292 = arith.constant 0 : i32
        %dma_wait3A_293 = tpu.memref_slice %arg10[%dma_wait3A_291, %dma_wait3A_292] : memref<10016x128xf32, #tpu.memory_space<vmem_shared>> -> memref<10016x128xf32, #tpu.memory_space<vmem_shared>>
        tpu.wait_indirect_dma semaphore(%arg14 : memref<!tpu.dma_semaphore, #tpu.memory_space<semaphore_mem>>) src(%dma_wait3A_287 : memref<128x128xf32, #tpu.memory_space<vmem>>) dst(%dma_wait3A_293 : memref<10016x128xf32, #tpu.memory_space<vmem_shared>>)
      } else {
      }
      %dma_start3A_214 = arith.constant 1 : i32
      %dma_start3A_215 = arith.constant 0 : i32
      %dma_start3A_216 = arith.constant 0 : i32
      %dma_start3A_217 = tpu.memref_slice %arg9[%dma_start3A_214, %dma_start3A_215, %dma_start3A_216] : memref<2x128x128xf32, #tpu.memory_space<vmem>> -> memref<1x128x128xf32, #tpu.memory_space<vmem>>
      %dma_start3A_218 = tpu.memref_squeeze %dma_start3A_217 : memref<1x128x128xf32, #tpu.memory_space<vmem>> -> memref<128x128xf32, #tpu.memory_space<vmem>>
      %dma_start3A_219 = arith.constant 0 : i32
      %dma_start3A_220 = tpu.memref_slice %arg7[%add3A_198, %dma_start3A_219] : memref<40x128xi32, #tpu.memory_space<vmem>> -> memref<1x128xi32, #tpu.memory_space<vmem>>
      %dma_start3A_221 = tpu.memref_squeeze %dma_start3A_220 : memref<1x128xi32, #tpu.memory_space<vmem>> -> memref<128xi32, #tpu.memory_space<vmem>>
      %dma_start3A_222 = arith.constant 0 : i32
      %dma_start3A_223 = arith.constant 0 : i32
      %dma_start3A_224 = tpu.memref_slice %arg2[%dma_start3A_222, %dma_start3A_223] : memref<10000x128xf32, #tpu.memory_space<hbm>> -> memref<10000x128xf32, #tpu.memory_space<hbm>>
      tpu.enqueue_indirect_dma source(%dma_start3A_224 : memref<10000x128xf32, #tpu.memory_space<hbm>>) target(%dma_start3A_218 : memref<128x128xf32, #tpu.memory_space<vmem>>) offsets(%dma_start3A_221 : memref<128xi32, #tpu.memory_space<vmem>>) semaphore(%arg12 : memref<!tpu.dma_semaphore, #tpu.memory_space<semaphore_mem>>)
      %dma_start3A_225 = arith.constant 0 : i32
      %dma_start3A_226 = arith.constant 0 : i32
      %dma_start3A_227 = arith.constant 0 : i32
      %dma_start3A_228 = tpu.memref_slice %arg9[%dma_start3A_225, %dma_start3A_226, %dma_start3A_227] : memref<2x128x128xf32, #tpu.memory_space<vmem>> -> memref<1x128x128xf32, #tpu.memory_space<vmem>>
      %dma_start3A_229 = tpu.memref_squeeze %dma_start3A_228 : memref<1x128x128xf32, #tpu.memory_space<vmem>> -> memref<128x128xf32, #tpu.memory_space<vmem>>
      %dma_start3A_230 = arith.constant 0 : i32
      %dma_start3A_231 = tpu.memref_slice %arg8[%mul3A_196, %dma_start3A_230] : memref<40x128xi32, #tpu.memory_space<vmem>> -> memref<1x128xi32, #tpu.memory_space<vmem>>
      %dma_start3A_232 = tpu.memref_squeeze %dma_start3A_231 : memref<1x128xi32, #tpu.memory_space<vmem>> -> memref<128xi32, #tpu.memory_space<vmem>>
      %dma_start3A_233 = arith.constant 0 : i32
      %dma_start3A_234 = arith.constant 0 : i32
      %dma_start3A_235 = tpu.memref_slice %arg10[%dma_start3A_233, %dma_start3A_234] : memref<10016x128xf32, #tpu.memory_space<vmem_shared>> -> memref<10016x128xf32, #tpu.memory_space<vmem_shared>>
      tpu.enqueue_indirect_dma source(%dma_start3A_229 : memref<128x128xf32, #tpu.memory_space<vmem>>) target(%dma_start3A_235 : memref<10016x128xf32, #tpu.memory_space<vmem_shared>>) offsets(%dma_start3A_232 : memref<128xi32, #tpu.memory_space<vmem>>) semaphore(%arg13 : memref<!tpu.dma_semaphore, #tpu.memory_space<semaphore_mem>>) {add = true}
      %dma_wait3A_236 = arith.constant 1 : i32
      %dma_wait3A_237 = arith.constant 0 : i32
      %dma_wait3A_238 = arith.constant 0 : i32
      %dma_wait3A_239 = tpu.memref_slice %arg9[%dma_wait3A_236, %dma_wait3A_237, %dma_wait3A_238] : memref<2x128x128xf32, #tpu.memory_space<vmem>> -> memref<1x128x128xf32, #tpu.memory_space<vmem>>
      %dma_wait3A_240 = tpu.memref_squeeze %dma_wait3A_239 : memref<1x128x128xf32, #tpu.memory_space<vmem>> -> memref<128x128xf32, #tpu.memory_space<vmem>>
      %dma_wait3A_241 = arith.constant 0 : i32
      %dma_wait3A_242 = tpu.memref_slice %arg7[%add3A_198, %dma_wait3A_241] : memref<40x128xi32, #tpu.memory_space<vmem>> -> memref<1x128xi32, #tpu.memory_space<vmem>>
      %dma_wait3A_243 = tpu.memref_squeeze %dma_wait3A_242 : memref<1x128xi32, #tpu.memory_space<vmem>> -> memref<128xi32, #tpu.memory_space<vmem>>
      %dma_wait3A_244 = arith.constant 0 : i32
      %dma_wait3A_245 = arith.constant 0 : i32
      %dma_wait3A_246 = tpu.memref_slice %arg2[%dma_wait3A_244, %dma_wait3A_245] : memref<10000x128xf32, #tpu.memory_space<hbm>> -> memref<10000x128xf32, #tpu.memory_space<hbm>>
      tpu.wait_indirect_dma semaphore(%arg12 : memref<!tpu.dma_semaphore, #tpu.memory_space<semaphore_mem>>) src(%dma_wait3A_246 : memref<10000x128xf32, #tpu.memory_space<hbm>>) dst(%dma_wait3A_240 : memref<128x128xf32, #tpu.memory_space<vmem>>)
      %dma_wait3A_247 = arith.constant 0 : i32
      %dma_wait3A_248 = arith.constant 0 : i32
      %dma_wait3A_249 = arith.constant 0 : i32
      %dma_wait3A_250 = tpu.memref_slice %arg9[%dma_wait3A_247, %dma_wait3A_248, %dma_wait3A_249] : memref<2x128x128xf32, #tpu.memory_space<vmem>> -> memref<1x128x128xf32, #tpu.memory_space<vmem>>
      %dma_wait3A_251 = tpu.memref_squeeze %dma_wait3A_250 : memref<1x128x128xf32, #tpu.memory_space<vmem>> -> memref<128x128xf32, #tpu.memory_space<vmem>>
      %dma_wait3A_252 = arith.constant 0 : i32
      %dma_wait3A_253 = tpu.memref_slice %arg8[%mul3A_196, %dma_wait3A_252] : memref<40x128xi32, #tpu.memory_space<vmem>> -> memref<1x128xi32, #tpu.memory_space<vmem>>
      %dma_wait3A_254 = tpu.memref_squeeze %dma_wait3A_253 : memref<1x128xi32, #tpu.memory_space<vmem>> -> memref<128xi32, #tpu.memory_space<vmem>>
      %dma_wait3A_255 = arith.constant 0 : i32
      %dma_wait3A_256 = arith.constant 0 : i32
      %dma_wait3A_257 = tpu.memref_slice %arg10[%dma_wait3A_255, %dma_wait3A_256] : memref<10016x128xf32, #tpu.memory_space<vmem_shared>> -> memref<10016x128xf32, #tpu.memory_space<vmem_shared>>
      tpu.wait_indirect_dma semaphore(%arg13 : memref<!tpu.dma_semaphore, #tpu.memory_space<semaphore_mem>>) src(%dma_wait3A_251 : memref<128x128xf32, #tpu.memory_space<vmem>>) dst(%dma_wait3A_257 : memref<10016x128xf32, #tpu.memory_space<vmem_shared>>)
      %add3A_258 = arith.constant 2 : i32
      %add3A_259 = arith.addi %mul3A_196, %add3A_258 : i32
      %dma_start3A_260 = arith.constant 0 : i32
      %dma_start3A_261 = arith.constant 0 : i32
      %dma_start3A_262 = arith.constant 0 : i32
      %dma_start3A_263 = tpu.memref_slice %arg9[%dma_start3A_260, %dma_start3A_261, %dma_start3A_262] : memref<2x128x128xf32, #tpu.memory_space<vmem>> -> memref<1x128x128xf32, #tpu.memory_space<vmem>>
      %dma_start3A_264 = tpu.memref_squeeze %dma_start3A_263 : memref<1x128x128xf32, #tpu.memory_space<vmem>> -> memref<128x128xf32, #tpu.memory_space<vmem>>
      %dma_start3A_265 = arith.constant 0 : i32
      %dma_start3A_266 = tpu.memref_slice %arg7[%add3A_259, %dma_start3A_265] : memref<40x128xi32, #tpu.memory_space<vmem>> -> memref<1x128xi32, #tpu.memory_space<vmem>>
      %dma_start3A_267 = tpu.memref_squeeze %dma_start3A_266 : memref<1x128xi32, #tpu.memory_space<vmem>> -> memref<128xi32, #tpu.memory_space<vmem>>
      %dma_start3A_268 = arith.constant 0 : i32
      %dma_start3A_269 = arith.constant 0 : i32
      %dma_start3A_270 = tpu.memref_slice %arg2[%dma_start3A_268, %dma_start3A_269] : memref<10000x128xf32, #tpu.memory_space<hbm>> -> memref<10000x128xf32, #tpu.memory_space<hbm>>
      tpu.enqueue_indirect_dma source(%dma_start3A_270 : memref<10000x128xf32, #tpu.memory_space<hbm>>) target(%dma_start3A_264 : memref<128x128xf32, #tpu.memory_space<vmem>>) offsets(%dma_start3A_267 : memref<128xi32, #tpu.memory_space<vmem>>) semaphore(%arg11 : memref<!tpu.dma_semaphore, #tpu.memory_space<semaphore_mem>>)
      %dma_start3A_271 = arith.constant 1 : i32
      %dma_start3A_272 = arith.constant 0 : i32
      %dma_start3A_273 = arith.constant 0 : i32
      %dma_start3A_274 = tpu.memref_slice %arg9[%dma_start3A_271, %dma_start3A_272, %dma_start3A_273] : memref<2x128x128xf32, #tpu.memory_space<vmem>> -> memref<1x128x128xf32, #tpu.memory_space<vmem>>
      %dma_start3A_275 = tpu.memref_squeeze %dma_start3A_274 : memref<1x128x128xf32, #tpu.memory_space<vmem>> -> memref<128x128xf32, #tpu.memory_space<vmem>>
      %dma_start3A_276 = arith.constant 0 : i32
      %dma_start3A_277 = tpu.memref_slice %arg8[%add3A_198, %dma_start3A_276] : memref<40x128xi32, #tpu.memory_space<vmem>> -> memref<1x128xi32, #tpu.memory_space<vmem>>
      %dma_start3A_278 = tpu.memref_squeeze %dma_start3A_277 : memref<1x128xi32, #tpu.memory_space<vmem>> -> memref<128xi32, #tpu.memory_space<vmem>>
      %dma_start3A_279 = arith.constant 0 : i32
      %dma_start3A_280 = arith.constant 0 : i32
      %dma_start3A_281 = tpu.memref_slice %arg10[%dma_start3A_279, %dma_start3A_280] : memref<10016x128xf32, #tpu.memory_space<vmem_shared>> -> memref<10016x128xf32, #tpu.memory_space<vmem_shared>>
      tpu.enqueue_indirect_dma source(%dma_start3A_275 : memref<128x128xf32, #tpu.memory_space<vmem>>) target(%dma_start3A_281 : memref<10016x128xf32, #tpu.memory_space<vmem_shared>>) offsets(%dma_start3A_278 : memref<128xi32, #tpu.memory_space<vmem>>) semaphore(%arg14 : memref<!tpu.dma_semaphore, #tpu.memory_space<semaphore_mem>>) {add = true}
    }
    %scan3A_135 = arith.constant 19 : i32
    %dma_wait3A_136 = arith.constant 1 : i32
    %dma_wait3A_137 = arith.constant 37 : i32
    %dma_wait3A_138 = arith.constant 0 : i32
    %dma_wait3A_139 = arith.constant 0 : i32
    %dma_wait3A_140 = tpu.memref_slice %arg9[%dma_wait3A_136, %dma_wait3A_138, %dma_wait3A_139] : memref<2x128x128xf32, #tpu.memory_space<vmem>> -> memref<1x128x128xf32, #tpu.memory_space<vmem>>
    %dma_wait3A_141 = tpu.memref_squeeze %dma_wait3A_140 : memref<1x128x128xf32, #tpu.memory_space<vmem>> -> memref<128x128xf32, #tpu.memory_space<vmem>>
    %dma_wait3A_142 = arith.constant 0 : i32
    %dma_wait3A_143 = tpu.memref_slice %arg8[%dma_wait3A_137, %dma_wait3A_142] : memref<40x128xi32, #tpu.memory_space<vmem>> -> memref<1x128xi32, #tpu.memory_space<vmem>>
    %dma_wait3A_144 = tpu.memref_squeeze %dma_wait3A_143 : memref<1x128xi32, #tpu.memory_space<vmem>> -> memref<128xi32, #tpu.memory_space<vmem>>
    %dma_wait3A_145 = arith.constant 0 : i32
    %dma_wait3A_146 = arith.constant 0 : i32
    %dma_wait3A_147 = tpu.memref_slice %arg10[%dma_wait3A_145, %dma_wait3A_146] : memref<10016x128xf32, #tpu.memory_space<vmem_shared>> -> memref<10016x128xf32, #tpu.memory_space<vmem_shared>>
    tpu.wait_indirect_dma semaphore(%arg14 : memref<!tpu.dma_semaphore, #tpu.memory_space<semaphore_mem>>) src(%dma_wait3A_141 : memref<128x128xf32, #tpu.memory_space<vmem>>) dst(%dma_wait3A_147 : memref<10016x128xf32, #tpu.memory_space<vmem_shared>>)
    %dma_wait3A_148 = arith.constant 38 : i32
    %dma_wait3A_149 = arith.constant 0 : i32
    %dma_wait3A_150 = arith.constant 0 : i32
    %dma_wait3A_151 = arith.constant 0 : i32
    %dma_wait3A_152 = tpu.memref_slice %arg9[%dma_wait3A_149, %dma_wait3A_150, %dma_wait3A_151] : memref<2x128x128xf32, #tpu.memory_space<vmem>> -> memref<1x128x128xf32, #tpu.memory_space<vmem>>
    %dma_wait3A_153 = tpu.memref_squeeze %dma_wait3A_152 : memref<1x128x128xf32, #tpu.memory_space<vmem>> -> memref<128x128xf32, #tpu.memory_space<vmem>>
    %dma_wait3A_154 = arith.constant 0 : i32
    %dma_wait3A_155 = tpu.memref_slice %arg7[%dma_wait3A_148, %dma_wait3A_154] : memref<40x128xi32, #tpu.memory_space<vmem>> -> memref<1x128xi32, #tpu.memory_space<vmem>>
    %dma_wait3A_156 = tpu.memref_squeeze %dma_wait3A_155 : memref<1x128xi32, #tpu.memory_space<vmem>> -> memref<128xi32, #tpu.memory_space<vmem>>
    %dma_wait3A_157 = arith.constant 0 : i32
    %dma_wait3A_158 = arith.constant 0 : i32
    %dma_wait3A_159 = tpu.memref_slice %arg2[%dma_wait3A_157, %dma_wait3A_158] : memref<10000x128xf32, #tpu.memory_space<hbm>> -> memref<10000x128xf32, #tpu.memory_space<hbm>>
    tpu.wait_indirect_dma semaphore(%arg11 : memref<!tpu.dma_semaphore, #tpu.memory_space<semaphore_mem>>) src(%dma_wait3A_159 : memref<10000x128xf32, #tpu.memory_space<hbm>>) dst(%dma_wait3A_153 : memref<128x128xf32, #tpu.memory_space<vmem>>)
    %dma_start3A_160 = arith.constant 0 : i32
    %dma_start3A_161 = arith.constant 38 : i32
    %dma_start3A_162 = arith.constant 0 : i32
    %dma_start3A_163 = arith.constant 0 : i32
    %dma_start3A_164 = tpu.memref_slice %arg9[%dma_start3A_160, %dma_start3A_162, %dma_start3A_163] : memref<2x128x128xf32, #tpu.memory_space<vmem>> -> memref<1x128x128xf32, #tpu.memory_space<vmem>>
    %dma_start3A_165 = tpu.memref_squeeze %dma_start3A_164 : memref<1x128x128xf32, #tpu.memory_space<vmem>> -> memref<128x128xf32, #tpu.memory_space<vmem>>
    %dma_start3A_166 = arith.constant 0 : i32
    %dma_start3A_167 = tpu.memref_slice %arg8[%dma_start3A_161, %dma_start3A_166] : memref<40x128xi32, #tpu.memory_space<vmem>> -> memref<1x128xi32, #tpu.memory_space<vmem>>
    %dma_start3A_168 = tpu.memref_squeeze %dma_start3A_167 : memref<1x128xi32, #tpu.memory_space<vmem>> -> memref<128xi32, #tpu.memory_space<vmem>>
    %dma_start3A_169 = arith.constant 0 : i32
    %dma_start3A_170 = arith.constant 0 : i32
    %dma_start3A_171 = tpu.memref_slice %arg10[%dma_start3A_169, %dma_start3A_170] : memref<10016x128xf32, #tpu.memory_space<vmem_shared>> -> memref<10016x128xf32, #tpu.memory_space<vmem_shared>>
    tpu.enqueue_indirect_dma source(%dma_start3A_165 : memref<128x128xf32, #tpu.memory_space<vmem>>) target(%dma_start3A_171 : memref<10016x128xf32, #tpu.memory_space<vmem_shared>>) offsets(%dma_start3A_168 : memref<128xi32, #tpu.memory_space<vmem>>) semaphore(%arg13 : memref<!tpu.dma_semaphore, #tpu.memory_space<semaphore_mem>>) {add = true}
    %dma_wait3A_172 = arith.constant 0 : i32
    %dma_wait3A_173 = arith.constant 38 : i32
    %dma_wait3A_174 = arith.constant 0 : i32
    %dma_wait3A_175 = arith.constant 0 : i32
    %dma_wait3A_176 = tpu.memref_slice %arg9[%dma_wait3A_172, %dma_wait3A_174, %dma_wait3A_175] : memref<2x128x128xf32, #tpu.memory_space<vmem>> -> memref<1x128x128xf32, #tpu.memory_space<vmem>>
    %dma_wait3A_177 = tpu.memref_squeeze %dma_wait3A_176 : memref<1x128x128xf32, #tpu.memory_space<vmem>> -> memref<128x128xf32, #tpu.memory_space<vmem>>
    %dma_wait3A_178 = arith.constant 0 : i32
    %dma_wait3A_179 = tpu.memref_slice %arg8[%dma_wait3A_173, %dma_wait3A_178] : memref<40x128xi32, #tpu.memory_space<vmem>> -> memref<1x128xi32, #tpu.memory_space<vmem>>
    %dma_wait3A_180 = tpu.memref_squeeze %dma_wait3A_179 : memref<1x128xi32, #tpu.memory_space<vmem>> -> memref<128xi32, #tpu.memory_space<vmem>>
    %dma_wait3A_181 = arith.constant 0 : i32
    %dma_wait3A_182 = arith.constant 0 : i32
    %dma_wait3A_183 = tpu.memref_slice %arg10[%dma_wait3A_181, %dma_wait3A_182] : memref<10016x128xf32, #tpu.memory_space<vmem_shared>> -> memref<10016x128xf32, #tpu.memory_space<vmem_shared>>
    tpu.wait_indirect_dma semaphore(%arg13 : memref<!tpu.dma_semaphore, #tpu.memory_space<semaphore_mem>>) src(%dma_wait3A_177 : memref<128x128xf32, #tpu.memory_space<vmem>>) dst(%dma_wait3A_183 : memref<10016x128xf32, #tpu.memory_space<vmem_shared>>)
    %barrier3A_184 = arith.constant 0 : index
    tpu.barrier barrier_id(%barrier3A_184)
    %mul3A_185 = arith.constant 624 : i32
    %mul3A_186 = arith.muli %arg1, %mul3A_185 : i32
    %mul3A_187 = arith.constant 624 : i32
    %mul3A_188 = arith.muli %arg1, %mul3A_187 : i32
    "tpu.region"() ({
      %run_scoped3A = tpu.sem_alloc : memref<!tpu.dma_semaphore, #tpu.memory_space<semaphore_mem>>
      %dma_start3A_194 = arith.constant 0 : i32
      %dma_start3A_195 = arith.constant 0 : i32
      %dma_start3A_196 = tpu.memref_slice %arg6[%arg0, %dma_start3A_194, %dma_start3A_195] : memref<2x10016x128xf32, #tpu.memory_space<hbm>> -> memref<1x10016x128xf32, #tpu.memory_space<hbm>>
      %dma_start3A_197 = tpu.memref_squeeze %dma_start3A_196 : memref<1x10016x128xf32, #tpu.memory_space<hbm>> -> memref<10016x128xf32, #tpu.memory_space<hbm>>
      %dma_start3A_198 = arith.constant 0 : i32
      %dma_start3A_199 = tpu.memref_slice %dma_start3A_197[%mul3A_188, %dma_start3A_198] : memref<10016x128xf32, #tpu.memory_space<hbm>> -> memref<624x128xf32, #tpu.memory_space<hbm>>
      %dma_start3A_200 = arith.constant 0 : i32
      %dma_start3A_201 = tpu.memref_slice %arg10[%mul3A_186, %dma_start3A_200] : memref<10016x128xf32, #tpu.memory_space<vmem_shared>> -> memref<624x128xf32, #tpu.memory_space<vmem_shared>>
      tpu.enqueue_dma source(%dma_start3A_201 : memref<624x128xf32, #tpu.memory_space<vmem_shared>>) target(%dma_start3A_199 : memref<624x128xf32, #tpu.memory_space<hbm>>) target_semaphore(%run_scoped3A : memref<!tpu.dma_semaphore, #tpu.memory_space<semaphore_mem>>)
      %dma_wait3A_202 = arith.constant 0 : i32
      %dma_wait3A_203 = arith.constant 0 : i32
      %dma_wait3A_204 = tpu.memref_slice %arg6[%arg0, %dma_wait3A_202, %dma_wait3A_203] : memref<2x10016x128xf32, #tpu.memory_space<hbm>> -> memref<1x10016x128xf32, #tpu.memory_space<hbm>>
      %dma_wait3A_205 = tpu.memref_squeeze %dma_wait3A_204 : memref<1x10016x128xf32, #tpu.memory_space<hbm>> -> memref<10016x128xf32, #tpu.memory_space<hbm>>
      %dma_wait3A_206 = arith.constant 0 : i32
      %dma_wait3A_207 = tpu.memref_slice %dma_wait3A_205[%mul3A_188, %dma_wait3A_206] : memref<10016x128xf32, #tpu.memory_space<hbm>> -> memref<624x128xf32, #tpu.memory_space<hbm>>
      %dma_wait3A_208 = arith.constant 0 : i32
      %dma_wait3A_209 = tpu.memref_slice %arg10[%mul3A_186, %dma_wait3A_208] : memref<10016x128xf32, #tpu.memory_space<vmem_shared>> -> memref<624x128xf32, #tpu.memory_space<vmem_shared>>
      tpu.wait_dma2 semaphore(%run_scoped3A : memref<!tpu.dma_semaphore, #tpu.memory_space<semaphore_mem>>) src(%dma_wait3A_209 : memref<624x128xf32, #tpu.memory_space<vmem_shared>>) dst(%dma_wait3A_207 : memref<624x128xf32, #tpu.memory_space<hbm>>)
      tpu.yield
    }) : () -> ()
    %eq3A_189 = arith.constant 15 : i32
    %eq3A_190 = arith.cmpi eq, %arg1, %eq3A_189 : i32
    %convert_element_type3A_191 = arith.extui %eq3A_190 : i1 to i32
    %cond3A_192 = arith.constant 0 : i32
    %cond3A_193 = arith.cmpi ne, %convert_element_type3A_191, %cond3A_192 : i32
    scf.if %cond3A_193 {
      "tpu.region"() ({
        %run_scoped3A = tpu.sem_alloc : memref<!tpu.dma_semaphore, #tpu.memory_space<semaphore_mem>>
        %dma_start3A_194 = arith.constant 0 : i32
        %dma_start3A_195 = arith.constant 0 : i32
        %dma_start3A_196 = tpu.memref_slice %arg6[%arg0, %dma_start3A_194, %dma_start3A_195] : memref<2x10016x128xf32, #tpu.memory_space<hbm>> -> memref<1x10016x128xf32, #tpu.memory_space<hbm>>
        %dma_start3A_197 = tpu.memref_squeeze %dma_start3A_196 : memref<1x10016x128xf32, #tpu.memory_space<hbm>> -> memref<10016x128xf32, #tpu.memory_space<hbm>>
        %dma_start3A_198 = arith.constant 9984 : i32
        %dma_start3A_199 = arith.constant 0 : i32
        %dma_start3A_200 = tpu.memref_slice %dma_start3A_197[%dma_start3A_198, %dma_start3A_199] : memref<10016x128xf32, #tpu.memory_space<hbm>> -> memref<32x128xf32, #tpu.memory_space<hbm>>
        %dma_start3A_201 = arith.constant 9984 : i32
        %dma_start3A_202 = arith.constant 0 : i32
        %dma_start3A_203 = tpu.memref_slice %arg10[%dma_start3A_201, %dma_start3A_202] : memref<10016x128xf32, #tpu.memory_space<vmem_shared>> -> memref<32x128xf32, #tpu.memory_space<vmem_shared>>
        tpu.enqueue_dma source(%dma_start3A_203 : memref<32x128xf32, #tpu.memory_space<vmem_shared>>) target(%dma_start3A_200 : memref<32x128xf32, #tpu.memory_space<hbm>>) target_semaphore(%run_scoped3A : memref<!tpu.dma_semaphore, #tpu.memory_space<semaphore_mem>>)
        %dma_wait3A_204 = arith.constant 0 : i32
        %dma_wait3A_205 = arith.constant 0 : i32
        %dma_wait3A_206 = tpu.memref_slice %arg6[%arg0, %dma_wait3A_204, %dma_wait3A_205] : memref<2x10016x128xf32, #tpu.memory_space<hbm>> -> memref<1x10016x128xf32, #tpu.memory_space<hbm>>
        %dma_wait3A_207 = tpu.memref_squeeze %dma_wait3A_206 : memref<1x10016x128xf32, #tpu.memory_space<hbm>> -> memref<10016x128xf32, #tpu.memory_space<hbm>>
        %dma_wait3A_208 = arith.constant 9984 : i32
        %dma_wait3A_209 = arith.constant 0 : i32
        %dma_wait3A_210 = tpu.memref_slice %dma_wait3A_207[%dma_wait3A_208, %dma_wait3A_209] : memref<10016x128xf32, #tpu.memory_space<hbm>> -> memref<32x128xf32, #tpu.memory_space<hbm>>
        %dma_wait3A_211 = arith.constant 9984 : i32
        %dma_wait3A_212 = arith.constant 0 : i32
        %dma_wait3A_213 = tpu.memref_slice %arg10[%dma_wait3A_211, %dma_wait3A_212] : memref<10016x128xf32, #tpu.memory_space<vmem_shared>> -> memref<32x128xf32, #tpu.memory_space<vmem_shared>>
        tpu.wait_dma2 semaphore(%run_scoped3A : memref<!tpu.dma_semaphore, #tpu.memory_space<semaphore_mem>>) src(%dma_wait3A_213 : memref<32x128xf32, #tpu.memory_space<vmem_shared>>) dst(%dma_wait3A_210 : memref<32x128xf32, #tpu.memory_space<hbm>>)
        tpu.yield
      }) : () -> ()
    } else {
    }
    return
  }
}

#map = affine_map<(d0, d1) -> (0, 0, 0)>
#map1 = affine_map<(d0, d1) -> (0, 0)>
module attributes {stable_mosaic.version = 14 : i64} {
  func.func @_sc_counts(%arg0: i32, %arg1: i32, %arg2: memref<32x79x128xi32, #tpu.memory_space<hbm>>, %arg3: memref<10016x128xf32, #tpu.memory_space<hbm>>, %arg4: memref<128x128xf32, #tpu.memory_space<hbm>>, %arg5: memref<2x10016x128xf32, #tpu.memory_space<hbm>>, %arg6: memref<79x128xi32, #tpu.memory_space<vmem>>, %arg7: memref<128x128xf32, #tpu.memory_space<vmem>>, %arg8: memref<10016x128xf32, #tpu.memory_space<vmem_shared>>, %arg9: memref<!tpu.dma_semaphore, #tpu.memory_space<semaphore_mem>>) attributes {dimension_semantics = [#tpu.dimension_semantics<core_parallel>, #tpu.dimension_semantics<subcore_parallel>], iteration_bounds = array<i64: 2, 16>, scalar_prefetch = 0 : i64, scratch_operands = 4 : i64, tpu.core_type = #tpu.core_type<sc_vector_subcore>, window_params = [{transform_indices = #map}, {transform_indices = #map1}, {transform_indices = #map1}, {transform_indices = #map}]} {
    %mul3A = arith.constant 16 : i32
    %mul3A_0 = arith.muli %arg0, %mul3A : i32
    %add3A = arith.addi %mul3A_0, %arg1 : i32
    "tpu.region"() ({
      %run_scoped3A = tpu.sem_alloc : memref<!tpu.dma_semaphore, #tpu.memory_space<semaphore_mem>>
      %dma_start3A = arith.constant 0 : i32
      %dma_start3A_77 = arith.constant 0 : i32
      %dma_start3A_78 = tpu.memref_slice %arg2[%add3A, %dma_start3A, %dma_start3A_77] : memref<32x79x128xi32, #tpu.memory_space<hbm>> -> memref<1x79x128xi32, #tpu.memory_space<hbm>>
      %dma_start3A_79 = tpu.memref_squeeze %dma_start3A_78 : memref<1x79x128xi32, #tpu.memory_space<hbm>> -> memref<79x128xi32, #tpu.memory_space<hbm>>
      %dma_start3A_80 = arith.constant 0 : i32
      %dma_start3A_81 = arith.constant 0 : i32
      %dma_start3A_82 = tpu.memref_slice %arg2[%add3A, %dma_start3A_80, %dma_start3A_81] : memref<32x79x128xi32, #tpu.memory_space<hbm>> -> memref<1x79x128xi32, #tpu.memory_space<hbm>>
      %dma_start3A_83 = tpu.memref_squeeze %dma_start3A_82 : memref<1x79x128xi32, #tpu.memory_space<hbm>> -> memref<79x128xi32, #tpu.memory_space<hbm>>
      tpu.enqueue_dma source(%dma_start3A_83 : memref<79x128xi32, #tpu.memory_space<hbm>>) target(%arg6 : memref<79x128xi32, #tpu.memory_space<vmem>>) target_semaphore(%run_scoped3A : memref<!tpu.dma_semaphore, #tpu.memory_space<semaphore_mem>>)
      %dma_wait3A_84 = arith.constant 0 : i32
      %dma_wait3A_85 = arith.constant 0 : i32
      %dma_wait3A_86 = tpu.memref_slice %arg2[%add3A, %dma_wait3A_84, %dma_wait3A_85] : memref<32x79x128xi32, #tpu.memory_space<hbm>> -> memref<1x79x128xi32, #tpu.memory_space<hbm>>
      %dma_wait3A_87 = tpu.memref_squeeze %dma_wait3A_86 : memref<1x79x128xi32, #tpu.memory_space<hbm>> -> memref<79x128xi32, #tpu.memory_space<hbm>>
      %dma_wait3A_88 = arith.constant 0 : i32
      %dma_wait3A_89 = arith.constant 0 : i32
      %dma_wait3A_90 = tpu.memref_slice %arg2[%add3A, %dma_wait3A_88, %dma_wait3A_89] : memref<32x79x128xi32, #tpu.memory_space<hbm>> -> memref<1x79x128xi32, #tpu.memory_space<hbm>>
      %dma_wait3A_91 = tpu.memref_squeeze %dma_wait3A_90 : memref<1x79x128xi32, #tpu.memory_space<hbm>> -> memref<79x128xi32, #tpu.memory_space<hbm>>
      tpu.wait_dma2 semaphore(%run_scoped3A : memref<!tpu.dma_semaphore, #tpu.memory_space<semaphore_mem>>) src(%dma_wait3A_91 : memref<79x128xi32, #tpu.memory_space<hbm>>) dst(%arg6 : memref<79x128xi32, #tpu.memory_space<vmem>>)
      tpu.yield
    }) : () -> ()
    "tpu.region"() ({
      %run_scoped3A = tpu.sem_alloc : memref<!tpu.dma_semaphore, #tpu.memory_space<semaphore_mem>>
      tpu.enqueue_dma source(%arg4 : memref<128x128xf32, #tpu.memory_space<hbm>>) target(%arg7 : memref<128x128xf32, #tpu.memory_space<vmem>>) target_semaphore(%run_scoped3A : memref<!tpu.dma_semaphore, #tpu.memory_space<semaphore_mem>>)
      tpu.wait_dma2 semaphore(%run_scoped3A : memref<!tpu.dma_semaphore, #tpu.memory_space<semaphore_mem>>) src(%arg4 : memref<128x128xf32, #tpu.memory_space<hbm>>) dst(%arg7 : memref<128x128xf32, #tpu.memory_space<vmem>>)
      tpu.yield
    }) : () -> ()
    %mul3A_1 = arith.constant 624 : i32
    %mul3A_2 = arith.muli %arg1, %mul3A_1 : i32
    %mul3A_3 = arith.constant 624 : i32
    %mul3A_4 = arith.muli %arg1, %mul3A_3 : i32
    "tpu.region"() ({
      %run_scoped3A = tpu.sem_alloc : memref<!tpu.dma_semaphore, #tpu.memory_space<semaphore_mem>>
      %dma_start3A = arith.constant 0 : i32
      %dma_start3A_77 = tpu.memref_slice %arg8[%mul3A_4, %dma_start3A] : memref<10016x128xf32, #tpu.memory_space<vmem_shared>> -> memref<624x128xf32, #tpu.memory_space<vmem_shared>>
      %dma_start3A_78 = arith.constant 0 : i32
      %dma_start3A_79 = tpu.memref_slice %arg3[%mul3A_2, %dma_start3A_78] : memref<10016x128xf32, #tpu.memory_space<hbm>> -> memref<624x128xf32, #tpu.memory_space<hbm>>
      tpu.enqueue_dma source(%dma_start3A_79 : memref<624x128xf32, #tpu.memory_space<hbm>>) target(%dma_start3A_77 : memref<624x128xf32, #tpu.memory_space<vmem_shared>>) target_semaphore(%run_scoped3A : memref<!tpu.dma_semaphore, #tpu.memory_space<semaphore_mem>>)
      %dma_wait3A_80 = arith.constant 0 : i32
      %dma_wait3A_81 = tpu.memref_slice %arg8[%mul3A_4, %dma_wait3A_80] : memref<10016x128xf32, #tpu.memory_space<vmem_shared>> -> memref<624x128xf32, #tpu.memory_space<vmem_shared>>
      %dma_wait3A_82 = arith.constant 0 : i32
      %dma_wait3A_83 = tpu.memref_slice %arg3[%mul3A_2, %dma_wait3A_82] : memref<10016x128xf32, #tpu.memory_space<hbm>> -> memref<624x128xf32, #tpu.memory_space<hbm>>
      tpu.wait_dma2 semaphore(%run_scoped3A : memref<!tpu.dma_semaphore, #tpu.memory_space<semaphore_mem>>) src(%dma_wait3A_83 : memref<624x128xf32, #tpu.memory_space<hbm>>) dst(%dma_wait3A_81 : memref<624x128xf32, #tpu.memory_space<vmem_shared>>)
      tpu.yield
    }) : () -> ()
    %eq3A = arith.constant 15 : i32
    %eq3A_5 = arith.cmpi eq, %arg1, %eq3A : i32
    %convert_element_type3A = arith.extui %eq3A_5 : i1 to i32
    %cond3A = arith.constant 0 : i32
    %cond3A_6 = arith.cmpi ne, %convert_element_type3A, %cond3A : i32
    scf.if %cond3A_6 {
      "tpu.region"() ({
        %run_scoped3A = tpu.sem_alloc : memref<!tpu.dma_semaphore, #tpu.memory_space<semaphore_mem>>
        %dma_start3A = arith.constant 9984 : i32
        %dma_start3A_77 = arith.constant 0 : i32
        %dma_start3A_78 = tpu.memref_slice %arg8[%dma_start3A, %dma_start3A_77] : memref<10016x128xf32, #tpu.memory_space<vmem_shared>> -> memref<32x128xf32, #tpu.memory_space<vmem_shared>>
        %dma_start3A_79 = arith.constant 9984 : i32
        %dma_start3A_80 = arith.constant 0 : i32
        %dma_start3A_81 = tpu.memref_slice %arg3[%dma_start3A_79, %dma_start3A_80] : memref<10016x128xf32, #tpu.memory_space<hbm>> -> memref<32x128xf32, #tpu.memory_space<hbm>>
        tpu.enqueue_dma source(%dma_start3A_81 : memref<32x128xf32, #tpu.memory_space<hbm>>) target(%dma_start3A_78 : memref<32x128xf32, #tpu.memory_space<vmem_shared>>) target_semaphore(%run_scoped3A : memref<!tpu.dma_semaphore, #tpu.memory_space<semaphore_mem>>)
        %dma_wait3A_82 = arith.constant 9984 : i32
        %dma_wait3A_83 = arith.constant 0 : i32
        %dma_wait3A_84 = tpu.memref_slice %arg8[%dma_wait3A_82, %dma_wait3A_83] : memref<10016x128xf32, #tpu.memory_space<vmem_shared>> -> memref<32x128xf32, #tpu.memory_space<vmem_shared>>
        %dma_wait3A_85 = arith.constant 9984 : i32
        %dma_wait3A_86 = arith.constant 0 : i32
        %dma_wait3A_87 = tpu.memref_slice %arg3[%dma_wait3A_85, %dma_wait3A_86] : memref<10016x128xf32, #tpu.memory_space<hbm>> -> memref<32x128xf32, #tpu.memory_space<hbm>>
        tpu.wait_dma2 semaphore(%run_scoped3A : memref<!tpu.dma_semaphore, #tpu.memory_space<semaphore_mem>>) src(%dma_wait3A_87 : memref<32x128xf32, #tpu.memory_space<hbm>>) dst(%dma_wait3A_84 : memref<32x128xf32, #tpu.memory_space<vmem_shared>>)
        tpu.yield
      }) : () -> ()
    } else {
    }
    %barrier3A = arith.constant 0 : index
    tpu.barrier barrier_id(%barrier3A)
    %scan3A = arith.constant 0 : i32
    %scan3A_7 = arith.constant 0 : i32
    %scan3A_8 = arith.constant 79 : i32
    %scan3A_9 = arith.addi %scan3A_7, %scan3A_8 : i32
    %scan3A_10 = arith.constant 1 : i32
    scf.for %scan3A_77 = %scan3A_7 to %scan3A_9 step %scan3A_10  : i32 {
      %dma_start3A = arith.constant 0 : i32
      %dma_start3A_78 = tpu.memref_slice %arg6[%scan3A_77, %dma_start3A] : memref<79x128xi32, #tpu.memory_space<vmem>> -> memref<1x128xi32, #tpu.memory_space<vmem>>
      %dma_start3A_79 = tpu.memref_squeeze %dma_start3A_78 : memref<1x128xi32, #tpu.memory_space<vmem>> -> memref<128xi32, #tpu.memory_space<vmem>>
      %dma_start3A_80 = arith.constant 0 : i32
      %dma_start3A_81 = arith.constant 0 : i32
      %dma_start3A_82 = tpu.memref_slice %arg8[%dma_start3A_80, %dma_start3A_81] : memref<10016x128xf32, #tpu.memory_space<vmem_shared>> -> memref<10016x128xf32, #tpu.memory_space<vmem_shared>>
      tpu.enqueue_indirect_dma source(%arg7 : memref<128x128xf32, #tpu.memory_space<vmem>>) target(%dma_start3A_82 : memref<10016x128xf32, #tpu.memory_space<vmem_shared>>) offsets(%dma_start3A_79 : memref<128xi32, #tpu.memory_space<vmem>>) semaphore(%arg9 : memref<!tpu.dma_semaphore, #tpu.memory_space<semaphore_mem>>) {add = true}
      %ge3A = arith.constant 8 : i32
      %ge3A_83 = arith.cmpi sge, %scan3A_77, %ge3A : i32
      %convert_element_type3A_84 = arith.extui %ge3A_83 : i1 to i32
      %cond3A_85 = arith.constant 0 : i32
      %cond3A_86 = arith.cmpi ne, %convert_element_type3A_84, %cond3A_85 : i32
      scf.if %cond3A_86 {
        %sub3A = arith.constant 8 : i32
        %sub3A_87 = arith.subi %scan3A_77, %sub3A : i32
        %dma_wait3A_88 = arith.constant 0 : i32
        %dma_wait3A_89 = tpu.memref_slice %arg6[%sub3A_87, %dma_wait3A_88] : memref<79x128xi32, #tpu.memory_space<vmem>> -> memref<1x128xi32, #tpu.memory_space<vmem>>
        %dma_wait3A_90 = tpu.memref_squeeze %dma_wait3A_89 : memref<1x128xi32, #tpu.memory_space<vmem>> -> memref<128xi32, #tpu.memory_space<vmem>>
        %dma_wait3A_91 = arith.constant 0 : i32
        %dma_wait3A_92 = arith.constant 0 : i32
        %dma_wait3A_93 = tpu.memref_slice %arg8[%dma_wait3A_91, %dma_wait3A_92] : memref<10016x128xf32, #tpu.memory_space<vmem_shared>> -> memref<10016x128xf32, #tpu.memory_space<vmem_shared>>
        tpu.wait_indirect_dma semaphore(%arg9 : memref<!tpu.dma_semaphore, #tpu.memory_space<semaphore_mem>>) src(%arg7 : memref<128x128xf32, #tpu.memory_space<vmem>>) dst(%dma_wait3A_93 : memref<10016x128xf32, #tpu.memory_space<vmem_shared>>)
      } else {
      }
    }
    %scan3A_11 = arith.constant 79 : i32
    %dma_wait3A = arith.constant 71 : i32
    %dma_wait3A_12 = arith.constant 0 : i32
    %dma_wait3A_13 = tpu.memref_slice %arg6[%dma_wait3A, %dma_wait3A_12] : memref<79x128xi32, #tpu.memory_space<vmem>> -> memref<1x128xi32, #tpu.memory_space<vmem>>
    %dma_wait3A_14 = tpu.memref_squeeze %dma_wait3A_13 : memref<1x128xi32, #tpu.memory_space<vmem>> -> memref<128xi32, #tpu.memory_space<vmem>>
    %dma_wait3A_15 = arith.constant 0 : i32
    %dma_wait3A_16 = arith.constant 0 : i32
    %dma_wait3A_17 = tpu.memref_slice %arg8[%dma_wait3A_15, %dma_wait3A_16] : memref<10016x128xf32, #tpu.memory_space<vmem_shared>> -> memref<10016x128xf32, #tpu.memory_space<vmem_shared>>
    tpu.wait_indirect_dma semaphore(%arg9 : memref<!tpu.dma_semaphore, #tpu.memory_space<semaphore_mem>>) src(%arg7 : memref<128x128xf32, #tpu.memory_space<vmem>>) dst(%dma_wait3A_17 : memref<10016x128xf32, #tpu.memory_space<vmem_shared>>)
    %dma_wait3A_18 = arith.constant 72 : i32
    %dma_wait3A_19 = arith.constant 0 : i32
    %dma_wait3A_20 = tpu.memref_slice %arg6[%dma_wait3A_18, %dma_wait3A_19] : memref<79x128xi32, #tpu.memory_space<vmem>> -> memref<1x128xi32, #tpu.memory_space<vmem>>
    %dma_wait3A_21 = tpu.memref_squeeze %dma_wait3A_20 : memref<1x128xi32, #tpu.memory_space<vmem>> -> memref<128xi32, #tpu.memory_space<vmem>>
    %dma_wait3A_22 = arith.constant 0 : i32
    %dma_wait3A_23 = arith.constant 0 : i32
    %dma_wait3A_24 = tpu.memref_slice %arg8[%dma_wait3A_22, %dma_wait3A_23] : memref<10016x128xf32, #tpu.memory_space<vmem_shared>> -> memref<10016x128xf32, #tpu.memory_space<vmem_shared>>
    tpu.wait_indirect_dma semaphore(%arg9 : memref<!tpu.dma_semaphore, #tpu.memory_space<semaphore_mem>>) src(%arg7 : memref<128x128xf32, #tpu.memory_space<vmem>>) dst(%dma_wait3A_24 : memref<10016x128xf32, #tpu.memory_space<vmem_shared>>)
    %dma_wait3A_25 = arith.constant 73 : i32
    %dma_wait3A_26 = arith.constant 0 : i32
    %dma_wait3A_27 = tpu.memref_slice %arg6[%dma_wait3A_25, %dma_wait3A_26] : memref<79x128xi32, #tpu.memory_space<vmem>> -> memref<1x128xi32, #tpu.memory_space<vmem>>
    %dma_wait3A_28 = tpu.memref_squeeze %dma_wait3A_27 : memref<1x128xi32, #tpu.memory_space<vmem>> -> memref<128xi32, #tpu.memory_space<vmem>>
    %dma_wait3A_29 = arith.constant 0 : i32
    %dma_wait3A_30 = arith.constant 0 : i32
    %dma_wait3A_31 = tpu.memref_slice %arg8[%dma_wait3A_29, %dma_wait3A_30] : memref<10016x128xf32, #tpu.memory_space<vmem_shared>> -> memref<10016x128xf32, #tpu.memory_space<vmem_shared>>
    tpu.wait_indirect_dma semaphore(%arg9 : memref<!tpu.dma_semaphore, #tpu.memory_space<semaphore_mem>>) src(%arg7 : memref<128x128xf32, #tpu.memory_space<vmem>>) dst(%dma_wait3A_31 : memref<10016x128xf32, #tpu.memory_space<vmem_shared>>)
    %dma_wait3A_32 = arith.constant 74 : i32
    %dma_wait3A_33 = arith.constant 0 : i32
    %dma_wait3A_34 = tpu.memref_slice %arg6[%dma_wait3A_32, %dma_wait3A_33] : memref<79x128xi32, #tpu.memory_space<vmem>> -> memref<1x128xi32, #tpu.memory_space<vmem>>
    %dma_wait3A_35 = tpu.memref_squeeze %dma_wait3A_34 : memref<1x128xi32, #tpu.memory_space<vmem>> -> memref<128xi32, #tpu.memory_space<vmem>>
    %dma_wait3A_36 = arith.constant 0 : i32
    %dma_wait3A_37 = arith.constant 0 : i32
    %dma_wait3A_38 = tpu.memref_slice %arg8[%dma_wait3A_36, %dma_wait3A_37] : memref<10016x128xf32, #tpu.memory_space<vmem_shared>> -> memref<10016x128xf32, #tpu.memory_space<vmem_shared>>
    tpu.wait_indirect_dma semaphore(%arg9 : memref<!tpu.dma_semaphore, #tpu.memory_space<semaphore_mem>>) src(%arg7 : memref<128x128xf32, #tpu.memory_space<vmem>>) dst(%dma_wait3A_38 : memref<10016x128xf32, #tpu.memory_space<vmem_shared>>)
    %dma_wait3A_39 = arith.constant 75 : i32
    %dma_wait3A_40 = arith.constant 0 : i32
    %dma_wait3A_41 = tpu.memref_slice %arg6[%dma_wait3A_39, %dma_wait3A_40] : memref<79x128xi32, #tpu.memory_space<vmem>> -> memref<1x128xi32, #tpu.memory_space<vmem>>
    %dma_wait3A_42 = tpu.memref_squeeze %dma_wait3A_41 : memref<1x128xi32, #tpu.memory_space<vmem>> -> memref<128xi32, #tpu.memory_space<vmem>>
    %dma_wait3A_43 = arith.constant 0 : i32
    %dma_wait3A_44 = arith.constant 0 : i32
    %dma_wait3A_45 = tpu.memref_slice %arg8[%dma_wait3A_43, %dma_wait3A_44] : memref<10016x128xf32, #tpu.memory_space<vmem_shared>> -> memref<10016x128xf32, #tpu.memory_space<vmem_shared>>
    tpu.wait_indirect_dma semaphore(%arg9 : memref<!tpu.dma_semaphore, #tpu.memory_space<semaphore_mem>>) src(%arg7 : memref<128x128xf32, #tpu.memory_space<vmem>>) dst(%dma_wait3A_45 : memref<10016x128xf32, #tpu.memory_space<vmem_shared>>)
    %dma_wait3A_46 = arith.constant 76 : i32
    %dma_wait3A_47 = arith.constant 0 : i32
    %dma_wait3A_48 = tpu.memref_slice %arg6[%dma_wait3A_46, %dma_wait3A_47] : memref<79x128xi32, #tpu.memory_space<vmem>> -> memref<1x128xi32, #tpu.memory_space<vmem>>
    %dma_wait3A_49 = tpu.memref_squeeze %dma_wait3A_48 : memref<1x128xi32, #tpu.memory_space<vmem>> -> memref<128xi32, #tpu.memory_space<vmem>>
    %dma_wait3A_50 = arith.constant 0 : i32
    %dma_wait3A_51 = arith.constant 0 : i32
    %dma_wait3A_52 = tpu.memref_slice %arg8[%dma_wait3A_50, %dma_wait3A_51] : memref<10016x128xf32, #tpu.memory_space<vmem_shared>> -> memref<10016x128xf32, #tpu.memory_space<vmem_shared>>
    tpu.wait_indirect_dma semaphore(%arg9 : memref<!tpu.dma_semaphore, #tpu.memory_space<semaphore_mem>>) src(%arg7 : memref<128x128xf32, #tpu.memory_space<vmem>>) dst(%dma_wait3A_52 : memref<10016x128xf32, #tpu.memory_space<vmem_shared>>)
    %dma_wait3A_53 = arith.constant 77 : i32
    %dma_wait3A_54 = arith.constant 0 : i32
    %dma_wait3A_55 = tpu.memref_slice %arg6[%dma_wait3A_53, %dma_wait3A_54] : memref<79x128xi32, #tpu.memory_space<vmem>> -> memref<1x128xi32, #tpu.memory_space<vmem>>
    %dma_wait3A_56 = tpu.memref_squeeze %dma_wait3A_55 : memref<1x128xi32, #tpu.memory_space<vmem>> -> memref<128xi32, #tpu.memory_space<vmem>>
    %dma_wait3A_57 = arith.constant 0 : i32
    %dma_wait3A_58 = arith.constant 0 : i32
    %dma_wait3A_59 = tpu.memref_slice %arg8[%dma_wait3A_57, %dma_wait3A_58] : memref<10016x128xf32, #tpu.memory_space<vmem_shared>> -> memref<10016x128xf32, #tpu.memory_space<vmem_shared>>
    tpu.wait_indirect_dma semaphore(%arg9 : memref<!tpu.dma_semaphore, #tpu.memory_space<semaphore_mem>>) src(%arg7 : memref<128x128xf32, #tpu.memory_space<vmem>>) dst(%dma_wait3A_59 : memref<10016x128xf32, #tpu.memory_space<vmem_shared>>)
    %dma_wait3A_60 = arith.constant 78 : i32
    %dma_wait3A_61 = arith.constant 0 : i32
    %dma_wait3A_62 = tpu.memref_slice %arg6[%dma_wait3A_60, %dma_wait3A_61] : memref<79x128xi32, #tpu.memory_space<vmem>> -> memref<1x128xi32, #tpu.memory_space<vmem>>
    %dma_wait3A_63 = tpu.memref_squeeze %dma_wait3A_62 : memref<1x128xi32, #tpu.memory_space<vmem>> -> memref<128xi32, #tpu.memory_space<vmem>>
    %dma_wait3A_64 = arith.constant 0 : i32
    %dma_wait3A_65 = arith.constant 0 : i32
    %dma_wait3A_66 = tpu.memref_slice %arg8[%dma_wait3A_64, %dma_wait3A_65] : memref<10016x128xf32, #tpu.memory_space<vmem_shared>> -> memref<10016x128xf32, #tpu.memory_space<vmem_shared>>
    tpu.wait_indirect_dma semaphore(%arg9 : memref<!tpu.dma_semaphore, #tpu.memory_space<semaphore_mem>>) src(%arg7 : memref<128x128xf32, #tpu.memory_space<vmem>>) dst(%dma_wait3A_66 : memref<10016x128xf32, #tpu.memory_space<vmem_shared>>)
    %barrier3A_67 = arith.constant 0 : index
    tpu.barrier barrier_id(%barrier3A_67)
    %mul3A_68 = arith.constant 624 : i32
    %mul3A_69 = arith.muli %arg1, %mul3A_68 : i32
    %mul3A_70 = arith.constant 624 : i32
    %mul3A_71 = arith.muli %arg1, %mul3A_70 : i32
    "tpu.region"() ({
      %run_scoped3A = tpu.sem_alloc : memref<!tpu.dma_semaphore, #tpu.memory_space<semaphore_mem>>
      %dma_start3A = arith.constant 0 : i32
      %dma_start3A_77 = arith.constant 0 : i32
      %dma_start3A_78 = tpu.memref_slice %arg5[%arg0, %dma_start3A, %dma_start3A_77] : memref<2x10016x128xf32, #tpu.memory_space<hbm>> -> memref<1x10016x128xf32, #tpu.memory_space<hbm>>
      %dma_start3A_79 = tpu.memref_squeeze %dma_start3A_78 : memref<1x10016x128xf32, #tpu.memory_space<hbm>> -> memref<10016x128xf32, #tpu.memory_space<hbm>>
      %dma_start3A_80 = arith.constant 0 : i32
      %dma_start3A_81 = tpu.memref_slice %dma_start3A_79[%mul3A_71, %dma_start3A_80] : memref<10016x128xf32, #tpu.memory_space<hbm>> -> memref<624x128xf32, #tpu.memory_space<hbm>>
      %dma_start3A_82 = arith.constant 0 : i32
      %dma_start3A_83 = tpu.memref_slice %arg8[%mul3A_69, %dma_start3A_82] : memref<10016x128xf32, #tpu.memory_space<vmem_shared>> -> memref<624x128xf32, #tpu.memory_space<vmem_shared>>
      tpu.enqueue_dma source(%dma_start3A_83 : memref<624x128xf32, #tpu.memory_space<vmem_shared>>) target(%dma_start3A_81 : memref<624x128xf32, #tpu.memory_space<hbm>>) target_semaphore(%run_scoped3A : memref<!tpu.dma_semaphore, #tpu.memory_space<semaphore_mem>>)
      %dma_wait3A_84 = arith.constant 0 : i32
      %dma_wait3A_85 = arith.constant 0 : i32
      %dma_wait3A_86 = tpu.memref_slice %arg5[%arg0, %dma_wait3A_84, %dma_wait3A_85] : memref<2x10016x128xf32, #tpu.memory_space<hbm>> -> memref<1x10016x128xf32, #tpu.memory_space<hbm>>
      %dma_wait3A_87 = tpu.memref_squeeze %dma_wait3A_86 : memref<1x10016x128xf32, #tpu.memory_space<hbm>> -> memref<10016x128xf32, #tpu.memory_space<hbm>>
      %dma_wait3A_88 = arith.constant 0 : i32
      %dma_wait3A_89 = tpu.memref_slice %dma_wait3A_87[%mul3A_71, %dma_wait3A_88] : memref<10016x128xf32, #tpu.memory_space<hbm>> -> memref<624x128xf32, #tpu.memory_space<hbm>>
      %dma_wait3A_90 = arith.constant 0 : i32
      %dma_wait3A_91 = tpu.memref_slice %arg8[%mul3A_69, %dma_wait3A_90] : memref<10016x128xf32, #tpu.memory_space<vmem_shared>> -> memref<624x128xf32, #tpu.memory_space<vmem_shared>>
      tpu.wait_dma2 semaphore(%run_scoped3A : memref<!tpu.dma_semaphore, #tpu.memory_space<semaphore_mem>>) src(%dma_wait3A_91 : memref<624x128xf32, #tpu.memory_space<vmem_shared>>) dst(%dma_wait3A_89 : memref<624x128xf32, #tpu.memory_space<hbm>>)
      tpu.yield
    }) : () -> ()
    %eq3A_72 = arith.constant 15 : i32
    %eq3A_73 = arith.cmpi eq, %arg1, %eq3A_72 : i32
    %convert_element_type3A_74 = arith.extui %eq3A_73 : i1 to i32
    %cond3A_75 = arith.constant 0 : i32
    %cond3A_76 = arith.cmpi ne, %convert_element_type3A_74, %cond3A_75 : i32
    scf.if %cond3A_76 {
      "tpu.region"() ({
        %run_scoped3A = tpu.sem_alloc : memref<!tpu.dma_semaphore, #tpu.memory_space<semaphore_mem>>
        %dma_start3A = arith.constant 0 : i32
        %dma_start3A_77 = arith.constant 0 : i32
        %dma_start3A_78 = tpu.memref_slice %arg5[%arg0, %dma_start3A, %dma_start3A_77] : memref<2x10016x128xf32, #tpu.memory_space<hbm>> -> memref<1x10016x128xf32, #tpu.memory_space<hbm>>
        %dma_start3A_79 = tpu.memref_squeeze %dma_start3A_78 : memref<1x10016x128xf32, #tpu.memory_space<hbm>> -> memref<10016x128xf32, #tpu.memory_space<hbm>>
        %dma_start3A_80 = arith.constant 9984 : i32
        %dma_start3A_81 = arith.constant 0 : i32
        %dma_start3A_82 = tpu.memref_slice %dma_start3A_79[%dma_start3A_80, %dma_start3A_81] : memref<10016x128xf32, #tpu.memory_space<hbm>> -> memref<32x128xf32, #tpu.memory_space<hbm>>
        %dma_start3A_83 = arith.constant 9984 : i32
        %dma_start3A_84 = arith.constant 0 : i32
        %dma_start3A_85 = tpu.memref_slice %arg8[%dma_start3A_83, %dma_start3A_84] : memref<10016x128xf32, #tpu.memory_space<vmem_shared>> -> memref<32x128xf32, #tpu.memory_space<vmem_shared>>
        tpu.enqueue_dma source(%dma_start3A_85 : memref<32x128xf32, #tpu.memory_space<vmem_shared>>) target(%dma_start3A_82 : memref<32x128xf32, #tpu.memory_space<hbm>>) target_semaphore(%run_scoped3A : memref<!tpu.dma_semaphore, #tpu.memory_space<semaphore_mem>>)
        %dma_wait3A_86 = arith.constant 0 : i32
        %dma_wait3A_87 = arith.constant 0 : i32
        %dma_wait3A_88 = tpu.memref_slice %arg5[%arg0, %dma_wait3A_86, %dma_wait3A_87] : memref<2x10016x128xf32, #tpu.memory_space<hbm>> -> memref<1x10016x128xf32, #tpu.memory_space<hbm>>
        %dma_wait3A_89 = tpu.memref_squeeze %dma_wait3A_88 : memref<1x10016x128xf32, #tpu.memory_space<hbm>> -> memref<10016x128xf32, #tpu.memory_space<hbm>>
        %dma_wait3A_90 = arith.constant 9984 : i32
        %dma_wait3A_91 = arith.constant 0 : i32
        %dma_wait3A_92 = tpu.memref_slice %dma_wait3A_89[%dma_wait3A_90, %dma_wait3A_91] : memref<10016x128xf32, #tpu.memory_space<hbm>> -> memref<32x128xf32, #tpu.memory_space<hbm>>
        %dma_wait3A_93 = arith.constant 9984 : i32
        %dma_wait3A_94 = arith.constant 0 : i32
        %dma_wait3A_95 = tpu.memref_slice %arg8[%dma_wait3A_93, %dma_wait3A_94] : memref<10016x128xf32, #tpu.memory_space<vmem_shared>> -> memref<32x128xf32, #tpu.memory_space<vmem_shared>>
        tpu.wait_dma2 semaphore(%run_scoped3A : memref<!tpu.dma_semaphore, #tpu.memory_space<semaphore_mem>>) src(%dma_wait3A_95 : memref<32x128xf32, #tpu.memory_space<vmem_shared>>) dst(%dma_wait3A_92 : memref<32x128xf32, #tpu.memory_space<hbm>>)
        tpu.yield
      }) : () -> ()
    } else {
    }
    return
  }
}

#map = affine_map<(d0, d1) -> (0, 0)>
#map1 = affine_map<(d0, d1) -> (0, 0, 0)>
module attributes {stable_mosaic.version = 14 : i64} {
  func.func @_sc_edge_pass(%arg0: i32, %arg1: i32, %arg2: memref<10000x128xf32, #tpu.memory_space<hbm>>, %arg3: memref<32x79x128xi32, #tpu.memory_space<hbm>>, %arg4: memref<32x79x128xi32, #tpu.memory_space<hbm>>, %arg5: memref<10016x128xf32, #tpu.memory_space<hbm>>, %arg6: memref<2x10016x128xf32, #tpu.memory_space<hbm>>, %arg7: memref<40x128xi32, #tpu.memory_space<vmem>>, %arg8: memref<40x128xi32, #tpu.memory_space<vmem>>, %arg9: memref<2x128x128xf32, #tpu.memory_space<vmem>>, %arg10: memref<10016x128xf32, #tpu.memory_space<vmem_shared>>, %arg11: memref<!tpu.dma_semaphore, #tpu.memory_space<semaphore_mem>>, %arg12: memref<!tpu.dma_semaphore, #tpu.memory_space<semaphore_mem>>, %arg13: memref<!tpu.dma_semaphore, #tpu.memory_space<semaphore_mem>>, %arg14: memref<!tpu.dma_semaphore, #tpu.memory_space<semaphore_mem>>) attributes {dimension_semantics = [#tpu.dimension_semantics<core_parallel>, #tpu.dimension_semantics<subcore_parallel>], iteration_bounds = array<i64: 2, 16>, scalar_prefetch = 0 : i64, scratch_operands = 8 : i64, tpu.core_type = #tpu.core_type<sc_vector_subcore>, window_params = [{transform_indices = #map}, {transform_indices = #map1}, {transform_indices = #map1}, {transform_indices = #map}, {transform_indices = #map1}]} {
    %mul3A = arith.constant 16 : i32
    %mul3A_0 = arith.muli %arg0, %mul3A : i32
    %add3A = arith.addi %mul3A_0, %arg1 : i32
    "tpu.region"() ({
      %run_scoped3A = tpu.sem_alloc : memref<!tpu.dma_semaphore, #tpu.memory_space<semaphore_mem>>
      %dma_start3A_194 = arith.constant 0 : i32
      %dma_start3A_195 = arith.constant 0 : i32
      %dma_start3A_196 = tpu.memref_slice %arg7[%dma_start3A_194, %dma_start3A_195] : memref<40x128xi32, #tpu.memory_space<vmem>> -> memref<40x128xi32, #tpu.memory_space<vmem>>
      %dma_start3A_197 = arith.constant 0 : i32
      %dma_start3A_198 = arith.constant 0 : i32
      %dma_start3A_199 = tpu.memref_slice %arg3[%add3A, %dma_start3A_197, %dma_start3A_198] : memref<32x79x128xi32, #tpu.memory_space<hbm>> -> memref<1x40x128xi32, #tpu.memory_space<hbm>>
      %dma_start3A_200 = tpu.memref_squeeze %dma_start3A_199 : memref<1x40x128xi32, #tpu.memory_space<hbm>> -> memref<40x128xi32, #tpu.memory_space<hbm>>
      %dma_start3A_201 = arith.constant 0 : i32
      %dma_start3A_202 = arith.constant 0 : i32
      %dma_start3A_203 = tpu.memref_slice %arg7[%dma_start3A_201, %dma_start3A_202] : memref<40x128xi32, #tpu.memory_space<vmem>> -> memref<40x128xi32, #tpu.memory_space<vmem>>
      %dma_start3A_204 = arith.constant 0 : i32
      %dma_start3A_205 = arith.constant 0 : i32
      %dma_start3A_206 = tpu.memref_slice %arg3[%add3A, %dma_start3A_204, %dma_start3A_205] : memref<32x79x128xi32, #tpu.memory_space<hbm>> -> memref<1x40x128xi32, #tpu.memory_space<hbm>>
      %dma_start3A_207 = tpu.memref_squeeze %dma_start3A_206 : memref<1x40x128xi32, #tpu.memory_space<hbm>> -> memref<40x128xi32, #tpu.memory_space<hbm>>
      tpu.enqueue_dma source(%dma_start3A_207 : memref<40x128xi32, #tpu.memory_space<hbm>>) target(%dma_start3A_203 : memref<40x128xi32, #tpu.memory_space<vmem>>) target_semaphore(%run_scoped3A : memref<!tpu.dma_semaphore, #tpu.memory_space<semaphore_mem>>)
      %dma_wait3A_208 = arith.constant 0 : i32
      %dma_wait3A_209 = arith.constant 0 : i32
      %dma_wait3A_210 = tpu.memref_slice %arg7[%dma_wait3A_208, %dma_wait3A_209] : memref<40x128xi32, #tpu.memory_space<vmem>> -> memref<40x128xi32, #tpu.memory_space<vmem>>
      %dma_wait3A_211 = arith.constant 0 : i32
      %dma_wait3A_212 = arith.constant 0 : i32
      %dma_wait3A_213 = tpu.memref_slice %arg3[%add3A, %dma_wait3A_211, %dma_wait3A_212] : memref<32x79x128xi32, #tpu.memory_space<hbm>> -> memref<1x40x128xi32, #tpu.memory_space<hbm>>
      %dma_wait3A_214 = tpu.memref_squeeze %dma_wait3A_213 : memref<1x40x128xi32, #tpu.memory_space<hbm>> -> memref<40x128xi32, #tpu.memory_space<hbm>>
      %dma_wait3A_215 = arith.constant 0 : i32
      %dma_wait3A_216 = arith.constant 0 : i32
      %dma_wait3A_217 = tpu.memref_slice %arg7[%dma_wait3A_215, %dma_wait3A_216] : memref<40x128xi32, #tpu.memory_space<vmem>> -> memref<40x128xi32, #tpu.memory_space<vmem>>
      %dma_wait3A_218 = arith.constant 0 : i32
      %dma_wait3A_219 = arith.constant 0 : i32
      %dma_wait3A_220 = tpu.memref_slice %arg3[%add3A, %dma_wait3A_218, %dma_wait3A_219] : memref<32x79x128xi32, #tpu.memory_space<hbm>> -> memref<1x40x128xi32, #tpu.memory_space<hbm>>
      %dma_wait3A_221 = tpu.memref_squeeze %dma_wait3A_220 : memref<1x40x128xi32, #tpu.memory_space<hbm>> -> memref<40x128xi32, #tpu.memory_space<hbm>>
      tpu.wait_dma2 semaphore(%run_scoped3A : memref<!tpu.dma_semaphore, #tpu.memory_space<semaphore_mem>>) src(%dma_wait3A_221 : memref<40x128xi32, #tpu.memory_space<hbm>>) dst(%dma_wait3A_217 : memref<40x128xi32, #tpu.memory_space<vmem>>)
      tpu.yield
    }) : () -> ()
    "tpu.region"() ({
      %run_scoped3A = tpu.sem_alloc : memref<!tpu.dma_semaphore, #tpu.memory_space<semaphore_mem>>
      %dma_start3A_194 = arith.constant 0 : i32
      %dma_start3A_195 = arith.constant 0 : i32
      %dma_start3A_196 = tpu.memref_slice %arg8[%dma_start3A_194, %dma_start3A_195] : memref<40x128xi32, #tpu.memory_space<vmem>> -> memref<40x128xi32, #tpu.memory_space<vmem>>
      %dma_start3A_197 = arith.constant 0 : i32
      %dma_start3A_198 = arith.constant 0 : i32
      %dma_start3A_199 = tpu.memref_slice %arg4[%add3A, %dma_start3A_197, %dma_start3A_198] : memref<32x79x128xi32, #tpu.memory_space<hbm>> -> memref<1x40x128xi32, #tpu.memory_space<hbm>>
      %dma_start3A_200 = tpu.memref_squeeze %dma_start3A_199 : memref<1x40x128xi32, #tpu.memory_space<hbm>> -> memref<40x128xi32, #tpu.memory_space<hbm>>
      %dma_start3A_201 = arith.constant 0 : i32
      %dma_start3A_202 = arith.constant 0 : i32
      %dma_start3A_203 = tpu.memref_slice %arg8[%dma_start3A_201, %dma_start3A_202] : memref<40x128xi32, #tpu.memory_space<vmem>> -> memref<40x128xi32, #tpu.memory_space<vmem>>
      %dma_start3A_204 = arith.constant 0 : i32
      %dma_start3A_205 = arith.constant 0 : i32
      %dma_start3A_206 = tpu.memref_slice %arg4[%add3A, %dma_start3A_204, %dma_start3A_205] : memref<32x79x128xi32, #tpu.memory_space<hbm>> -> memref<1x40x128xi32, #tpu.memory_space<hbm>>
      %dma_start3A_207 = tpu.memref_squeeze %dma_start3A_206 : memref<1x40x128xi32, #tpu.memory_space<hbm>> -> memref<40x128xi32, #tpu.memory_space<hbm>>
      tpu.enqueue_dma source(%dma_start3A_207 : memref<40x128xi32, #tpu.memory_space<hbm>>) target(%dma_start3A_203 : memref<40x128xi32, #tpu.memory_space<vmem>>) target_semaphore(%run_scoped3A : memref<!tpu.dma_semaphore, #tpu.memory_space<semaphore_mem>>)
      %dma_wait3A_208 = arith.constant 0 : i32
      %dma_wait3A_209 = arith.constant 0 : i32
      %dma_wait3A_210 = tpu.memref_slice %arg8[%dma_wait3A_208, %dma_wait3A_209] : memref<40x128xi32, #tpu.memory_space<vmem>> -> memref<40x128xi32, #tpu.memory_space<vmem>>
      %dma_wait3A_211 = arith.constant 0 : i32
      %dma_wait3A_212 = arith.constant 0 : i32
      %dma_wait3A_213 = tpu.memref_slice %arg4[%add3A, %dma_wait3A_211, %dma_wait3A_212] : memref<32x79x128xi32, #tpu.memory_space<hbm>> -> memref<1x40x128xi32, #tpu.memory_space<hbm>>
      %dma_wait3A_214 = tpu.memref_squeeze %dma_wait3A_213 : memref<1x40x128xi32, #tpu.memory_space<hbm>> -> memref<40x128xi32, #tpu.memory_space<hbm>>
      %dma_wait3A_215 = arith.constant 0 : i32
      %dma_wait3A_216 = arith.constant 0 : i32
      %dma_wait3A_217 = tpu.memref_slice %arg8[%dma_wait3A_215, %dma_wait3A_216] : memref<40x128xi32, #tpu.memory_space<vmem>> -> memref<40x128xi32, #tpu.memory_space<vmem>>
      %dma_wait3A_218 = arith.constant 0 : i32
      %dma_wait3A_219 = arith.constant 0 : i32
      %dma_wait3A_220 = tpu.memref_slice %arg4[%add3A, %dma_wait3A_218, %dma_wait3A_219] : memref<32x79x128xi32, #tpu.memory_space<hbm>> -> memref<1x40x128xi32, #tpu.memory_space<hbm>>
      %dma_wait3A_221 = tpu.memref_squeeze %dma_wait3A_220 : memref<1x40x128xi32, #tpu.memory_space<hbm>> -> memref<40x128xi32, #tpu.memory_space<hbm>>
      tpu.wait_dma2 semaphore(%run_scoped3A : memref<!tpu.dma_semaphore, #tpu.memory_space<semaphore_mem>>) src(%dma_wait3A_221 : memref<40x128xi32, #tpu.memory_space<hbm>>) dst(%dma_wait3A_217 : memref<40x128xi32, #tpu.memory_space<vmem>>)
      tpu.yield
    }) : () -> ()
    %dma_start3A = arith.constant 0 : i32
    %dma_start3A_1 = arith.constant 0 : i32
    %dma_start3A_2 = arith.constant 0 : i32
    %dma_start3A_3 = arith.constant 0 : i32
    %dma_start3A_4 = tpu.memref_slice %arg9[%dma_start3A_1, %dma_start3A_2, %dma_start3A_3] : memref<2x128x128xf32, #tpu.memory_space<vmem>> -> memref<1x128x128xf32, #tpu.memory_space<vmem>>
    %dma_start3A_5 = tpu.memref_squeeze %dma_start3A_4 : memref<1x128x128xf32, #tpu.memory_space<vmem>> -> memref<128x128xf32, #tpu.memory_space<vmem>>
    %dma_start3A_6 = arith.constant 0 : i32
    %dma_start3A_7 = tpu.memref_slice %arg7[%dma_start3A, %dma_start3A_6] : memref<40x128xi32, #tpu.memory_space<vmem>> -> memref<1x128xi32, #tpu.memory_space<vmem>>
    %dma_start3A_8 = tpu.memref_squeeze %dma_start3A_7 : memref<1x128xi32, #tpu.memory_space<vmem>> -> memref<128xi32, #tpu.memory_space<vmem>>
    %dma_start3A_9 = arith.constant 0 : i32
    %dma_start3A_10 = arith.constant 0 : i32
    %dma_start3A_11 = tpu.memref_slice %arg2[%dma_start3A_9, %dma_start3A_10] : memref<10000x128xf32, #tpu.memory_space<hbm>> -> memref<10000x128xf32, #tpu.memory_space<hbm>>
    tpu.enqueue_indirect_dma source(%dma_start3A_11 : memref<10000x128xf32, #tpu.memory_space<hbm>>) target(%dma_start3A_5 : memref<128x128xf32, #tpu.memory_space<vmem>>) offsets(%dma_start3A_8 : memref<128xi32, #tpu.memory_space<vmem>>) semaphore(%arg11 : memref<!tpu.dma_semaphore, #tpu.memory_space<semaphore_mem>>)
    %mul3A_12 = arith.constant 624 : i32
    %mul3A_13 = arith.muli %arg1, %mul3A_12 : i32
    %mul3A_14 = arith.constant 624 : i32
    %mul3A_15 = arith.muli %arg1, %mul3A_14 : i32
    "tpu.region"() ({
      %run_scoped3A = tpu.sem_alloc : memref<!tpu.dma_semaphore, #tpu.memory_space<semaphore_mem>>
      %dma_start3A_194 = arith.constant 0 : i32
      %dma_start3A_195 = tpu.memref_slice %arg10[%mul3A_15, %dma_start3A_194] : memref<10016x128xf32, #tpu.memory_space<vmem_shared>> -> memref<624x128xf32, #tpu.memory_space<vmem_shared>>
      %dma_start3A_196 = arith.constant 0 : i32
      %dma_start3A_197 = tpu.memref_slice %arg5[%mul3A_13, %dma_start3A_196] : memref<10016x128xf32, #tpu.memory_space<hbm>> -> memref<624x128xf32, #tpu.memory_space<hbm>>
      tpu.enqueue_dma source(%dma_start3A_197 : memref<624x128xf32, #tpu.memory_space<hbm>>) target(%dma_start3A_195 : memref<624x128xf32, #tpu.memory_space<vmem_shared>>) target_semaphore(%run_scoped3A : memref<!tpu.dma_semaphore, #tpu.memory_space<semaphore_mem>>)
      %dma_wait3A_198 = arith.constant 0 : i32
      %dma_wait3A_199 = tpu.memref_slice %arg10[%mul3A_15, %dma_wait3A_198] : memref<10016x128xf32, #tpu.memory_space<vmem_shared>> -> memref<624x128xf32, #tpu.memory_space<vmem_shared>>
      %dma_wait3A_200 = arith.constant 0 : i32
      %dma_wait3A_201 = tpu.memref_slice %arg5[%mul3A_13, %dma_wait3A_200] : memref<10016x128xf32, #tpu.memory_space<hbm>> -> memref<624x128xf32, #tpu.memory_space<hbm>>
      tpu.wait_dma2 semaphore(%run_scoped3A : memref<!tpu.dma_semaphore, #tpu.memory_space<semaphore_mem>>) src(%dma_wait3A_201 : memref<624x128xf32, #tpu.memory_space<hbm>>) dst(%dma_wait3A_199 : memref<624x128xf32, #tpu.memory_space<vmem_shared>>)
      tpu.yield
    }) : () -> ()
    %eq3A = arith.constant 15 : i32
    %eq3A_16 = arith.cmpi eq, %arg1, %eq3A : i32
    %convert_element_type3A = arith.extui %eq3A_16 : i1 to i32
    %cond3A = arith.constant 0 : i32
    %cond3A_17 = arith.cmpi ne, %convert_element_type3A, %cond3A : i32
    scf.if %cond3A_17 {
      "tpu.region"() ({
        %run_scoped3A = tpu.sem_alloc : memref<!tpu.dma_semaphore, #tpu.memory_space<semaphore_mem>>
        %dma_start3A_194 = arith.constant 9984 : i32
        %dma_start3A_195 = arith.constant 0 : i32
        %dma_start3A_196 = tpu.memref_slice %arg10[%dma_start3A_194, %dma_start3A_195] : memref<10016x128xf32, #tpu.memory_space<vmem_shared>> -> memref<32x128xf32, #tpu.memory_space<vmem_shared>>
        %dma_start3A_197 = arith.constant 9984 : i32
        %dma_start3A_198 = arith.constant 0 : i32
        %dma_start3A_199 = tpu.memref_slice %arg5[%dma_start3A_197, %dma_start3A_198] : memref<10016x128xf32, #tpu.memory_space<hbm>> -> memref<32x128xf32, #tpu.memory_space<hbm>>
        tpu.enqueue_dma source(%dma_start3A_199 : memref<32x128xf32, #tpu.memory_space<hbm>>) target(%dma_start3A_196 : memref<32x128xf32, #tpu.memory_space<vmem_shared>>) target_semaphore(%run_scoped3A : memref<!tpu.dma_semaphore, #tpu.memory_space<semaphore_mem>>)
        %dma_wait3A_200 = arith.constant 9984 : i32
        %dma_wait3A_201 = arith.constant 0 : i32
        %dma_wait3A_202 = tpu.memref_slice %arg10[%dma_wait3A_200, %dma_wait3A_201] : memref<10016x128xf32, #tpu.memory_space<vmem_shared>> -> memref<32x128xf32, #tpu.memory_space<vmem_shared>>
        %dma_wait3A_203 = arith.constant 9984 : i32
        %dma_wait3A_204 = arith.constant 0 : i32
        %dma_wait3A_205 = tpu.memref_slice %arg5[%dma_wait3A_203, %dma_wait3A_204] : memref<10016x128xf32, #tpu.memory_space<hbm>> -> memref<32x128xf32, #tpu.memory_space<hbm>>
        tpu.wait_dma2 semaphore(%run_scoped3A : memref<!tpu.dma_semaphore, #tpu.memory_space<semaphore_mem>>) src(%dma_wait3A_205 : memref<32x128xf32, #tpu.memory_space<hbm>>) dst(%dma_wait3A_202 : memref<32x128xf32, #tpu.memory_space<vmem_shared>>)
        tpu.yield
      }) : () -> ()
    } else {
    }
    %barrier3A = arith.constant 0 : index
    tpu.barrier barrier_id(%barrier3A)
    %scan3A = arith.constant 0 : i32
    %scan3A_18 = arith.constant 0 : i32
    %scan3A_19 = arith.constant 19 : i32
    %scan3A_20 = arith.addi %scan3A_18, %scan3A_19 : i32
    %scan3A_21 = arith.constant 1 : i32
    scf.for %scan3A_194 = %scan3A_18 to %scan3A_20 step %scan3A_21  : i32 {
      %mul3A_195 = arith.constant 2 : i32
      %mul3A_196 = arith.muli %mul3A_195, %scan3A_194 : i32
      %add3A_197 = arith.constant 1 : i32
      %add3A_198 = arith.addi %mul3A_196, %add3A_197 : i32
      %dma_wait3A_199 = arith.constant 0 : i32
      %dma_wait3A_200 = arith.constant 0 : i32
      %dma_wait3A_201 = arith.constant 0 : i32
      %dma_wait3A_202 = tpu.memref_slice %arg9[%dma_wait3A_199, %dma_wait3A_200, %dma_wait3A_201] : memref<2x128x128xf32, #tpu.memory_space<vmem>> -> memref<1x128x128xf32, #tpu.memory_space<vmem>>
      %dma_wait3A_203 = tpu.memref_squeeze %dma_wait3A_202 : memref<1x128x128xf32, #tpu.memory_space<vmem>> -> memref<128x128xf32, #tpu.memory_space<vmem>>
      %dma_wait3A_204 = arith.constant 0 : i32
      %dma_wait3A_205 = tpu.memref_slice %arg7[%mul3A_196, %dma_wait3A_204] : memref<40x128xi32, #tpu.memory_space<vmem>> -> memref<1x128xi32, #tpu.memory_space<vmem>>
      %dma_wait3A_206 = tpu.memref_squeeze %dma_wait3A_205 : memref<1x128xi32, #tpu.memory_space<vmem>> -> memref<128xi32, #tpu.memory_space<vmem>>
      %dma_wait3A_207 = arith.constant 0 : i32
      %dma_wait3A_208 = arith.constant 0 : i32
      %dma_wait3A_209 = tpu.memref_slice %arg2[%dma_wait3A_207, %dma_wait3A_208] : memref<10000x128xf32, #tpu.memory_space<hbm>> -> memref<10000x128xf32, #tpu.memory_space<hbm>>
      tpu.wait_indirect_dma semaphore(%arg11 : memref<!tpu.dma_semaphore, #tpu.memory_space<semaphore_mem>>) src(%dma_wait3A_209 : memref<10000x128xf32, #tpu.memory_space<hbm>>) dst(%dma_wait3A_203 : memref<128x128xf32, #tpu.memory_space<vmem>>)
      %ge3A = arith.constant 1 : i32
      %ge3A_210 = arith.cmpi sge, %scan3A_194, %ge3A : i32
      %convert_element_type3A_211 = arith.extui %ge3A_210 : i1 to i32
      %cond3A_212 = arith.constant 0 : i32
      %cond3A_213 = arith.cmpi ne, %convert_element_type3A_211, %cond3A_212 : i32
      scf.if %cond3A_213 {
        %sub3A = arith.constant 2 : i32
        %sub3A_282 = arith.subi %add3A_198, %sub3A : i32
        %dma_wait3A_283 = arith.constant 1 : i32
        %dma_wait3A_284 = arith.constant 0 : i32
        %dma_wait3A_285 = arith.constant 0 : i32
        %dma_wait3A_286 = tpu.memref_slice %arg9[%dma_wait3A_283, %dma_wait3A_284, %dma_wait3A_285] : memref<2x128x128xf32, #tpu.memory_space<vmem>> -> memref<1x128x128xf32, #tpu.memory_space<vmem>>
        %dma_wait3A_287 = tpu.memref_squeeze %dma_wait3A_286 : memref<1x128x128xf32, #tpu.memory_space<vmem>> -> memref<128x128xf32, #tpu.memory_space<vmem>>
        %dma_wait3A_288 = arith.constant 0 : i32
        %dma_wait3A_289 = tpu.memref_slice %arg8[%sub3A_282, %dma_wait3A_288] : memref<40x128xi32, #tpu.memory_space<vmem>> -> memref<1x128xi32, #tpu.memory_space<vmem>>
        %dma_wait3A_290 = tpu.memref_squeeze %dma_wait3A_289 : memref<1x128xi32, #tpu.memory_space<vmem>> -> memref<128xi32, #tpu.memory_space<vmem>>
        %dma_wait3A_291 = arith.constant 0 : i32
        %dma_wait3A_292 = arith.constant 0 : i32
        %dma_wait3A_293 = tpu.memref_slice %arg10[%dma_wait3A_291, %dma_wait3A_292] : memref<10016x128xf32, #tpu.memory_space<vmem_shared>> -> memref<10016x128xf32, #tpu.memory_space<vmem_shared>>
        tpu.wait_indirect_dma semaphore(%arg14 : memref<!tpu.dma_semaphore, #tpu.memory_space<semaphore_mem>>) src(%dma_wait3A_287 : memref<128x128xf32, #tpu.memory_space<vmem>>) dst(%dma_wait3A_293 : memref<10016x128xf32, #tpu.memory_space<vmem_shared>>)
      } else {
      }
      %dma_start3A_214 = arith.constant 1 : i32
      %dma_start3A_215 = arith.constant 0 : i32
      %dma_start3A_216 = arith.constant 0 : i32
      %dma_start3A_217 = tpu.memref_slice %arg9[%dma_start3A_214, %dma_start3A_215, %dma_start3A_216] : memref<2x128x128xf32, #tpu.memory_space<vmem>> -> memref<1x128x128xf32, #tpu.memory_space<vmem>>
      %dma_start3A_218 = tpu.memref_squeeze %dma_start3A_217 : memref<1x128x128xf32, #tpu.memory_space<vmem>> -> memref<128x128xf32, #tpu.memory_space<vmem>>
      %dma_start3A_219 = arith.constant 0 : i32
      %dma_start3A_220 = tpu.memref_slice %arg7[%add3A_198, %dma_start3A_219] : memref<40x128xi32, #tpu.memory_space<vmem>> -> memref<1x128xi32, #tpu.memory_space<vmem>>
      %dma_start3A_221 = tpu.memref_squeeze %dma_start3A_220 : memref<1x128xi32, #tpu.memory_space<vmem>> -> memref<128xi32, #tpu.memory_space<vmem>>
      %dma_start3A_222 = arith.constant 0 : i32
      %dma_start3A_223 = arith.constant 0 : i32
      %dma_start3A_224 = tpu.memref_slice %arg2[%dma_start3A_222, %dma_start3A_223] : memref<10000x128xf32, #tpu.memory_space<hbm>> -> memref<10000x128xf32, #tpu.memory_space<hbm>>
      tpu.enqueue_indirect_dma source(%dma_start3A_224 : memref<10000x128xf32, #tpu.memory_space<hbm>>) target(%dma_start3A_218 : memref<128x128xf32, #tpu.memory_space<vmem>>) offsets(%dma_start3A_221 : memref<128xi32, #tpu.memory_space<vmem>>) semaphore(%arg12 : memref<!tpu.dma_semaphore, #tpu.memory_space<semaphore_mem>>)
      %dma_start3A_225 = arith.constant 0 : i32
      %dma_start3A_226 = arith.constant 0 : i32
      %dma_start3A_227 = arith.constant 0 : i32
      %dma_start3A_228 = tpu.memref_slice %arg9[%dma_start3A_225, %dma_start3A_226, %dma_start3A_227] : memref<2x128x128xf32, #tpu.memory_space<vmem>> -> memref<1x128x128xf32, #tpu.memory_space<vmem>>
      %dma_start3A_229 = tpu.memref_squeeze %dma_start3A_228 : memref<1x128x128xf32, #tpu.memory_space<vmem>> -> memref<128x128xf32, #tpu.memory_space<vmem>>
      %dma_start3A_230 = arith.constant 0 : i32
      %dma_start3A_231 = tpu.memref_slice %arg8[%mul3A_196, %dma_start3A_230] : memref<40x128xi32, #tpu.memory_space<vmem>> -> memref<1x128xi32, #tpu.memory_space<vmem>>
      %dma_start3A_232 = tpu.memref_squeeze %dma_start3A_231 : memref<1x128xi32, #tpu.memory_space<vmem>> -> memref<128xi32, #tpu.memory_space<vmem>>
      %dma_start3A_233 = arith.constant 0 : i32
      %dma_start3A_234 = arith.constant 0 : i32
      %dma_start3A_235 = tpu.memref_slice %arg10[%dma_start3A_233, %dma_start3A_234] : memref<10016x128xf32, #tpu.memory_space<vmem_shared>> -> memref<10016x128xf32, #tpu.memory_space<vmem_shared>>
      tpu.enqueue_indirect_dma source(%dma_start3A_229 : memref<128x128xf32, #tpu.memory_space<vmem>>) target(%dma_start3A_235 : memref<10016x128xf32, #tpu.memory_space<vmem_shared>>) offsets(%dma_start3A_232 : memref<128xi32, #tpu.memory_space<vmem>>) semaphore(%arg13 : memref<!tpu.dma_semaphore, #tpu.memory_space<semaphore_mem>>) {add = true}
      %dma_wait3A_236 = arith.constant 1 : i32
      %dma_wait3A_237 = arith.constant 0 : i32
      %dma_wait3A_238 = arith.constant 0 : i32
      %dma_wait3A_239 = tpu.memref_slice %arg9[%dma_wait3A_236, %dma_wait3A_237, %dma_wait3A_238] : memref<2x128x128xf32, #tpu.memory_space<vmem>> -> memref<1x128x128xf32, #tpu.memory_space<vmem>>
      %dma_wait3A_240 = tpu.memref_squeeze %dma_wait3A_239 : memref<1x128x128xf32, #tpu.memory_space<vmem>> -> memref<128x128xf32, #tpu.memory_space<vmem>>
      %dma_wait3A_241 = arith.constant 0 : i32
      %dma_wait3A_242 = tpu.memref_slice %arg7[%add3A_198, %dma_wait3A_241] : memref<40x128xi32, #tpu.memory_space<vmem>> -> memref<1x128xi32, #tpu.memory_space<vmem>>
      %dma_wait3A_243 = tpu.memref_squeeze %dma_wait3A_242 : memref<1x128xi32, #tpu.memory_space<vmem>> -> memref<128xi32, #tpu.memory_space<vmem>>
      %dma_wait3A_244 = arith.constant 0 : i32
      %dma_wait3A_245 = arith.constant 0 : i32
      %dma_wait3A_246 = tpu.memref_slice %arg2[%dma_wait3A_244, %dma_wait3A_245] : memref<10000x128xf32, #tpu.memory_space<hbm>> -> memref<10000x128xf32, #tpu.memory_space<hbm>>
      tpu.wait_indirect_dma semaphore(%arg12 : memref<!tpu.dma_semaphore, #tpu.memory_space<semaphore_mem>>) src(%dma_wait3A_246 : memref<10000x128xf32, #tpu.memory_space<hbm>>) dst(%dma_wait3A_240 : memref<128x128xf32, #tpu.memory_space<vmem>>)
      %dma_wait3A_247 = arith.constant 0 : i32
      %dma_wait3A_248 = arith.constant 0 : i32
      %dma_wait3A_249 = arith.constant 0 : i32
      %dma_wait3A_250 = tpu.memref_slice %arg9[%dma_wait3A_247, %dma_wait3A_248, %dma_wait3A_249] : memref<2x128x128xf32, #tpu.memory_space<vmem>> -> memref<1x128x128xf32, #tpu.memory_space<vmem>>
      %dma_wait3A_251 = tpu.memref_squeeze %dma_wait3A_250 : memref<1x128x128xf32, #tpu.memory_space<vmem>> -> memref<128x128xf32, #tpu.memory_space<vmem>>
      %dma_wait3A_252 = arith.constant 0 : i32
      %dma_wait3A_253 = tpu.memref_slice %arg8[%mul3A_196, %dma_wait3A_252] : memref<40x128xi32, #tpu.memory_space<vmem>> -> memref<1x128xi32, #tpu.memory_space<vmem>>
      %dma_wait3A_254 = tpu.memref_squeeze %dma_wait3A_253 : memref<1x128xi32, #tpu.memory_space<vmem>> -> memref<128xi32, #tpu.memory_space<vmem>>
      %dma_wait3A_255 = arith.constant 0 : i32
      %dma_wait3A_256 = arith.constant 0 : i32
      %dma_wait3A_257 = tpu.memref_slice %arg10[%dma_wait3A_255, %dma_wait3A_256] : memref<10016x128xf32, #tpu.memory_space<vmem_shared>> -> memref<10016x128xf32, #tpu.memory_space<vmem_shared>>
      tpu.wait_indirect_dma semaphore(%arg13 : memref<!tpu.dma_semaphore, #tpu.memory_space<semaphore_mem>>) src(%dma_wait3A_251 : memref<128x128xf32, #tpu.memory_space<vmem>>) dst(%dma_wait3A_257 : memref<10016x128xf32, #tpu.memory_space<vmem_shared>>)
      %add3A_258 = arith.constant 2 : i32
      %add3A_259 = arith.addi %mul3A_196, %add3A_258 : i32
      %dma_start3A_260 = arith.constant 0 : i32
      %dma_start3A_261 = arith.constant 0 : i32
      %dma_start3A_262 = arith.constant 0 : i32
      %dma_start3A_263 = tpu.memref_slice %arg9[%dma_start3A_260, %dma_start3A_261, %dma_start3A_262] : memref<2x128x128xf32, #tpu.memory_space<vmem>> -> memref<1x128x128xf32, #tpu.memory_space<vmem>>
      %dma_start3A_264 = tpu.memref_squeeze %dma_start3A_263 : memref<1x128x128xf32, #tpu.memory_space<vmem>> -> memref<128x128xf32, #tpu.memory_space<vmem>>
      %dma_start3A_265 = arith.constant 0 : i32
      %dma_start3A_266 = tpu.memref_slice %arg7[%add3A_259, %dma_start3A_265] : memref<40x128xi32, #tpu.memory_space<vmem>> -> memref<1x128xi32, #tpu.memory_space<vmem>>
      %dma_start3A_267 = tpu.memref_squeeze %dma_start3A_266 : memref<1x128xi32, #tpu.memory_space<vmem>> -> memref<128xi32, #tpu.memory_space<vmem>>
      %dma_start3A_268 = arith.constant 0 : i32
      %dma_start3A_269 = arith.constant 0 : i32
      %dma_start3A_270 = tpu.memref_slice %arg2[%dma_start3A_268, %dma_start3A_269] : memref<10000x128xf32, #tpu.memory_space<hbm>> -> memref<10000x128xf32, #tpu.memory_space<hbm>>
      tpu.enqueue_indirect_dma source(%dma_start3A_270 : memref<10000x128xf32, #tpu.memory_space<hbm>>) target(%dma_start3A_264 : memref<128x128xf32, #tpu.memory_space<vmem>>) offsets(%dma_start3A_267 : memref<128xi32, #tpu.memory_space<vmem>>) semaphore(%arg11 : memref<!tpu.dma_semaphore, #tpu.memory_space<semaphore_mem>>)
      %dma_start3A_271 = arith.constant 1 : i32
      %dma_start3A_272 = arith.constant 0 : i32
      %dma_start3A_273 = arith.constant 0 : i32
      %dma_start3A_274 = tpu.memref_slice %arg9[%dma_start3A_271, %dma_start3A_272, %dma_start3A_273] : memref<2x128x128xf32, #tpu.memory_space<vmem>> -> memref<1x128x128xf32, #tpu.memory_space<vmem>>
      %dma_start3A_275 = tpu.memref_squeeze %dma_start3A_274 : memref<1x128x128xf32, #tpu.memory_space<vmem>> -> memref<128x128xf32, #tpu.memory_space<vmem>>
      %dma_start3A_276 = arith.constant 0 : i32
      %dma_start3A_277 = tpu.memref_slice %arg8[%add3A_198, %dma_start3A_276] : memref<40x128xi32, #tpu.memory_space<vmem>> -> memref<1x128xi32, #tpu.memory_space<vmem>>
      %dma_start3A_278 = tpu.memref_squeeze %dma_start3A_277 : memref<1x128xi32, #tpu.memory_space<vmem>> -> memref<128xi32, #tpu.memory_space<vmem>>
      %dma_start3A_279 = arith.constant 0 : i32
      %dma_start3A_280 = arith.constant 0 : i32
      %dma_start3A_281 = tpu.memref_slice %arg10[%dma_start3A_279, %dma_start3A_280] : memref<10016x128xf32, #tpu.memory_space<vmem_shared>> -> memref<10016x128xf32, #tpu.memory_space<vmem_shared>>
      tpu.enqueue_indirect_dma source(%dma_start3A_275 : memref<128x128xf32, #tpu.memory_space<vmem>>) target(%dma_start3A_281 : memref<10016x128xf32, #tpu.memory_space<vmem_shared>>) offsets(%dma_start3A_278 : memref<128xi32, #tpu.memory_space<vmem>>) semaphore(%arg14 : memref<!tpu.dma_semaphore, #tpu.memory_space<semaphore_mem>>) {add = true}
    }
    %scan3A_22 = arith.constant 19 : i32
    %dma_wait3A = arith.constant 1 : i32
    %dma_wait3A_23 = arith.constant 37 : i32
    %dma_wait3A_24 = arith.constant 0 : i32
    %dma_wait3A_25 = arith.constant 0 : i32
    %dma_wait3A_26 = tpu.memref_slice %arg9[%dma_wait3A, %dma_wait3A_24, %dma_wait3A_25] : memref<2x128x128xf32, #tpu.memory_space<vmem>> -> memref<1x128x128xf32, #tpu.memory_space<vmem>>
    %dma_wait3A_27 = tpu.memref_squeeze %dma_wait3A_26 : memref<1x128x128xf32, #tpu.memory_space<vmem>> -> memref<128x128xf32, #tpu.memory_space<vmem>>
    %dma_wait3A_28 = arith.constant 0 : i32
    %dma_wait3A_29 = tpu.memref_slice %arg8[%dma_wait3A_23, %dma_wait3A_28] : memref<40x128xi32, #tpu.memory_space<vmem>> -> memref<1x128xi32, #tpu.memory_space<vmem>>
    %dma_wait3A_30 = tpu.memref_squeeze %dma_wait3A_29 : memref<1x128xi32, #tpu.memory_space<vmem>> -> memref<128xi32, #tpu.memory_space<vmem>>
    %dma_wait3A_31 = arith.constant 0 : i32
    %dma_wait3A_32 = arith.constant 0 : i32
    %dma_wait3A_33 = tpu.memref_slice %arg10[%dma_wait3A_31, %dma_wait3A_32] : memref<10016x128xf32, #tpu.memory_space<vmem_shared>> -> memref<10016x128xf32, #tpu.memory_space<vmem_shared>>
    tpu.wait_indirect_dma semaphore(%arg14 : memref<!tpu.dma_semaphore, #tpu.memory_space<semaphore_mem>>) src(%dma_wait3A_27 : memref<128x128xf32, #tpu.memory_space<vmem>>) dst(%dma_wait3A_33 : memref<10016x128xf32, #tpu.memory_space<vmem_shared>>)
    %dma_wait3A_34 = arith.constant 38 : i32
    %dma_wait3A_35 = arith.constant 0 : i32
    %dma_wait3A_36 = arith.constant 0 : i32
    %dma_wait3A_37 = arith.constant 0 : i32
    %dma_wait3A_38 = tpu.memref_slice %arg9[%dma_wait3A_35, %dma_wait3A_36, %dma_wait3A_37] : memref<2x128x128xf32, #tpu.memory_space<vmem>> -> memref<1x128x128xf32, #tpu.memory_space<vmem>>
    %dma_wait3A_39 = tpu.memref_squeeze %dma_wait3A_38 : memref<1x128x128xf32, #tpu.memory_space<vmem>> -> memref<128x128xf32, #tpu.memory_space<vmem>>
    %dma_wait3A_40 = arith.constant 0 : i32
    %dma_wait3A_41 = tpu.memref_slice %arg7[%dma_wait3A_34, %dma_wait3A_40] : memref<40x128xi32, #tpu.memory_space<vmem>> -> memref<1x128xi32, #tpu.memory_space<vmem>>
    %dma_wait3A_42 = tpu.memref_squeeze %dma_wait3A_41 : memref<1x128xi32, #tpu.memory_space<vmem>> -> memref<128xi32, #tpu.memory_space<vmem>>
    %dma_wait3A_43 = arith.constant 0 : i32
    %dma_wait3A_44 = arith.constant 0 : i32
    %dma_wait3A_45 = tpu.memref_slice %arg2[%dma_wait3A_43, %dma_wait3A_44] : memref<10000x128xf32, #tpu.memory_space<hbm>> -> memref<10000x128xf32, #tpu.memory_space<hbm>>
    tpu.wait_indirect_dma semaphore(%arg11 : memref<!tpu.dma_semaphore, #tpu.memory_space<semaphore_mem>>) src(%dma_wait3A_45 : memref<10000x128xf32, #tpu.memory_space<hbm>>) dst(%dma_wait3A_39 : memref<128x128xf32, #tpu.memory_space<vmem>>)
    %dma_start3A_46 = arith.constant 39 : i32
    %dma_start3A_47 = arith.constant 1 : i32
    %dma_start3A_48 = arith.constant 0 : i32
    %dma_start3A_49 = arith.constant 0 : i32
    %dma_start3A_50 = tpu.memref_slice %arg9[%dma_start3A_47, %dma_start3A_48, %dma_start3A_49] : memref<2x128x128xf32, #tpu.memory_space<vmem>> -> memref<1x128x128xf32, #tpu.memory_space<vmem>>
    %dma_start3A_51 = tpu.memref_squeeze %dma_start3A_50 : memref<1x128x128xf32, #tpu.memory_space<vmem>> -> memref<128x128xf32, #tpu.memory_space<vmem>>
    %dma_start3A_52 = arith.constant 0 : i32
    %dma_start3A_53 = tpu.memref_slice %arg7[%dma_start3A_46, %dma_start3A_52] : memref<40x128xi32, #tpu.memory_space<vmem>> -> memref<1x128xi32, #tpu.memory_space<vmem>>
    %dma_start3A_54 = tpu.memref_squeeze %dma_start3A_53 : memref<1x128xi32, #tpu.memory_space<vmem>> -> memref<128xi32, #tpu.memory_space<vmem>>
    %dma_start3A_55 = arith.constant 0 : i32
    %dma_start3A_56 = arith.constant 0 : i32
    %dma_start3A_57 = tpu.memref_slice %arg2[%dma_start3A_55, %dma_start3A_56] : memref<10000x128xf32, #tpu.memory_space<hbm>> -> memref<10000x128xf32, #tpu.memory_space<hbm>>
    tpu.enqueue_indirect_dma source(%dma_start3A_57 : memref<10000x128xf32, #tpu.memory_space<hbm>>) target(%dma_start3A_51 : memref<128x128xf32, #tpu.memory_space<vmem>>) offsets(%dma_start3A_54 : memref<128xi32, #tpu.memory_space<vmem>>) semaphore(%arg12 : memref<!tpu.dma_semaphore, #tpu.memory_space<semaphore_mem>>)
    %dma_start3A_58 = arith.constant 0 : i32
    %dma_start3A_59 = arith.constant 38 : i32
    %dma_start3A_60 = arith.constant 0 : i32
    %dma_start3A_61 = arith.constant 0 : i32
    %dma_start3A_62 = tpu.memref_slice %arg9[%dma_start3A_58, %dma_start3A_60, %dma_start3A_61] : memref<2x128x128xf32, #tpu.memory_space<vmem>> -> memref<1x128x128xf32, #tpu.memory_space<vmem>>
    %dma_start3A_63 = tpu.memref_squeeze %dma_start3A_62 : memref<1x128x128xf32, #tpu.memory_space<vmem>> -> memref<128x128xf32, #tpu.memory_space<vmem>>
    %dma_start3A_64 = arith.constant 0 : i32
    %dma_start3A_65 = tpu.memref_slice %arg8[%dma_start3A_59, %dma_start3A_64] : memref<40x128xi32, #tpu.memory_space<vmem>> -> memref<1x128xi32, #tpu.memory_space<vmem>>
    %dma_start3A_66 = tpu.memref_squeeze %dma_start3A_65 : memref<1x128xi32, #tpu.memory_space<vmem>> -> memref<128xi32, #tpu.memory_space<vmem>>
    %dma_start3A_67 = arith.constant 0 : i32
    %dma_start3A_68 = arith.constant 0 : i32
    %dma_start3A_69 = tpu.memref_slice %arg10[%dma_start3A_67, %dma_start3A_68] : memref<10016x128xf32, #tpu.memory_space<vmem_shared>> -> memref<10016x128xf32, #tpu.memory_space<vmem_shared>>
    tpu.enqueue_indirect_dma source(%dma_start3A_63 : memref<128x128xf32, #tpu.memory_space<vmem>>) target(%dma_start3A_69 : memref<10016x128xf32, #tpu.memory_space<vmem_shared>>) offsets(%dma_start3A_66 : memref<128xi32, #tpu.memory_space<vmem>>) semaphore(%arg13 : memref<!tpu.dma_semaphore, #tpu.memory_space<semaphore_mem>>) {add = true}
    %dma_wait3A_70 = arith.constant 39 : i32
    %dma_wait3A_71 = arith.constant 1 : i32
    %dma_wait3A_72 = arith.constant 0 : i32
    %dma_wait3A_73 = arith.constant 0 : i32
    %dma_wait3A_74 = tpu.memref_slice %arg9[%dma_wait3A_71, %dma_wait3A_72, %dma_wait3A_73] : memref<2x128x128xf32, #tpu.memory_space<vmem>> -> memref<1x128x128xf32, #tpu.memory_space<vmem>>
    %dma_wait3A_75 = tpu.memref_squeeze %dma_wait3A_74 : memref<1x128x128xf32, #tpu.memory_space<vmem>> -> memref<128x128xf32, #tpu.memory_space<vmem>>
    %dma_wait3A_76 = arith.constant 0 : i32
    %dma_wait3A_77 = tpu.memref_slice %arg7[%dma_wait3A_70, %dma_wait3A_76] : memref<40x128xi32, #tpu.memory_space<vmem>> -> memref<1x128xi32, #tpu.memory_space<vmem>>
    %dma_wait3A_78 = tpu.memref_squeeze %dma_wait3A_77 : memref<1x128xi32, #tpu.memory_space<vmem>> -> memref<128xi32, #tpu.memory_space<vmem>>
    %dma_wait3A_79 = arith.constant 0 : i32
    %dma_wait3A_80 = arith.constant 0 : i32
    %dma_wait3A_81 = tpu.memref_slice %arg2[%dma_wait3A_79, %dma_wait3A_80] : memref<10000x128xf32, #tpu.memory_space<hbm>> -> memref<10000x128xf32, #tpu.memory_space<hbm>>
    tpu.wait_indirect_dma semaphore(%arg12 : memref<!tpu.dma_semaphore, #tpu.memory_space<semaphore_mem>>) src(%dma_wait3A_81 : memref<10000x128xf32, #tpu.memory_space<hbm>>) dst(%dma_wait3A_75 : memref<128x128xf32, #tpu.memory_space<vmem>>)
    %dma_wait3A_82 = arith.constant 0 : i32
    %dma_wait3A_83 = arith.constant 38 : i32
    %dma_wait3A_84 = arith.constant 0 : i32
    %dma_wait3A_85 = arith.constant 0 : i32
    %dma_wait3A_86 = tpu.memref_slice %arg9[%dma_wait3A_82, %dma_wait3A_84, %dma_wait3A_85] : memref<2x128x128xf32, #tpu.memory_space<vmem>> -> memref<1x128x128xf32, #tpu.memory_space<vmem>>
    %dma_wait3A_87 = tpu.memref_squeeze %dma_wait3A_86 : memref<1x128x128xf32, #tpu.memory_space<vmem>> -> memref<128x128xf32, #tpu.memory_space<vmem>>
    %dma_wait3A_88 = arith.constant 0 : i32
    %dma_wait3A_89 = tpu.memref_slice %arg8[%dma_wait3A_83, %dma_wait3A_88] : memref<40x128xi32, #tpu.memory_space<vmem>> -> memref<1x128xi32, #tpu.memory_space<vmem>>
    %dma_wait3A_90 = tpu.memref_squeeze %dma_wait3A_89 : memref<1x128xi32, #tpu.memory_space<vmem>> -> memref<128xi32, #tpu.memory_space<vmem>>
    %dma_wait3A_91 = arith.constant 0 : i32
    %dma_wait3A_92 = arith.constant 0 : i32
    %dma_wait3A_93 = tpu.memref_slice %arg10[%dma_wait3A_91, %dma_wait3A_92] : memref<10016x128xf32, #tpu.memory_space<vmem_shared>> -> memref<10016x128xf32, #tpu.memory_space<vmem_shared>>
    tpu.wait_indirect_dma semaphore(%arg13 : memref<!tpu.dma_semaphore, #tpu.memory_space<semaphore_mem>>) src(%dma_wait3A_87 : memref<128x128xf32, #tpu.memory_space<vmem>>) dst(%dma_wait3A_93 : memref<10016x128xf32, #tpu.memory_space<vmem_shared>>)
    %dma_start3A_94 = arith.constant 1 : i32
    %dma_start3A_95 = arith.constant 39 : i32
    %dma_start3A_96 = arith.constant 0 : i32
    %dma_start3A_97 = arith.constant 0 : i32
    %dma_start3A_98 = tpu.memref_slice %arg9[%dma_start3A_94, %dma_start3A_96, %dma_start3A_97] : memref<2x128x128xf32, #tpu.memory_space<vmem>> -> memref<1x128x128xf32, #tpu.memory_space<vmem>>
    %dma_start3A_99 = tpu.memref_squeeze %dma_start3A_98 : memref<1x128x128xf32, #tpu.memory_space<vmem>> -> memref<128x128xf32, #tpu.memory_space<vmem>>
    %dma_start3A_100 = arith.constant 0 : i32
    %dma_start3A_101 = tpu.memref_slice %arg8[%dma_start3A_95, %dma_start3A_100] : memref<40x128xi32, #tpu.memory_space<vmem>> -> memref<1x128xi32, #tpu.memory_space<vmem>>
    %dma_start3A_102 = tpu.memref_squeeze %dma_start3A_101 : memref<1x128xi32, #tpu.memory_space<vmem>> -> memref<128xi32, #tpu.memory_space<vmem>>
    %dma_start3A_103 = arith.constant 0 : i32
    %dma_start3A_104 = arith.constant 0 : i32
    %dma_start3A_105 = tpu.memref_slice %arg10[%dma_start3A_103, %dma_start3A_104] : memref<10016x128xf32, #tpu.memory_space<vmem_shared>> -> memref<10016x128xf32, #tpu.memory_space<vmem_shared>>
    tpu.enqueue_indirect_dma source(%dma_start3A_99 : memref<128x128xf32, #tpu.memory_space<vmem>>) target(%dma_start3A_105 : memref<10016x128xf32, #tpu.memory_space<vmem_shared>>) offsets(%dma_start3A_102 : memref<128xi32, #tpu.memory_space<vmem>>) semaphore(%arg14 : memref<!tpu.dma_semaphore, #tpu.memory_space<semaphore_mem>>) {add = true}
    %dma_wait3A_106 = arith.constant 1 : i32
    %dma_wait3A_107 = arith.constant 39 : i32
    %dma_wait3A_108 = arith.constant 0 : i32
    %dma_wait3A_109 = arith.constant 0 : i32
    %dma_wait3A_110 = tpu.memref_slice %arg9[%dma_wait3A_106, %dma_wait3A_108, %dma_wait3A_109] : memref<2x128x128xf32, #tpu.memory_space<vmem>> -> memref<1x128x128xf32, #tpu.memory_space<vmem>>
    %dma_wait3A_111 = tpu.memref_squeeze %dma_wait3A_110 : memref<1x128x128xf32, #tpu.memory_space<vmem>> -> memref<128x128xf32, #tpu.memory_space<vmem>>
    %dma_wait3A_112 = arith.constant 0 : i32
    %dma_wait3A_113 = tpu.memref_slice %arg8[%dma_wait3A_107, %dma_wait3A_112] : memref<40x128xi32, #tpu.memory_space<vmem>> -> memref<1x128xi32, #tpu.memory_space<vmem>>
    %dma_wait3A_114 = tpu.memref_squeeze %dma_wait3A_113 : memref<1x128xi32, #tpu.memory_space<vmem>> -> memref<128xi32, #tpu.memory_space<vmem>>
    %dma_wait3A_115 = arith.constant 0 : i32
    %dma_wait3A_116 = arith.constant 0 : i32
    %dma_wait3A_117 = tpu.memref_slice %arg10[%dma_wait3A_115, %dma_wait3A_116] : memref<10016x128xf32, #tpu.memory_space<vmem_shared>> -> memref<10016x128xf32, #tpu.memory_space<vmem_shared>>
    tpu.wait_indirect_dma semaphore(%arg14 : memref<!tpu.dma_semaphore, #tpu.memory_space<semaphore_mem>>) src(%dma_wait3A_111 : memref<128x128xf32, #tpu.memory_space<vmem>>) dst(%dma_wait3A_117 : memref<10016x128xf32, #tpu.memory_space<vmem_shared>>)
    "tpu.region"() ({
      %run_scoped3A = tpu.sem_alloc : memref<!tpu.dma_semaphore, #tpu.memory_space<semaphore_mem>>
      %dma_start3A_194 = arith.constant 0 : i32
      %dma_start3A_195 = arith.constant 0 : i32
      %dma_start3A_196 = tpu.memref_slice %arg7[%dma_start3A_194, %dma_start3A_195] : memref<40x128xi32, #tpu.memory_space<vmem>> -> memref<39x128xi32, #tpu.memory_space<vmem>>
      %dma_start3A_197 = arith.constant 40 : i32
      %dma_start3A_198 = arith.constant 0 : i32
      %dma_start3A_199 = tpu.memref_slice %arg3[%add3A, %dma_start3A_197, %dma_start3A_198] : memref<32x79x128xi32, #tpu.memory_space<hbm>> -> memref<1x39x128xi32, #tpu.memory_space<hbm>>
      %dma_start3A_200 = tpu.memref_squeeze %dma_start3A_199 : memref<1x39x128xi32, #tpu.memory_space<hbm>> -> memref<39x128xi32, #tpu.memory_space<hbm>>
      %dma_start3A_201 = arith.constant 0 : i32
      %dma_start3A_202 = arith.constant 0 : i32
      %dma_start3A_203 = tpu.memref_slice %arg7[%dma_start3A_201, %dma_start3A_202] : memref<40x128xi32, #tpu.memory_space<vmem>> -> memref<39x128xi32, #tpu.memory_space<vmem>>
      %dma_start3A_204 = arith.constant 40 : i32
      %dma_start3A_205 = arith.constant 0 : i32
      %dma_start3A_206 = tpu.memref_slice %arg3[%add3A, %dma_start3A_204, %dma_start3A_205] : memref<32x79x128xi32, #tpu.memory_space<hbm>> -> memref<1x39x128xi32, #tpu.memory_space<hbm>>
      %dma_start3A_207 = tpu.memref_squeeze %dma_start3A_206 : memref<1x39x128xi32, #tpu.memory_space<hbm>> -> memref<39x128xi32, #tpu.memory_space<hbm>>
      tpu.enqueue_dma source(%dma_start3A_207 : memref<39x128xi32, #tpu.memory_space<hbm>>) target(%dma_start3A_203 : memref<39x128xi32, #tpu.memory_space<vmem>>) target_semaphore(%run_scoped3A : memref<!tpu.dma_semaphore, #tpu.memory_space<semaphore_mem>>)
      %dma_wait3A_208 = arith.constant 0 : i32
      %dma_wait3A_209 = arith.constant 0 : i32
      %dma_wait3A_210 = tpu.memref_slice %arg7[%dma_wait3A_208, %dma_wait3A_209] : memref<40x128xi32, #tpu.memory_space<vmem>> -> memref<39x128xi32, #tpu.memory_space<vmem>>
      %dma_wait3A_211 = arith.constant 40 : i32
      %dma_wait3A_212 = arith.constant 0 : i32
      %dma_wait3A_213 = tpu.memref_slice %arg3[%add3A, %dma_wait3A_211, %dma_wait3A_212] : memref<32x79x128xi32, #tpu.memory_space<hbm>> -> memref<1x39x128xi32, #tpu.memory_space<hbm>>
      %dma_wait3A_214 = tpu.memref_squeeze %dma_wait3A_213 : memref<1x39x128xi32, #tpu.memory_space<hbm>> -> memref<39x128xi32, #tpu.memory_space<hbm>>
      %dma_wait3A_215 = arith.constant 0 : i32
      %dma_wait3A_216 = arith.constant 0 : i32
      %dma_wait3A_217 = tpu.memref_slice %arg7[%dma_wait3A_215, %dma_wait3A_216] : memref<40x128xi32, #tpu.memory_space<vmem>> -> memref<39x128xi32, #tpu.memory_space<vmem>>
      %dma_wait3A_218 = arith.constant 40 : i32
      %dma_wait3A_219 = arith.constant 0 : i32
      %dma_wait3A_220 = tpu.memref_slice %arg3[%add3A, %dma_wait3A_218, %dma_wait3A_219] : memref<32x79x128xi32, #tpu.memory_space<hbm>> -> memref<1x39x128xi32, #tpu.memory_space<hbm>>
      %dma_wait3A_221 = tpu.memref_squeeze %dma_wait3A_220 : memref<1x39x128xi32, #tpu.memory_space<hbm>> -> memref<39x128xi32, #tpu.memory_space<hbm>>
      tpu.wait_dma2 semaphore(%run_scoped3A : memref<!tpu.dma_semaphore, #tpu.memory_space<semaphore_mem>>) src(%dma_wait3A_221 : memref<39x128xi32, #tpu.memory_space<hbm>>) dst(%dma_wait3A_217 : memref<39x128xi32, #tpu.memory_space<vmem>>)
      tpu.yield
    }) : () -> ()
    "tpu.region"() ({
      %run_scoped3A = tpu.sem_alloc : memref<!tpu.dma_semaphore, #tpu.memory_space<semaphore_mem>>
      %dma_start3A_194 = arith.constant 0 : i32
      %dma_start3A_195 = arith.constant 0 : i32
      %dma_start3A_196 = tpu.memref_slice %arg8[%dma_start3A_194, %dma_start3A_195] : memref<40x128xi32, #tpu.memory_space<vmem>> -> memref<39x128xi32, #tpu.memory_space<vmem>>
      %dma_start3A_197 = arith.constant 40 : i32
      %dma_start3A_198 = arith.constant 0 : i32
      %dma_start3A_199 = tpu.memref_slice %arg4[%add3A, %dma_start3A_197, %dma_start3A_198] : memref<32x79x128xi32, #tpu.memory_space<hbm>> -> memref<1x39x128xi32, #tpu.memory_space<hbm>>
      %dma_start3A_200 = tpu.memref_squeeze %dma_start3A_199 : memref<1x39x128xi32, #tpu.memory_space<hbm>> -> memref<39x128xi32, #tpu.memory_space<hbm>>
      %dma_start3A_201 = arith.constant 0 : i32
      %dma_start3A_202 = arith.constant 0 : i32
      %dma_start3A_203 = tpu.memref_slice %arg8[%dma_start3A_201, %dma_start3A_202] : memref<40x128xi32, #tpu.memory_space<vmem>> -> memref<39x128xi32, #tpu.memory_space<vmem>>
      %dma_start3A_204 = arith.constant 40 : i32
      %dma_start3A_205 = arith.constant 0 : i32
      %dma_start3A_206 = tpu.memref_slice %arg4[%add3A, %dma_start3A_204, %dma_start3A_205] : memref<32x79x128xi32, #tpu.memory_space<hbm>> -> memref<1x39x128xi32, #tpu.memory_space<hbm>>
      %dma_start3A_207 = tpu.memref_squeeze %dma_start3A_206 : memref<1x39x128xi32, #tpu.memory_space<hbm>> -> memref<39x128xi32, #tpu.memory_space<hbm>>
      tpu.enqueue_dma source(%dma_start3A_207 : memref<39x128xi32, #tpu.memory_space<hbm>>) target(%dma_start3A_203 : memref<39x128xi32, #tpu.memory_space<vmem>>) target_semaphore(%run_scoped3A : memref<!tpu.dma_semaphore, #tpu.memory_space<semaphore_mem>>)
      %dma_wait3A_208 = arith.constant 0 : i32
      %dma_wait3A_209 = arith.constant 0 : i32
      %dma_wait3A_210 = tpu.memref_slice %arg8[%dma_wait3A_208, %dma_wait3A_209] : memref<40x128xi32, #tpu.memory_space<vmem>> -> memref<39x128xi32, #tpu.memory_space<vmem>>
      %dma_wait3A_211 = arith.constant 40 : i32
      %dma_wait3A_212 = arith.constant 0 : i32
      %dma_wait3A_213 = tpu.memref_slice %arg4[%add3A, %dma_wait3A_211, %dma_wait3A_212] : memref<32x79x128xi32, #tpu.memory_space<hbm>> -> memref<1x39x128xi32, #tpu.memory_space<hbm>>
      %dma_wait3A_214 = tpu.memref_squeeze %dma_wait3A_213 : memref<1x39x128xi32, #tpu.memory_space<hbm>> -> memref<39x128xi32, #tpu.memory_space<hbm>>
      %dma_wait3A_215 = arith.constant 0 : i32
      %dma_wait3A_216 = arith.constant 0 : i32
      %dma_wait3A_217 = tpu.memref_slice %arg8[%dma_wait3A_215, %dma_wait3A_216] : memref<40x128xi32, #tpu.memory_space<vmem>> -> memref<39x128xi32, #tpu.memory_space<vmem>>
      %dma_wait3A_218 = arith.constant 40 : i32
      %dma_wait3A_219 = arith.constant 0 : i32
      %dma_wait3A_220 = tpu.memref_slice %arg4[%add3A, %dma_wait3A_218, %dma_wait3A_219] : memref<32x79x128xi32, #tpu.memory_space<hbm>> -> memref<1x39x128xi32, #tpu.memory_space<hbm>>
      %dma_wait3A_221 = tpu.memref_squeeze %dma_wait3A_220 : memref<1x39x128xi32, #tpu.memory_space<hbm>> -> memref<39x128xi32, #tpu.memory_space<hbm>>
      tpu.wait_dma2 semaphore(%run_scoped3A : memref<!tpu.dma_semaphore, #tpu.memory_space<semaphore_mem>>) src(%dma_wait3A_221 : memref<39x128xi32, #tpu.memory_space<hbm>>) dst(%dma_wait3A_217 : memref<39x128xi32, #tpu.memory_space<vmem>>)
      tpu.yield
    }) : () -> ()
    %dma_start3A_118 = arith.constant 0 : i32
    %dma_start3A_119 = arith.constant 0 : i32
    %dma_start3A_120 = arith.constant 0 : i32
    %dma_start3A_121 = arith.constant 0 : i32
    %dma_start3A_122 = tpu.memref_slice %arg9[%dma_start3A_119, %dma_start3A_120, %dma_start3A_121] : memref<2x128x128xf32, #tpu.memory_space<vmem>> -> memref<1x128x128xf32, #tpu.memory_space<vmem>>
    %dma_start3A_123 = tpu.memref_squeeze %dma_start3A_122 : memref<1x128x128xf32, #tpu.memory_space<vmem>> -> memref<128x128xf32, #tpu.memory_space<vmem>>
    %dma_start3A_124 = arith.constant 0 : i32
    %dma_start3A_125 = tpu.memref_slice %arg7[%dma_start3A_118, %dma_start3A_124] : memref<40x128xi32, #tpu.memory_space<vmem>> -> memref<1x128xi32, #tpu.memory_space<vmem>>
    %dma_start3A_126 = tpu.memref_squeeze %dma_start3A_125 : memref<1x128xi32, #tpu.memory_space<vmem>> -> memref<128xi32, #tpu.memory_space<vmem>>
    %dma_start3A_127 = arith.constant 0 : i32
    %dma_start3A_128 = arith.constant 0 : i32
    %dma_start3A_129 = tpu.memref_slice %arg2[%dma_start3A_127, %dma_start3A_128] : memref<10000x128xf32, #tpu.memory_space<hbm>> -> memref<10000x128xf32, #tpu.memory_space<hbm>>
    tpu.enqueue_indirect_dma source(%dma_start3A_129 : memref<10000x128xf32, #tpu.memory_space<hbm>>) target(%dma_start3A_123 : memref<128x128xf32, #tpu.memory_space<vmem>>) offsets(%dma_start3A_126 : memref<128xi32, #tpu.memory_space<vmem>>) semaphore(%arg11 : memref<!tpu.dma_semaphore, #tpu.memory_space<semaphore_mem>>)
    %scan3A_130 = arith.constant 0 : i32
    %scan3A_131 = arith.constant 0 : i32
    %scan3A_132 = arith.constant 19 : i32
    %scan3A_133 = arith.addi %scan3A_131, %scan3A_132 : i32
    %scan3A_134 = arith.constant 1 : i32
    scf.for %scan3A_194 = %scan3A_131 to %scan3A_133 step %scan3A_134  : i32 {
      %mul3A_195 = arith.constant 2 : i32
      %mul3A_196 = arith.muli %mul3A_195, %scan3A_194 : i32
      %add3A_197 = arith.constant 1 : i32
      %add3A_198 = arith.addi %mul3A_196, %add3A_197 : i32
      %dma_wait3A_199 = arith.constant 0 : i32
      %dma_wait3A_200 = arith.constant 0 : i32
      %dma_wait3A_201 = arith.constant 0 : i32
      %dma_wait3A_202 = tpu.memref_slice %arg9[%dma_wait3A_199, %dma_wait3A_200, %dma_wait3A_201] : memref<2x128x128xf32, #tpu.memory_space<vmem>> -> memref<1x128x128xf32, #tpu.memory_space<vmem>>
      %dma_wait3A_203 = tpu.memref_squeeze %dma_wait3A_202 : memref<1x128x128xf32, #tpu.memory_space<vmem>> -> memref<128x128xf32, #tpu.memory_space<vmem>>
      %dma_wait3A_204 = arith.constant 0 : i32
      %dma_wait3A_205 = tpu.memref_slice %arg7[%mul3A_196, %dma_wait3A_204] : memref<40x128xi32, #tpu.memory_space<vmem>> -> memref<1x128xi32, #tpu.memory_space<vmem>>
      %dma_wait3A_206 = tpu.memref_squeeze %dma_wait3A_205 : memref<1x128xi32, #tpu.memory_space<vmem>> -> memref<128xi32, #tpu.memory_space<vmem>>
      %dma_wait3A_207 = arith.constant 0 : i32
      %dma_wait3A_208 = arith.constant 0 : i32
      %dma_wait3A_209 = tpu.memref_slice %arg2[%dma_wait3A_207, %dma_wait3A_208] : memref<10000x128xf32, #tpu.memory_space<hbm>> -> memref<10000x128xf32, #tpu.memory_space<hbm>>
      tpu.wait_indirect_dma semaphore(%arg11 : memref<!tpu.dma_semaphore, #tpu.memory_space<semaphore_mem>>) src(%dma_wait3A_209 : memref<10000x128xf32, #tpu.memory_space<hbm>>) dst(%dma_wait3A_203 : memref<128x128xf32, #tpu.memory_space<vmem>>)
      %ge3A = arith.constant 1 : i32
      %ge3A_210 = arith.cmpi sge, %scan3A_194, %ge3A : i32
      %convert_element_type3A_211 = arith.extui %ge3A_210 : i1 to i32
      %cond3A_212 = arith.constant 0 : i32
      %cond3A_213 = arith.cmpi ne, %convert_element_type3A_211, %cond3A_212 : i32
      scf.if %cond3A_213 {
        %sub3A = arith.constant 2 : i32
        %sub3A_282 = arith.subi %add3A_198, %sub3A : i32
        %dma_wait3A_283 = arith.constant 1 : i32
        %dma_wait3A_284 = arith.constant 0 : i32
        %dma_wait3A_285 = arith.constant 0 : i32
        %dma_wait3A_286 = tpu.memref_slice %arg9[%dma_wait3A_283, %dma_wait3A_284, %dma_wait3A_285] : memref<2x128x128xf32, #tpu.memory_space<vmem>> -> memref<1x128x128xf32, #tpu.memory_space<vmem>>
        %dma_wait3A_287 = tpu.memref_squeeze %dma_wait3A_286 : memref<1x128x128xf32, #tpu.memory_space<vmem>> -> memref<128x128xf32, #tpu.memory_space<vmem>>
        %dma_wait3A_288 = arith.constant 0 : i32
        %dma_wait3A_289 = tpu.memref_slice %arg8[%sub3A_282, %dma_wait3A_288] : memref<40x128xi32, #tpu.memory_space<vmem>> -> memref<1x128xi32, #tpu.memory_space<vmem>>
        %dma_wait3A_290 = tpu.memref_squeeze %dma_wait3A_289 : memref<1x128xi32, #tpu.memory_space<vmem>> -> memref<128xi32, #tpu.memory_space<vmem>>
        %dma_wait3A_291 = arith.constant 0 : i32
        %dma_wait3A_292 = arith.constant 0 : i32
        %dma_wait3A_293 = tpu.memref_slice %arg10[%dma_wait3A_291, %dma_wait3A_292] : memref<10016x128xf32, #tpu.memory_space<vmem_shared>> -> memref<10016x128xf32, #tpu.memory_space<vmem_shared>>
        tpu.wait_indirect_dma semaphore(%arg14 : memref<!tpu.dma_semaphore, #tpu.memory_space<semaphore_mem>>) src(%dma_wait3A_287 : memref<128x128xf32, #tpu.memory_space<vmem>>) dst(%dma_wait3A_293 : memref<10016x128xf32, #tpu.memory_space<vmem_shared>>)
      } else {
      }
      %dma_start3A_214 = arith.constant 1 : i32
      %dma_start3A_215 = arith.constant 0 : i32
      %dma_start3A_216 = arith.constant 0 : i32
      %dma_start3A_217 = tpu.memref_slice %arg9[%dma_start3A_214, %dma_start3A_215, %dma_start3A_216] : memref<2x128x128xf32, #tpu.memory_space<vmem>> -> memref<1x128x128xf32, #tpu.memory_space<vmem>>
      %dma_start3A_218 = tpu.memref_squeeze %dma_start3A_217 : memref<1x128x128xf32, #tpu.memory_space<vmem>> -> memref<128x128xf32, #tpu.memory_space<vmem>>
      %dma_start3A_219 = arith.constant 0 : i32
      %dma_start3A_220 = tpu.memref_slice %arg7[%add3A_198, %dma_start3A_219] : memref<40x128xi32, #tpu.memory_space<vmem>> -> memref<1x128xi32, #tpu.memory_space<vmem>>
      %dma_start3A_221 = tpu.memref_squeeze %dma_start3A_220 : memref<1x128xi32, #tpu.memory_space<vmem>> -> memref<128xi32, #tpu.memory_space<vmem>>
      %dma_start3A_222 = arith.constant 0 : i32
      %dma_start3A_223 = arith.constant 0 : i32
      %dma_start3A_224 = tpu.memref_slice %arg2[%dma_start3A_222, %dma_start3A_223] : memref<10000x128xf32, #tpu.memory_space<hbm>> -> memref<10000x128xf32, #tpu.memory_space<hbm>>
      tpu.enqueue_indirect_dma source(%dma_start3A_224 : memref<10000x128xf32, #tpu.memory_space<hbm>>) target(%dma_start3A_218 : memref<128x128xf32, #tpu.memory_space<vmem>>) offsets(%dma_start3A_221 : memref<128xi32, #tpu.memory_space<vmem>>) semaphore(%arg12 : memref<!tpu.dma_semaphore, #tpu.memory_space<semaphore_mem>>)
      %dma_start3A_225 = arith.constant 0 : i32
      %dma_start3A_226 = arith.constant 0 : i32
      %dma_start3A_227 = arith.constant 0 : i32
      %dma_start3A_228 = tpu.memref_slice %arg9[%dma_start3A_225, %dma_start3A_226, %dma_start3A_227] : memref<2x128x128xf32, #tpu.memory_space<vmem>> -> memref<1x128x128xf32, #tpu.memory_space<vmem>>
      %dma_start3A_229 = tpu.memref_squeeze %dma_start3A_228 : memref<1x128x128xf32, #tpu.memory_space<vmem>> -> memref<128x128xf32, #tpu.memory_space<vmem>>
      %dma_start3A_230 = arith.constant 0 : i32
      %dma_start3A_231 = tpu.memref_slice %arg8[%mul3A_196, %dma_start3A_230] : memref<40x128xi32, #tpu.memory_space<vmem>> -> memref<1x128xi32, #tpu.memory_space<vmem>>
      %dma_start3A_232 = tpu.memref_squeeze %dma_start3A_231 : memref<1x128xi32, #tpu.memory_space<vmem>> -> memref<128xi32, #tpu.memory_space<vmem>>
      %dma_start3A_233 = arith.constant 0 : i32
      %dma_start3A_234 = arith.constant 0 : i32
      %dma_start3A_235 = tpu.memref_slice %arg10[%dma_start3A_233, %dma_start3A_234] : memref<10016x128xf32, #tpu.memory_space<vmem_shared>> -> memref<10016x128xf32, #tpu.memory_space<vmem_shared>>
      tpu.enqueue_indirect_dma source(%dma_start3A_229 : memref<128x128xf32, #tpu.memory_space<vmem>>) target(%dma_start3A_235 : memref<10016x128xf32, #tpu.memory_space<vmem_shared>>) offsets(%dma_start3A_232 : memref<128xi32, #tpu.memory_space<vmem>>) semaphore(%arg13 : memref<!tpu.dma_semaphore, #tpu.memory_space<semaphore_mem>>) {add = true}
      %dma_wait3A_236 = arith.constant 1 : i32
      %dma_wait3A_237 = arith.constant 0 : i32
      %dma_wait3A_238 = arith.constant 0 : i32
      %dma_wait3A_239 = tpu.memref_slice %arg9[%dma_wait3A_236, %dma_wait3A_237, %dma_wait3A_238] : memref<2x128x128xf32, #tpu.memory_space<vmem>> -> memref<1x128x128xf32, #tpu.memory_space<vmem>>
      %dma_wait3A_240 = tpu.memref_squeeze %dma_wait3A_239 : memref<1x128x128xf32, #tpu.memory_space<vmem>> -> memref<128x128xf32, #tpu.memory_space<vmem>>
      %dma_wait3A_241 = arith.constant 0 : i32
      %dma_wait3A_242 = tpu.memref_slice %arg7[%add3A_198, %dma_wait3A_241] : memref<40x128xi32, #tpu.memory_space<vmem>> -> memref<1x128xi32, #tpu.memory_space<vmem>>
      %dma_wait3A_243 = tpu.memref_squeeze %dma_wait3A_242 : memref<1x128xi32, #tpu.memory_space<vmem>> -> memref<128xi32, #tpu.memory_space<vmem>>
      %dma_wait3A_244 = arith.constant 0 : i32
      %dma_wait3A_245 = arith.constant 0 : i32
      %dma_wait3A_246 = tpu.memref_slice %arg2[%dma_wait3A_244, %dma_wait3A_245] : memref<10000x128xf32, #tpu.memory_space<hbm>> -> memref<10000x128xf32, #tpu.memory_space<hbm>>
      tpu.wait_indirect_dma semaphore(%arg12 : memref<!tpu.dma_semaphore, #tpu.memory_space<semaphore_mem>>) src(%dma_wait3A_246 : memref<10000x128xf32, #tpu.memory_space<hbm>>) dst(%dma_wait3A_240 : memref<128x128xf32, #tpu.memory_space<vmem>>)
      %dma_wait3A_247 = arith.constant 0 : i32
      %dma_wait3A_248 = arith.constant 0 : i32
      %dma_wait3A_249 = arith.constant 0 : i32
      %dma_wait3A_250 = tpu.memref_slice %arg9[%dma_wait3A_247, %dma_wait3A_248, %dma_wait3A_249] : memref<2x128x128xf32, #tpu.memory_space<vmem>> -> memref<1x128x128xf32, #tpu.memory_space<vmem>>
      %dma_wait3A_251 = tpu.memref_squeeze %dma_wait3A_250 : memref<1x128x128xf32, #tpu.memory_space<vmem>> -> memref<128x128xf32, #tpu.memory_space<vmem>>
      %dma_wait3A_252 = arith.constant 0 : i32
      %dma_wait3A_253 = tpu.memref_slice %arg8[%mul3A_196, %dma_wait3A_252] : memref<40x128xi32, #tpu.memory_space<vmem>> -> memref<1x128xi32, #tpu.memory_space<vmem>>
      %dma_wait3A_254 = tpu.memref_squeeze %dma_wait3A_253 : memref<1x128xi32, #tpu.memory_space<vmem>> -> memref<128xi32, #tpu.memory_space<vmem>>
      %dma_wait3A_255 = arith.constant 0 : i32
      %dma_wait3A_256 = arith.constant 0 : i32
      %dma_wait3A_257 = tpu.memref_slice %arg10[%dma_wait3A_255, %dma_wait3A_256] : memref<10016x128xf32, #tpu.memory_space<vmem_shared>> -> memref<10016x128xf32, #tpu.memory_space<vmem_shared>>
      tpu.wait_indirect_dma semaphore(%arg13 : memref<!tpu.dma_semaphore, #tpu.memory_space<semaphore_mem>>) src(%dma_wait3A_251 : memref<128x128xf32, #tpu.memory_space<vmem>>) dst(%dma_wait3A_257 : memref<10016x128xf32, #tpu.memory_space<vmem_shared>>)
      %add3A_258 = arith.constant 2 : i32
      %add3A_259 = arith.addi %mul3A_196, %add3A_258 : i32
      %dma_start3A_260 = arith.constant 0 : i32
      %dma_start3A_261 = arith.constant 0 : i32
      %dma_start3A_262 = arith.constant 0 : i32
      %dma_start3A_263 = tpu.memref_slice %arg9[%dma_start3A_260, %dma_start3A_261, %dma_start3A_262] : memref<2x128x128xf32, #tpu.memory_space<vmem>> -> memref<1x128x128xf32, #tpu.memory_space<vmem>>
      %dma_start3A_264 = tpu.memref_squeeze %dma_start3A_263 : memref<1x128x128xf32, #tpu.memory_space<vmem>> -> memref<128x128xf32, #tpu.memory_space<vmem>>
      %dma_start3A_265 = arith.constant 0 : i32
      %dma_start3A_266 = tpu.memref_slice %arg7[%add3A_259, %dma_start3A_265] : memref<40x128xi32, #tpu.memory_space<vmem>> -> memref<1x128xi32, #tpu.memory_space<vmem>>
      %dma_start3A_267 = tpu.memref_squeeze %dma_start3A_266 : memref<1x128xi32, #tpu.memory_space<vmem>> -> memref<128xi32, #tpu.memory_space<vmem>>
      %dma_start3A_268 = arith.constant 0 : i32
      %dma_start3A_269 = arith.constant 0 : i32
      %dma_start3A_270 = tpu.memref_slice %arg2[%dma_start3A_268, %dma_start3A_269] : memref<10000x128xf32, #tpu.memory_space<hbm>> -> memref<10000x128xf32, #tpu.memory_space<hbm>>
      tpu.enqueue_indirect_dma source(%dma_start3A_270 : memref<10000x128xf32, #tpu.memory_space<hbm>>) target(%dma_start3A_264 : memref<128x128xf32, #tpu.memory_space<vmem>>) offsets(%dma_start3A_267 : memref<128xi32, #tpu.memory_space<vmem>>) semaphore(%arg11 : memref<!tpu.dma_semaphore, #tpu.memory_space<semaphore_mem>>)
      %dma_start3A_271 = arith.constant 1 : i32
      %dma_start3A_272 = arith.constant 0 : i32
      %dma_start3A_273 = arith.constant 0 : i32
      %dma_start3A_274 = tpu.memref_slice %arg9[%dma_start3A_271, %dma_start3A_272, %dma_start3A_273] : memref<2x128x128xf32, #tpu.memory_space<vmem>> -> memref<1x128x128xf32, #tpu.memory_space<vmem>>
      %dma_start3A_275 = tpu.memref_squeeze %dma_start3A_274 : memref<1x128x128xf32, #tpu.memory_space<vmem>> -> memref<128x128xf32, #tpu.memory_space<vmem>>
      %dma_start3A_276 = arith.constant 0 : i32
      %dma_start3A_277 = tpu.memref_slice %arg8[%add3A_198, %dma_start3A_276] : memref<40x128xi32, #tpu.memory_space<vmem>> -> memref<1x128xi32, #tpu.memory_space<vmem>>
      %dma_start3A_278 = tpu.memref_squeeze %dma_start3A_277 : memref<1x128xi32, #tpu.memory_space<vmem>> -> memref<128xi32, #tpu.memory_space<vmem>>
      %dma_start3A_279 = arith.constant 0 : i32
      %dma_start3A_280 = arith.constant 0 : i32
      %dma_start3A_281 = tpu.memref_slice %arg10[%dma_start3A_279, %dma_start3A_280] : memref<10016x128xf32, #tpu.memory_space<vmem_shared>> -> memref<10016x128xf32, #tpu.memory_space<vmem_shared>>
      tpu.enqueue_indirect_dma source(%dma_start3A_275 : memref<128x128xf32, #tpu.memory_space<vmem>>) target(%dma_start3A_281 : memref<10016x128xf32, #tpu.memory_space<vmem_shared>>) offsets(%dma_start3A_278 : memref<128xi32, #tpu.memory_space<vmem>>) semaphore(%arg14 : memref<!tpu.dma_semaphore, #tpu.memory_space<semaphore_mem>>) {add = true}
    }
    %scan3A_135 = arith.constant 19 : i32
    %dma_wait3A_136 = arith.constant 1 : i32
    %dma_wait3A_137 = arith.constant 37 : i32
    %dma_wait3A_138 = arith.constant 0 : i32
    %dma_wait3A_139 = arith.constant 0 : i32
    %dma_wait3A_140 = tpu.memref_slice %arg9[%dma_wait3A_136, %dma_wait3A_138, %dma_wait3A_139] : memref<2x128x128xf32, #tpu.memory_space<vmem>> -> memref<1x128x128xf32, #tpu.memory_space<vmem>>
    %dma_wait3A_141 = tpu.memref_squeeze %dma_wait3A_140 : memref<1x128x128xf32, #tpu.memory_space<vmem>> -> memref<128x128xf32, #tpu.memory_space<vmem>>
    %dma_wait3A_142 = arith.constant 0 : i32
    %dma_wait3A_143 = tpu.memref_slice %arg8[%dma_wait3A_137, %dma_wait3A_142] : memref<40x128xi32, #tpu.memory_space<vmem>> -> memref<1x128xi32, #tpu.memory_space<vmem>>
    %dma_wait3A_144 = tpu.memref_squeeze %dma_wait3A_143 : memref<1x128xi32, #tpu.memory_space<vmem>> -> memref<128xi32, #tpu.memory_space<vmem>>
    %dma_wait3A_145 = arith.constant 0 : i32
    %dma_wait3A_146 = arith.constant 0 : i32
    %dma_wait3A_147 = tpu.memref_slice %arg10[%dma_wait3A_145, %dma_wait3A_146] : memref<10016x128xf32, #tpu.memory_space<vmem_shared>> -> memref<10016x128xf32, #tpu.memory_space<vmem_shared>>
    tpu.wait_indirect_dma semaphore(%arg14 : memref<!tpu.dma_semaphore, #tpu.memory_space<semaphore_mem>>) src(%dma_wait3A_141 : memref<128x128xf32, #tpu.memory_space<vmem>>) dst(%dma_wait3A_147 : memref<10016x128xf32, #tpu.memory_space<vmem_shared>>)
    %dma_wait3A_148 = arith.constant 38 : i32
    %dma_wait3A_149 = arith.constant 0 : i32
    %dma_wait3A_150 = arith.constant 0 : i32
    %dma_wait3A_151 = arith.constant 0 : i32
    %dma_wait3A_152 = tpu.memref_slice %arg9[%dma_wait3A_149, %dma_wait3A_150, %dma_wait3A_151] : memref<2x128x128xf32, #tpu.memory_space<vmem>> -> memref<1x128x128xf32, #tpu.memory_space<vmem>>
    %dma_wait3A_153 = tpu.memref_squeeze %dma_wait3A_152 : memref<1x128x128xf32, #tpu.memory_space<vmem>> -> memref<128x128xf32, #tpu.memory_space<vmem>>
    %dma_wait3A_154 = arith.constant 0 : i32
    %dma_wait3A_155 = tpu.memref_slice %arg7[%dma_wait3A_148, %dma_wait3A_154] : memref<40x128xi32, #tpu.memory_space<vmem>> -> memref<1x128xi32, #tpu.memory_space<vmem>>
    %dma_wait3A_156 = tpu.memref_squeeze %dma_wait3A_155 : memref<1x128xi32, #tpu.memory_space<vmem>> -> memref<128xi32, #tpu.memory_space<vmem>>
    %dma_wait3A_157 = arith.constant 0 : i32
    %dma_wait3A_158 = arith.constant 0 : i32
    %dma_wait3A_159 = tpu.memref_slice %arg2[%dma_wait3A_157, %dma_wait3A_158] : memref<10000x128xf32, #tpu.memory_space<hbm>> -> memref<10000x128xf32, #tpu.memory_space<hbm>>
    tpu.wait_indirect_dma semaphore(%arg11 : memref<!tpu.dma_semaphore, #tpu.memory_space<semaphore_mem>>) src(%dma_wait3A_159 : memref<10000x128xf32, #tpu.memory_space<hbm>>) dst(%dma_wait3A_153 : memref<128x128xf32, #tpu.memory_space<vmem>>)
    %dma_start3A_160 = arith.constant 0 : i32
    %dma_start3A_161 = arith.constant 38 : i32
    %dma_start3A_162 = arith.constant 0 : i32
    %dma_start3A_163 = arith.constant 0 : i32
    %dma_start3A_164 = tpu.memref_slice %arg9[%dma_start3A_160, %dma_start3A_162, %dma_start3A_163] : memref<2x128x128xf32, #tpu.memory_space<vmem>> -> memref<1x128x128xf32, #tpu.memory_space<vmem>>
    %dma_start3A_165 = tpu.memref_squeeze %dma_start3A_164 : memref<1x128x128xf32, #tpu.memory_space<vmem>> -> memref<128x128xf32, #tpu.memory_space<vmem>>
    %dma_start3A_166 = arith.constant 0 : i32
    %dma_start3A_167 = tpu.memref_slice %arg8[%dma_start3A_161, %dma_start3A_166] : memref<40x128xi32, #tpu.memory_space<vmem>> -> memref<1x128xi32, #tpu.memory_space<vmem>>
    %dma_start3A_168 = tpu.memref_squeeze %dma_start3A_167 : memref<1x128xi32, #tpu.memory_space<vmem>> -> memref<128xi32, #tpu.memory_space<vmem>>
    %dma_start3A_169 = arith.constant 0 : i32
    %dma_start3A_170 = arith.constant 0 : i32
    %dma_start3A_171 = tpu.memref_slice %arg10[%dma_start3A_169, %dma_start3A_170] : memref<10016x128xf32, #tpu.memory_space<vmem_shared>> -> memref<10016x128xf32, #tpu.memory_space<vmem_shared>>
    tpu.enqueue_indirect_dma source(%dma_start3A_165 : memref<128x128xf32, #tpu.memory_space<vmem>>) target(%dma_start3A_171 : memref<10016x128xf32, #tpu.memory_space<vmem_shared>>) offsets(%dma_start3A_168 : memref<128xi32, #tpu.memory_space<vmem>>) semaphore(%arg13 : memref<!tpu.dma_semaphore, #tpu.memory_space<semaphore_mem>>) {add = true}
    %dma_wait3A_172 = arith.constant 0 : i32
    %dma_wait3A_173 = arith.constant 38 : i32
    %dma_wait3A_174 = arith.constant 0 : i32
    %dma_wait3A_175 = arith.constant 0 : i32
    %dma_wait3A_176 = tpu.memref_slice %arg9[%dma_wait3A_172, %dma_wait3A_174, %dma_wait3A_175] : memref<2x128x128xf32, #tpu.memory_space<vmem>> -> memref<1x128x128xf32, #tpu.memory_space<vmem>>
    %dma_wait3A_177 = tpu.memref_squeeze %dma_wait3A_176 : memref<1x128x128xf32, #tpu.memory_space<vmem>> -> memref<128x128xf32, #tpu.memory_space<vmem>>
    %dma_wait3A_178 = arith.constant 0 : i32
    %dma_wait3A_179 = tpu.memref_slice %arg8[%dma_wait3A_173, %dma_wait3A_178] : memref<40x128xi32, #tpu.memory_space<vmem>> -> memref<1x128xi32, #tpu.memory_space<vmem>>
    %dma_wait3A_180 = tpu.memref_squeeze %dma_wait3A_179 : memref<1x128xi32, #tpu.memory_space<vmem>> -> memref<128xi32, #tpu.memory_space<vmem>>
    %dma_wait3A_181 = arith.constant 0 : i32
    %dma_wait3A_182 = arith.constant 0 : i32
    %dma_wait3A_183 = tpu.memref_slice %arg10[%dma_wait3A_181, %dma_wait3A_182] : memref<10016x128xf32, #tpu.memory_space<vmem_shared>> -> memref<10016x128xf32, #tpu.memory_space<vmem_shared>>
    tpu.wait_indirect_dma semaphore(%arg13 : memref<!tpu.dma_semaphore, #tpu.memory_space<semaphore_mem>>) src(%dma_wait3A_177 : memref<128x128xf32, #tpu.memory_space<vmem>>) dst(%dma_wait3A_183 : memref<10016x128xf32, #tpu.memory_space<vmem_shared>>)
    %barrier3A_184 = arith.constant 0 : index
    tpu.barrier barrier_id(%barrier3A_184)
    %mul3A_185 = arith.constant 624 : i32
    %mul3A_186 = arith.muli %arg1, %mul3A_185 : i32
    %mul3A_187 = arith.constant 624 : i32
    %mul3A_188 = arith.muli %arg1, %mul3A_187 : i32
    "tpu.region"() ({
      %run_scoped3A = tpu.sem_alloc : memref<!tpu.dma_semaphore, #tpu.memory_space<semaphore_mem>>
      %dma_start3A_194 = arith.constant 0 : i32
      %dma_start3A_195 = arith.constant 0 : i32
      %dma_start3A_196 = tpu.memref_slice %arg6[%arg0, %dma_start3A_194, %dma_start3A_195] : memref<2x10016x128xf32, #tpu.memory_space<hbm>> -> memref<1x10016x128xf32, #tpu.memory_space<hbm>>
      %dma_start3A_197 = tpu.memref_squeeze %dma_start3A_196 : memref<1x10016x128xf32, #tpu.memory_space<hbm>> -> memref<10016x128xf32, #tpu.memory_space<hbm>>
      %dma_start3A_198 = arith.constant 0 : i32
      %dma_start3A_199 = tpu.memref_slice %dma_start3A_197[%mul3A_188, %dma_start3A_198] : memref<10016x128xf32, #tpu.memory_space<hbm>> -> memref<624x128xf32, #tpu.memory_space<hbm>>
      %dma_start3A_200 = arith.constant 0 : i32
      %dma_start3A_201 = tpu.memref_slice %arg10[%mul3A_186, %dma_start3A_200] : memref<10016x128xf32, #tpu.memory_space<vmem_shared>> -> memref<624x128xf32, #tpu.memory_space<vmem_shared>>
      tpu.enqueue_dma source(%dma_start3A_201 : memref<624x128xf32, #tpu.memory_space<vmem_shared>>) target(%dma_start3A_199 : memref<624x128xf32, #tpu.memory_space<hbm>>) target_semaphore(%run_scoped3A : memref<!tpu.dma_semaphore, #tpu.memory_space<semaphore_mem>>)
      %dma_wait3A_202 = arith.constant 0 : i32
      %dma_wait3A_203 = arith.constant 0 : i32
      %dma_wait3A_204 = tpu.memref_slice %arg6[%arg0, %dma_wait3A_202, %dma_wait3A_203] : memref<2x10016x128xf32, #tpu.memory_space<hbm>> -> memref<1x10016x128xf32, #tpu.memory_space<hbm>>
      %dma_wait3A_205 = tpu.memref_squeeze %dma_wait3A_204 : memref<1x10016x128xf32, #tpu.memory_space<hbm>> -> memref<10016x128xf32, #tpu.memory_space<hbm>>
      %dma_wait3A_206 = arith.constant 0 : i32
      %dma_wait3A_207 = tpu.memref_slice %dma_wait3A_205[%mul3A_188, %dma_wait3A_206] : memref<10016x128xf32, #tpu.memory_space<hbm>> -> memref<624x128xf32, #tpu.memory_space<hbm>>
      %dma_wait3A_208 = arith.constant 0 : i32
      %dma_wait3A_209 = tpu.memref_slice %arg10[%mul3A_186, %dma_wait3A_208] : memref<10016x128xf32, #tpu.memory_space<vmem_shared>> -> memref<624x128xf32, #tpu.memory_space<vmem_shared>>
      tpu.wait_dma2 semaphore(%run_scoped3A : memref<!tpu.dma_semaphore, #tpu.memory_space<semaphore_mem>>) src(%dma_wait3A_209 : memref<624x128xf32, #tpu.memory_space<vmem_shared>>) dst(%dma_wait3A_207 : memref<624x128xf32, #tpu.memory_space<hbm>>)
      tpu.yield
    }) : () -> ()
    %eq3A_189 = arith.constant 15 : i32
    %eq3A_190 = arith.cmpi eq, %arg1, %eq3A_189 : i32
    %convert_element_type3A_191 = arith.extui %eq3A_190 : i1 to i32
    %cond3A_192 = arith.constant 0 : i32
    %cond3A_193 = arith.cmpi ne, %convert_element_type3A_191, %cond3A_192 : i32
    scf.if %cond3A_193 {
      "tpu.region"() ({
        %run_scoped3A = tpu.sem_alloc : memref<!tpu.dma_semaphore, #tpu.memory_space<semaphore_mem>>
        %dma_start3A_194 = arith.constant 0 : i32
        %dma_start3A_195 = arith.constant 0 : i32
        %dma_start3A_196 = tpu.memref_slice %arg6[%arg0, %dma_start3A_194, %dma_start3A_195] : memref<2x10016x128xf32, #tpu.memory_space<hbm>> -> memref<1x10016x128xf32, #tpu.memory_space<hbm>>
        %dma_start3A_197 = tpu.memref_squeeze %dma_start3A_196 : memref<1x10016x128xf32, #tpu.memory_space<hbm>> -> memref<10016x128xf32, #tpu.memory_space<hbm>>
        %dma_start3A_198 = arith.constant 9984 : i32
        %dma_start3A_199 = arith.constant 0 : i32
        %dma_start3A_200 = tpu.memref_slice %dma_start3A_197[%dma_start3A_198, %dma_start3A_199] : memref<10016x128xf32, #tpu.memory_space<hbm>> -> memref<32x128xf32, #tpu.memory_space<hbm>>
        %dma_start3A_201 = arith.constant 9984 : i32
        %dma_start3A_202 = arith.constant 0 : i32
        %dma_start3A_203 = tpu.memref_slice %arg10[%dma_start3A_201, %dma_start3A_202] : memref<10016x128xf32, #tpu.memory_space<vmem_shared>> -> memref<32x128xf32, #tpu.memory_space<vmem_shared>>
        tpu.enqueue_dma source(%dma_start3A_203 : memref<32x128xf32, #tpu.memory_space<vmem_shared>>) target(%dma_start3A_200 : memref<32x128xf32, #tpu.memory_space<hbm>>) target_semaphore(%run_scoped3A : memref<!tpu.dma_semaphore, #tpu.memory_space<semaphore_mem>>)
        %dma_wait3A_204 = arith.constant 0 : i32
        %dma_wait3A_205 = arith.constant 0 : i32
        %dma_wait3A_206 = tpu.memref_slice %arg6[%arg0, %dma_wait3A_204, %dma_wait3A_205] : memref<2x10016x128xf32, #tpu.memory_space<hbm>> -> memref<1x10016x128xf32, #tpu.memory_space<hbm>>
        %dma_wait3A_207 = tpu.memref_squeeze %dma_wait3A_206 : memref<1x10016x128xf32, #tpu.memory_space<hbm>> -> memref<10016x128xf32, #tpu.memory_space<hbm>>
        %dma_wait3A_208 = arith.constant 9984 : i32
        %dma_wait3A_209 = arith.constant 0 : i32
        %dma_wait3A_210 = tpu.memref_slice %dma_wait3A_207[%dma_wait3A_208, %dma_wait3A_209] : memref<10016x128xf32, #tpu.memory_space<hbm>> -> memref<32x128xf32, #tpu.memory_space<hbm>>
        %dma_wait3A_211 = arith.constant 9984 : i32
        %dma_wait3A_212 = arith.constant 0 : i32
        %dma_wait3A_213 = tpu.memref_slice %arg10[%dma_wait3A_211, %dma_wait3A_212] : memref<10016x128xf32, #tpu.memory_space<vmem_shared>> -> memref<32x128xf32, #tpu.memory_space<vmem_shared>>
        tpu.wait_dma2 semaphore(%run_scoped3A : memref<!tpu.dma_semaphore, #tpu.memory_space<semaphore_mem>>) src(%dma_wait3A_213 : memref<32x128xf32, #tpu.memory_space<vmem_shared>>) dst(%dma_wait3A_210 : memref<32x128xf32, #tpu.memory_space<hbm>>)
        tpu.yield
      }) : () -> ()
    } else {
    }
    return
  }
}

module attributes {stable_mosaic.version = 14 : i64} {
  func.func @_proj_body(%arg0: i32, %arg1: memref<2000x128xf32, #tpu.memory_space<vmem>>, %arg2: memref<128x128xf32, #tpu.memory_space<vmem>>, %arg3: memref<1x128xf32, #tpu.memory_space<vmem>>, %arg4: memref<128x128xf32, #tpu.memory_space<vmem>>, %arg5: memref<2000x128xf32, #tpu.memory_space<vmem>>, %arg6: memref<2000x128xf32, #tpu.memory_space<vmem>>) attributes {dimension_semantics = [#tpu.dimension_semantics<arbitrary>], iteration_bounds = array<i64: 5>, scalar_prefetch = 0 : i64, scratch_operands = 0 : i64, tpu.core_type = #tpu.core_type<tc>, window_params = [{transform_indices = @transform_0, window_bounds = array<i64: 2000, 128>}, {pipeline_mode = #tpu.pipeline_mode<synchronous>, transform_indices = @transform_1, window_bounds = array<i64: 128, 128>}, {pipeline_mode = #tpu.pipeline_mode<synchronous>, transform_indices = @transform_2, window_bounds = array<i64: 1, 128>}, {pipeline_mode = #tpu.pipeline_mode<synchronous>, transform_indices = @transform_3, window_bounds = array<i64: 128, 128>}, {transform_indices = @transform_4, window_bounds = array<i64: 2000, 128>}, {transform_indices = @transform_5, window_bounds = array<i64: 2000, 128>}]} {
    %get3A = arith.constant 0 : index
    %get3A_0 = arith.constant 0 : index
    %get3A_1 = vector.load %arg1[%get3A, %get3A_0] : memref<2000x128xf32, #tpu.memory_space<vmem>>, vector<2000x128xf32>
    %get3A_2 = arith.constant 0 : index
    %get3A_3 = arith.constant 0 : index
    %get3A_4 = vector.load %arg2[%get3A_2, %get3A_3] : memref<128x128xf32, #tpu.memory_space<vmem>>, vector<128x128xf32>
    %dot_general3A = arith.constant dense<0.000000e+00> : vector<2000x128xf32>
    %dot_general3A_5 = tpu.matmul %get3A_1, %get3A_4, %dot_general3A {dimension_numbers = #tpu.dot_dimension_numbers<[1], [0], [0], [1], [0, 0, 1, 1], [], []>, transpose_lhs_hint = false} : vector<2000x128xf32>, vector<128x128xf32>, vector<2000x128xf32> -> vector<2000x128xf32>
    %get3A_6 = arith.constant 0 : index
    %get3A_7 = arith.constant 0 : index
    %get3A_8 = vector.load %arg3[%get3A_6, %get3A_7] : memref<1x128xf32, #tpu.memory_space<vmem>>, vector<1x128xf32>
    %add3A = vector.broadcast %get3A_8 : vector<1x128xf32> to vector<2000x128xf32>
    %add3A_9 = arith.addf %dot_general3A_5, %add3A : vector<2000x128xf32>
    %max3A = arith.constant 0.000000e+00 : f32
    %max3A_10 = vector.broadcast %max3A : f32 to vector<2000x128xf32>
    %max3A_11 = arith.maximumf %add3A_9, %max3A_10 : vector<2000x128xf32>
    %swap3A = arith.constant 0 : index
    %swap3A_12 = arith.constant 0 : index
    %swap3A_13 = vector.load %arg5[%swap3A, %swap3A_12] : memref<2000x128xf32, #tpu.memory_space<vmem>>, vector<2000x128xf32>
    tpu.vector_store %arg5[%swap3A, %swap3A_12], %max3A_11 {strides = array<i32>} : memref<2000x128xf32, #tpu.memory_space<vmem>>, vector<2000x128xf32>,
    %get3A_14 = arith.constant 0 : index
    %get3A_15 = arith.constant 0 : index
    %get3A_16 = vector.load %arg4[%get3A_14, %get3A_15] : memref<128x128xf32, #tpu.memory_space<vmem>>, vector<128x128xf32>
    %dot_general3A_17 = arith.constant dense<0.000000e+00> : vector<2000x128xf32>
    %dot_general3A_18 = tpu.matmul %max3A_11, %get3A_16, %dot_general3A_17 {dimension_numbers = #tpu.dot_dimension_numbers<[1], [0], [0], [1], [0, 0, 1, 1], [], []>, transpose_lhs_hint = false} : vector<2000x128xf32>, vector<128x128xf32>, vector<2000x128xf32> -> vector<2000x128xf32>
    %swap3A_19 = arith.constant 0 : index
    %swap3A_20 = arith.constant 0 : index
    %swap3A_21 = vector.load %arg6[%swap3A_19, %swap3A_20] : memref<2000x128xf32, #tpu.memory_space<vmem>>, vector<2000x128xf32>
    tpu.vector_store %arg6[%swap3A_19, %swap3A_20], %dot_general3A_18 {strides = array<i32>} : memref<2000x128xf32, #tpu.memory_space<vmem>>, vector<2000x128xf32>,
    return
  }
  func.func @transform_0(%arg0: i32) -> (i32, i32) {
    %c0_i32 = arith.constant 0 : i32
    %c0_i32_0 = arith.constant 0 : i32
    return %arg0, %c0_i32 : i32, i32
  }
  func.func @transform_1(%arg0: i32) -> (i32, i32) {
    %c0_i32 = arith.constant 0 : i32
    %c0_i32_0 = arith.constant 0 : i32
    %c0_i32_1 = arith.constant 0 : i32
    return %c0_i32, %c0_i32_0 : i32, i32
  }
  func.func @transform_2(%arg0: i32) -> (i32, i32) {
    %c0_i32 = arith.constant 0 : i32
    %c0_i32_0 = arith.constant 0 : i32
    %c0_i32_1 = arith.constant 0 : i32
    return %c0_i32, %c0_i32_0 : i32, i32
  }
  func.func @transform_3(%arg0: i32) -> (i32, i32) {
    %c0_i32 = arith.constant 0 : i32
    %c0_i32_0 = arith.constant 0 : i32
    %c0_i32_1 = arith.constant 0 : i32
    return %c0_i32, %c0_i32_0 : i32, i32
  }
  func.func @transform_4(%arg0: i32) -> (i32, i32) {
    %c0_i32 = arith.constant 0 : i32
    %c0_i32_0 = arith.constant 0 : i32
    return %arg0, %c0_i32 : i32, i32
  }
  func.func @transform_5(%arg0: i32) -> (i32, i32) {
    %c0_i32 = arith.constant 0 : i32
    %c0_i32_0 = arith.constant 0 : i32
    return %arg0, %c0_i32 : i32, i32
  }
}

module attributes {stable_mosaic.version = 14 : i64} {
  func.func @_epi_mid_body(%arg0: i32, %arg1: memref<2x2000x128xf32, #tpu.memory_space<vmem>>, %arg2: memref<2x2000x128xf32, #tpu.memory_space<vmem>>, %arg3: memref<2000x128xf32, #tpu.memory_space<vmem>>, %arg4: memref<128x128xf32, #tpu.memory_space<vmem>>, %arg5: memref<1x128xf32, #tpu.memory_space<vmem>>, %arg6: memref<1x128xf32, #tpu.memory_space<vmem>>, %arg7: memref<1x128xf32, #tpu.memory_space<vmem>>, %arg8: memref<128x128xf32, #tpu.memory_space<vmem>>, %arg9: memref<2000x128xf32, #tpu.memory_space<vmem>>, %arg10: memref<2000x128xf32, #tpu.memory_space<vmem>>) attributes {dimension_semantics = [#tpu.dimension_semantics<arbitrary>], iteration_bounds = array<i64: 5>, scalar_prefetch = 0 : i64, scratch_operands = 0 : i64, tpu.core_type = #tpu.core_type<tc>, window_params = [{transform_indices = @transform_0, window_bounds = array<i64: 2, 2000, 128>}, {transform_indices = @transform_1, window_bounds = array<i64: 2, 2000, 128>}, {transform_indices = @transform_2, window_bounds = array<i64: 2000, 128>}, {pipeline_mode = #tpu.pipeline_mode<synchronous>, transform_indices = @transform_3, window_bounds = array<i64: 128, 128>}, {pipeline_mode = #tpu.pipeline_mode<synchronous>, transform_indices = @transform_4, window_bounds = array<i64: 1, 128>}, {pipeline_mode = #tpu.pipeline_mode<synchronous>, transform_indices = @transform_5, window_bounds = array<i64: 1, 128>}, {pipeline_mode = #tpu.pipeline_mode<synchronous>, transform_indices = @transform_6, window_bounds = array<i64: 1, 128>}, {pipeline_mode = #tpu.pipeline_mode<synchronous>, transform_indices = @transform_7, window_bounds = array<i64: 128, 128>}, {transform_indices = @transform_8, window_bounds = array<i64: 2000, 128>}, {transform_indices = @transform_9, window_bounds = array<i64: 2000, 128>}]} {
    %get3A = arith.constant 0 : index
    %get3A_0 = arith.constant 0 : index
    %get3A_1 = arith.constant 0 : index
    %get3A_2 = vector.load %arg1[%get3A, %get3A_0, %get3A_1] : memref<2x2000x128xf32, #tpu.memory_space<vmem>>, vector<1x2000x128xf32>
    %get3A_3 = vector.shape_cast %get3A_2 : vector<1x2000x128xf32> to vector<2000x128xf32>
    %get3A_4 = arith.constant 1 : index
    %get3A_5 = arith.constant 0 : index
    %get3A_6 = arith.constant 0 : index
    %get3A_7 = vector.load %arg1[%get3A_4, %get3A_5, %get3A_6] : memref<2x2000x128xf32, #tpu.memory_space<vmem>>, vector<1x2000x128xf32>
    %get3A_8 = vector.shape_cast %get3A_7 : vector<1x2000x128xf32> to vector<2000x128xf32>
    %add3A = arith.addf %get3A_3, %get3A_8 : vector<2000x128xf32>
    %get3A_9 = arith.constant 0 : index
    %get3A_10 = arith.constant 0 : index
    %get3A_11 = arith.constant 0 : index
    %get3A_12 = vector.load %arg2[%get3A_9, %get3A_10, %get3A_11] : memref<2x2000x128xf32, #tpu.memory_space<vmem>>, vector<1x2000x128xf32>
    %get3A_13 = vector.shape_cast %get3A_12 : vector<1x2000x128xf32> to vector<2000x128xf32>
    %slice3A = vector.extract_strided_slice %get3A_13 {offsets = [0, 0], sizes = [2000, 1], strides = [1, 1]} : vector<2000x128xf32> to vector<2000x1xf32>
    %get3A_14 = arith.constant 1 : index
    %get3A_15 = arith.constant 0 : index
    %get3A_16 = arith.constant 0 : index
    %get3A_17 = vector.load %arg2[%get3A_14, %get3A_15, %get3A_16] : memref<2x2000x128xf32, #tpu.memory_space<vmem>>, vector<1x2000x128xf32>
    %get3A_18 = vector.shape_cast %get3A_17 : vector<1x2000x128xf32> to vector<2000x128xf32>
    %slice3A_19 = vector.extract_strided_slice %get3A_18 {offsets = [0, 0], sizes = [2000, 1], strides = [1, 1]} : vector<2000x128xf32> to vector<2000x1xf32>
    %add3A_20 = arith.addf %slice3A, %slice3A_19 : vector<2000x1xf32>
    %max3A = arith.constant 1.000000e+00 : f32
    %max3A_21 = vector.broadcast %max3A : f32 to vector<2000x1xf32>
    %max3A_22 = arith.maximumf %add3A_20, %max3A_21 : vector<2000x1xf32>
    %div3A = arith.constant 1.000000e+00 : f32
    %div3A_23 = vector.broadcast %div3A : f32 to vector<2000x1xf32>
    %div3A_24 = arith.divf %div3A_23, %max3A_22 : vector<2000x1xf32>
    %mul3A = vector.broadcast %div3A_24 : vector<2000x1xf32> to vector<2000x128xf32>
    %mul3A_25 = arith.mulf %add3A, %mul3A : vector<2000x128xf32>
    %get3A_26 = arith.constant 0 : index
    %get3A_27 = arith.constant 0 : index
    %get3A_28 = vector.load %arg5[%get3A_26, %get3A_27] : memref<1x128xf32, #tpu.memory_space<vmem>>, vector<1x128xf32>
    %add3A_29 = vector.broadcast %get3A_28 : vector<1x128xf32> to vector<2000x128xf32>
    %add3A_30 = arith.addf %mul3A_25, %add3A_29 : vector<2000x128xf32>
    %get3A_31 = arith.constant 0 : index
    %get3A_32 = arith.constant 0 : index
    %get3A_33 = vector.load %arg3[%get3A_31, %get3A_32] : memref<2000x128xf32, #tpu.memory_space<vmem>>, vector<2000x128xf32>
    %get3A_34 = arith.constant 0 : index
    %get3A_35 = arith.constant 0 : index
    %get3A_36 = vector.load %arg4[%get3A_34, %get3A_35] : memref<128x128xf32, #tpu.memory_space<vmem>>, vector<128x128xf32>
    %dot_general3A = arith.constant dense<0.000000e+00> : vector<2000x128xf32>
    %dot_general3A_37 = tpu.matmul %get3A_33, %get3A_36, %dot_general3A {dimension_numbers = #tpu.dot_dimension_numbers<[1], [0], [0], [1], [0, 0, 1, 1], [], []>, transpose_lhs_hint = false} : vector<2000x128xf32>, vector<128x128xf32>, vector<2000x128xf32> -> vector<2000x128xf32>
    %add3A_38 = arith.addf %add3A_30, %dot_general3A_37 : vector<2000x128xf32>
    %get3A_39 = arith.constant 0 : index
    %get3A_40 = arith.constant 0 : index
    %get3A_41 = vector.load %arg6[%get3A_39, %get3A_40] : memref<1x128xf32, #tpu.memory_space<vmem>>, vector<1x128xf32>
    %mul3A_42 = vector.broadcast %get3A_41 : vector<1x128xf32> to vector<2000x128xf32>
    %mul3A_43 = arith.mulf %add3A_38, %mul3A_42 : vector<2000x128xf32>
    %get3A_44 = arith.constant 0 : index
    %get3A_45 = arith.constant 0 : index
    %get3A_46 = vector.load %arg7[%get3A_44, %get3A_45] : memref<1x128xf32, #tpu.memory_space<vmem>>, vector<1x128xf32>
    %add3A_47 = vector.broadcast %get3A_46 : vector<1x128xf32> to vector<2000x128xf32>
    %add3A_48 = arith.addf %mul3A_43, %add3A_47 : vector<2000x128xf32>
    %max3A_49 = arith.constant 0.000000e+00 : f32
    %max3A_50 = vector.broadcast %max3A_49 : f32 to vector<2000x128xf32>
    %max3A_51 = arith.maximumf %add3A_48, %max3A_50 : vector<2000x128xf32>
    %get3A_52 = arith.constant 0 : index
    %get3A_53 = arith.constant 0 : index
    %get3A_54 = vector.load %arg3[%get3A_52, %get3A_53] : memref<2000x128xf32, #tpu.memory_space<vmem>>, vector<2000x128xf32>
    %add3A_55 = arith.addf %get3A_54, %max3A_51 : vector<2000x128xf32>
    %swap3A = arith.constant 0 : index
    %swap3A_56 = arith.constant 0 : index
    %swap3A_57 = vector.load %arg9[%swap3A, %swap3A_56] : memref<2000x128xf32, #tpu.memory_space<vmem>>, vector<2000x128xf32>
    tpu.vector_store %arg9[%swap3A, %swap3A_56], %add3A_55 {strides = array<i32>} : memref<2000x128xf32, #tpu.memory_space<vmem>>, vector<2000x128xf32>,
    %get3A_58 = arith.constant 0 : index
    %get3A_59 = arith.constant 0 : index
    %get3A_60 = vector.load %arg8[%get3A_58, %get3A_59] : memref<128x128xf32, #tpu.memory_space<vmem>>, vector<128x128xf32>
    %dot_general3A_61 = arith.constant dense<0.000000e+00> : vector<2000x128xf32>
    %dot_general3A_62 = tpu.matmul %add3A_55, %get3A_60, %dot_general3A_61 {dimension_numbers = #tpu.dot_dimension_numbers<[1], [0], [0], [1], [0, 0, 1, 1], [], []>, transpose_lhs_hint = false} : vector<2000x128xf32>, vector<128x128xf32>, vector<2000x128xf32> -> vector<2000x128xf32>
    %swap3A_63 = arith.constant 0 : index
    %swap3A_64 = arith.constant 0 : index
    %swap3A_65 = vector.load %arg10[%swap3A_63, %swap3A_64] : memref<2000x128xf32, #tpu.memory_space<vmem>>, vector<2000x128xf32>
    tpu.vector_store %arg10[%swap3A_63, %swap3A_64], %dot_general3A_62 {strides = array<i32>} : memref<2000x128xf32, #tpu.memory_space<vmem>>, vector<2000x128xf32>,
    return
  }
  func.func @transform_0(%arg0: i32) -> (i32, i32, i32) {
    %c0_i32 = arith.constant 0 : i32
    %c0_i32_0 = arith.constant 0 : i32
    %c0_i32_1 = arith.constant 0 : i32
    return %c0_i32, %arg0, %c0_i32_0 : i32, i32, i32
  }
  func.func @transform_1(%arg0: i32) -> (i32, i32, i32) {
    %c0_i32 = arith.constant 0 : i32
    %c0_i32_0 = arith.constant 0 : i32
    %c0_i32_1 = arith.constant 0 : i32
    return %c0_i32, %arg0, %c0_i32_0 : i32, i32, i32
  }
  func.func @transform_2(%arg0: i32) -> (i32, i32) {
    %c0_i32 = arith.constant 0 : i32
    %c0_i32_0 = arith.constant 0 : i32
    return %arg0, %c0_i32 : i32, i32
  }
  func.func @transform_3(%arg0: i32) -> (i32, i32) {
    %c0_i32 = arith.constant 0 : i32
    %c0_i32_0 = arith.constant 0 : i32
    %c0_i32_1 = arith.constant 0 : i32
    return %c0_i32, %c0_i32_0 : i32, i32
  }
  func.func @transform_4(%arg0: i32) -> (i32, i32) {
    %c0_i32 = arith.constant 0 : i32
    %c0_i32_0 = arith.constant 0 : i32
    %c0_i32_1 = arith.constant 0 : i32
    return %c0_i32, %c0_i32_0 : i32, i32
  }
  func.func @transform_5(%arg0: i32) -> (i32, i32) {
    %c0_i32 = arith.constant 0 : i32
    %c0_i32_0 = arith.constant 0 : i32
    %c0_i32_1 = arith.constant 0 : i32
    return %c0_i32, %c0_i32_0 : i32, i32
  }
  func.func @transform_6(%arg0: i32) -> (i32, i32) {
    %c0_i32 = arith.constant 0 : i32
    %c0_i32_0 = arith.constant 0 : i32
    %c0_i32_1 = arith.constant 0 : i32
    return %c0_i32, %c0_i32_0 : i32, i32
  }
  func.func @transform_7(%arg0: i32) -> (i32, i32) {
    %c0_i32 = arith.constant 0 : i32
    %c0_i32_0 = arith.constant 0 : i32
    %c0_i32_1 = arith.constant 0 : i32
    return %c0_i32, %c0_i32_0 : i32, i32
  }
  func.func @transform_8(%arg0: i32) -> (i32, i32) {
    %c0_i32 = arith.constant 0 : i32
    %c0_i32_0 = arith.constant 0 : i32
    return %arg0, %c0_i32 : i32, i32
  }
  func.func @transform_9(%arg0: i32) -> (i32, i32) {
    %c0_i32 = arith.constant 0 : i32
    %c0_i32_0 = arith.constant 0 : i32
    return %arg0, %c0_i32 : i32, i32
  }
}

module attributes {stable_mosaic.version = 14 : i64} {
  func.func @_epi_last_body(%arg0: i32, %arg1: memref<2x2000x128xf32, #tpu.memory_space<vmem>>, %arg2: memref<2x2000x128xf32, #tpu.memory_space<vmem>>, %arg3: memref<2000x128xf32, #tpu.memory_space<vmem>>, %arg4: memref<128x128xf32, #tpu.memory_space<vmem>>, %arg5: memref<1x128xf32, #tpu.memory_space<vmem>>, %arg6: memref<1x128xf32, #tpu.memory_space<vmem>>, %arg7: memref<1x128xf32, #tpu.memory_space<vmem>>, %arg8: memref<2000x128xf32, #tpu.memory_space<vmem>>) attributes {dimension_semantics = [#tpu.dimension_semantics<arbitrary>], iteration_bounds = array<i64: 5>, scalar_prefetch = 0 : i64, scratch_operands = 0 : i64, tpu.core_type = #tpu.core_type<tc>, window_params = [{transform_indices = @transform_0, window_bounds = array<i64: 2, 2000, 128>}, {transform_indices = @transform_1, window_bounds = array<i64: 2, 2000, 128>}, {transform_indices = @transform_2, window_bounds = array<i64: 2000, 128>}, {pipeline_mode = #tpu.pipeline_mode<synchronous>, transform_indices = @transform_3, window_bounds = array<i64: 128, 128>}, {pipeline_mode = #tpu.pipeline_mode<synchronous>, transform_indices = @transform_4, window_bounds = array<i64: 1, 128>}, {pipeline_mode = #tpu.pipeline_mode<synchronous>, transform_indices = @transform_5, window_bounds = array<i64: 1, 128>}, {pipeline_mode = #tpu.pipeline_mode<synchronous>, transform_indices = @transform_6, window_bounds = array<i64: 1, 128>}, {transform_indices = @transform_7, window_bounds = array<i64: 2000, 128>}]} {
    %get3A = arith.constant 0 : index
    %get3A_0 = arith.constant 0 : index
    %get3A_1 = arith.constant 0 : index
    %get3A_2 = vector.load %arg1[%get3A, %get3A_0, %get3A_1] : memref<2x2000x128xf32, #tpu.memory_space<vmem>>, vector<1x2000x128xf32>
    %get3A_3 = vector.shape_cast %get3A_2 : vector<1x2000x128xf32> to vector<2000x128xf32>
    %get3A_4 = arith.constant 1 : index
    %get3A_5 = arith.constant 0 : index
    %get3A_6 = arith.constant 0 : index
    %get3A_7 = vector.load %arg1[%get3A_4, %get3A_5, %get3A_6] : memref<2x2000x128xf32, #tpu.memory_space<vmem>>, vector<1x2000x128xf32>
    %get3A_8 = vector.shape_cast %get3A_7 : vector<1x2000x128xf32> to vector<2000x128xf32>
    %add3A = arith.addf %get3A_3, %get3A_8 : vector<2000x128xf32>
    %get3A_9 = arith.constant 0 : index
    %get3A_10 = arith.constant 0 : index
    %get3A_11 = arith.constant 0 : index
    %get3A_12 = vector.load %arg2[%get3A_9, %get3A_10, %get3A_11] : memref<2x2000x128xf32, #tpu.memory_space<vmem>>, vector<1x2000x128xf32>
    %get3A_13 = vector.shape_cast %get3A_12 : vector<1x2000x128xf32> to vector<2000x128xf32>
    %slice3A = vector.extract_strided_slice %get3A_13 {offsets = [0, 0], sizes = [2000, 1], strides = [1, 1]} : vector<2000x128xf32> to vector<2000x1xf32>
    %get3A_14 = arith.constant 1 : index
    %get3A_15 = arith.constant 0 : index
    %get3A_16 = arith.constant 0 : index
    %get3A_17 = vector.load %arg2[%get3A_14, %get3A_15, %get3A_16] : memref<2x2000x128xf32, #tpu.memory_space<vmem>>, vector<1x2000x128xf32>
    %get3A_18 = vector.shape_cast %get3A_17 : vector<1x2000x128xf32> to vector<2000x128xf32>
    %slice3A_19 = vector.extract_strided_slice %get3A_18 {offsets = [0, 0], sizes = [2000, 1], strides = [1, 1]} : vector<2000x128xf32> to vector<2000x1xf32>
    %add3A_20 = arith.addf %slice3A, %slice3A_19 : vector<2000x1xf32>
    %max3A = arith.constant 1.000000e+00 : f32
    %max3A_21 = vector.broadcast %max3A : f32 to vector<2000x1xf32>
    %max3A_22 = arith.maximumf %add3A_20, %max3A_21 : vector<2000x1xf32>
    %div3A = arith.constant 1.000000e+00 : f32
    %div3A_23 = vector.broadcast %div3A : f32 to vector<2000x1xf32>
    %div3A_24 = arith.divf %div3A_23, %max3A_22 : vector<2000x1xf32>
    %mul3A = vector.broadcast %div3A_24 : vector<2000x1xf32> to vector<2000x128xf32>
    %mul3A_25 = arith.mulf %add3A, %mul3A : vector<2000x128xf32>
    %get3A_26 = arith.constant 0 : index
    %get3A_27 = arith.constant 0 : index
    %get3A_28 = vector.load %arg5[%get3A_26, %get3A_27] : memref<1x128xf32, #tpu.memory_space<vmem>>, vector<1x128xf32>
    %add3A_29 = vector.broadcast %get3A_28 : vector<1x128xf32> to vector<2000x128xf32>
    %add3A_30 = arith.addf %mul3A_25, %add3A_29 : vector<2000x128xf32>
    %get3A_31 = arith.constant 0 : index
    %get3A_32 = arith.constant 0 : index
    %get3A_33 = vector.load %arg3[%get3A_31, %get3A_32] : memref<2000x128xf32, #tpu.memory_space<vmem>>, vector<2000x128xf32>
    %get3A_34 = arith.constant 0 : index
    %get3A_35 = arith.constant 0 : index
    %get3A_36 = vector.load %arg4[%get3A_34, %get3A_35] : memref<128x128xf32, #tpu.memory_space<vmem>>, vector<128x128xf32>
    %dot_general3A = arith.constant dense<0.000000e+00> : vector<2000x128xf32>
    %dot_general3A_37 = tpu.matmul %get3A_33, %get3A_36, %dot_general3A {dimension_numbers = #tpu.dot_dimension_numbers<[1], [0], [0], [1], [0, 0, 1, 1], [], []>, transpose_lhs_hint = false} : vector<2000x128xf32>, vector<128x128xf32>, vector<2000x128xf32> -> vector<2000x128xf32>
    %add3A_38 = arith.addf %add3A_30, %dot_general3A_37 : vector<2000x128xf32>
    %get3A_39 = arith.constant 0 : index
    %get3A_40 = arith.constant 0 : index
    %get3A_41 = vector.load %arg6[%get3A_39, %get3A_40] : memref<1x128xf32, #tpu.memory_space<vmem>>, vector<1x128xf32>
    %mul3A_42 = vector.broadcast %get3A_41 : vector<1x128xf32> to vector<2000x128xf32>
    %mul3A_43 = arith.mulf %add3A_38, %mul3A_42 : vector<2000x128xf32>
    %get3A_44 = arith.constant 0 : index
    %get3A_45 = arith.constant 0 : index
    %get3A_46 = vector.load %arg7[%get3A_44, %get3A_45] : memref<1x128xf32, #tpu.memory_space<vmem>>, vector<1x128xf32>
    %add3A_47 = vector.broadcast %get3A_46 : vector<1x128xf32> to vector<2000x128xf32>
    %add3A_48 = arith.addf %mul3A_43, %add3A_47 : vector<2000x128xf32>
    %max3A_49 = arith.constant 0.000000e+00 : f32
    %max3A_50 = vector.broadcast %max3A_49 : f32 to vector<2000x128xf32>
    %max3A_51 = arith.maximumf %add3A_48, %max3A_50 : vector<2000x128xf32>
    %swap3A = arith.constant 0 : index
    %swap3A_52 = arith.constant 0 : index
    %swap3A_53 = vector.load %arg8[%swap3A, %swap3A_52] : memref<2000x128xf32, #tpu.memory_space<vmem>>, vector<2000x128xf32>
    tpu.vector_store %arg8[%swap3A, %swap3A_52], %max3A_51 {strides = array<i32>} : memref<2000x128xf32, #tpu.memory_space<vmem>>, vector<2000x128xf32>,
    return
  }
  func.func @transform_0(%arg0: i32) -> (i32, i32, i32) {
    %c0_i32 = arith.constant 0 : i32
    %c0_i32_0 = arith.constant 0 : i32
    %c0_i32_1 = arith.constant 0 : i32
    return %c0_i32, %arg0, %c0_i32_0 : i32, i32, i32
  }
  func.func @transform_1(%arg0: i32) -> (i32, i32, i32) {
    %c0_i32 = arith.constant 0 : i32
    %c0_i32_0 = arith.constant 0 : i32
    %c0_i32_1 = arith.constant 0 : i32
    return %c0_i32, %arg0, %c0_i32_0 : i32, i32, i32
  }
  func.func @transform_2(%arg0: i32) -> (i32, i32) {
    %c0_i32 = arith.constant 0 : i32
    %c0_i32_0 = arith.constant 0 : i32
    return %arg0, %c0_i32 : i32, i32
  }
  func.func @transform_3(%arg0: i32) -> (i32, i32) {
    %c0_i32 = arith.constant 0 : i32
    %c0_i32_0 = arith.constant 0 : i32
    %c0_i32_1 = arith.constant 0 : i32
    return %c0_i32, %c0_i32_0 : i32, i32
  }
  func.func @transform_4(%arg0: i32) -> (i32, i32) {
    %c0_i32 = arith.constant 0 : i32
    %c0_i32_0 = arith.constant 0 : i32
    %c0_i32_1 = arith.constant 0 : i32
    return %c0_i32, %c0_i32_0 : i32, i32
  }
  func.func @transform_5(%arg0: i32) -> (i32, i32) {
    %c0_i32 = arith.constant 0 : i32
    %c0_i32_0 = arith.constant 0 : i32
    %c0_i32_1 = arith.constant 0 : i32
    return %c0_i32, %c0_i32_0 : i32, i32
  }
  func.func @transform_6(%arg0: i32) -> (i32, i32) {
    %c0_i32 = arith.constant 0 : i32
    %c0_i32_0 = arith.constant 0 : i32
    %c0_i32_1 = arith.constant 0 : i32
    return %c0_i32, %c0_i32_0 : i32, i32
  }
  func.func @transform_7(%arg0: i32) -> (i32, i32) {
    %c0_i32 = arith.constant 0 : i32
    %c0_i32_0 = arith.constant 0 : i32
    return %arg0, %c0_i32 : i32, i32
  }
}

</mosaic_0001>

<sc_bundles>
// kernel: kernel.12.cloned.1.call-start
scs
__scs_entry_jumppad:
0x0: {  	(pc) =	sbr.rel $0x88, $3  }
0x1: {  	(tag) =	ssettag $0x0;
	lr =	simm.s32 $0x1  }
0x2: {  	[smem:$0x3F89] =	sst lr;
	_ =	strace $0xD0000000  }
0x3: {  	_ = 	snop  }
0x4: {  	_ = 	snop  }
0x5: {  	_ = 	snop  }
0x6: {  	_ = 	snop  }
0x7: {  	_ = 	snop  }
__scs_overlays_trampoline_lowered:
0x8: {  	[smem:$0x3F98] =	sst s0  }
0x9: {  	[smem:$0x3F99] =	sst s1  }
0xa: {  	[smem:$0x3F9A] =	sst s2  }
0xb: {  	[smem:$0x3F9B] =	sst s3  }
0xc: {  	[smem:$0x3F9C] =	sst s4  }
0xd: {  	[smem:$0x3F9D] =	sst s5  }
0xe: {  	[smem:$0x3F9E] =	sst s6  }
0xf: {  	[smem:$0x3F9F] =	sst s7  }
0x10: {  	[smem:$0x3FA0] =	sst s8  }
0x11: {  	[smem:$0x3FA1] =	sst s9;
	s0 =	simm.s32 @!p0 $0x0  }
0x12: {  	s1 =	sld [smem:$0x3F87];
	s0 =	simm.s32 @p0 $0x1  }
0x13: {  	[smem:$0x3FA2] =	sst s0;
	s0 =	simm.s32 @!p1 $0x0  }
0x14: {  	s2 =	sld [smem:$0x3F86];
	s0 =	simm.s32 @p1 $0x1  }
0x15: {  	[smem:$0x3FA3] =	sst s0;
	s0 =	simm.s32 @!p2 $0x0  }
0x16: {  	s3 =	sld [smem:$0x3FDB];
	s0 =	simm.s32 @p2 $0x1  }
0x17: {  	s4 =	simm.s32 $0x1BF5;
	[smem:$0x3FA5] =	sst s0  }
0x18: {  	s0 =	sld [smem:$0x3F88];
	_ =	swait.ge [sflag:s4], $0x0  }
0x19: {  	s7 =	sld [smem:$0x3F89]  }
0x1a: {  	s8 =	sadd.s32 $0xFFFFE003, lr  }
0x1b: {  	s9 =	sadd.s32 $0xFFFFFEF7, lr;
	s5 =	simm.s32 $0xFFFFFFFF;
	p2 =	slt.u32 s8, $0xFFFFF086  }
0x1c: {  	p1 =	slt.u32 s9, $0xF7A;
	s5 =	simm.s32 @!p2 $0x0  }
0x1d: {  	s5 =	simm.s32 @p1 $0x1;
	p0 =	seq.s32 s7, s2  }
0x1e: {  	s7 =	smul.u32 @!p0 $0xF7A, s2;
	p2 =	seq.s32 @!p0 s5, $0x0  }
0x1f: {  	s9 =	smul.u32 $0xF7A, s1;
	s8 =	simm.s32 @!p0 $0x1BF5;
	p2 =	por !p2, p0  }
0x20: {  	[sflag:s8] =	ssyncset.s32 @!p0 $0xFFFFF086;
	s6 =	sadd.s32 @!p0 s3, s7;
	s7 =	simm.s32 @!p0 $0x108  }
0x21: {  	s3 =	sadd.s32 s3, s9;
	s6 =	sadd.s32 @!p0 $0x88, s6;
	s7 =	simm.s32 @p2 $0x1082  }
0x22: {  	[simem:s7], [sflag:s8] =	dma.local @!p0 [hbm:s6], $0xF7A  }
0x23: {  	s9 =	sor.u32 $0xD0000000, s2;
	s6 =	simm.s32 $0x108;
	_ =	swait.ge @!p0 [sflag:s8], $0x0  }
0x24: {  	s3 =	sadd.s32 $0x88, s3;
	s6 =	simm.s32 @!p1 $0x1082;
	[sflag:s4] =	ssyncset.s32 $0xFFFFF086  }
0x25: {  	[simem:s6], [sflag:s4] =	dma.local [hbm:s3], $0xF7A  }
0x26: {  	[smem:$0x3F89] =	sst s1;
	(tag) =	ssettag s2;
	_ =	strace s9  }
0x27: {  	s1 =	sld [smem:$0x3F99]  }
0x28: {  	s2 =	sld [smem:$0x3F9A]  }
0x29: {  	s4 =	sld [smem:$0x3F9C]  }
0x2a: {  	p0 =	seq.s32 s5, $0x0;
	s5 =	sld [smem:$0x3F9D]  }
0x2b: {  	s6 =	sld [smem:$0x3F9E]  }
0x2c: {  	s7 =	sld [smem:$0x3F9F]  }
0x2d: {  	s3 =	simm.s32 $0x108;
	s8 =	sld [smem:$0x3FA0]  }
0x2e: {  	s3 =	simm.s32 @!p0 $0x1082;
	s9 =	sld [smem:$0x3FA1]  }
0x2f: {  	lr =	sadd.s32 s0, s3;
	s0 =	sld [smem:$0x3F98]  }
0x30: {  	s3 =	sld [smem:$0x3F9B]  }
0x31: {  	[smem:$0x3FA4] =	sst s10  }
0x32: {  	s10 =	sld [smem:$0x3FA2];
	_ =	sdelay $0x3  }
0x33: {  	p0 =	seq.s32 s10, $0x1;
	s10 =	sld [smem:$0x3FA4];
	_ =	sdelay $0x3  }
0x34: {  	[smem:$0x3FA4] =	sst s10  }
0x35: {  	s10 =	sld [smem:$0x3FA3];
	_ =	sdelay $0x3  }
0x36: {  	p1 =	seq.s32 s10, $0x1;
	s10 =	sld [smem:$0x3FA4];
	_ =	sdelay $0x3  }
0x37: {  	[smem:$0x3FA4] =	sst s10  }
0x38: {  	s10 =	sld [smem:$0x3FA5]  }
0x39: {  	_ = 	snop;
	(pc) =	sbr.ind lr, $3  }
0x3a: {  	_ = 	snop  }
0x3b: {  	_ = 	snop  }
0x3c: {  	p2 =	seq.s32 s10, $0x1;
	s10 =	sld [smem:$0x3FA4]  }
0x3d: {  	_ =	shalt  }
0x3e: {  	_ =	shalt  }
0x3f: {  	_ =	shalt  }
0x40: {  	_ =	shalt  }
0x41: {  	_ =	shalt  }
0x42: {  	_ =	shalt  }
0x43: {  	_ =	shalt  }
0x44: {  	_ =	shalt  }
0x45: {  	_ =	shalt  }
0x46: {  	_ =	shalt  }
0x47: {  	_ =	shalt  }
0x48: {  	_ =	shalt  }
0x49: {  	_ =	shalt  }
0x4a: {  	_ =	shalt  }
0x4b: {  	_ =	shalt  }
0x4c: {  	_ =	shalt  }
0x4d: {  	_ =	shalt  }
0x4e: {  	_ =	shalt  }
0x4f: {  	_ =	shalt  }
0x50: {  	_ =	shalt  }
0x51: {  	_ =	shalt  }
0x52: {  	_ =	shalt  }
0x53: {  	_ =	shalt  }
0x54: {  	_ =	shalt  }
0x55: {  	_ =	shalt  }
0x56: {  	_ =	shalt  }
0x57: {  	_ =	shalt  }
0x58: {  	_ =	shalt  }
0x59: {  	_ =	shalt  }
0x5a: {  	_ =	shalt  }
0x5b: {  	_ =	shalt  }
0x5c: {  	_ =	shalt  }
0x5d: {  	_ =	shalt  }
0x5e: {  	_ =	shalt  }
0x5f: {  	_ =	shalt  }
0x60: {  	_ =	shalt  }
0x61: {  	_ =	shalt  }
0x62: {  	_ =	shalt  }
0x63: {  	_ =	shalt  }
0x64: {  	_ =	shalt  }
0x65: {  	_ =	shalt  }
0x66: {  	_ =	shalt  }
0x67: {  	_ =	shalt  }
0x68: {  	_ =	shalt  }
0x69: {  	_ =	shalt  }
0x6a: {  	_ =	shalt  }
0x6b: {  	_ =	shalt  }
0x6c: {  	_ =	shalt  }
0x6d: {  	_ =	shalt  }
0x6e: {  	_ =	shalt  }
0x6f: {  	_ =	shalt  }
0x70: {  	_ =	shalt  }
0x71: {  	_ =	shalt  }
0x72: {  	_ =	shalt  }
0x73: {  	_ =	shalt  }
0x74: {  	_ =	shalt  }
0x75: {  	_ =	shalt  }
0x76: {  	_ =	shalt  }
0x77: {  	_ =	shalt  }
0x78: {  	_ =	shalt  }
0x79: {  	_ =	shalt  }
0x7a: {  	_ =	shalt  }
0x7b: {  	_ =	shalt  }
0x7c: {  	_ =	shalt  }
0x7d: {  	_ =	shalt  }
0x7e: {  	_ =	shalt  }
0x7f: {  	_ =	shalt  }
0x80: {  	_ =	shalt  }
0x81: {  	_ =	shalt  }
0x82: {  	_ =	shalt  }
0x83: {  	_ =	shalt  }
0x84: {  	_ =	shalt  }
0x85: {  	_ =	shalt  }
0x86: {  	_ =	shalt  }
0x87: {  	_ =	shalt  }
.Lfunc_end0:
.L_simem_size_0:
called_computation_lowered:
.L_overlay_start_0:
0x88: {  	s2 =	sld [smem:$0x3FD9]  }
0x89: {  	s3 =	sld [smem:$0x3FFE];
	_ =	sdelay $0x1  }
0x8a: {  	s1 =	srdreg.scid  }
0x8b: {  	s0 =	sand.u32 $0x1, s1  }
0x8c: {  	s17 =	sshll.u32 s0, $0xA;
	s2 =	sadd.s32 s3, s2  }
0x8d: {  	s2 =	sadd.s32 s2, s17  }
0x8e: {  	[smem:$0x3FB0] =	sst s2  }
0x8f: {  	_ = 	snop  }
0x90: {  	(tm) =	ssettm $0x1  }
0x91: {  	s18 =	sld [smem:$0x3FFB];
	_ =	sdelay $0x3  }
0x92: {  	_ =	strace s18  }
0x93: {  	s2 =	sld [smem:$0x3FFC];
	_ =	sdelay $0x3  }
0x94: {  	_ =	strace s2  }
0x95: {  	s2 =	sld [smem:$0x3FFD];
	_ =	sdelay $0x3  }
0x96: {  	_ =	strace s2  }
0x97: {  	_ =	strace $0x8FFFFFFF  }
0x98: {  	s19 =	sld [smem:$0x3FDB];
	_ =	sdelay $0x1  }
0x99: {  	s20 =	simm.s32 $_scs_section_size  }
0x9a: {  	s4 =	simm.s32 $_size__tile_overlayer_lowered;
	s5 =	simm.s32 $_tile_overlayer_lowered  }
0x9b: {  	s6 =	simm.s32 $0x1BFF;
	s21 =	sshll.u32 s5, $0x1;
	s3 =	sadd.s32 s20, s19  }
0x9c: {  	s22 =	simm.s32 $0x0;
	s4 =	sshll.u32 s4, $0x1;
	s5 =	sadd.s32 s21, s3  }
0x9d: {  	[timem:s22], [sflag:s6] =	dma.local [hbm:s5], s4  }
0x9e: {  	_ =	swait.ge [sflag:s6], s4  }
0x9f: {  	s4 =	ssub.s32 $0x0, s4;
	[sflag:s6] =	ssyncset.done $0x0  }
0xa0: {  	[sflag:s6] =	ssyncadd.s32 s4;
	_ =	sdelay $0x1  }
0xa1: {  	s23 =	simm.s32 $0x1B8B  }
0xa2: {  	_ =	swait.ge [sflag:s23], $0x1  }
0xa3: {  	[sflag:s23] =	ssyncset.done $0x0  }
0xa4: {  	[sflag:s23] =	ssyncadd.s32 $0xFFFFFFFF  }
0xa5: {  	s4 =	sld [smem:$0x0]  }
0xa6: {  	s5 =	sand.u32 $0xFFFFFFFE, s1  }
0xa7: {  	p0 =	sne.s32 s1, s5  }
0xa8: {  	s5 =	sshll.u32 @p0 s5, $0xE  }
0xa9: {  	s5 =	sadd.s32 @p0 $0x11B8D, s5;
	s6 =	sshll.u32 @p0 s4, $0x11  }
0xaa: {  	s5 =	sor.u32 @p0 s6, s5  }
0xab: {  	[sflag:s5] =	ssyncadd.remote.s32 @p0 $0x1;
	_ =	sdelay $0x1  }
0xac: {  	s5 =	simm.s32 @p0 $0x1B8D  }
0xad: {  	_ =	swait.eq @p0 [sflag:s5], $0x1  }
0xae: {  	[sflag:s5] =	ssyncadd.s32 @p0 $0xFFFFFFFF  }
0xaf: {  	s6 =	sshll.u32 @!p0 s1, $0xE  }
0xb0: {  	s6 =	sor.u32 @!p0 $0x4000, s6;
	s5 =	simm.s32 @!p0 $0x1B8D  }
0xb1: {  	s4 =	sshll.u32 @!p0 s4, $0x11;
	s6 =	sadd.s32 @!p0 $0x11B8D, s6;
	_ =	swait.eq @!p0 [sflag:s5], $0x1  }
0xb2: {  	s4 =	sor.u32 @!p0 s4, s6;
	[sflag:s5] =	ssyncadd.s32 @!p0 $0xFFFFFFFF  }
0xb3: {  	s25 =	simm.s32 $0x1B8E;
	s24 =	sld [smem:$0x3FFE];
	[sflag:s4] =	ssyncadd.remote.s32 @!p0 $0x1  }
0xb4: {  	s26 =	simm.s32 $execute0_lowered;
	[smem:$0x3FD2] =	sst s25  }
0xb5: {  	s5 =	sshll.u32 s26, $0x1;
	_ =	strace $0x80000049;
	[dreg:$0x1] =	wrdreg $0xFFFFFFFF  }
0xb6: {  	s28 =	simm.s32 $_size_execute0_lowered;
	s3 =	sadd.s32 s3, s5;
	[dreg:$0x0] =	wrdreg $0x0  }
0xb7: {  	s5 =	sshll.u32 s28, $0x1;
	[dreg:$0x2] =	wrdreg s3  }
0xb8: {  	[dreg:$0x3] =	wrdreg s5  }
0xb9: {  	[dreg:$0x4] =	wrdreg $0xC0  }
0xba: {  	_ =	task [dreg:s22], $0x5FFFF  }
0xbb: {  	[dreg:$0x1] =	wrdreg $0xFFFFFFFF  }
0xbc: {  	[dreg:$0x0] =	wrdreg $0x60  }
0xbd: {  	[dreg:$0x2] =	wrdreg s24  }
0xbe: {  	[dreg:$0x3] =	wrdreg $0x68000  }
0xbf: {  	[dreg:$0x4] =	wrdreg $0x9  }
0xc0: {  	_ =	task.clear_ibuf [dreg:s22], $0x5FFFF;
	_ =	strace $0x90000049  }
0xc1: {  	s29 =	simm.s32 $0x9;
	_ =	strace $0x8000004B  }
0xc2: {  	_ =	swait.ge [sflag:s29], $0x1  }
0xc3: {  	[sflag:s29] =	ssyncadd.s32 $0xFFFFFFFF  }
0xc4: {  	_ =	strace $0x9000004B  }
0xc5: {  	_ =	sfence  }
0xc6: {  	s30 =	sld [smem:$0x0];
	_ =	sdelay $0x2  }
0xc7: {  	s31 =	sshll.u32 s1, $0xD;
	s1 =	sshrl.u32 s1, $0x2  }
0xc8: {  	s4 =	sand.u32 $0x4000, s31;
	s1 =	sadd.s32 s1, s30  }
0xc9: {  	s0 =	sor.u32 s4, s0;
	s1 =	sshll.u32 s1, $0x11  }
0xca: {  	s0 =	sor.u32 s1, s0  }
0xcb: {  	s0 =	sadd.s32 $0x8F2B, s0  }
0xcc: {  	[sflag:s0] =	ssyncadd.remote.s32 $0x1  }
0xcd: {  	_ =	sfence.sel $0xFFFF  }
0xce: {  	[dreg:$0x0] =	wrdreg $0xFFFFFFFF;
	(pc) =	sbr.abs _section_cstart, $3  }
0xcf: {  	[dreg:$0x1] =	wrdreg $0xFFFFFFFF  }
0xd0: {  	_ =	task.clear_ibuf [dreg:s22], $0x2FFFF;
	_ =	strace $0x9FFFFFFF  }
0xd1: {  	(tm) =	ssettm $0x7FFFFFFF  }
tec
execute0_lowered:
.L_overlay_start_1:
0x0: {  	(tag) =	ssettag $0x1  }
0x1: {  	s7 =	rddreg [dreg:$0x0]  }
0x2: {  	s0 =	srdreg.scid;
	s2 =	rddreg [dreg:$0x1]  }
0x3: {  	s3 =	simm.s32 $0x0;
	s14 =	simm.s32 $0x80;
	s15 =	simm.s32 $0x1  }
0x4: {  	s18 =	simm.s32 $0x0;
	s4 =	sand.u32 $0x1, s0;
	s0 =	stileid.u32  }
0x5: {  	[smem:$0x7FF] =	sst s3;
	s13 =	sadd.s32 $0x138000, s2;
	s16 =	smul.u32 $0x2700, s0  }
0x6: {  	s1 =	sshll.u32 s4, $0x4;
	s6 =	smul.u32 $0x27200, s4;
	s9 =	ssub.s32 $0x2, s4  }
0x7: {  	s10 =	smul.u32 $0x4E000, s0;
	s4 =	sadd.s32 $0x8EA00, s7;
	p0 =	sne.s32 s0, $0xF  }
0x8: {  	s31 =	sshll.u32 s0, $0x6;
	s5 =	sor.u32 s0, s1;
	s1 =	rddreg [dreg:$0x2]  }
0x9: {  	_ =	strace $0x8000004A;
	s29 =	sshrl.u32 s9, $0x1;
	s13 =	sshrl.u32 @!p0 s13, $0x3  }
0xa: {  	s5 =	smul.u32 $0x500, s5;
	s8 =	sadd.s32 s16, s7;
	s11 =	sadd.s32 s6, s7  }
0xb: {  	s9 =	ssub.s32 s9, s29;
	s30 =	sshrl.u32 s10, $0x2;
	s10 =	simm.s32 $0x2800  }
0xc: {  	s12 =	sadd.s32 s30, s2;
	s6 =	sadd.s32 $0x19400, s8;
	s17 =	sadd.s32 $0x8F200, s11  }
0xd: {  	s8 =	smax.u32 s9, $0x1;
	s9 =	simm.s32 $0x2;
	s11 =	sor.u32 $0x1C02, s31  }
0xe: {  	s5 =	sadd.s32 s5, s7;
	s7 =	sadd.s32 $0x40400, s7;
	s12 =	sshrl.u32 s12, $0x3  }
0xf: {  	s16 =	sadd.s32 s16, s17;
	s17 =	sadd.s32 @!p0 $0x27000, s17;
	s5 =	sadd.s32 $0x5400, s5  }
.LBB2_1:
0x10: {  	[tilespmem:s3], [sflag:$0x2] =	stream.linear.gather [hbm4b:s5+s3], $0x2780, $0x38;
	[tilespmem:$0x1A100] =	vst v63  }
0x11: {  	_ =	swait.ge [sflag:s9], $0x2780  }
0x12: {  	[sflag:s9] =	ssyncset.done $0x0  }
0x13: {  	[sflag:s9] =	ssyncadd.s32 $0xFFFFD880  }
0x14: {  	[tilespmem:s10], [sflag:$0x2] =	stream.linear.gather [hbm4b:s4+s3], $0x4000, $0x38;
	[tilespmem:$0x1A100] =	vst v63  }
0x15: {  	_ =	swait.ge [sflag:s9], $0x4000  }
0x16: {  	[sflag:s9] =	ssyncset.done $0x0  }
0x17: {  	[sflag:s9] =	ssyncadd.s32 $0xFFFFC000  }
0x18: {  	[spmem:s12], [sflag:s11] =	dma.local [hbm:s6], $0x2700  }
0x19: {  	_ =	swait.ge [sflag:s9], $0x2700  }
0x1a: {  	[sflag:s9] =	ssyncset.done $0x0  }
0x1b: {  	s19 =	simm.s32 @!p0 $0x2;
	[sflag:s9] =	ssyncadd.s32 $0xFFFFD900  }
0x1c: {  	[spmem:s13], [sflag:s11] =	dma.local @!p0 [hbm:s7], $0x200  }
0x1d: {  	_ =	swait.ge @!p0 [sflag:s19], $0x200  }
0x1e: {  	[sflag:s19] =	ssyncset.done @!p0 $0x0  }
0x1f: {  	p1 =	por $0x1, $0x1;
	[sflag:s19] =	ssyncadd.s32 @!p0 $0xFFFFFE00  }
0x20: {  	s21 =	simm.s32 @!p1 $0x1;
	[bflag:$0x0] =	sbarrier.arrive $0xFFFF  }
0x21: {  	[spmem:s2] =	stream.indirect.scatter.add.f32 [tilespmem:s10], [sflag:$0x1], $0x80, s3, s14, $0xb8;
	[tilespmem:$0x1A100] =	vst v63  }
0x22: {  	_ =	swait.ge @!p1 [sflag:s21], $0x4000  }
0x23: {  	s20 =	simm.s32 $0x0;
	s19 =	simm.s32 $0x1;
	[sflag:s21] =	ssyncset.done @!p1 $0x0  }
.LBB2_2:
0x24: {  	[sflag:s21] =	ssyncadd.s32 @!p1 $0xFFFFC000  }
0x25: {  	s20 =	sadd.s32 $0x80, s20;
	s21 =	smov.u32 s19;
	s19 =	sadd.s32 $0x1, s19  }
0x26: {  	p2 =	sne.s32 s19, $0x4F  }
0x27: {  	[spmem:s2] =	stream.indirect.scatter.add.f32 [tilespmem:s10], [sflag:$0x1], $0x80, s20, s14, $0xb8;
	[tilespmem:$0x1A100] =	vst v63  }
.Ltmp0:
0x28: {  	_ = 	snop;
	(pc) =	sbr.rel @p2 .LBB2_2-.Ltmp0, $4  }
0x29: {  	p1 =	slt.u32 s21, $0x8  }
0x2a: {  	s21 =	simm.s32 @!p1 $0x1  }
0x2b: {  	_ =	swait.ge @!p1 [sflag:s21], $0x4000  }
0x2c: {  	[sflag:s21] =	ssyncset.done @!p1 $0x0  }
0x2d: {  	[sflag:s21] =	ssyncadd.s32 @!p1 $0xFFFFC000  }
0x2e: {  	_ =	swait.ge [sflag:s15], $0x4000  }
0x2f: {  	[sflag:s15] =	ssyncset.done $0x0  }
0x30: {  	[sflag:s15] =	ssyncadd.s32 $0xFFFFC000  }
0x31: {  	_ =	swait.ge [sflag:s15], $0x4000  }
0x32: {  	[sflag:s15] =	ssyncset.done $0x0  }
0x33: {  	[sflag:s15] =	ssyncadd.s32 $0xFFFFC000  }
0x34: {  	_ =	swait.ge [sflag:s15], $0x4000  }
0x35: {  	[sflag:s15] =	ssyncset.done $0x0  }
0x36: {  	[sflag:s15] =	ssyncadd.s32 $0xFFFFC000  }
0x37: {  	_ =	swait.ge [sflag:s15], $0x4000  }
0x38: {  	[sflag:s15] =	ssyncset.done $0x0  }
0x39: {  	[sflag:s15] =	ssyncadd.s32 $0xFFFFC000  }
0x3a: {  	_ =	swait.ge [sflag:s15], $0x4000  }
0x3b: {  	[sflag:s15] =	ssyncset.done $0x0  }
0x3c: {  	[sflag:s15] =	ssyncadd.s32 $0xFFFFC000  }
0x3d: {  	_ =	swait.ge [sflag:s15], $0x4000  }
0x3e: {  	[sflag:s15] =	ssyncset.done $0x0  }
0x3f: {  	[sflag:s15] =	ssyncadd.s32 $0xFFFFC000  }
0x40: {  	_ =	swait.ge [sflag:s15], $0x4000  }
0x41: {  	[sflag:s15] =	ssyncset.done $0x0  }
0x42: {  	[sflag:s15] =	ssyncadd.s32 $0xFFFFC000  }
0x43: {  	_ =	swait.ge [sflag:s15], $0x4000  }
0x44: {  	[sflag:s15] =	ssyncset.done $0x0  }
0x45: {  	[sflag:s15] =	ssyncadd.s32 $0xFFFFC000  }
0x46: {  	[bflag:$0x0] =	sbarrier.arrive $0xFFFF  }
0x47: {  	[hbm:s16], [sflag:s11] =	dma.local [spmem:s12], $0x2700  }
0x48: {  	s18 =	sadd.s32 $0x1, s18;
	_ =	swait.ge [sflag:s9], $0x2700  }
0x49: {  	p1 =	sne.s32 s18, s8;
	[sflag:s9] =	ssyncset.done $0x0  }
.Ltmp1:
0x4a: {  	s19 =	simm.s32 @!p0 $0x2;
	[sflag:s9] =	ssyncadd.s32 $0xFFFFD900;
	(pc) =	sbr.rel @p1 .LBB2_1-.Ltmp1, $4  }
0x4b: {  	[hbm:s17], [sflag:s11] =	dma.local @!p0 [spmem:s13], $0x200  }
0x4c: {  	_ =	swait.ge @!p0 [sflag:s19], $0x200  }
0x4d: {  	[sflag:s19] =	ssyncset.done @!p0 $0x0  }
0x4e: {  	[sflag:s19] =	ssyncadd.s32 @!p0 $0xFFFFFE00  }
0x4f: {  	_ =	sfence.sel $0x180000  }
0x50: {  	[bflag:$0x0] =	sbarrier.arrive $0xFFFF  }
0x51: {  	p0 =	sne.s32 s0, $0x0;
	_ =	strace $0x9000004A  }
0x52: {  	s0 =	sadd.s32 @!p0 $0x100000, s1;
	[bflag:$0x2] =	sbarrier.arrive $0xFFFF  }
0x53: {  	[sflag:s0] =	ssyncadd.tile.s32 @!p0 $0x1;
	_ =	shalt  }
.Lfunc_end2:
_tile_overlayer_lowered:
.L_overlay_start_2:
0x54: {  	(tag) =	ssettag $0x2  }
0x55: {  	s0 =	rddreg [dreg:$0x0];
	s2 =	stileid.u32  }
0x56: {  	s1 =	rddreg [dreg:$0x1];
	p0 =	sne.s32 s2, $0x0  }
0x57: {  	s3 =	rddreg [dreg:$0x2];
	[bflag:$0x3] =	sbarrier.arrive $0xFFFF;
	s2 =	simm.s32 @!p0 $0x1C02  }
0x58: {  	[timem:s3], [sflag:s2] =	dma.local @!p0 [hbm:s0], s1  }
0x59: {  	s0 =	simm.s32 @!p0 $0x2  }
0x5a: {  	_ =	swait.ge @!p0 [sflag:s0], s1  }
0x5b: {  	s1 =	ssub.s32 @!p0 $0x0, s1;
	[sflag:s0] =	ssyncset.done @!p0 $0x0  }
0x5c: {  	[sflag:s0] =	ssyncadd.s32 @!p0 s1  }
0x5d: {  	[bflag:$0x3] =	sbarrier.arrive $0xFFFF  }
0x5e: {  	_ =	shalt  }

// kernel: kernel.15.cloned.1.call-start
scs
__scs_entry_jumppad:
0x0: {  	(pc) =	sbr.rel $0x88, $3  }
0x1: {  	(tag) =	ssettag $0x0;
	lr =	simm.s32 $0x1  }
0x2: {  	[smem:$0x3F89] =	sst lr;
	_ =	strace $0xD0000000  }
0x3: {  	_ = 	snop  }
0x4: {  	_ = 	snop  }
0x5: {  	_ = 	snop  }
0x6: {  	_ = 	snop  }
0x7: {  	_ = 	snop  }
__scs_overlays_trampoline_lowered:
0x8: {  	[smem:$0x3F98] =	sst s0  }
0x9: {  	[smem:$0x3F99] =	sst s1  }
0xa: {  	[smem:$0x3F9A] =	sst s2  }
0xb: {  	[smem:$0x3F9B] =	sst s3  }
0xc: {  	[smem:$0x3F9C] =	sst s4  }
0xd: {  	[smem:$0x3F9D] =	sst s5  }
0xe: {  	[smem:$0x3F9E] =	sst s6  }
0xf: {  	[smem:$0x3F9F] =	sst s7  }
0x10: {  	[smem:$0x3FA0] =	sst s8  }
0x11: {  	[smem:$0x3FA1] =	sst s9;
	s0 =	simm.s32 @!p0 $0x0  }
0x12: {  	s1 =	sld [smem:$0x3F87];
	s0 =	simm.s32 @p0 $0x1  }
0x13: {  	[smem:$0x3FA2] =	sst s0;
	s0 =	simm.s32 @!p1 $0x0  }
0x14: {  	s2 =	sld [smem:$0x3F86];
	s0 =	simm.s32 @p1 $0x1  }
0x15: {  	[smem:$0x3FA3] =	sst s0;
	s0 =	simm.s32 @!p2 $0x0  }
0x16: {  	s3 =	sld [smem:$0x3FDB];
	s0 =	simm.s32 @p2 $0x1  }
0x17: {  	s4 =	simm.s32 $0x1BF5;
	[smem:$0x3FA5] =	sst s0  }
0x18: {  	s0 =	sld [smem:$0x3F88];
	_ =	swait.ge [sflag:s4], $0x0  }
0x19: {  	s7 =	sld [smem:$0x3F89]  }
0x1a: {  	s8 =	sadd.s32 $0xFFFFE003, lr  }
0x1b: {  	s9 =	sadd.s32 $0xFFFFFEF7, lr;
	s5 =	simm.s32 $0xFFFFFFFF;
	p2 =	slt.u32 s8, $0xFFFFF086  }
0x1c: {  	p1 =	slt.u32 s9, $0xF7A;
	s5 =	simm.s32 @!p2 $0x0  }
0x1d: {  	s5 =	simm.s32 @p1 $0x1;
	p0 =	seq.s32 s7, s2  }
0x1e: {  	s7 =	smul.u32 @!p0 $0xF7A, s2;
	p2 =	seq.s32 @!p0 s5, $0x0  }
0x1f: {  	s9 =	smul.u32 $0xF7A, s1;
	s8 =	simm.s32 @!p0 $0x1BF5;
	p2 =	por !p2, p0  }
0x20: {  	[sflag:s8] =	ssyncset.s32 @!p0 $0xFFFFF086;
	s6 =	sadd.s32 @!p0 s3, s7;
	s7 =	simm.s32 @!p0 $0x108  }
0x21: {  	s3 =	sadd.s32 s3, s9;
	s6 =	sadd.s32 @!p0 $0x88, s6;
	s7 =	simm.s32 @p2 $0x1082  }
0x22: {  	[simem:s7], [sflag:s8] =	dma.local @!p0 [hbm:s6], $0xF7A  }
0x23: {  	s9 =	sor.u32 $0xD0000000, s2;
	s6 =	simm.s32 $0x108;
	_ =	swait.ge @!p0 [sflag:s8], $0x0  }
0x24: {  	s3 =	sadd.s32 $0x88, s3;
	s6 =	simm.s32 @!p1 $0x1082;
	[sflag:s4] =	ssyncset.s32 $0xFFFFF086  }
0x25: {  	[simem:s6], [sflag:s4] =	dma.local [hbm:s3], $0xF7A  }
0x26: {  	[smem:$0x3F89] =	sst s1;
	(tag) =	ssettag s2;
	_ =	strace s9  }
0x27: {  	s1 =	sld [smem:$0x3F99]  }
0x28: {  	s2 =	sld [smem:$0x3F9A]  }
0x29: {  	s4 =	sld [smem:$0x3F9C]  }
0x2a: {  	p0 =	seq.s32 s5, $0x0;
	s5 =	sld [smem:$0x3F9D]  }
0x2b: {  	s6 =	sld [smem:$0x3F9E]  }
0x2c: {  	s7 =	sld [smem:$0x3F9F]  }
0x2d: {  	s3 =	simm.s32 $0x108;
	s8 =	sld [smem:$0x3FA0]  }
0x2e: {  	s3 =	simm.s32 @!p0 $0x1082;
	s9 =	sld [smem:$0x3FA1]  }
0x2f: {  	lr =	sadd.s32 s0, s3;
	s0 =	sld [smem:$0x3F98]  }
0x30: {  	s3 =	sld [smem:$0x3F9B]  }
0x31: {  	[smem:$0x3FA4] =	sst s10  }
0x32: {  	s10 =	sld [smem:$0x3FA2];
	_ =	sdelay $0x3  }
0x33: {  	p0 =	seq.s32 s10, $0x1;
	s10 =	sld [smem:$0x3FA4];
	_ =	sdelay $0x3  }
0x34: {  	[smem:$0x3FA4] =	sst s10  }
0x35: {  	s10 =	sld [smem:$0x3FA3];
	_ =	sdelay $0x3  }
0x36: {  	p1 =	seq.s32 s10, $0x1;
	s10 =	sld [smem:$0x3FA4];
	_ =	sdelay $0x3  }
0x37: {  	[smem:$0x3FA4] =	sst s10  }
0x38: {  	s10 =	sld [smem:$0x3FA5]  }
0x39: {  	_ = 	snop;
	(pc) =	sbr.ind lr, $3  }
0x3a: {  	_ = 	snop  }
0x3b: {  	_ = 	snop  }
0x3c: {  	p2 =	seq.s32 s10, $0x1;
	s10 =	sld [smem:$0x3FA4]  }
0x3d: {  	_ =	shalt  }
0x3e: {  	_ =	shalt  }
0x3f: {  	_ =	shalt  }
0x40: {  	_ =	shalt  }
0x41: {  	_ =	shalt  }
0x42: {  	_ =	shalt  }
0x43: {  	_ =	shalt  }
0x44: {  	_ =	shalt  }
0x45: {  	_ =	shalt  }
0x46: {  	_ =	shalt  }
0x47: {  	_ =	shalt  }
0x48: {  	_ =	shalt  }
0x49: {  	_ =	shalt  }
0x4a: {  	_ =	shalt  }
0x4b: {  	_ =	shalt  }
0x4c: {  	_ =	shalt  }
0x4d: {  	_ =	shalt  }
0x4e: {  	_ =	shalt  }
0x4f: {  	_ =	shalt  }
0x50: {  	_ =	shalt  }
0x51: {  	_ =	shalt  }
0x52: {  	_ =	shalt  }
0x53: {  	_ =	shalt  }
0x54: {  	_ =	shalt  }
0x55: {  	_ =	shalt  }
0x56: {  	_ =	shalt  }
0x57: {  	_ =	shalt  }
0x58: {  	_ =	shalt  }
0x59: {  	_ =	shalt  }
0x5a: {  	_ =	shalt  }
0x5b: {  	_ =	shalt  }
0x5c: {  	_ =	shalt  }
0x5d: {  	_ =	shalt  }
0x5e: {  	_ =	shalt  }
0x5f: {  	_ =	shalt  }
0x60: {  	_ =	shalt  }
0x61: {  	_ =	shalt  }
0x62: {  	_ =	shalt  }
0x63: {  	_ =	shalt  }
0x64: {  	_ =	shalt  }
0x65: {  	_ =	shalt  }
0x66: {  	_ =	shalt  }
0x67: {  	_ =	shalt  }
0x68: {  	_ =	shalt  }
0x69: {  	_ =	shalt  }
0x6a: {  	_ =	shalt  }
0x6b: {  	_ =	shalt  }
0x6c: {  	_ =	shalt  }
0x6d: {  	_ =	shalt  }
0x6e: {  	_ =	shalt  }
0x6f: {  	_ =	shalt  }
0x70: {  	_ =	shalt  }
0x71: {  	_ =	shalt  }
0x72: {  	_ =	shalt  }
0x73: {  	_ =	shalt  }
0x74: {  	_ =	shalt  }
0x75: {  	_ =	shalt  }
0x76: {  	_ =	shalt  }
0x77: {  	_ =	shalt  }
0x78: {  	_ =	shalt  }
0x79: {  	_ =	shalt  }
0x7a: {  	_ =	shalt  }
0x7b: {  	_ =	shalt  }
0x7c: {  	_ =	shalt  }
0x7d: {  	_ =	shalt  }
0x7e: {  	_ =	shalt  }
0x7f: {  	_ =	shalt  }
0x80: {  	_ =	shalt  }
0x81: {  	_ =	shalt  }
0x82: {  	_ =	shalt  }
0x83: {  	_ =	shalt  }
0x84: {  	_ =	shalt  }
0x85: {  	_ =	shalt  }
0x86: {  	_ =	shalt  }
0x87: {  	_ =	shalt  }
.Lfunc_end0:
.L_simem_size_0:
called_computation.1_lowered:
.L_overlay_start_0:
0x88: {  	s2 =	sld [smem:$0x3FD9]  }
0x89: {  	s3 =	sld [smem:$0x3FFE];
	_ =	sdelay $0x1  }
0x8a: {  	s1 =	srdreg.scid  }
0x8b: {  	s0 =	sand.u32 $0x1, s1  }
0x8c: {  	s17 =	sshll.u32 s0, $0xA;
	s2 =	sadd.s32 s3, s2  }
0x8d: {  	s2 =	sadd.s32 s2, s17  }
0x8e: {  	[smem:$0x3FB0] =	sst s2  }
0x8f: {  	_ = 	snop  }
0x90: {  	s2 =	sld [smem:$0x3FD0];
	(tm) =	ssettm $0x1  }
0x91: {  	s18 =	sld [smem:$0x3FFB];
	_ =	sdelay $0x3  }
0x92: {  	_ =	strace s18  }
0x93: {  	s3 =	sld [smem:$0x3FFC];
	_ =	sdelay $0x3  }
0x94: {  	_ =	strace s3  }
0x95: {  	s3 =	sld [smem:$0x3FFD];
	_ =	sdelay $0x3  }
0x96: {  	_ =	strace s3  }
0x97: {  	_ =	strace $0x8FFFFFFF  }
0x98: {  	s19 =	sld [smem:$0x3FDB];
	_ =	sdelay $0x1  }
0x99: {  	s4 =	simm.s32 $_scs_section_size  }
0x9a: {  	s5 =	simm.s32 $_size__tile_overlayer_lowered;
	s6 =	simm.s32 $_tile_overlayer_lowered  }
0x9b: {  	s22 =	simm.s32 $0x1BFF;
	s21 =	sshll.u32 s6, $0x1;
	s3 =	sadd.s32 s4, s19  }
0x9c: {  	s7 =	simm.s32 $0x0;
	s20 =	sshll.u32 s5, $0x1;
	s5 =	sadd.s32 s21, s3  }
0x9d: {  	[timem:s7], [sflag:s22] =	dma.local [hbm:s5], s20  }
0x9e: {  	_ =	swait.ge [sflag:s22], s20  }
0x9f: {  	s4 =	ssub.s32 $0x0, s20;
	[sflag:s22] =	ssyncset.done $0x0  }
0xa0: {  	[sflag:s22] =	ssyncadd.s32 s4;
	_ =	sdelay $0x1  }
0xa1: {  	s23 =	simm.s32 $0x1B8B  }
0xa2: {  	_ =	swait.ge [sflag:s23], $0x1  }
0xa3: {  	[sflag:s23] =	ssyncset.done $0x0  }
0xa4: {  	s25 =	simm.s32 $0x1B8E;
	s24 =	sld [smem:$0x3FFE];
	[sflag:s23] =	ssyncadd.s32 $0xFFFFFFFF  }
0xa5: {  	s26 =	simm.s32 $execute0_lowered;
	[smem:$0x3FD2] =	sst s25  }
0xa6: {  	s5 =	sshll.u32 s26, $0x1;
	_ =	strace $0x80000046;
	[dreg:$0x1] =	wrdreg $0xFFFFFFFF  }
0xa7: {  	s28 =	simm.s32 $_size_execute0_lowered;
	s3 =	sadd.s32 s3, s5;
	[dreg:$0x0] =	wrdreg $0x0  }
0xa8: {  	s5 =	sshll.u32 s28, $0x1;
	[dreg:$0x2] =	wrdreg s3  }
0xa9: {  	[dreg:$0x3] =	wrdreg s5  }
0xaa: {  	[dreg:$0x4] =	wrdreg $0xC0  }
0xab: {  	_ =	task [dreg:s7], $0x5FFFF  }
0xac: {  	[dreg:$0x1] =	wrdreg $0xFFFFFFFF  }
0xad: {  	[dreg:$0x0] =	wrdreg $0x60  }
0xae: {  	[dreg:$0x2] =	wrdreg s2  }
0xaf: {  	[dreg:$0x3] =	wrdreg s24  }
0xb0: {  	[dreg:$0x4] =	wrdreg $0xA8000  }
0xb1: {  	[dreg:$0x5] =	wrdreg $0xA  }
0xb2: {  	_ =	task.clear_ibuf [dreg:s7], $0x6FFFF;
	_ =	strace $0x90000046  }
0xb3: {  	s29 =	simm.s32 $0xA;
	_ =	strace $0x80000048  }
0xb4: {  	_ =	swait.ge [sflag:s29], $0x1  }
0xb5: {  	[sflag:s29] =	ssyncadd.s32 $0xFFFFFFFF  }
0xb6: {  	_ =	strace $0x90000048  }
0xb7: {  	_ =	sfence  }
0xb8: {  	s30 =	sld [smem:$0x0];
	_ =	sdelay $0x2  }
0xb9: {  	s31 =	sshll.u32 s1, $0xD;
	s1 =	sshrl.u32 s1, $0x2  }
0xba: {  	s3 =	sand.u32 $0x4000, s31;
	s1 =	sadd.s32 s1, s30  }
0xbb: {  	s0 =	sor.u32 s3, s0;
	s1 =	sshll.u32 s1, $0x11  }
0xbc: {  	s0 =	sor.u32 s1, s0  }
0xbd: {  	s0 =	sadd.s32 $0x8F2B, s0  }
0xbe: {  	[sflag:s0] =	ssyncadd.remote.s32 $0x1  }
0xbf: {  	_ =	sfence.sel $0xFFFF  }
0xc0: {  	[dreg:$0x0] =	wrdreg $0xFFFFFFFF;
	(pc) =	sbr.abs _section_cstart, $3  }
0xc1: {  	[dreg:$0x1] =	wrdreg $0xFFFFFFFF  }
0xc2: {  	_ =	task.clear_ibuf [dreg:s7], $0x2FFFF;
	_ =	strace $0x9FFFFFFF  }
0xc3: {  	(tm) =	ssettm $0x7FFFFFFF  }
tec
execute0_lowered:
.L_overlay_start_1:
0x0: {  	(tag) =	ssettag $0x1  }
0x1: {  	s1 =	rddreg [dreg:$0x0]  }
0x2: {  	s0 =	rddreg [dreg:$0x1]  }
0x3: {  	s3 =	rddreg [dreg:$0x2];
	s2 =	srdreg.scid;
	s4 =	simm.s32 $0x0  }
0x4: {  	s17 =	stileid.u32;
	s14 =	simm.s32 $0x5;
	s15 =	simm.s32 $0x1400  }
0x5: {  	s16 =	simm.s32 $0x80;
	s21 =	simm.s32 $0x1;
	s22 =	simm.s32 $0x6800  }
0x6: {  	s23 =	simm.s32 $0x2;
	s24 =	simm.s32 $0x3;
	s25 =	simm.s32 $0x100  }
0x7: {  	s28 =	simm.s32 $0x4;
	s30 =	simm.s32 $0x2700;
	s2 =	sand.u32 $0x1, s2  }
0x8: {  	[smem:$0x7FF] =	sst s4;
	s5 =	smul.u32 $0x2700, s17;
	s10 =	sadd.s32 $0xF400, s0  }
0x9: {  	s11 =	sadd.s32 $0x5400, s0;
	s9 =	smul.u32 $0x4E000, s17;
	s20 =	sadd.s32 $0x138000, s3  }
0xa: {  	p0 =	sne.s32 s17, $0xF;
	s31 =	sshll.u32 s17, $0x6;
	s6 =	sshll.u32 s2, $0x4  }
0xb: {  	_ =	strace $0x80000047;
	s7 =	smul.u32 $0x27200, s2;
	s2 =	ssub.s32 $0x2, s2  }
0xc: {  	s18 =	sor.u32 $0x1C05, s31;
	s20 =	sshrl.u32 @!p0 s20, $0x3;
	s6 =	sor.u32 s17, s6  }
0xd: {  	s8 =	sadd.s32 s5, s0;
	s26 =	sshrl.u32 s2, $0x1;
	s9 =	sshrl.u32 s9, $0x2  }
0xe: {  	s17 =	simm.s32 $0x2800;
	s6 =	smul.u32 $0x2800, s6;
	s12 =	sadd.s32 s7, s0  }
0xf: {  	s2 =	ssub.s32 s2, s26;
	s19 =	sadd.s32 s9, s3;
	s8 =	sadd.s32 $0x19400, s8  }
0x10: {  	s9 =	sadd.s32 $0x40400, s0;
	s26 =	simm.s32 $0x1480;
	s0 =	simm.s32 $0x0  }
0x11: {  	s12 =	sadd.s32 $0x40600, s12;
	s19 =	sshrl.u32 s19, $0x3;
	s13 =	sshrl.u32 s6, $0x3  }
0x12: {  	s6 =	sadd.s32 s10, s13;
	s7 =	sadd.s32 s11, s13;
	s29 =	sadd.s32 $0x280, s13  }
0x13: {  	s13 =	smax.u32 s2, $0x1;
	s10 =	sadd.s32 s10, s29;
	s11 =	sadd.s32 s11, s29  }
.LBB2_1:
0x14: {  	[tilespmem:s4], [sflag:$0x5] =	stream.linear.gather [hbm4b:s6+s4], $0x1400, $0x38;
	[tilespmem:$0x1E100] =	vst v63  }
0x15: {  	_ =	swait.ge [sflag:s14], $0x1400  }
0x16: {  	[sflag:s14] =	ssyncset.done $0x0  }
0x17: {  	[sflag:s14] =	ssyncadd.s32 $0xFFFFEC00  }
0x18: {  	[tilespmem:s15], [sflag:$0x5] =	stream.linear.gather [hbm4b:s7+s4], $0x1400, $0x38;
	[tilespmem:$0x1E100] =	vst v63  }
0x19: {  	_ =	swait.ge [sflag:s14], $0x1400  }
0x1a: {  	[sflag:s14] =	ssyncset.done $0x0  }
0x1b: {  	[sflag:s14] =	ssyncadd.s32 $0xFFFFEC00  }
0x1c: {  	[tilespmem:s17], [sflag:$0x1] =	stream.indirect.gather [hbm4b:s1+s16], $0x80, s4, s16, $0xb8;
	[tilespmem:$0x1E100] =	vst v63  }
0x1d: {  	[spmem:s19], [sflag:s18] =	dma.local [hbm:s8], $0x2700  }
0x1e: {  	_ =	swait.ge [sflag:s14], $0x2700  }
0x1f: {  	[sflag:s14] =	ssyncset.done $0x0  }
0x20: {  	s2 =	simm.s32 @!p0 $0x5;
	[sflag:s14] =	ssyncadd.s32 $0xFFFFD900  }
0x21: {  	[spmem:s20], [sflag:s18] =	dma.local @!p0 [hbm:s9], $0x200  }
0x22: {  	_ =	swait.ge @!p0 [sflag:s2], $0x200  }
0x23: {  	[sflag:s2] =	ssyncset.done @!p0 $0x0  }
0x24: {  	[sflag:s2] =	ssyncadd.s32 @!p0 $0xFFFFFE00  }
0x25: {  	[bflag:$0x0] =	sbarrier.arrive $0xFFFF  }
0x26: {  	_ =	swait.ge [sflag:s21], $0x4000  }
0x27: {  	[sflag:s21] =	ssyncset.done $0x0  }
0x28: {  	[sflag:s21] =	ssyncadd.s32 $0xFFFFC000  }
0x29: {  	[tilespmem:s22], [sflag:$0x2] =	stream.indirect.gather [hbm4b:s1+s16], $0x80, s16, s16, $0xb8;
	[tilespmem:$0x1E100] =	vst v63  }
0x2a: {  	_ = 	snop  }
0x2b: {  	[spmem:s3] =	stream.indirect.scatter.add.f32 [tilespmem:s17], [sflag:$0x3], $0x80, s15, s16, $0xb8;
	[tilespmem:$0x1E100] =	vst v63  }
0x2c: {  	_ =	swait.ge [sflag:s23], $0x4000  }
0x2d: {  	[sflag:s23] =	ssyncset.done $0x0  }
0x2e: {  	[sflag:s23] =	ssyncadd.s32 $0xFFFFC000  }
0x2f: {  	_ =	swait.ge [sflag:s24], $0x4000  }
0x30: {  	[sflag:s24] =	ssyncset.done $0x0  }
0x31: {  	[sflag:s24] =	ssyncadd.s32 $0xFFFFC000  }
0x32: {  	[tilespmem:s17], [sflag:$0x1] =	stream.indirect.gather [hbm4b:s1+s16], $0x80, s25, s16, $0xb8;
	[tilespmem:$0x1E100] =	vst v63  }
0x33: {  	_ = 	snop  }
0x34: {  	[spmem:s3] =	stream.indirect.scatter.add.f32 [tilespmem:s22], [sflag:$0x4], $0x80, s26, s16, $0xb8;
	[tilespmem:$0x1E100] =	vst v63  }
0x35: {  	_ =	swait.ge [sflag:s21], $0x4000  }
0x36: {  	[sflag:s21] =	ssyncset.done $0x0  }
0x37: {  	[sflag:s21] =	ssyncadd.s32 $0xFFFFC000  }
0x38: {  	_ =	swait.ge [sflag:s28], $0x4000  }
0x39: {  	[sflag:s28] =	ssyncset.done $0x0  }
0x3a: {  	s31 =	simm.s32 $0x180;
	[sflag:s28] =	ssyncadd.s32 $0xFFFFC000  }
0x3b: {  	[tilespmem:s22], [sflag:$0x2] =	stream.indirect.gather [hbm4b:s1+s16], $0x80, s31, s16, $0xb8;
	[tilespmem:$0x1E100] =	vst v63  }
0x3c: {  	s31 =	simm.s32 $0x1500  }
0x3d: {  	[spmem:s3] =	stream.indirect.scatter.add.f32 [tilespmem:s17], [sflag:$0x3], $0x80, s31, s16, $0xb8;
	[tilespmem:$0x1E100] =	vst v63  }
0x3e: {  	_ =	swait.ge [sflag:s23], $0x4000  }
0x3f: {  	[sflag:s23] =	ssyncset.done $0x0  }
0x40: {  	[sflag:s23] =	ssyncadd.s32 $0xFFFFC000  }
0x41: {  	_ =	swait.ge [sflag:s24], $0x4000  }
0x42: {  	s29 =	simm.s32 $0x1580;
	[sflag:s24] =	ssyncset.done $0x0  }
0x43: {  	s2 =	simm.s32 $0xFFFFBC00;
	s31 =	simm.s32 $0x200;
	[sflag:s24] =	ssyncadd.s32 $0xFFFFC000  }
0x44: {  	[tilespmem:s17], [sflag:$0x1] =	stream.indirect.gather [hbm4b:s1+s16], $0x80, s31, s16, $0xb8;
	[tilespmem:$0x1E100] =	vst v63  }
.LBB2_2:
0x45: {  	[spmem:s3] =	stream.indirect.scatter.add.f32 [tilespmem:s22], [sflag:$0x4], $0x80, s29, s16, $0xb8;
	[tilespmem:$0x1E100] =	vst v63  }
0x46: {  	s29 =	smov.u32 s2  }
0x47: {  	p1 =	sne.s32 s2, $0xFFFFFC00;
	s2 =	sadd.s32 $0x400, s2;
	_ =	swait.ge [sflag:s21], $0x4000  }
0x48: {  	[sflag:s21] =	ssyncset.done $0x0  }
0x49: {  	[sflag:s21] =	ssyncadd.s32 $0xFFFFC000  }
0x4a: {  	_ =	swait.ge [sflag:s28], $0x4000  }
0x4b: {  	s29 =	sshra.s32 s29, $0x2;
	[sflag:s28] =	ssyncset.done $0x0  }
0x4c: {  	s31 =	sadd.s32 $0x1380, s29;
	[sflag:s28] =	ssyncadd.s32 $0xFFFFC000  }
0x4d: {  	[tilespmem:s22], [sflag:$0x2] =	stream.indirect.gather [hbm4b:s1+s16], $0x80, s31, s16, $0xb8;
	[tilespmem:$0x1E100] =	vst v63  }
0x4e: {  	s31 =	sadd.s32 $0x2700, s29  }
0x4f: {  	[spmem:s3] =	stream.indirect.scatter.add.f32 [tilespmem:s17], [sflag:$0x3], $0x80, s31, s16, $0xb8;
	[tilespmem:$0x1E100] =	vst v63  }
0x50: {  	_ =	swait.ge [sflag:s23], $0x4000  }
0x51: {  	[sflag:s23] =	ssyncset.done $0x0  }
0x52: {  	[sflag:s23] =	ssyncadd.s32 $0xFFFFC000  }
.Ltmp0:
0x53: {  	_ =	swait.ge [sflag:s24], $0x4000;
	(pc) =	sbr.rel @p1 .LBB2_2-.Ltmp0, $4  }
0x54: {  	[sflag:s24] =	ssyncset.done $0x0  }
0x55: {  	s31 =	sadd.s32 $0x1400, s29;
	[sflag:s24] =	ssyncadd.s32 $0xFFFFC000  }
0x56: {  	[tilespmem:s17], [sflag:$0x1] =	stream.indirect.gather [hbm4b:s1+s16], $0x80, s31, s16, $0xb8;
	[tilespmem:$0x1E100] =	vst v63  }
0x57: {  	s29 =	sadd.s32 $0x2780, s29  }
0x58: {  	[spmem:s3] =	stream.indirect.scatter.add.f32 [tilespmem:s22], [sflag:$0x4], $0x80, s29, s16, $0xb8;
	[tilespmem:$0x1E100] =	vst v63  }
0x59: {  	_ =	swait.ge [sflag:s28], $0x4000  }
0x5a: {  	[sflag:s28] =	ssyncset.done $0x0  }
0x5b: {  	[sflag:s28] =	ssyncadd.s32 $0xFFFFC000  }
0x5c: {  	_ =	swait.ge [sflag:s21], $0x4000  }
0x5d: {  	[sflag:s21] =	ssyncset.done $0x0  }
0x5e: {  	s2 =	simm.s32 $0x1380;
	[sflag:s21] =	ssyncadd.s32 $0xFFFFC000  }
0x5f: {  	[tilespmem:s22], [sflag:$0x2] =	stream.indirect.gather [hbm4b:s1+s16], $0x80, s2, s16, $0xb8;
	[tilespmem:$0x1E100] =	vst v63  }
0x60: {  	_ = 	snop  }
0x61: {  	[spmem:s3] =	stream.indirect.scatter.add.f32 [tilespmem:s17], [sflag:$0x3], $0x80, s30, s16, $0xb8;
	[tilespmem:$0x1E100] =	vst v63  }
0x62: {  	_ =	swait.ge [sflag:s23], $0x4000  }
0x63: {  	[sflag:s23] =	ssyncset.done $0x0  }
0x64: {  	[sflag:s23] =	ssyncadd.s32 $0xFFFFC000  }
0x65: {  	_ =	swait.ge [sflag:s24], $0x4000  }
0x66: {  	[sflag:s24] =	ssyncset.done $0x0  }
0x67: {  	s31 =	simm.s32 $0x2780;
	[sflag:s24] =	ssyncadd.s32 $0xFFFFC000  }
0x68: {  	[spmem:s3] =	stream.indirect.scatter.add.f32 [tilespmem:s22], [sflag:$0x4], $0x80, s31, s16, $0xb8;
	[tilespmem:$0x1E100] =	vst v63  }
0x69: {  	_ =	swait.ge [sflag:s28], $0x4000  }
0x6a: {  	[sflag:s28] =	ssyncset.done $0x0  }
0x6b: {  	[sflag:s28] =	ssyncadd.s32 $0xFFFFC000  }
0x6c: {  	[tilespmem:s4], [sflag:$0x5] =	stream.linear.gather [hbm4b:s10+s4], $0x1380, $0x38;
	[tilespmem:$0x1E100] =	vst v63  }
0x6d: {  	_ =	swait.ge [sflag:s14], $0x1380  }
0x6e: {  	[sflag:s14] =	ssyncset.done $0x0  }
0x6f: {  	[sflag:s14] =	ssyncadd.s32 $0xFFFFEC80  }
0x70: {  	[tilespmem:s15], [sflag:$0x5] =	stream.linear.gather [hbm4b:s11+s4], $0x1380, $0x38;
	[tilespmem:$0x1E100] =	vst v63  }
0x71: {  	_ =	swait.ge [sflag:s14], $0x1380  }
0x72: {  	[sflag:s14] =	ssyncset.done $0x0  }
0x73: {  	[sflag:s14] =	ssyncadd.s32 $0xFFFFEC80  }
0x74: {  	[tilespmem:s17], [sflag:$0x1] =	stream.indirect.gather [hbm4b:s1+s16], $0x80, s4, s16, $0xb8;
	[tilespmem:$0x1E100] =	vst v63  }
0x75: {  	_ =	swait.ge [sflag:s21], $0x4000  }
0x76: {  	[sflag:s21] =	ssyncset.done $0x0  }
0x77: {  	[sflag:s21] =	ssyncadd.s32 $0xFFFFC000  }
0x78: {  	[tilespmem:s22], [sflag:$0x2] =	stream.indirect.gather [hbm4b:s1+s16], $0x80, s16, s16, $0xb8;
	[tilespmem:$0x1E100] =	vst v63  }
0x79: {  	_ = 	snop  }
0x7a: {  	[spmem:s3] =	stream.indirect.scatter.add.f32 [tilespmem:s17], [sflag:$0x3], $0x80, s15, s16, $0xb8;
	[tilespmem:$0x1E100] =	vst v63  }
0x7b: {  	_ =	swait.ge [sflag:s23], $0x4000  }
0x7c: {  	[sflag:s23] =	ssyncset.done $0x0  }
0x7d: {  	[sflag:s23] =	ssyncadd.s32 $0xFFFFC000  }
0x7e: {  	_ =	swait.ge [sflag:s24], $0x4000  }
0x7f: {  	[sflag:s24] =	ssyncset.done $0x0  }
0x80: {  	[sflag:s24] =	ssyncadd.s32 $0xFFFFC000  }
0x81: {  	[tilespmem:s17], [sflag:$0x1] =	stream.indirect.gather [hbm4b:s1+s16], $0x80, s25, s16, $0xb8;
	[tilespmem:$0x1E100] =	vst v63  }
0x82: {  	_ = 	snop  }
0x83: {  	[spmem:s3] =	stream.indirect.scatter.add.f32 [tilespmem:s22], [sflag:$0x4], $0x80, s26, s16, $0xb8;
	[tilespmem:$0x1E100] =	vst v63  }
0x84: {  	_ =	swait.ge [sflag:s21], $0x4000  }
0x85: {  	[sflag:s21] =	ssyncset.done $0x0  }
0x86: {  	[sflag:s21] =	ssyncadd.s32 $0xFFFFC000  }
0x87: {  	_ =	swait.ge [sflag:s28], $0x4000  }
0x88: {  	[sflag:s28] =	ssyncset.done $0x0  }
0x89: {  	s31 =	simm.s32 $0x180;
	[sflag:s28] =	ssyncadd.s32 $0xFFFFC000  }
0x8a: {  	[tilespmem:s22], [sflag:$0x2] =	stream.indirect.gather [hbm4b:s1+s16], $0x80, s31, s16, $0xb8;
	[tilespmem:$0x1E100] =	vst v63  }
0x8b: {  	s31 =	simm.s32 $0x1500  }
0x8c: {  	[spmem:s3] =	stream.indirect.scatter.add.f32 [tilespmem:s17], [sflag:$0x3], $0x80, s31, s16, $0xb8;
	[tilespmem:$0x1E100] =	vst v63  }
0x8d: {  	_ =	swait.ge [sflag:s23], $0x4000  }
0x8e: {  	[sflag:s23] =	ssyncset.done $0x0  }
0x8f: {  	[sflag:s23] =	ssyncadd.s32 $0xFFFFC000  }
0x90: {  	_ =	swait.ge [sflag:s24], $0x4000  }
0x91: {  	s29 =	simm.s32 $0x1580;
	[sflag:s24] =	ssyncset.done $0x0  }
0x92: {  	s2 =	simm.s32 $0xFFFFBC00;
	s31 =	simm.s32 $0x200;
	[sflag:s24] =	ssyncadd.s32 $0xFFFFC000  }
0x93: {  	[tilespmem:s17], [sflag:$0x1] =	stream.indirect.gather [hbm4b:s1+s16], $0x80, s31, s16, $0xb8;
	[tilespmem:$0x1E100] =	vst v63  }
.LBB2_4:
0x94: {  	[spmem:s3] =	stream.indirect.scatter.add.f32 [tilespmem:s22], [sflag:$0x4], $0x80, s29, s16, $0xb8;
	[tilespmem:$0x1E100] =	vst v63  }
0x95: {  	s29 =	smov.u32 s2  }
0x96: {  	p1 =	sne.s32 s2, $0xFFFFFC00;
	s2 =	sadd.s32 $0x400, s2;
	_ =	swait.ge [sflag:s21], $0x4000  }
0x97: {  	[sflag:s21] =	ssyncset.done $0x0  }
0x98: {  	[sflag:s21] =	ssyncadd.s32 $0xFFFFC000  }
0x99: {  	_ =	swait.ge [sflag:s28], $0x4000  }
0x9a: {  	s29 =	sshra.s32 s29, $0x2;
	[sflag:s28] =	ssyncset.done $0x0  }
0x9b: {  	s31 =	sadd.s32 $0x1380, s29;
	[sflag:s28] =	ssyncadd.s32 $0xFFFFC000  }
0x9c: {  	[tilespmem:s22], [sflag:$0x2] =	stream.indirect.gather [hbm4b:s1+s16], $0x80, s31, s16, $0xb8;
	[tilespmem:$0x1E100] =	vst v63  }
0x9d: {  	s31 =	sadd.s32 $0x2700, s29  }
0x9e: {  	[spmem:s3] =	stream.indirect.scatter.add.f32 [tilespmem:s17], [sflag:$0x3], $0x80, s31, s16, $0xb8;
	[tilespmem:$0x1E100] =	vst v63  }
0x9f: {  	_ =	swait.ge [sflag:s23], $0x4000  }
0xa0: {  	[sflag:s23] =	ssyncset.done $0x0  }
0xa1: {  	[sflag:s23] =	ssyncadd.s32 $0xFFFFC000  }
.Ltmp1:
0xa2: {  	_ =	swait.ge [sflag:s24], $0x4000;
	(pc) =	sbr.rel @p1 .LBB2_4-.Ltmp1, $4  }
0xa3: {  	[sflag:s24] =	ssyncset.done $0x0  }
0xa4: {  	s31 =	sadd.s32 $0x1400, s29;
	[sflag:s24] =	ssyncadd.s32 $0xFFFFC000  }
0xa5: {  	[tilespmem:s17], [sflag:$0x1] =	stream.indirect.gather [hbm4b:s1+s16], $0x80, s31, s16, $0xb8;
	[tilespmem:$0x1E100] =	vst v63  }
0xa6: {  	s29 =	sadd.s32 $0x2780, s29  }
0xa7: {  	[spmem:s3] =	stream.indirect.scatter.add.f32 [tilespmem:s22], [sflag:$0x4], $0x80, s29, s16, $0xb8;
	[tilespmem:$0x1E100] =	vst v63  }
0xa8: {  	_ =	swait.ge [sflag:s28], $0x4000  }
0xa9: {  	[sflag:s28] =	ssyncset.done $0x0  }
0xaa: {  	[sflag:s28] =	ssyncadd.s32 $0xFFFFC000  }
0xab: {  	_ =	swait.ge [sflag:s21], $0x4000  }
0xac: {  	[sflag:s21] =	ssyncset.done $0x0  }
0xad: {  	[sflag:s21] =	ssyncadd.s32 $0xFFFFC000  }
0xae: {  	[spmem:s3] =	stream.indirect.scatter.add.f32 [tilespmem:s17], [sflag:$0x3], $0x80, s30, s16, $0xb8;
	[tilespmem:$0x1E100] =	vst v63  }
0xaf: {  	_ =	swait.ge [sflag:s24], $0x4000  }
0xb0: {  	[sflag:s24] =	ssyncset.done $0x0  }
0xb1: {  	[sflag:s24] =	ssyncadd.s32 $0xFFFFC000  }
0xb2: {  	s2 =	sadd.s32 s5, s12;
	[bflag:$0x0] =	sbarrier.arrive $0xFFFF  }
0xb3: {  	[hbm:s2], [sflag:s18] =	dma.local [spmem:s19], $0x2700  }
0xb4: {  	_ =	swait.ge [sflag:s14], $0x2700  }
0xb5: {  	s0 =	sadd.s32 $0x1, s0;
	[sflag:s14] =	ssyncset.done $0x0  }
0xb6: {  	p1 =	sne.s32 s0, s13;
	s2 =	sadd.s32 @!p0 $0x27000, s12;
	[sflag:s14] =	ssyncadd.s32 $0xFFFFD900  }
0xb7: {  	[hbm:s2], [sflag:s18] =	dma.local @!p0 [spmem:s20], $0x200  }
.Ltmp2:
0xb8: {  	_ = 	snop;
	(pc) =	sbr.rel @p1 .LBB2_1-.Ltmp2, $4  }
0xb9: {  	s2 =	simm.s32 @!p0 $0x5  }
0xba: {  	_ =	swait.ge @!p0 [sflag:s2], $0x200  }
0xbb: {  	[sflag:s2] =	ssyncset.done @!p0 $0x0  }
0xbc: {  	[sflag:s2] =	ssyncadd.s32 @!p0 $0xFFFFFE00  }
0xbd: {  	_ =	sfence.sel $0x180000  }
0xbe: {  	[bflag:$0x0] =	sbarrier.arrive $0xFFFF  }
0xbf: {  	_ =	strace $0x90000047  }
0xc0: {  	s0 =	stileid.u32;
	[bflag:$0x2] =	sbarrier.arrive $0xFFFF  }
0xc1: {  	p0 =	sne.s32 s0, $0x0;
	s0 =	rddreg [dreg:$0x3]  }
0xc2: {  	s0 =	sadd.s32 @!p0 $0x100000, s0  }
0xc3: {  	[sflag:s0] =	ssyncadd.tile.s32 @!p0 $0x1;
	_ =	shalt  }
.Lfunc_end2:
_tile_overlayer_lowered:
.L_overlay_start_2:
0xc4: {  	(tag) =	ssettag $0x2  }
0xc5: {  	s0 =	rddreg [dreg:$0x0];
	s2 =	stileid.u32  }
0xc6: {  	s1 =	rddreg [dreg:$0x1];
	p0 =	sne.s32 s2, $0x0  }
0xc7: {  	s3 =	rddreg [dreg:$0x2];
	[bflag:$0x3] =	sbarrier.arrive $0xFFFF;
	s2 =	simm.s32 @!p0 $0x1C05  }
0xc8: {  	[timem:s3], [sflag:s2] =	dma.local @!p0 [hbm:s0], s1  }
0xc9: {  	s0 =	simm.s32 @!p0 $0x5  }
0xca: {  	_ =	swait.ge @!p0 [sflag:s0], s1  }
0xcb: {  	s1 =	ssub.s32 @!p0 $0x0, s1;
	[sflag:s0] =	ssyncset.done @!p0 $0x0  }
0xcc: {  	[sflag:s0] =	ssyncadd.s32 @!p0 s1  }
0xcd: {  	[bflag:$0x3] =	sbarrier.arrive $0xFFFF  }
0xce: {  	_ =	shalt  }

// kernel: kernel.18.cloned.1.call-start
scs
__scs_entry_jumppad:
0x0: {  	(pc) =	sbr.rel $0x88, $3  }
0x1: {  	(tag) =	ssettag $0x0;
	lr =	simm.s32 $0x1  }
0x2: {  	[smem:$0x3F89] =	sst lr;
	_ =	strace $0xD0000000  }
0x3: {  	_ = 	snop  }
0x4: {  	_ = 	snop  }
0x5: {  	_ = 	snop  }
0x6: {  	_ = 	snop  }
0x7: {  	_ = 	snop  }
__scs_overlays_trampoline_lowered:
0x8: {  	[smem:$0x3F98] =	sst s0  }
0x9: {  	[smem:$0x3F99] =	sst s1  }
0xa: {  	[smem:$0x3F9A] =	sst s2  }
0xb: {  	[smem:$0x3F9B] =	sst s3  }
0xc: {  	[smem:$0x3F9C] =	sst s4  }
0xd: {  	[smem:$0x3F9D] =	sst s5  }
0xe: {  	[smem:$0x3F9E] =	sst s6  }
0xf: {  	[smem:$0x3F9F] =	sst s7  }
0x10: {  	[smem:$0x3FA0] =	sst s8  }
0x11: {  	[smem:$0x3FA1] =	sst s9;
	s0 =	simm.s32 @!p0 $0x0  }
0x12: {  	s1 =	sld [smem:$0x3F87];
	s0 =	simm.s32 @p0 $0x1  }
0x13: {  	[smem:$0x3FA2] =	sst s0;
	s0 =	simm.s32 @!p1 $0x0  }
0x14: {  	s2 =	sld [smem:$0x3F86];
	s0 =	simm.s32 @p1 $0x1  }
0x15: {  	[smem:$0x3FA3] =	sst s0;
	s0 =	simm.s32 @!p2 $0x0  }
0x16: {  	s3 =	sld [smem:$0x3FDB];
	s0 =	simm.s32 @p2 $0x1  }
0x17: {  	s4 =	simm.s32 $0x1BF5;
	[smem:$0x3FA5] =	sst s0  }
0x18: {  	s0 =	sld [smem:$0x3F88];
	_ =	swait.ge [sflag:s4], $0x0  }
0x19: {  	s7 =	sld [smem:$0x3F89]  }
0x1a: {  	s8 =	sadd.s32 $0xFFFFE003, lr  }
0x1b: {  	s9 =	sadd.s32 $0xFFFFFEF7, lr;
	s5 =	simm.s32 $0xFFFFFFFF;
	p2 =	slt.u32 s8, $0xFFFFF086  }
0x1c: {  	p1 =	slt.u32 s9, $0xF7A;
	s5 =	simm.s32 @!p2 $0x0  }
0x1d: {  	s5 =	simm.s32 @p1 $0x1;
	p0 =	seq.s32 s7, s2  }
0x1e: {  	s7 =	smul.u32 @!p0 $0xF7A, s2;
	p2 =	seq.s32 @!p0 s5, $0x0  }
0x1f: {  	s9 =	smul.u32 $0xF7A, s1;
	s8 =	simm.s32 @!p0 $0x1BF5;
	p2 =	por !p2, p0  }
0x20: {  	[sflag:s8] =	ssyncset.s32 @!p0 $0xFFFFF086;
	s6 =	sadd.s32 @!p0 s3, s7;
	s7 =	simm.s32 @!p0 $0x108  }
0x21: {  	s3 =	sadd.s32 s3, s9;
	s6 =	sadd.s32 @!p0 $0x88, s6;
	s7 =	simm.s32 @p2 $0x1082  }
0x22: {  	[simem:s7], [sflag:s8] =	dma.local @!p0 [hbm:s6], $0xF7A  }
0x23: {  	s9 =	sor.u32 $0xD0000000, s2;
	s6 =	simm.s32 $0x108;
	_ =	swait.ge @!p0 [sflag:s8], $0x0  }
0x24: {  	s3 =	sadd.s32 $0x88, s3;
	s6 =	simm.s32 @!p1 $0x1082;
	[sflag:s4] =	ssyncset.s32 $0xFFFFF086  }
0x25: {  	[simem:s6], [sflag:s4] =	dma.local [hbm:s3], $0xF7A  }
0x26: {  	[smem:$0x3F89] =	sst s1;
	(tag) =	ssettag s2;
	_ =	strace s9  }
0x27: {  	s1 =	sld [smem:$0x3F99]  }
0x28: {  	s2 =	sld [smem:$0x3F9A]  }
0x29: {  	s4 =	sld [smem:$0x3F9C]  }
0x2a: {  	p0 =	seq.s32 s5, $0x0;
	s5 =	sld [smem:$0x3F9D]  }
0x2b: {  	s6 =	sld [smem:$0x3F9E]  }
0x2c: {  	s7 =	sld [smem:$0x3F9F]  }
0x2d: {  	s3 =	simm.s32 $0x108;
	s8 =	sld [smem:$0x3FA0]  }
0x2e: {  	s3 =	simm.s32 @!p0 $0x1082;
	s9 =	sld [smem:$0x3FA1]  }
0x2f: {  	lr =	sadd.s32 s0, s3;
	s0 =	sld [smem:$0x3F98]  }
0x30: {  	s3 =	sld [smem:$0x3F9B]  }
0x31: {  	[smem:$0x3FA4] =	sst s10  }
0x32: {  	s10 =	sld [smem:$0x3FA2];
	_ =	sdelay $0x3  }
0x33: {  	p0 =	seq.s32 s10, $0x1;
	s10 =	sld [smem:$0x3FA4];
	_ =	sdelay $0x3  }
0x34: {  	[smem:$0x3FA4] =	sst s10  }
0x35: {  	s10 =	sld [smem:$0x3FA3];
	_ =	sdelay $0x3  }
0x36: {  	p1 =	seq.s32 s10, $0x1;
	s10 =	sld [smem:$0x3FA4];
	_ =	sdelay $0x3  }
0x37: {  	[smem:$0x3FA4] =	sst s10  }
0x38: {  	s10 =	sld [smem:$0x3FA5]  }
0x39: {  	_ = 	snop;
	(pc) =	sbr.ind lr, $3  }
0x3a: {  	_ = 	snop  }
0x3b: {  	_ = 	snop  }
0x3c: {  	p2 =	seq.s32 s10, $0x1;
	s10 =	sld [smem:$0x3FA4]  }
0x3d: {  	_ =	shalt  }
0x3e: {  	_ =	shalt  }
0x3f: {  	_ =	shalt  }
0x40: {  	_ =	shalt  }
0x41: {  	_ =	shalt  }
0x42: {  	_ =	shalt  }
0x43: {  	_ =	shalt  }
0x44: {  	_ =	shalt  }
0x45: {  	_ =	shalt  }
0x46: {  	_ =	shalt  }
0x47: {  	_ =	shalt  }
0x48: {  	_ =	shalt  }
0x49: {  	_ =	shalt  }
0x4a: {  	_ =	shalt  }
0x4b: {  	_ =	shalt  }
0x4c: {  	_ =	shalt  }
0x4d: {  	_ =	shalt  }
0x4e: {  	_ =	shalt  }
0x4f: {  	_ =	shalt  }
0x50: {  	_ =	shalt  }
0x51: {  	_ =	shalt  }
0x52: {  	_ =	shalt  }
0x53: {  	_ =	shalt  }
0x54: {  	_ =	shalt  }
0x55: {  	_ =	shalt  }
0x56: {  	_ =	shalt  }
0x57: {  	_ =	shalt  }
0x58: {  	_ =	shalt  }
0x59: {  	_ =	shalt  }
0x5a: {  	_ =	shalt  }
0x5b: {  	_ =	shalt  }
0x5c: {  	_ =	shalt  }
0x5d: {  	_ =	shalt  }
0x5e: {  	_ =	shalt  }
0x5f: {  	_ =	shalt  }
0x60: {  	_ =	shalt  }
0x61: {  	_ =	shalt  }
0x62: {  	_ =	shalt  }
0x63: {  	_ =	shalt  }
0x64: {  	_ =	shalt  }
0x65: {  	_ =	shalt  }
0x66: {  	_ =	shalt  }
0x67: {  	_ =	shalt  }
0x68: {  	_ =	shalt  }
0x69: {  	_ =	shalt  }
0x6a: {  	_ =	shalt  }
0x6b: {  	_ =	shalt  }
0x6c: {  	_ =	shalt  }
0x6d: {  	_ =	shalt  }
0x6e: {  	_ =	shalt  }
0x6f: {  	_ =	shalt  }
0x70: {  	_ =	shalt  }
0x71: {  	_ =	shalt  }
0x72: {  	_ =	shalt  }
0x73: {  	_ =	shalt  }
0x74: {  	_ =	shalt  }
0x75: {  	_ =	shalt  }
0x76: {  	_ =	shalt  }
0x77: {  	_ =	shalt  }
0x78: {  	_ =	shalt  }
0x79: {  	_ =	shalt  }
0x7a: {  	_ =	shalt  }
0x7b: {  	_ =	shalt  }
0x7c: {  	_ =	shalt  }
0x7d: {  	_ =	shalt  }
0x7e: {  	_ =	shalt  }
0x7f: {  	_ =	shalt  }
0x80: {  	_ =	shalt  }
0x81: {  	_ =	shalt  }
0x82: {  	_ =	shalt  }
0x83: {  	_ =	shalt  }
0x84: {  	_ =	shalt  }
0x85: {  	_ =	shalt  }
0x86: {  	_ =	shalt  }
0x87: {  	_ =	shalt  }
.Lfunc_end0:
.L_simem_size_0:
called_computation.2_lowered:
.L_overlay_start_0:
0x88: {  	s2 =	sld [smem:$0x3FD9]  }
0x89: {  	s3 =	sld [smem:$0x3FFE];
	_ =	sdelay $0x1  }
0x8a: {  	s1 =	srdreg.scid  }
0x8b: {  	s0 =	sand.u32 $0x1, s1  }
0x8c: {  	s17 =	sshll.u32 s0, $0xA;
	s2 =	sadd.s32 s3, s2  }
0x8d: {  	s2 =	sadd.s32 s2, s17  }
0x8e: {  	[smem:$0x3FB0] =	sst s2  }
0x8f: {  	_ = 	snop  }
0x90: {  	s2 =	sld [smem:$0x3FD0];
	(tm) =	ssettm $0x1  }
0x91: {  	s18 =	sld [smem:$0x3FFB];
	_ =	sdelay $0x3  }
0x92: {  	_ =	strace s18  }
0x93: {  	s3 =	sld [smem:$0x3FFC];
	_ =	sdelay $0x3  }
0x94: {  	_ =	strace s3  }
0x95: {  	s3 =	sld [smem:$0x3FFD];
	_ =	sdelay $0x3  }
0x96: {  	_ =	strace s3  }
0x97: {  	_ =	strace $0x8FFFFFFF  }
0x98: {  	s19 =	sld [smem:$0x3FDB];
	_ =	sdelay $0x1  }
0x99: {  	s4 =	simm.s32 $_scs_section_size  }
0x9a: {  	s5 =	simm.s32 $_size__tile_overlayer_lowered;
	s6 =	simm.s32 $_tile_overlayer_lowered  }
0x9b: {  	s22 =	simm.s32 $0x1BFF;
	s21 =	sshll.u32 s6, $0x1;
	s3 =	sadd.s32 s4, s19  }
0x9c: {  	s7 =	simm.s32 $0x0;
	s20 =	sshll.u32 s5, $0x1;
	s5 =	sadd.s32 s21, s3  }
0x9d: {  	[timem:s7], [sflag:s22] =	dma.local [hbm:s5], s20  }
0x9e: {  	_ =	swait.ge [sflag:s22], s20  }
0x9f: {  	s4 =	ssub.s32 $0x0, s20;
	[sflag:s22] =	ssyncset.done $0x0  }
0xa0: {  	[sflag:s22] =	ssyncadd.s32 s4;
	_ =	sdelay $0x1  }
0xa1: {  	s23 =	simm.s32 $0x1B8B  }
0xa2: {  	_ =	swait.ge [sflag:s23], $0x1  }
0xa3: {  	[sflag:s23] =	ssyncset.done $0x0  }
0xa4: {  	s25 =	simm.s32 $0x1B8E;
	s24 =	sld [smem:$0x3FFE];
	[sflag:s23] =	ssyncadd.s32 $0xFFFFFFFF  }
0xa5: {  	s26 =	simm.s32 $execute0_lowered;
	[smem:$0x3FD2] =	sst s25  }
0xa6: {  	s5 =	sshll.u32 s26, $0x1;
	_ =	strace $0x8000004C;
	[dreg:$0x1] =	wrdreg $0xFFFFFFFF  }
0xa7: {  	s28 =	simm.s32 $_size_execute0_lowered;
	s3 =	sadd.s32 s3, s5;
	[dreg:$0x0] =	wrdreg $0x0  }
0xa8: {  	s5 =	sshll.u32 s28, $0x1;
	[dreg:$0x2] =	wrdreg s3  }
0xa9: {  	[dreg:$0x3] =	wrdreg s5  }
0xaa: {  	[dreg:$0x4] =	wrdreg $0xC0  }
0xab: {  	_ =	task [dreg:s7], $0x5FFFF  }
0xac: {  	[dreg:$0x1] =	wrdreg $0xFFFFFFFF  }
0xad: {  	[dreg:$0x0] =	wrdreg $0x60  }
0xae: {  	[dreg:$0x2] =	wrdreg s2  }
0xaf: {  	[dreg:$0x3] =	wrdreg s24  }
0xb0: {  	[dreg:$0x4] =	wrdreg $0xA8000  }
0xb1: {  	[dreg:$0x5] =	wrdreg $0x9  }
0xb2: {  	_ =	task.clear_ibuf [dreg:s7], $0x6FFFF;
	_ =	strace $0x9000004C  }
0xb3: {  	s29 =	simm.s32 $0x9;
	_ =	strace $0x8000004E  }
0xb4: {  	_ =	swait.ge [sflag:s29], $0x1  }
0xb5: {  	[sflag:s29] =	ssyncadd.s32 $0xFFFFFFFF  }
0xb6: {  	_ =	strace $0x9000004E  }
0xb7: {  	_ =	sfence  }
0xb8: {  	s30 =	sld [smem:$0x0];
	_ =	sdelay $0x2  }
0xb9: {  	s31 =	sshll.u32 s1, $0xD;
	s1 =	sshrl.u32 s1, $0x2  }
0xba: {  	s3 =	sand.u32 $0x4000, s31;
	s1 =	sadd.s32 s1, s30  }
0xbb: {  	s0 =	sor.u32 s3, s0;
	s1 =	sshll.u32 s1, $0x11  }
0xbc: {  	s0 =	sor.u32 s1, s0  }
0xbd: {  	s0 =	sadd.s32 $0x8F2B, s0  }
0xbe: {  	[sflag:s0] =	ssyncadd.remote.s32 $0x1  }
0xbf: {  	_ =	sfence.sel $0xFFFF  }
0xc0: {  	[dreg:$0x0] =	wrdreg $0xFFFFFFFF;
	(pc) =	sbr.abs _section_cstart, $3  }
0xc1: {  	[dreg:$0x1] =	wrdreg $0xFFFFFFFF  }
0xc2: {  	_ =	task.clear_ibuf [dreg:s7], $0x2FFFF;
	_ =	strace $0x9FFFFFFF  }
0xc3: {  	(tm) =	ssettm $0x7FFFFFFF  }
tec
execute0_lowered:
.L_overlay_start_1:
0x0: {  	(tag) =	ssettag $0x1  }
0x1: {  	s1 =	rddreg [dreg:$0x0]  }
0x2: {  	s0 =	rddreg [dreg:$0x1]  }
0x3: {  	s3 =	rddreg [dreg:$0x2];
	s2 =	srdreg.scid;
	s4 =	simm.s32 $0x0  }
0x4: {  	s17 =	stileid.u32;
	s14 =	simm.s32 $0x5;
	s15 =	simm.s32 $0x1400  }
0x5: {  	s16 =	simm.s32 $0x80;
	s21 =	simm.s32 $0x1;
	s22 =	simm.s32 $0x6800  }
0x6: {  	s23 =	simm.s32 $0x2;
	s24 =	simm.s32 $0x3;
	s25 =	simm.s32 $0x100  }
0x7: {  	s28 =	simm.s32 $0x4;
	s30 =	simm.s32 $0x2700;
	s2 =	sand.u32 $0x1, s2  }
0x8: {  	[smem:$0x7FF] =	sst s4;
	s5 =	smul.u32 $0x2700, s17;
	s10 =	sadd.s32 $0xF400, s0  }
0x9: {  	s11 =	sadd.s32 $0x5400, s0;
	s9 =	smul.u32 $0x4E000, s17;
	s20 =	sadd.s32 $0x138000, s3  }
0xa: {  	p0 =	sne.s32 s17, $0xF;
	s31 =	sshll.u32 s17, $0x6;
	s6 =	sshll.u32 s2, $0x4  }
0xb: {  	_ =	strace $0x8000004D;
	s7 =	smul.u32 $0x27200, s2;
	s2 =	ssub.s32 $0x2, s2  }
0xc: {  	s18 =	sor.u32 $0x1C05, s31;
	s20 =	sshrl.u32 @!p0 s20, $0x3;
	s6 =	sor.u32 s17, s6  }
0xd: {  	s8 =	sadd.s32 s5, s0;
	s26 =	sshrl.u32 s2, $0x1;
	s9 =	sshrl.u32 s9, $0x2  }
0xe: {  	s17 =	simm.s32 $0x2800;
	s6 =	smul.u32 $0x2800, s6;
	s12 =	sadd.s32 s7, s0  }
0xf: {  	s2 =	ssub.s32 s2, s26;
	s19 =	sadd.s32 s9, s3;
	s8 =	sadd.s32 $0x19400, s8  }
0x10: {  	s9 =	sadd.s32 $0x40400, s0;
	s26 =	simm.s32 $0x1480;
	s0 =	simm.s32 $0x0  }
0x11: {  	s12 =	sadd.s32 $0x40600, s12;
	s19 =	sshrl.u32 s19, $0x3;
	s13 =	sshrl.u32 s6, $0x3  }
0x12: {  	s6 =	sadd.s32 s10, s13;
	s7 =	sadd.s32 s11, s13;
	s29 =	sadd.s32 $0x280, s13  }
0x13: {  	s13 =	smax.u32 s2, $0x1;
	s10 =	sadd.s32 s10, s29;
	s11 =	sadd.s32 s11, s29  }
.LBB2_1:
0x14: {  	[tilespmem:s4], [sflag:$0x5] =	stream.linear.gather [hbm4b:s6+s4], $0x1400, $0x38;
	[tilespmem:$0x1E100] =	vst v63  }
0x15: {  	_ =	swait.ge [sflag:s14], $0x1400  }
0x16: {  	[sflag:s14] =	ssyncset.done $0x0  }
0x17: {  	[sflag:s14] =	ssyncadd.s32 $0xFFFFEC00  }
0x18: {  	[tilespmem:s15], [sflag:$0x5] =	stream.linear.gather [hbm4b:s7+s4], $0x1400, $0x38;
	[tilespmem:$0x1E100] =	vst v63  }
0x19: {  	_ =	swait.ge [sflag:s14], $0x1400  }
0x1a: {  	[sflag:s14] =	ssyncset.done $0x0  }
0x1b: {  	[sflag:s14] =	ssyncadd.s32 $0xFFFFEC00  }
0x1c: {  	[tilespmem:s17], [sflag:$0x1] =	stream.indirect.gather [hbm4b:s1+s16], $0x80, s4, s16, $0xb8;
	[tilespmem:$0x1E100] =	vst v63  }
0x1d: {  	[spmem:s19], [sflag:s18] =	dma.local [hbm:s8], $0x2700  }
0x1e: {  	_ =	swait.ge [sflag:s14], $0x2700  }
0x1f: {  	[sflag:s14] =	ssyncset.done $0x0  }
0x20: {  	s2 =	simm.s32 @!p0 $0x5;
	[sflag:s14] =	ssyncadd.s32 $0xFFFFD900  }
0x21: {  	[spmem:s20], [sflag:s18] =	dma.local @!p0 [hbm:s9], $0x200  }
0x22: {  	_ =	swait.ge @!p0 [sflag:s2], $0x200  }
0x23: {  	[sflag:s2] =	ssyncset.done @!p0 $0x0  }
0x24: {  	[sflag:s2] =	ssyncadd.s32 @!p0 $0xFFFFFE00  }
0x25: {  	[bflag:$0x0] =	sbarrier.arrive $0xFFFF  }
0x26: {  	_ =	swait.ge [sflag:s21], $0x4000  }
0x27: {  	[sflag:s21] =	ssyncset.done $0x0  }
0x28: {  	[sflag:s21] =	ssyncadd.s32 $0xFFFFC000  }
0x29: {  	[tilespmem:s22], [sflag:$0x2] =	stream.indirect.gather [hbm4b:s1+s16], $0x80, s16, s16, $0xb8;
	[tilespmem:$0x1E100] =	vst v63  }
0x2a: {  	_ = 	snop  }
0x2b: {  	[spmem:s3] =	stream.indirect.scatter.add.f32 [tilespmem:s17], [sflag:$0x3], $0x80, s15, s16, $0xb8;
	[tilespmem:$0x1E100] =	vst v63  }
0x2c: {  	_ =	swait.ge [sflag:s23], $0x4000  }
0x2d: {  	[sflag:s23] =	ssyncset.done $0x0  }
0x2e: {  	[sflag:s23] =	ssyncadd.s32 $0xFFFFC000  }
0x2f: {  	_ =	swait.ge [sflag:s24], $0x4000  }
0x30: {  	[sflag:s24] =	ssyncset.done $0x0  }
0x31: {  	[sflag:s24] =	ssyncadd.s32 $0xFFFFC000  }
0x32: {  	[tilespmem:s17], [sflag:$0x1] =	stream.indirect.gather [hbm4b:s1+s16], $0x80, s25, s16, $0xb8;
	[tilespmem:$0x1E100] =	vst v63  }
0x33: {  	_ = 	snop  }
0x34: {  	[spmem:s3] =	stream.indirect.scatter.add.f32 [tilespmem:s22], [sflag:$0x4], $0x80, s26, s16, $0xb8;
	[tilespmem:$0x1E100] =	vst v63  }
0x35: {  	_ =	swait.ge [sflag:s21], $0x4000  }
0x36: {  	[sflag:s21] =	ssyncset.done $0x0  }
0x37: {  	[sflag:s21] =	ssyncadd.s32 $0xFFFFC000  }
0x38: {  	_ =	swait.ge [sflag:s28], $0x4000  }
0x39: {  	[sflag:s28] =	ssyncset.done $0x0  }
0x3a: {  	s31 =	simm.s32 $0x180;
	[sflag:s28] =	ssyncadd.s32 $0xFFFFC000  }
0x3b: {  	[tilespmem:s22], [sflag:$0x2] =	stream.indirect.gather [hbm4b:s1+s16], $0x80, s31, s16, $0xb8;
	[tilespmem:$0x1E100] =	vst v63  }
0x3c: {  	s31 =	simm.s32 $0x1500  }
0x3d: {  	[spmem:s3] =	stream.indirect.scatter.add.f32 [tilespmem:s17], [sflag:$0x3], $0x80, s31, s16, $0xb8;
	[tilespmem:$0x1E100] =	vst v63  }
0x3e: {  	_ =	swait.ge [sflag:s23], $0x4000  }
0x3f: {  	[sflag:s23] =	ssyncset.done $0x0  }
0x40: {  	[sflag:s23] =	ssyncadd.s32 $0xFFFFC000  }
0x41: {  	_ =	swait.ge [sflag:s24], $0x4000  }
0x42: {  	s29 =	simm.s32 $0x1580;
	[sflag:s24] =	ssyncset.done $0x0  }
0x43: {  	s2 =	simm.s32 $0xFFFFBC00;
	s31 =	simm.s32 $0x200;
	[sflag:s24] =	ssyncadd.s32 $0xFFFFC000  }
0x44: {  	[tilespmem:s17], [sflag:$0x1] =	stream.indirect.gather [hbm4b:s1+s16], $0x80, s31, s16, $0xb8;
	[tilespmem:$0x1E100] =	vst v63  }
.LBB2_2:
0x45: {  	[spmem:s3] =	stream.indirect.scatter.add.f32 [tilespmem:s22], [sflag:$0x4], $0x80, s29, s16, $0xb8;
	[tilespmem:$0x1E100] =	vst v63  }
0x46: {  	s29 =	smov.u32 s2  }
0x47: {  	p1 =	sne.s32 s2, $0xFFFFFC00;
	s2 =	sadd.s32 $0x400, s2;
	_ =	swait.ge [sflag:s21], $0x4000  }
0x48: {  	[sflag:s21] =	ssyncset.done $0x0  }
0x49: {  	[sflag:s21] =	ssyncadd.s32 $0xFFFFC000  }
0x4a: {  	_ =	swait.ge [sflag:s28], $0x4000  }
0x4b: {  	s29 =	sshra.s32 s29, $0x2;
	[sflag:s28] =	ssyncset.done $0x0  }
0x4c: {  	s31 =	sadd.s32 $0x1380, s29;
	[sflag:s28] =	ssyncadd.s32 $0xFFFFC000  }
0x4d: {  	[tilespmem:s22], [sflag:$0x2] =	stream.indirect.gather [hbm4b:s1+s16], $0x80, s31, s16, $0xb8;
	[tilespmem:$0x1E100] =	vst v63  }
0x4e: {  	s31 =	sadd.s32 $0x2700, s29  }
0x4f: {  	[spmem:s3] =	stream.indirect.scatter.add.f32 [tilespmem:s17], [sflag:$0x3], $0x80, s31, s16, $0xb8;
	[tilespmem:$0x1E100] =	vst v63  }
0x50: {  	_ =	swait.ge [sflag:s23], $0x4000  }
0x51: {  	[sflag:s23] =	ssyncset.done $0x0  }
0x52: {  	[sflag:s23] =	ssyncadd.s32 $0xFFFFC000  }
.Ltmp0:
0x53: {  	_ =	swait.ge [sflag:s24], $0x4000;
	(pc) =	sbr.rel @p1 .LBB2_2-.Ltmp0, $4  }
0x54: {  	[sflag:s24] =	ssyncset.done $0x0  }
0x55: {  	s31 =	sadd.s32 $0x1400, s29;
	[sflag:s24] =	ssyncadd.s32 $0xFFFFC000  }
0x56: {  	[tilespmem:s17], [sflag:$0x1] =	stream.indirect.gather [hbm4b:s1+s16], $0x80, s31, s16, $0xb8;
	[tilespmem:$0x1E100] =	vst v63  }
0x57: {  	s29 =	sadd.s32 $0x2780, s29  }
0x58: {  	[spmem:s3] =	stream.indirect.scatter.add.f32 [tilespmem:s22], [sflag:$0x4], $0x80, s29, s16, $0xb8;
	[tilespmem:$0x1E100] =	vst v63  }
0x59: {  	_ =	swait.ge [sflag:s28], $0x4000  }
0x5a: {  	[sflag:s28] =	ssyncset.done $0x0  }
0x5b: {  	[sflag:s28] =	ssyncadd.s32 $0xFFFFC000  }
0x5c: {  	_ =	swait.ge [sflag:s21], $0x4000  }
0x5d: {  	[sflag:s21] =	ssyncset.done $0x0  }
0x5e: {  	s2 =	simm.s32 $0x1380;
	[sflag:s21] =	ssyncadd.s32 $0xFFFFC000  }
0x5f: {  	[tilespmem:s22], [sflag:$0x2] =	stream.indirect.gather [hbm4b:s1+s16], $0x80, s2, s16, $0xb8;
	[tilespmem:$0x1E100] =	vst v63  }
0x60: {  	_ = 	snop  }
0x61: {  	[spmem:s3] =	stream.indirect.scatter.add.f32 [tilespmem:s17], [sflag:$0x3], $0x80, s30, s16, $0xb8;
	[tilespmem:$0x1E100] =	vst v63  }
0x62: {  	_ =	swait.ge [sflag:s23], $0x4000  }
0x63: {  	[sflag:s23] =	ssyncset.done $0x0  }
0x64: {  	[sflag:s23] =	ssyncadd.s32 $0xFFFFC000  }
0x65: {  	_ =	swait.ge [sflag:s24], $0x4000  }
0x66: {  	[sflag:s24] =	ssyncset.done $0x0  }
0x67: {  	s31 =	simm.s32 $0x2780;
	[sflag:s24] =	ssyncadd.s32 $0xFFFFC000  }
0x68: {  	[spmem:s3] =	stream.indirect.scatter.add.f32 [tilespmem:s22], [sflag:$0x4], $0x80, s31, s16, $0xb8;
	[tilespmem:$0x1E100] =	vst v63  }
0x69: {  	_ =	swait.ge [sflag:s28], $0x4000  }
0x6a: {  	[sflag:s28] =	ssyncset.done $0x0  }
0x6b: {  	[sflag:s28] =	ssyncadd.s32 $0xFFFFC000  }
0x6c: {  	[tilespmem:s4], [sflag:$0x5] =	stream.linear.gather [hbm4b:s10+s4], $0x1380, $0x38;
	[tilespmem:$0x1E100] =	vst v63  }
0x6d: {  	_ =	swait.ge [sflag:s14], $0x1380  }
0x6e: {  	[sflag:s14] =	ssyncset.done $0x0  }
0x6f: {  	[sflag:s14] =	ssyncadd.s32 $0xFFFFEC80  }
0x70: {  	[tilespmem:s15], [sflag:$0x5] =	stream.linear.gather [hbm4b:s11+s4], $0x1380, $0x38;
	[tilespmem:$0x1E100] =	vst v63  }
0x71: {  	_ =	swait.ge [sflag:s14], $0x1380  }
0x72: {  	[sflag:s14] =	ssyncset.done $0x0  }
0x73: {  	[sflag:s14] =	ssyncadd.s32 $0xFFFFEC80  }
0x74: {  	[tilespmem:s17], [sflag:$0x1] =	stream.indirect.gather [hbm4b:s1+s16], $0x80, s4, s16, $0xb8;
	[tilespmem:$0x1E100] =	vst v63  }
0x75: {  	_ =	swait.ge [sflag:s21], $0x4000  }
0x76: {  	[sflag:s21] =	ssyncset.done $0x0  }
0x77: {  	[sflag:s21] =	ssyncadd.s32 $0xFFFFC000  }
0x78: {  	[tilespmem:s22], [sflag:$0x2] =	stream.indirect.gather [hbm4b:s1+s16], $0x80, s16, s16, $0xb8;
	[tilespmem:$0x1E100] =	vst v63  }
0x79: {  	_ = 	snop  }
0x7a: {  	[spmem:s3] =	stream.indirect.scatter.add.f32 [tilespmem:s17], [sflag:$0x3], $0x80, s15, s16, $0xb8;
	[tilespmem:$0x1E100] =	vst v63  }
0x7b: {  	_ =	swait.ge [sflag:s23], $0x4000  }
0x7c: {  	[sflag:s23] =	ssyncset.done $0x0  }
0x7d: {  	[sflag:s23] =	ssyncadd.s32 $0xFFFFC000  }
0x7e: {  	_ =	swait.ge [sflag:s24], $0x4000  }
0x7f: {  	[sflag:s24] =	ssyncset.done $0x0  }
0x80: {  	[sflag:s24] =	ssyncadd.s32 $0xFFFFC000  }
0x81: {  	[tilespmem:s17], [sflag:$0x1] =	stream.indirect.gather [hbm4b:s1+s16], $0x80, s25, s16, $0xb8;
	[tilespmem:$0x1E100] =	vst v63  }
0x82: {  	_ = 	snop  }
0x83: {  	[spmem:s3] =	stream.indirect.scatter.add.f32 [tilespmem:s22], [sflag:$0x4], $0x80, s26, s16, $0xb8;
	[tilespmem:$0x1E100] =	vst v63  }
0x84: {  	_ =	swait.ge [sflag:s21], $0x4000  }
0x85: {  	[sflag:s21] =	ssyncset.done $0x0  }
0x86: {  	[sflag:s21] =	ssyncadd.s32 $0xFFFFC000  }
0x87: {  	_ =	swait.ge [sflag:s28], $0x4000  }
0x88: {  	[sflag:s28] =	ssyncset.done $0x0  }
0x89: {  	s31 =	simm.s32 $0x180;
	[sflag:s28] =	ssyncadd.s32 $0xFFFFC000  }
0x8a: {  	[tilespmem:s22], [sflag:$0x2] =	stream.indirect.gather [hbm4b:s1+s16], $0x80, s31, s16, $0xb8;
	[tilespmem:$0x1E100] =	vst v63  }
0x8b: {  	s31 =	simm.s32 $0x1500  }
0x8c: {  	[spmem:s3] =	stream.indirect.scatter.add.f32 [tilespmem:s17], [sflag:$0x3], $0x80, s31, s16, $0xb8;
	[tilespmem:$0x1E100] =	vst v63  }
0x8d: {  	_ =	swait.ge [sflag:s23], $0x4000  }
0x8e: {  	[sflag:s23] =	ssyncset.done $0x0  }
0x8f: {  	[sflag:s23] =	ssyncadd.s32 $0xFFFFC000  }
0x90: {  	_ =	swait.ge [sflag:s24], $0x4000  }
0x91: {  	s29 =	simm.s32 $0x1580;
	[sflag:s24] =	ssyncset.done $0x0  }
0x92: {  	s2 =	simm.s32 $0xFFFFBC00;
	s31 =	simm.s32 $0x200;
	[sflag:s24] =	ssyncadd.s32 $0xFFFFC000  }
0x93: {  	[tilespmem:s17], [sflag:$0x1] =	stream.indirect.gather [hbm4b:s1+s16], $0x80, s31, s16, $0xb8;
	[tilespmem:$0x1E100] =	vst v63  }
.LBB2_4:
0x94: {  	[spmem:s3] =	stream.indirect.scatter.add.f32 [tilespmem:s22], [sflag:$0x4], $0x80, s29, s16, $0xb8;
	[tilespmem:$0x1E100] =	vst v63  }
0x95: {  	s29 =	smov.u32 s2  }
0x96: {  	p1 =	sne.s32 s2, $0xFFFFFC00;
	s2 =	sadd.s32 $0x400, s2;
	_ =	swait.ge [sflag:s21], $0x4000  }
0x97: {  	[sflag:s21] =	ssyncset.done $0x0  }
0x98: {  	[sflag:s21] =	ssyncadd.s32 $0xFFFFC000  }
0x99: {  	_ =	swait.ge [sflag:s28], $0x4000  }
0x9a: {  	s29 =	sshra.s32 s29, $0x2;
	[sflag:s28] =	ssyncset.done $0x0  }
0x9b: {  	s31 =	sadd.s32 $0x1380, s29;
	[sflag:s28] =	ssyncadd.s32 $0xFFFFC000  }
0x9c: {  	[tilespmem:s22], [sflag:$0x2] =	stream.indirect.gather [hbm4b:s1+s16], $0x80, s31, s16, $0xb8;
	[tilespmem:$0x1E100] =	vst v63  }
0x9d: {  	s31 =	sadd.s32 $0x2700, s29  }
0x9e: {  	[spmem:s3] =	stream.indirect.scatter.add.f32 [tilespmem:s17], [sflag:$0x3], $0x80, s31, s16, $0xb8;
	[tilespmem:$0x1E100] =	vst v63  }
0x9f: {  	_ =	swait.ge [sflag:s23], $0x4000  }
0xa0: {  	[sflag:s23] =	ssyncset.done $0x0  }
0xa1: {  	[sflag:s23] =	ssyncadd.s32 $0xFFFFC000  }
.Ltmp1:
0xa2: {  	_ =	swait.ge [sflag:s24], $0x4000;
	(pc) =	sbr.rel @p1 .LBB2_4-.Ltmp1, $4  }
0xa3: {  	[sflag:s24] =	ssyncset.done $0x0  }
0xa4: {  	s31 =	sadd.s32 $0x1400, s29;
	[sflag:s24] =	ssyncadd.s32 $0xFFFFC000  }
0xa5: {  	[tilespmem:s17], [sflag:$0x1] =	stream.indirect.gather [hbm4b:s1+s16], $0x80, s31, s16, $0xb8;
	[tilespmem:$0x1E100] =	vst v63  }
0xa6: {  	s29 =	sadd.s32 $0x2780, s29  }
0xa7: {  	[spmem:s3] =	stream.indirect.scatter.add.f32 [tilespmem:s22], [sflag:$0x4], $0x80, s29, s16, $0xb8;
	[tilespmem:$0x1E100] =	vst v63  }
0xa8: {  	_ =	swait.ge [sflag:s28], $0x4000  }
0xa9: {  	[sflag:s28] =	ssyncset.done $0x0  }
0xaa: {  	[sflag:s28] =	ssyncadd.s32 $0xFFFFC000  }
0xab: {  	_ =	swait.ge [sflag:s21], $0x4000  }
0xac: {  	[sflag:s21] =	ssyncset.done $0x0  }
0xad: {  	[sflag:s21] =	ssyncadd.s32 $0xFFFFC000  }
0xae: {  	[spmem:s3] =	stream.indirect.scatter.add.f32 [tilespmem:s17], [sflag:$0x3], $0x80, s30, s16, $0xb8;
	[tilespmem:$0x1E100] =	vst v63  }
0xaf: {  	_ =	swait.ge [sflag:s24], $0x4000  }
0xb0: {  	[sflag:s24] =	ssyncset.done $0x0  }
0xb1: {  	[sflag:s24] =	ssyncadd.s32 $0xFFFFC000  }
0xb2: {  	s2 =	sadd.s32 s5, s12;
	[bflag:$0x0] =	sbarrier.arrive $0xFFFF  }
0xb3: {  	[hbm:s2], [sflag:s18] =	dma.local [spmem:s19], $0x2700  }
0xb4: {  	_ =	swait.ge [sflag:s14], $0x2700  }
0xb5: {  	s0 =	sadd.s32 $0x1, s0;
	[sflag:s14] =	ssyncset.done $0x0  }
0xb6: {  	p1 =	sne.s32 s0, s13;
	s2 =	sadd.s32 @!p0 $0x27000, s12;
	[sflag:s14] =	ssyncadd.s32 $0xFFFFD900  }
0xb7: {  	[hbm:s2], [sflag:s18] =	dma.local @!p0 [spmem:s20], $0x200  }
.Ltmp2:
0xb8: {  	_ = 	snop;
	(pc) =	sbr.rel @p1 .LBB2_1-.Ltmp2, $4  }
0xb9: {  	s2 =	simm.s32 @!p0 $0x5  }
0xba: {  	_ =	swait.ge @!p0 [sflag:s2], $0x200  }
0xbb: {  	[sflag:s2] =	ssyncset.done @!p0 $0x0  }
0xbc: {  	[sflag:s2] =	ssyncadd.s32 @!p0 $0xFFFFFE00  }
0xbd: {  	_ =	sfence.sel $0x180000  }
0xbe: {  	[bflag:$0x0] =	sbarrier.arrive $0xFFFF  }
0xbf: {  	_ =	strace $0x9000004D  }
0xc0: {  	s0 =	stileid.u32;
	[bflag:$0x2] =	sbarrier.arrive $0xFFFF  }
0xc1: {  	p0 =	sne.s32 s0, $0x0;
	s0 =	rddreg [dreg:$0x3]  }
0xc2: {  	s0 =	sadd.s32 @!p0 $0x100000, s0  }
0xc3: {  	[sflag:s0] =	ssyncadd.tile.s32 @!p0 $0x1;
	_ =	shalt  }
.Lfunc_end2:
_tile_overlayer_lowered:
.L_overlay_start_2:
0xc4: {  	(tag) =	ssettag $0x2  }
0xc5: {  	s0 =	rddreg [dreg:$0x0];
	s2 =	stileid.u32  }
0xc6: {  	s1 =	rddreg [dreg:$0x1];
	p0 =	sne.s32 s2, $0x0  }
0xc7: {  	s3 =	rddreg [dreg:$0x2];
	[bflag:$0x3] =	sbarrier.arrive $0xFFFF;
	s2 =	simm.s32 @!p0 $0x1C05  }
0xc8: {  	[timem:s3], [sflag:s2] =	dma.local @!p0 [hbm:s0], s1  }
0xc9: {  	s0 =	simm.s32 @!p0 $0x5  }
0xca: {  	_ =	swait.ge @!p0 [sflag:s0], s1  }
0xcb: {  	s1 =	ssub.s32 @!p0 $0x0, s1;
	[sflag:s0] =	ssyncset.done @!p0 $0x0  }
0xcc: {  	[sflag:s0] =	ssyncadd.s32 @!p0 s1  }
0xcd: {  	[bflag:$0x3] =	sbarrier.arrive $0xFFFF  }
0xce: {  	_ =	shalt  }

// kernel: kernel.21.cloned.1.call-start
scs
__scs_entry_jumppad:
0x0: {  	(pc) =	sbr.rel $0x88, $3  }
0x1: {  	(tag) =	ssettag $0x0;
	lr =	simm.s32 $0x1  }
0x2: {  	[smem:$0x3F89] =	sst lr;
	_ =	strace $0xD0000000  }
0x3: {  	_ = 	snop  }
0x4: {  	_ = 	snop  }
0x5: {  	_ = 	snop  }
0x6: {  	_ = 	snop  }
0x7: {  	_ = 	snop  }
__scs_overlays_trampoline_lowered:
0x8: {  	[smem:$0x3F98] =	sst s0  }
0x9: {  	[smem:$0x3F99] =	sst s1  }
0xa: {  	[smem:$0x3F9A] =	sst s2  }
0xb: {  	[smem:$0x3F9B] =	sst s3  }
0xc: {  	[smem:$0x3F9C] =	sst s4  }
0xd: {  	[smem:$0x3F9D] =	sst s5  }
0xe: {  	[smem:$0x3F9E] =	sst s6  }
0xf: {  	[smem:$0x3F9F] =	sst s7  }
0x10: {  	[smem:$0x3FA0] =	sst s8  }
0x11: {  	[smem:$0x3FA1] =	sst s9;
	s0 =	simm.s32 @!p0 $0x0  }
0x12: {  	s1 =	sld [smem:$0x3F87];
	s0 =	simm.s32 @p0 $0x1  }
0x13: {  	[smem:$0x3FA2] =	sst s0;
	s0 =	simm.s32 @!p1 $0x0  }
0x14: {  	s2 =	sld [smem:$0x3F86];
	s0 =	simm.s32 @p1 $0x1  }
0x15: {  	[smem:$0x3FA3] =	sst s0;
	s0 =	simm.s32 @!p2 $0x0  }
0x16: {  	s3 =	sld [smem:$0x3FDB];
	s0 =	simm.s32 @p2 $0x1  }
0x17: {  	s4 =	simm.s32 $0x1BF5;
	[smem:$0x3FA5] =	sst s0  }
0x18: {  	s0 =	sld [smem:$0x3F88];
	_ =	swait.ge [sflag:s4], $0x0  }
0x19: {  	s7 =	sld [smem:$0x3F89]  }
0x1a: {  	s8 =	sadd.s32 $0xFFFFE003, lr  }
0x1b: {  	s9 =	sadd.s32 $0xFFFFFEF7, lr;
	s5 =	simm.s32 $0xFFFFFFFF;
	p2 =	slt.u32 s8, $0xFFFFF086  }
0x1c: {  	p1 =	slt.u32 s9, $0xF7A;
	s5 =	simm.s32 @!p2 $0x0  }
0x1d: {  	s5 =	simm.s32 @p1 $0x1;
	p0 =	seq.s32 s7, s2  }
0x1e: {  	s7 =	smul.u32 @!p0 $0xF7A, s2;
	p2 =	seq.s32 @!p0 s5, $0x0  }
0x1f: {  	s9 =	smul.u32 $0xF7A, s1;
	s8 =	simm.s32 @!p0 $0x1BF5;
	p2 =	por !p2, p0  }
0x20: {  	[sflag:s8] =	ssyncset.s32 @!p0 $0xFFFFF086;
	s6 =	sadd.s32 @!p0 s3, s7;
	s7 =	simm.s32 @!p0 $0x108  }
0x21: {  	s3 =	sadd.s32 s3, s9;
	s6 =	sadd.s32 @!p0 $0x88, s6;
	s7 =	simm.s32 @p2 $0x1082  }
0x22: {  	[simem:s7], [sflag:s8] =	dma.local @!p0 [hbm:s6], $0xF7A  }
0x23: {  	s9 =	sor.u32 $0xD0000000, s2;
	s6 =	simm.s32 $0x108;
	_ =	swait.ge @!p0 [sflag:s8], $0x0  }
0x24: {  	s3 =	sadd.s32 $0x88, s3;
	s6 =	simm.s32 @!p1 $0x1082;
	[sflag:s4] =	ssyncset.s32 $0xFFFFF086  }
0x25: {  	[simem:s6], [sflag:s4] =	dma.local [hbm:s3], $0xF7A  }
0x26: {  	[smem:$0x3F89] =	sst s1;
	(tag) =	ssettag s2;
	_ =	strace s9  }
0x27: {  	s1 =	sld [smem:$0x3F99]  }
0x28: {  	s2 =	sld [smem:$0x3F9A]  }
0x29: {  	s4 =	sld [smem:$0x3F9C]  }
0x2a: {  	p0 =	seq.s32 s5, $0x0;
	s5 =	sld [smem:$0x3F9D]  }
0x2b: {  	s6 =	sld [smem:$0x3F9E]  }
0x2c: {  	s7 =	sld [smem:$0x3F9F]  }
0x2d: {  	s3 =	simm.s32 $0x108;
	s8 =	sld [smem:$0x3FA0]  }
0x2e: {  	s3 =	simm.s32 @!p0 $0x1082;
	s9 =	sld [smem:$0x3FA1]  }
0x2f: {  	lr =	sadd.s32 s0, s3;
	s0 =	sld [smem:$0x3F98]  }
0x30: {  	s3 =	sld [smem:$0x3F9B]  }
0x31: {  	[smem:$0x3FA4] =	sst s10  }
0x32: {  	s10 =	sld [smem:$0x3FA2];
	_ =	sdelay $0x3  }
0x33: {  	p0 =	seq.s32 s10, $0x1;
	s10 =	sld [smem:$0x3FA4];
	_ =	sdelay $0x3  }
0x34: {  	[smem:$0x3FA4] =	sst s10  }
0x35: {  	s10 =	sld [smem:$0x3FA3];
	_ =	sdelay $0x3  }
0x36: {  	p1 =	seq.s32 s10, $0x1;
	s10 =	sld [smem:$0x3FA4];
	_ =	sdelay $0x3  }
0x37: {  	[smem:$0x3FA4] =	sst s10  }
0x38: {  	s10 =	sld [smem:$0x3FA5]  }
0x39: {  	_ = 	snop;
	(pc) =	sbr.ind lr, $3  }
0x3a: {  	_ = 	snop  }
0x3b: {  	_ = 	snop  }
0x3c: {  	p2 =	seq.s32 s10, $0x1;
	s10 =	sld [smem:$0x3FA4]  }
0x3d: {  	_ =	shalt  }
0x3e: {  	_ =	shalt  }
0x3f: {  	_ =	shalt  }
0x40: {  	_ =	shalt  }
0x41: {  	_ =	shalt  }
0x42: {  	_ =	shalt  }
0x43: {  	_ =	shalt  }
0x44: {  	_ =	shalt  }
0x45: {  	_ =	shalt  }
0x46: {  	_ =	shalt  }
0x47: {  	_ =	shalt  }
0x48: {  	_ =	shalt  }
0x49: {  	_ =	shalt  }
0x4a: {  	_ =	shalt  }
0x4b: {  	_ =	shalt  }
0x4c: {  	_ =	shalt  }
0x4d: {  	_ =	shalt  }
0x4e: {  	_ =	shalt  }
0x4f: {  	_ =	shalt  }
0x50: {  	_ =	shalt  }
0x51: {  	_ =	shalt  }
0x52: {  	_ =	shalt  }
0x53: {  	_ =	shalt  }
0x54: {  	_ =	shalt  }
0x55: {  	_ =	shalt  }
0x56: {  	_ =	shalt  }
0x57: {  	_ =	shalt  }
0x58: {  	_ =	shalt  }
0x59: {  	_ =	shalt  }
0x5a: {  	_ =	shalt  }
0x5b: {  	_ =	shalt  }
0x5c: {  	_ =	shalt  }
0x5d: {  	_ =	shalt  }
0x5e: {  	_ =	shalt  }
0x5f: {  	_ =	shalt  }
0x60: {  	_ =	shalt  }
0x61: {  	_ =	shalt  }
0x62: {  	_ =	shalt  }
0x63: {  	_ =	shalt  }
0x64: {  	_ =	shalt  }
0x65: {  	_ =	shalt  }
0x66: {  	_ =	shalt  }
0x67: {  	_ =	shalt  }
0x68: {  	_ =	shalt  }
0x69: {  	_ =	shalt  }
0x6a: {  	_ =	shalt  }
0x6b: {  	_ =	shalt  }
0x6c: {  	_ =	shalt  }
0x6d: {  	_ =	shalt  }
0x6e: {  	_ =	shalt  }
0x6f: {  	_ =	shalt  }
0x70: {  	_ =	shalt  }
0x71: {  	_ =	shalt  }
0x72: {  	_ =	shalt  }
0x73: {  	_ =	shalt  }
0x74: {  	_ =	shalt  }
0x75: {  	_ =	shalt  }
0x76: {  	_ =	shalt  }
0x77: {  	_ =	shalt  }
0x78: {  	_ =	shalt  }
0x79: {  	_ =	shalt  }
0x7a: {  	_ =	shalt  }
0x7b: {  	_ =	shalt  }
0x7c: {  	_ =	shalt  }
0x7d: {  	_ =	shalt  }
0x7e: {  	_ =	shalt  }
0x7f: {  	_ =	shalt  }
0x80: {  	_ =	shalt  }
0x81: {  	_ =	shalt  }
0x82: {  	_ =	shalt  }
0x83: {  	_ =	shalt  }
0x84: {  	_ =	shalt  }
0x85: {  	_ =	shalt  }
0x86: {  	_ =	shalt  }
0x87: {  	_ =	shalt  }
.Lfunc_end0:
.L_simem_size_0:
called_computation.3_lowered:
.L_overlay_start_0:
0x88: {  	s2 =	sld [smem:$0x3FD9]  }
0x89: {  	s3 =	sld [smem:$0x3FFE];
	_ =	sdelay $0x1  }
0x8a: {  	s1 =	srdreg.scid  }
0x8b: {  	s0 =	sand.u32 $0x1, s1  }
0x8c: {  	s17 =	sshll.u32 s0, $0xA;
	s2 =	sadd.s32 s3, s2  }
0x8d: {  	s2 =	sadd.s32 s2, s17  }
0x8e: {  	[smem:$0x3FB0] =	sst s2  }
0x8f: {  	_ = 	snop  }
0x90: {  	s2 =	sld [smem:$0x3FD0];
	(tm) =	ssettm $0x1  }
0x91: {  	s18 =	sld [smem:$0x3FFB];
	_ =	sdelay $0x3  }
0x92: {  	_ =	strace s18  }
0x93: {  	s3 =	sld [smem:$0x3FFC];
	_ =	sdelay $0x3  }
0x94: {  	_ =	strace s3  }
0x95: {  	s3 =	sld [smem:$0x3FFD];
	_ =	sdelay $0x3  }
0x96: {  	_ =	strace s3  }
0x97: {  	_ =	strace $0x8FFFFFFF  }
0x98: {  	s19 =	sld [smem:$0x3FDB];
	_ =	sdelay $0x1  }
0x99: {  	s4 =	simm.s32 $_scs_section_size  }
0x9a: {  	s5 =	simm.s32 $_size__tile_overlayer_lowered;
	s6 =	simm.s32 $_tile_overlayer_lowered  }
0x9b: {  	s22 =	simm.s32 $0x1BFF;
	s21 =	sshll.u32 s6, $0x1;
	s3 =	sadd.s32 s4, s19  }
0x9c: {  	s7 =	simm.s32 $0x0;
	s20 =	sshll.u32 s5, $0x1;
	s5 =	sadd.s32 s21, s3  }
0x9d: {  	[timem:s7], [sflag:s22] =	dma.local [hbm:s5], s20  }
0x9e: {  	_ =	swait.ge [sflag:s22], s20  }
0x9f: {  	s4 =	ssub.s32 $0x0, s20;
	[sflag:s22] =	ssyncset.done $0x0  }
0xa0: {  	[sflag:s22] =	ssyncadd.s32 s4;
	_ =	sdelay $0x1  }
0xa1: {  	s23 =	simm.s32 $0x1B8B  }
0xa2: {  	_ =	swait.ge [sflag:s23], $0x1  }
0xa3: {  	[sflag:s23] =	ssyncset.done $0x0  }
0xa4: {  	s25 =	simm.s32 $0x1B8E;
	s24 =	sld [smem:$0x3FFE];
	[sflag:s23] =	ssyncadd.s32 $0xFFFFFFFF  }
0xa5: {  	s26 =	simm.s32 $execute0_lowered;
	[smem:$0x3FD2] =	sst s25  }
0xa6: {  	s5 =	sshll.u32 s26, $0x1;
	_ =	strace $0x8000004F;
	[dreg:$0x1] =	wrdreg $0xFFFFFFFF  }
0xa7: {  	s28 =	simm.s32 $_size_execute0_lowered;
	s3 =	sadd.s32 s3, s5;
	[dreg:$0x0] =	wrdreg $0x0  }
0xa8: {  	s5 =	sshll.u32 s28, $0x1;
	[dreg:$0x2] =	wrdreg s3  }
0xa9: {  	[dreg:$0x3] =	wrdreg s5  }
0xaa: {  	[dreg:$0x4] =	wrdreg $0xC0  }
0xab: {  	_ =	task [dreg:s7], $0x5FFFF  }
0xac: {  	[dreg:$0x1] =	wrdreg $0xFFFFFFFF  }
0xad: {  	[dreg:$0x0] =	wrdreg $0x60  }
0xae: {  	[dreg:$0x2] =	wrdreg s2  }
0xaf: {  	[dreg:$0x3] =	wrdreg s24  }
0xb0: {  	[dreg:$0x4] =	wrdreg $0xA8000  }
0xb1: {  	[dreg:$0x5] =	wrdreg $0x9  }
0xb2: {  	_ =	task.clear_ibuf [dreg:s7], $0x6FFFF;
	_ =	strace $0x9000004F  }
0xb3: {  	s29 =	simm.s32 $0x9;
	_ =	strace $0x80000051  }
0xb4: {  	_ =	swait.ge [sflag:s29], $0x1  }
0xb5: {  	[sflag:s29] =	ssyncadd.s32 $0xFFFFFFFF  }
0xb6: {  	_ =	strace $0x90000051  }
0xb7: {  	_ =	sfence  }
0xb8: {  	s30 =	sld [smem:$0x0];
	_ =	sdelay $0x2  }
0xb9: {  	s31 =	sshll.u32 s1, $0xD;
	s1 =	sshrl.u32 s1, $0x2  }
0xba: {  	s3 =	sand.u32 $0x4000, s31;
	s1 =	sadd.s32 s1, s30  }
0xbb: {  	s0 =	sor.u32 s3, s0;
	s1 =	sshll.u32 s1, $0x11  }
0xbc: {  	s0 =	sor.u32 s1, s0  }
0xbd: {  	s0 =	sadd.s32 $0x8F2B, s0  }
0xbe: {  	[sflag:s0] =	ssyncadd.remote.s32 $0x1  }
0xbf: {  	_ =	sfence.sel $0xFFFF  }
0xc0: {  	[dreg:$0x0] =	wrdreg $0xFFFFFFFF;
	(pc) =	sbr.abs _section_cstart, $3  }
0xc1: {  	[dreg:$0x1] =	wrdreg $0xFFFFFFFF  }
0xc2: {  	_ =	task.clear_ibuf [dreg:s7], $0x2FFFF;
	_ =	strace $0x9FFFFFFF  }
0xc3: {  	(tm) =	ssettm $0x7FFFFFFF  }
tec
execute0_lowered:
.L_overlay_start_1:
0x0: {  	(tag) =	ssettag $0x1  }
0x1: {  	s1 =	rddreg [dreg:$0x0]  }
0x2: {  	s0 =	rddreg [dreg:$0x1]  }
0x3: {  	s3 =	rddreg [dreg:$0x2];
	s2 =	srdreg.scid;
	s4 =	simm.s32 $0x0  }
0x4: {  	s17 =	stileid.u32;
	s14 =	simm.s32 $0x5;
	s15 =	simm.s32 $0x1400  }
0x5: {  	s16 =	simm.s32 $0x80;
	s21 =	simm.s32 $0x1;
	s22 =	simm.s32 $0x6800  }
0x6: {  	s23 =	simm.s32 $0x2;
	s24 =	simm.s32 $0x3;
	s25 =	simm.s32 $0x100  }
0x7: {  	s28 =	simm.s32 $0x4;
	s30 =	simm.s32 $0x2700;
	s2 =	sand.u32 $0x1, s2  }
0x8: {  	[smem:$0x7FF] =	sst s4;
	s5 =	smul.u32 $0x2700, s17;
	s10 =	sadd.s32 $0xF400, s0  }
0x9: {  	s11 =	sadd.s32 $0x5400, s0;
	s9 =	smul.u32 $0x4E000, s17;
	s20 =	sadd.s32 $0x138000, s3  }
0xa: {  	p0 =	sne.s32 s17, $0xF;
	s31 =	sshll.u32 s17, $0x6;
	s6 =	sshll.u32 s2, $0x4  }
0xb: {  	_ =	strace $0x80000050;
	s7 =	smul.u32 $0x27200, s2;
	s2 =	ssub.s32 $0x2, s2  }
0xc: {  	s18 =	sor.u32 $0x1C05, s31;
	s20 =	sshrl.u32 @!p0 s20, $0x3;
	s6 =	sor.u32 s17, s6  }
0xd: {  	s8 =	sadd.s32 s5, s0;
	s26 =	sshrl.u32 s2, $0x1;
	s9 =	sshrl.u32 s9, $0x2  }
0xe: {  	s17 =	simm.s32 $0x2800;
	s6 =	smul.u32 $0x2800, s6;
	s12 =	sadd.s32 s7, s0  }
0xf: {  	s2 =	ssub.s32 s2, s26;
	s19 =	sadd.s32 s9, s3;
	s8 =	sadd.s32 $0x19400, s8  }
0x10: {  	s9 =	sadd.s32 $0x40400, s0;
	s26 =	simm.s32 $0x1480;
	s0 =	simm.s32 $0x0  }
0x11: {  	s12 =	sadd.s32 $0x40600, s12;
	s19 =	sshrl.u32 s19, $0x3;
	s13 =	sshrl.u32 s6, $0x3  }
0x12: {  	s6 =	sadd.s32 s10, s13;
	s7 =	sadd.s32 s11, s13;
	s29 =	sadd.s32 $0x280, s13  }
0x13: {  	s13 =	smax.u32 s2, $0x1;
	s10 =	sadd.s32 s10, s29;
	s11 =	sadd.s32 s11, s29  }
.LBB2_1:
0x14: {  	[tilespmem:s4], [sflag:$0x5] =	stream.linear.gather [hbm4b:s6+s4], $0x1400, $0x38;
	[tilespmem:$0x1E100] =	vst v63  }
0x15: {  	_ =	swait.ge [sflag:s14], $0x1400  }
0x16: {  	[sflag:s14] =	ssyncset.done $0x0  }
0x17: {  	[sflag:s14] =	ssyncadd.s32 $0xFFFFEC00  }
0x18: {  	[tilespmem:s15], [sflag:$0x5] =	stream.linear.gather [hbm4b:s7+s4], $0x1400, $0x38;
	[tilespmem:$0x1E100] =	vst v63  }
0x19: {  	_ =	swait.ge [sflag:s14], $0x1400  }
0x1a: {  	[sflag:s14] =	ssyncset.done $0x0  }
0x1b: {  	[sflag:s14] =	ssyncadd.s32 $0xFFFFEC00  }
0x1c: {  	[tilespmem:s17], [sflag:$0x1] =	stream.indirect.gather [hbm4b:s1+s16], $0x80, s4, s16, $0xb8;
	[tilespmem:$0x1E100] =	vst v63  }
0x1d: {  	[spmem:s19], [sflag:s18] =	dma.local [hbm:s8], $0x2700  }
0x1e: {  	_ =	swait.ge [sflag:s14], $0x2700  }
0x1f: {  	[sflag:s14] =	ssyncset.done $0x0  }
0x20: {  	s2 =	simm.s32 @!p0 $0x5;
	[sflag:s14] =	ssyncadd.s32 $0xFFFFD900  }
0x21: {  	[spmem:s20], [sflag:s18] =	dma.local @!p0 [hbm:s9], $0x200  }
0x22: {  	_ =	swait.ge @!p0 [sflag:s2], $0x200  }
0x23: {  	[sflag:s2] =	ssyncset.done @!p0 $0x0  }
0x24: {  	[sflag:s2] =	ssyncadd.s32 @!p0 $0xFFFFFE00  }
0x25: {  	[bflag:$0x0] =	sbarrier.arrive $0xFFFF  }
0x26: {  	_ =	swait.ge [sflag:s21], $0x4000  }
0x27: {  	[sflag:s21] =	ssyncset.done $0x0  }
0x28: {  	[sflag:s21] =	ssyncadd.s32 $0xFFFFC000  }
0x29: {  	[tilespmem:s22], [sflag:$0x2] =	stream.indirect.gather [hbm4b:s1+s16], $0x80, s16, s16, $0xb8;
	[tilespmem:$0x1E100] =	vst v63  }
0x2a: {  	_ = 	snop  }
0x2b: {  	[spmem:s3] =	stream.indirect.scatter.add.f32 [tilespmem:s17], [sflag:$0x3], $0x80, s15, s16, $0xb8;
	[tilespmem:$0x1E100] =	vst v63  }
0x2c: {  	_ =	swait.ge [sflag:s23], $0x4000  }
0x2d: {  	[sflag:s23] =	ssyncset.done $0x0  }
0x2e: {  	[sflag:s23] =	ssyncadd.s32 $0xFFFFC000  }
0x2f: {  	_ =	swait.ge [sflag:s24], $0x4000  }
0x30: {  	[sflag:s24] =	ssyncset.done $0x0  }
0x31: {  	[sflag:s24] =	ssyncadd.s32 $0xFFFFC000  }
0x32: {  	[tilespmem:s17], [sflag:$0x1] =	stream.indirect.gather [hbm4b:s1+s16], $0x80, s25, s16, $0xb8;
	[tilespmem:$0x1E100] =	vst v63  }
0x33: {  	_ = 	snop  }
0x34: {  	[spmem:s3] =	stream.indirect.scatter.add.f32 [tilespmem:s22], [sflag:$0x4], $0x80, s26, s16, $0xb8;
	[tilespmem:$0x1E100] =	vst v63  }
0x35: {  	_ =	swait.ge [sflag:s21], $0x4000  }
0x36: {  	[sflag:s21] =	ssyncset.done $0x0  }
0x37: {  	[sflag:s21] =	ssyncadd.s32 $0xFFFFC000  }
0x38: {  	_ =	swait.ge [sflag:s28], $0x4000  }
0x39: {  	[sflag:s28] =	ssyncset.done $0x0  }
0x3a: {  	s31 =	simm.s32 $0x180;
	[sflag:s28] =	ssyncadd.s32 $0xFFFFC000  }
0x3b: {  	[tilespmem:s22], [sflag:$0x2] =	stream.indirect.gather [hbm4b:s1+s16], $0x80, s31, s16, $0xb8;
	[tilespmem:$0x1E100] =	vst v63  }
0x3c: {  	s31 =	simm.s32 $0x1500  }
0x3d: {  	[spmem:s3] =	stream.indirect.scatter.add.f32 [tilespmem:s17], [sflag:$0x3], $0x80, s31, s16, $0xb8;
	[tilespmem:$0x1E100] =	vst v63  }
0x3e: {  	_ =	swait.ge [sflag:s23], $0x4000  }
0x3f: {  	[sflag:s23] =	ssyncset.done $0x0  }
0x40: {  	[sflag:s23] =	ssyncadd.s32 $0xFFFFC000  }
0x41: {  	_ =	swait.ge [sflag:s24], $0x4000  }
0x42: {  	s29 =	simm.s32 $0x1580;
	[sflag:s24] =	ssyncset.done $0x0  }
0x43: {  	s2 =	simm.s32 $0xFFFFBC00;
	s31 =	simm.s32 $0x200;
	[sflag:s24] =	ssyncadd.s32 $0xFFFFC000  }
0x44: {  	[tilespmem:s17], [sflag:$0x1] =	stream.indirect.gather [hbm4b:s1+s16], $0x80, s31, s16, $0xb8;
	[tilespmem:$0x1E100] =	vst v63  }
.LBB2_2:
0x45: {  	[spmem:s3] =	stream.indirect.scatter.add.f32 [tilespmem:s22], [sflag:$0x4], $0x80, s29, s16, $0xb8;
	[tilespmem:$0x1E100] =	vst v63  }
0x46: {  	s29 =	smov.u32 s2  }
0x47: {  	p1 =	sne.s32 s2, $0xFFFFFC00;
	s2 =	sadd.s32 $0x400, s2;
	_ =	swait.ge [sflag:s21], $0x4000  }
0x48: {  	[sflag:s21] =	ssyncset.done $0x0  }
0x49: {  	[sflag:s21] =	ssyncadd.s32 $0xFFFFC000  }
0x4a: {  	_ =	swait.ge [sflag:s28], $0x4000  }
0x4b: {  	s29 =	sshra.s32 s29, $0x2;
	[sflag:s28] =	ssyncset.done $0x0  }
0x4c: {  	s31 =	sadd.s32 $0x1380, s29;
	[sflag:s28] =	ssyncadd.s32 $0xFFFFC000  }
0x4d: {  	[tilespmem:s22], [sflag:$0x2] =	stream.indirect.gather [hbm4b:s1+s16], $0x80, s31, s16, $0xb8;
	[tilespmem:$0x1E100] =	vst v63  }
0x4e: {  	s31 =	sadd.s32 $0x2700, s29  }
0x4f: {  	[spmem:s3] =	stream.indirect.scatter.add.f32 [tilespmem:s17], [sflag:$0x3], $0x80, s31, s16, $0xb8;
	[tilespmem:$0x1E100] =	vst v63  }
0x50: {  	_ =	swait.ge [sflag:s23], $0x4000  }
0x51: {  	[sflag:s23] =	ssyncset.done $0x0  }
0x52: {  	[sflag:s23] =	ssyncadd.s32 $0xFFFFC000  }
.Ltmp0:
0x53: {  	_ =	swait.ge [sflag:s24], $0x4000;
	(pc) =	sbr.rel @p1 .LBB2_2-.Ltmp0, $4  }
0x54: {  	[sflag:s24] =	ssyncset.done $0x0  }
0x55: {  	s31 =	sadd.s32 $0x1400, s29;
	[sflag:s24] =	ssyncadd.s32 $0xFFFFC000  }
0x56: {  	[tilespmem:s17], [sflag:$0x1] =	stream.indirect.gather [hbm4b:s1+s16], $0x80, s31, s16, $0xb8;
	[tilespmem:$0x1E100] =	vst v63  }
0x57: {  	s29 =	sadd.s32 $0x2780, s29  }
0x58: {  	[spmem:s3] =	stream.indirect.scatter.add.f32 [tilespmem:s22], [sflag:$0x4], $0x80, s29, s16, $0xb8;
	[tilespmem:$0x1E100] =	vst v63  }
0x59: {  	_ =	swait.ge [sflag:s28], $0x4000  }
0x5a: {  	[sflag:s28] =	ssyncset.done $0x0  }
0x5b: {  	[sflag:s28] =	ssyncadd.s32 $0xFFFFC000  }
0x5c: {  	_ =	swait.ge [sflag:s21], $0x4000  }
0x5d: {  	[sflag:s21] =	ssyncset.done $0x0  }
0x5e: {  	s2 =	simm.s32 $0x1380;
	[sflag:s21] =	ssyncadd.s32 $0xFFFFC000  }
0x5f: {  	[tilespmem:s22], [sflag:$0x2] =	stream.indirect.gather [hbm4b:s1+s16], $0x80, s2, s16, $0xb8;
	[tilespmem:$0x1E100] =	vst v63  }
0x60: {  	_ = 	snop  }
0x61: {  	[spmem:s3] =	stream.indirect.scatter.add.f32 [tilespmem:s17], [sflag:$0x3], $0x80, s30, s16, $0xb8;
	[tilespmem:$0x1E100] =	vst v63  }
0x62: {  	_ =	swait.ge [sflag:s23], $0x4000  }
0x63: {  	[sflag:s23] =	ssyncset.done $0x0  }
0x64: {  	[sflag:s23] =	ssyncadd.s32 $0xFFFFC000  }
0x65: {  	_ =	swait.ge [sflag:s24], $0x4000  }
0x66: {  	[sflag:s24] =	ssyncset.done $0x0  }
0x67: {  	s31 =	simm.s32 $0x2780;
	[sflag:s24] =	ssyncadd.s32 $0xFFFFC000  }
0x68: {  	[spmem:s3] =	stream.indirect.scatter.add.f32 [tilespmem:s22], [sflag:$0x4], $0x80, s31, s16, $0xb8;
	[tilespmem:$0x1E100] =	vst v63  }
0x69: {  	_ =	swait.ge [sflag:s28], $0x4000  }
0x6a: {  	[sflag:s28] =	ssyncset.done $0x0  }
0x6b: {  	[sflag:s28] =	ssyncadd.s32 $0xFFFFC000  }
0x6c: {  	[tilespmem:s4], [sflag:$0x5] =	stream.linear.gather [hbm4b:s10+s4], $0x1380, $0x38;
	[tilespmem:$0x1E100] =	vst v63  }
0x6d: {  	_ =	swait.ge [sflag:s14], $0x1380  }
0x6e: {  	[sflag:s14] =	ssyncset.done $0x0  }
0x6f: {  	[sflag:s14] =	ssyncadd.s32 $0xFFFFEC80  }
0x70: {  	[tilespmem:s15], [sflag:$0x5] =	stream.linear.gather [hbm4b:s11+s4], $0x1380, $0x38;
	[tilespmem:$0x1E100] =	vst v63  }
0x71: {  	_ =	swait.ge [sflag:s14], $0x1380  }
0x72: {  	[sflag:s14] =	ssyncset.done $0x0  }
0x73: {  	[sflag:s14] =	ssyncadd.s32 $0xFFFFEC80  }
0x74: {  	[tilespmem:s17], [sflag:$0x1] =	stream.indirect.gather [hbm4b:s1+s16], $0x80, s4, s16, $0xb8;
	[tilespmem:$0x1E100] =	vst v63  }
0x75: {  	_ =	swait.ge [sflag:s21], $0x4000  }
0x76: {  	[sflag:s21] =	ssyncset.done $0x0  }
0x77: {  	[sflag:s21] =	ssyncadd.s32 $0xFFFFC000  }
0x78: {  	[tilespmem:s22], [sflag:$0x2] =	stream.indirect.gather [hbm4b:s1+s16], $0x80, s16, s16, $0xb8;
	[tilespmem:$0x1E100] =	vst v63  }
0x79: {  	_ = 	snop  }
0x7a: {  	[spmem:s3] =	stream.indirect.scatter.add.f32 [tilespmem:s17], [sflag:$0x3], $0x80, s15, s16, $0xb8;
	[tilespmem:$0x1E100] =	vst v63  }
0x7b: {  	_ =	swait.ge [sflag:s23], $0x4000  }
0x7c: {  	[sflag:s23] =	ssyncset.done $0x0  }
0x7d: {  	[sflag:s23] =	ssyncadd.s32 $0xFFFFC000  }
0x7e: {  	_ =	swait.ge [sflag:s24], $0x4000  }
0x7f: {  	[sflag:s24] =	ssyncset.done $0x0  }
0x80: {  	[sflag:s24] =	ssyncadd.s32 $0xFFFFC000  }
0x81: {  	[tilespmem:s17], [sflag:$0x1] =	stream.indirect.gather [hbm4b:s1+s16], $0x80, s25, s16, $0xb8;
	[tilespmem:$0x1E100] =	vst v63  }
0x82: {  	_ = 	snop  }
0x83: {  	[spmem:s3] =	stream.indirect.scatter.add.f32 [tilespmem:s22], [sflag:$0x4], $0x80, s26, s16, $0xb8;
	[tilespmem:$0x1E100] =	vst v63  }
0x84: {  	_ =	swait.ge [sflag:s21], $0x4000  }
0x85: {  	[sflag:s21] =	ssyncset.done $0x0  }
0x86: {  	[sflag:s21] =	ssyncadd.s32 $0xFFFFC000  }
0x87: {  	_ =	swait.ge [sflag:s28], $0x4000  }
0x88: {  	[sflag:s28] =	ssyncset.done $0x0  }
0x89: {  	s31 =	simm.s32 $0x180;
	[sflag:s28] =	ssyncadd.s32 $0xFFFFC000  }
0x8a: {  	[tilespmem:s22], [sflag:$0x2] =	stream.indirect.gather [hbm4b:s1+s16], $0x80, s31, s16, $0xb8;
	[tilespmem:$0x1E100] =	vst v63  }
0x8b: {  	s31 =	simm.s32 $0x1500  }
0x8c: {  	[spmem:s3] =	stream.indirect.scatter.add.f32 [tilespmem:s17], [sflag:$0x3], $0x80, s31, s16, $0xb8;
	[tilespmem:$0x1E100] =	vst v63  }
0x8d: {  	_ =	swait.ge [sflag:s23], $0x4000  }
0x8e: {  	[sflag:s23] =	ssyncset.done $0x0  }
0x8f: {  	[sflag:s23] =	ssyncadd.s32 $0xFFFFC000  }
0x90: {  	_ =	swait.ge [sflag:s24], $0x4000  }
0x91: {  	s29 =	simm.s32 $0x1580;
	[sflag:s24] =	ssyncset.done $0x0  }
0x92: {  	s2 =	simm.s32 $0xFFFFBC00;
	s31 =	simm.s32 $0x200;
	[sflag:s24] =	ssyncadd.s32 $0xFFFFC000  }
0x93: {  	[tilespmem:s17], [sflag:$0x1] =	stream.indirect.gather [hbm4b:s1+s16], $0x80, s31, s16, $0xb8;
	[tilespmem:$0x1E100] =	vst v63  }
.LBB2_4:
0x94: {  	[spmem:s3] =	stream.indirect.scatter.add.f32 [tilespmem:s22], [sflag:$0x4], $0x80, s29, s16, $0xb8;
	[tilespmem:$0x1E100] =	vst v63  }
0x95: {  	s29 =	smov.u32 s2  }
0x96: {  	p1 =	sne.s32 s2, $0xFFFFFC00;
	s2 =	sadd.s32 $0x400, s2;
	_ =	swait.ge [sflag:s21], $0x4000  }
0x97: {  	[sflag:s21] =	ssyncset.done $0x0  }
0x98: {  	[sflag:s21] =	ssyncadd.s32 $0xFFFFC000  }
0x99: {  	_ =	swait.ge [sflag:s28], $0x4000  }
0x9a: {  	s29 =	sshra.s32 s29, $0x2;
	[sflag:s28] =	ssyncset.done $0x0  }
0x9b: {  	s31 =	sadd.s32 $0x1380, s29;
	[sflag:s28] =	ssyncadd.s32 $0xFFFFC000  }
0x9c: {  	[tilespmem:s22], [sflag:$0x2] =	stream.indirect.gather [hbm4b:s1+s16], $0x80, s31, s16, $0xb8;
	[tilespmem:$0x1E100] =	vst v63  }
0x9d: {  	s31 =	sadd.s32 $0x2700, s29  }
0x9e: {  	[spmem:s3] =	stream.indirect.scatter.add.f32 [tilespmem:s17], [sflag:$0x3], $0x80, s31, s16, $0xb8;
	[tilespmem:$0x1E100] =	vst v63  }
0x9f: {  	_ =	swait.ge [sflag:s23], $0x4000  }
0xa0: {  	[sflag:s23] =	ssyncset.done $0x0  }
0xa1: {  	[sflag:s23] =	ssyncadd.s32 $0xFFFFC000  }
.Ltmp1:
0xa2: {  	_ =	swait.ge [sflag:s24], $0x4000;
	(pc) =	sbr.rel @p1 .LBB2_4-.Ltmp1, $4  }
0xa3: {  	[sflag:s24] =	ssyncset.done $0x0  }
0xa4: {  	s31 =	sadd.s32 $0x1400, s29;
	[sflag:s24] =	ssyncadd.s32 $0xFFFFC000  }
0xa5: {  	[tilespmem:s17], [sflag:$0x1] =	stream.indirect.gather [hbm4b:s1+s16], $0x80, s31, s16, $0xb8;
	[tilespmem:$0x1E100] =	vst v63  }
0xa6: {  	s29 =	sadd.s32 $0x2780, s29  }
0xa7: {  	[spmem:s3] =	stream.indirect.scatter.add.f32 [tilespmem:s22], [sflag:$0x4], $0x80, s29, s16, $0xb8;
	[tilespmem:$0x1E100] =	vst v63  }
0xa8: {  	_ =	swait.ge [sflag:s28], $0x4000  }
0xa9: {  	[sflag:s28] =	ssyncset.done $0x0  }
0xaa: {  	[sflag:s28] =	ssyncadd.s32 $0xFFFFC000  }
0xab: {  	_ =	swait.ge [sflag:s21], $0x4000  }
0xac: {  	[sflag:s21] =	ssyncset.done $0x0  }
0xad: {  	[sflag:s21] =	ssyncadd.s32 $0xFFFFC000  }
0xae: {  	[spmem:s3] =	stream.indirect.scatter.add.f32 [tilespmem:s17], [sflag:$0x3], $0x80, s30, s16, $0xb8;
	[tilespmem:$0x1E100] =	vst v63  }
0xaf: {  	_ =	swait.ge [sflag:s24], $0x4000  }
0xb0: {  	[sflag:s24] =	ssyncset.done $0x0  }
0xb1: {  	[sflag:s24] =	ssyncadd.s32 $0xFFFFC000  }
0xb2: {  	s2 =	sadd.s32 s5, s12;
	[bflag:$0x0] =	sbarrier.arrive $0xFFFF  }
0xb3: {  	[hbm:s2], [sflag:s18] =	dma.local [spmem:s19], $0x2700  }
0xb4: {  	_ =	swait.ge [sflag:s14], $0x2700  }
0xb5: {  	s0 =	sadd.s32 $0x1, s0;
	[sflag:s14] =	ssyncset.done $0x0  }
0xb6: {  	p1 =	sne.s32 s0, s13;
	s2 =	sadd.s32 @!p0 $0x27000, s12;
	[sflag:s14] =	ssyncadd.s32 $0xFFFFD900  }
0xb7: {  	[hbm:s2], [sflag:s18] =	dma.local @!p0 [spmem:s20], $0x200  }
.Ltmp2:
0xb8: {  	_ = 	snop;
	(pc) =	sbr.rel @p1 .LBB2_1-.Ltmp2, $4  }
0xb9: {  	s2 =	simm.s32 @!p0 $0x5  }
0xba: {  	_ =	swait.ge @!p0 [sflag:s2], $0x200  }
0xbb: {  	[sflag:s2] =	ssyncset.done @!p0 $0x0  }
0xbc: {  	[sflag:s2] =	ssyncadd.s32 @!p0 $0xFFFFFE00  }
0xbd: {  	_ =	sfence.sel $0x180000  }
0xbe: {  	[bflag:$0x0] =	sbarrier.arrive $0xFFFF  }
0xbf: {  	_ =	strace $0x90000050  }
0xc0: {  	s0 =	stileid.u32;
	[bflag:$0x2] =	sbarrier.arrive $0xFFFF  }
0xc1: {  	p0 =	sne.s32 s0, $0x0;
	s0 =	rddreg [dreg:$0x3]  }
0xc2: {  	s0 =	sadd.s32 @!p0 $0x100000, s0  }
0xc3: {  	[sflag:s0] =	ssyncadd.tile.s32 @!p0 $0x1;
	_ =	shalt  }
.Lfunc_end2:
_tile_overlayer_lowered:
.L_overlay_start_2:
0xc4: {  	(tag) =	ssettag $0x2  }
0xc5: {  	s0 =	rddreg [dreg:$0x0];
	s2 =	stileid.u32  }
0xc6: {  	s1 =	rddreg [dreg:$0x1];
	p0 =	sne.s32 s2, $0x0  }
0xc7: {  	s3 =	rddreg [dreg:$0x2];
	[bflag:$0x3] =	sbarrier.arrive $0xFFFF;
	s2 =	simm.s32 @!p0 $0x1C05  }
0xc8: {  	[timem:s3], [sflag:s2] =	dma.local @!p0 [hbm:s0], s1  }
0xc9: {  	s0 =	simm.s32 @!p0 $0x5  }
0xca: {  	_ =	swait.ge @!p0 [sflag:s0], s1  }
0xcb: {  	s1 =	ssub.s32 @!p0 $0x0, s1;
	[sflag:s0] =	ssyncset.done @!p0 $0x0  }
0xcc: {  	[sflag:s0] =	ssyncadd.s32 @!p0 s1  }
0xcd: {  	[bflag:$0x3] =	sbarrier.arrive $0xFFFF  }
0xce: {  	_ =	shalt  }

// kernel: kernel.24.cloned.1.call-start
scs
__scs_entry_jumppad:
0x0: {  	(pc) =	sbr.rel $0x88, $3  }
0x1: {  	(tag) =	ssettag $0x0;
	lr =	simm.s32 $0x1  }
0x2: {  	[smem:$0x3F89] =	sst lr;
	_ =	strace $0xD0000000  }
0x3: {  	_ = 	snop  }
0x4: {  	_ = 	snop  }
0x5: {  	_ = 	snop  }
0x6: {  	_ = 	snop  }
0x7: {  	_ = 	snop  }
__scs_overlays_trampoline_lowered:
0x8: {  	[smem:$0x3F98] =	sst s0  }
0x9: {  	[smem:$0x3F99] =	sst s1  }
0xa: {  	[smem:$0x3F9A] =	sst s2  }
0xb: {  	[smem:$0x3F9B] =	sst s3  }
0xc: {  	[smem:$0x3F9C] =	sst s4  }
0xd: {  	[smem:$0x3F9D] =	sst s5  }
0xe: {  	[smem:$0x3F9E] =	sst s6  }
0xf: {  	[smem:$0x3F9F] =	sst s7  }
0x10: {  	[smem:$0x3FA0] =	sst s8  }
0x11: {  	[smem:$0x3FA1] =	sst s9;
	s0 =	simm.s32 @!p0 $0x0  }
0x12: {  	s1 =	sld [smem:$0x3F87];
	s0 =	simm.s32 @p0 $0x1  }
0x13: {  	[smem:$0x3FA2] =	sst s0;
	s0 =	simm.s32 @!p1 $0x0  }
0x14: {  	s2 =	sld [smem:$0x3F86];
	s0 =	simm.s32 @p1 $0x1  }
0x15: {  	[smem:$0x3FA3] =	sst s0;
	s0 =	simm.s32 @!p2 $0x0  }
0x16: {  	s3 =	sld [smem:$0x3FDB];
	s0 =	simm.s32 @p2 $0x1  }
0x17: {  	s4 =	simm.s32 $0x1BF5;
	[smem:$0x3FA5] =	sst s0  }
0x18: {  	s0 =	sld [smem:$0x3F88];
	_ =	swait.ge [sflag:s4], $0x0  }
0x19: {  	s7 =	sld [smem:$0x3F89]  }
0x1a: {  	s8 =	sadd.s32 $0xFFFFE003, lr  }
0x1b: {  	s9 =	sadd.s32 $0xFFFFFEF7, lr;
	s5 =	simm.s32 $0xFFFFFFFF;
	p2 =	slt.u32 s8, $0xFFFFF086  }
0x1c: {  	p1 =	slt.u32 s9, $0xF7A;
	s5 =	simm.s32 @!p2 $0x0  }
0x1d: {  	s5 =	simm.s32 @p1 $0x1;
	p0 =	seq.s32 s7, s2  }
0x1e: {  	s7 =	smul.u32 @!p0 $0xF7A, s2;
	p2 =	seq.s32 @!p0 s5, $0x0  }
0x1f: {  	s9 =	smul.u32 $0xF7A, s1;
	s8 =	simm.s32 @!p0 $0x1BF5;
	p2 =	por !p2, p0  }
0x20: {  	[sflag:s8] =	ssyncset.s32 @!p0 $0xFFFFF086;
	s6 =	sadd.s32 @!p0 s3, s7;
	s7 =	simm.s32 @!p0 $0x108  }
0x21: {  	s3 =	sadd.s32 s3, s9;
	s6 =	sadd.s32 @!p0 $0x88, s6;
	s7 =	simm.s32 @p2 $0x1082  }
0x22: {  	[simem:s7], [sflag:s8] =	dma.local @!p0 [hbm:s6], $0xF7A  }
0x23: {  	s9 =	sor.u32 $0xD0000000, s2;
	s6 =	simm.s32 $0x108;
	_ =	swait.ge @!p0 [sflag:s8], $0x0  }
0x24: {  	s3 =	sadd.s32 $0x88, s3;
	s6 =	simm.s32 @!p1 $0x1082;
	[sflag:s4] =	ssyncset.s32 $0xFFFFF086  }
0x25: {  	[simem:s6], [sflag:s4] =	dma.local [hbm:s3], $0xF7A  }
0x26: {  	[smem:$0x3F89] =	sst s1;
	(tag) =	ssettag s2;
	_ =	strace s9  }
0x27: {  	s1 =	sld [smem:$0x3F99]  }
0x28: {  	s2 =	sld [smem:$0x3F9A]  }
0x29: {  	s4 =	sld [smem:$0x3F9C]  }
0x2a: {  	p0 =	seq.s32 s5, $0x0;
	s5 =	sld [smem:$0x3F9D]  }
0x2b: {  	s6 =	sld [smem:$0x3F9E]  }
0x2c: {  	s7 =	sld [smem:$0x3F9F]  }
0x2d: {  	s3 =	simm.s32 $0x108;
	s8 =	sld [smem:$0x3FA0]  }
0x2e: {  	s3 =	simm.s32 @!p0 $0x1082;
	s9 =	sld [smem:$0x3FA1]  }
0x2f: {  	lr =	sadd.s32 s0, s3;
	s0 =	sld [smem:$0x3F98]  }
0x30: {  	s3 =	sld [smem:$0x3F9B]  }
0x31: {  	[smem:$0x3FA4] =	sst s10  }
0x32: {  	s10 =	sld [smem:$0x3FA2];
	_ =	sdelay $0x3  }
0x33: {  	p0 =	seq.s32 s10, $0x1;
	s10 =	sld [smem:$0x3FA4];
	_ =	sdelay $0x3  }
0x34: {  	[smem:$0x3FA4] =	sst s10  }
0x35: {  	s10 =	sld [smem:$0x3FA3];
	_ =	sdelay $0x3  }
0x36: {  	p1 =	seq.s32 s10, $0x1;
	s10 =	sld [smem:$0x3FA4];
	_ =	sdelay $0x3  }
0x37: {  	[smem:$0x3FA4] =	sst s10  }
0x38: {  	s10 =	sld [smem:$0x3FA5]  }
0x39: {  	_ = 	snop;
	(pc) =	sbr.ind lr, $3  }
0x3a: {  	_ = 	snop  }
0x3b: {  	_ = 	snop  }
0x3c: {  	p2 =	seq.s32 s10, $0x1;
	s10 =	sld [smem:$0x3FA4]  }
0x3d: {  	_ =	shalt  }
0x3e: {  	_ =	shalt  }
0x3f: {  	_ =	shalt  }
0x40: {  	_ =	shalt  }
0x41: {  	_ =	shalt  }
0x42: {  	_ =	shalt  }
0x43: {  	_ =	shalt  }
0x44: {  	_ =	shalt  }
0x45: {  	_ =	shalt  }
0x46: {  	_ =	shalt  }
0x47: {  	_ =	shalt  }
0x48: {  	_ =	shalt  }
0x49: {  	_ =	shalt  }
0x4a: {  	_ =	shalt  }
0x4b: {  	_ =	shalt  }
0x4c: {  	_ =	shalt  }
0x4d: {  	_ =	shalt  }
0x4e: {  	_ =	shalt  }
0x4f: {  	_ =	shalt  }
0x50: {  	_ =	shalt  }
0x51: {  	_ =	shalt  }
0x52: {  	_ =	shalt  }
0x53: {  	_ =	shalt  }
0x54: {  	_ =	shalt  }
0x55: {  	_ =	shalt  }
0x56: {  	_ =	shalt  }
0x57: {  	_ =	shalt  }
0x58: {  	_ =	shalt  }
0x59: {  	_ =	shalt  }
0x5a: {  	_ =	shalt  }
0x5b: {  	_ =	shalt  }
0x5c: {  	_ =	shalt  }
0x5d: {  	_ =	shalt  }
0x5e: {  	_ =	shalt  }
0x5f: {  	_ =	shalt  }
0x60: {  	_ =	shalt  }
0x61: {  	_ =	shalt  }
0x62: {  	_ =	shalt  }
0x63: {  	_ =	shalt  }
0x64: {  	_ =	shalt  }
0x65: {  	_ =	shalt  }
0x66: {  	_ =	shalt  }
0x67: {  	_ =	shalt  }
0x68: {  	_ =	shalt  }
0x69: {  	_ =	shalt  }
0x6a: {  	_ =	shalt  }
0x6b: {  	_ =	shalt  }
0x6c: {  	_ =	shalt  }
0x6d: {  	_ =	shalt  }
0x6e: {  	_ =	shalt  }
0x6f: {  	_ =	shalt  }
0x70: {  	_ =	shalt  }
0x71: {  	_ =	shalt  }
0x72: {  	_ =	shalt  }
0x73: {  	_ =	shalt  }
0x74: {  	_ =	shalt  }
0x75: {  	_ =	shalt  }
0x76: {  	_ =	shalt  }
0x77: {  	_ =	shalt  }
0x78: {  	_ =	shalt  }
0x79: {  	_ =	shalt  }
0x7a: {  	_ =	shalt  }
0x7b: {  	_ =	shalt  }
0x7c: {  	_ =	shalt  }
0x7d: {  	_ =	shalt  }
0x7e: {  	_ =	shalt  }
0x7f: {  	_ =	shalt  }
0x80: {  	_ =	shalt  }
0x81: {  	_ =	shalt  }
0x82: {  	_ =	shalt  }
0x83: {  	_ =	shalt  }
0x84: {  	_ =	shalt  }
0x85: {  	_ =	shalt  }
0x86: {  	_ =	shalt  }
0x87: {  	_ =	shalt  }
.Lfunc_end0:
.L_simem_size_0:
called_computation.4_lowered:
.L_overlay_start_0:
0x88: {  	s2 =	sld [smem:$0x3FD9]  }
0x89: {  	s3 =	sld [smem:$0x3FFE];
	_ =	sdelay $0x1  }
0x8a: {  	s1 =	srdreg.scid  }
0x8b: {  	s0 =	sand.u32 $0x1, s1  }
0x8c: {  	s17 =	sshll.u32 s0, $0xA;
	s2 =	sadd.s32 s3, s2  }
0x8d: {  	s2 =	sadd.s32 s2, s17  }
0x8e: {  	[smem:$0x3FB0] =	sst s2  }
0x8f: {  	_ = 	snop  }
0x90: {  	s2 =	sld [smem:$0x3FD0];
	(tm) =	ssettm $0x1  }
0x91: {  	s18 =	sld [smem:$0x3FFB];
	_ =	sdelay $0x3  }
0x92: {  	_ =	strace s18  }
0x93: {  	s3 =	sld [smem:$0x3FFC];
	_ =	sdelay $0x3  }
0x94: {  	_ =	strace s3  }
0x95: {  	s3 =	sld [smem:$0x3FFD];
	_ =	sdelay $0x3  }
0x96: {  	_ =	strace s3  }
0x97: {  	_ =	strace $0x8FFFFFFF  }
0x98: {  	s19 =	sld [smem:$0x3FDB];
	_ =	sdelay $0x1  }
0x99: {  	s4 =	simm.s32 $_scs_section_size  }
0x9a: {  	s5 =	simm.s32 $_size__tile_overlayer_lowered;
	s6 =	simm.s32 $_tile_overlayer_lowered  }
0x9b: {  	s22 =	simm.s32 $0x1BFF;
	s21 =	sshll.u32 s6, $0x1;
	s3 =	sadd.s32 s4, s19  }
0x9c: {  	s7 =	simm.s32 $0x0;
	s20 =	sshll.u32 s5, $0x1;
	s5 =	sadd.s32 s21, s3  }
0x9d: {  	[timem:s7], [sflag:s22] =	dma.local [hbm:s5], s20  }
0x9e: {  	_ =	swait.ge [sflag:s22], s20  }
0x9f: {  	s4 =	ssub.s32 $0x0, s20;
	[sflag:s22] =	ssyncset.done $0x0  }
0xa0: {  	[sflag:s22] =	ssyncadd.s32 s4;
	_ =	sdelay $0x1  }
0xa1: {  	s23 =	simm.s32 $0x1B8B  }
0xa2: {  	_ =	swait.ge [sflag:s23], $0x1  }
0xa3: {  	[sflag:s23] =	ssyncset.done $0x0  }
0xa4: {  	s25 =	simm.s32 $0x1B8E;
	s24 =	sld [smem:$0x3FFE];
	[sflag:s23] =	ssyncadd.s32 $0xFFFFFFFF  }
0xa5: {  	s26 =	simm.s32 $execute0_lowered;
	[smem:$0x3FD2] =	sst s25  }
0xa6: {  	s5 =	sshll.u32 s26, $0x1;
	_ =	strace $0x80000052;
	[dreg:$0x1] =	wrdreg $0xFFFFFFFF  }
0xa7: {  	s28 =	simm.s32 $_size_execute0_lowered;
	s3 =	sadd.s32 s3, s5;
	[dreg:$0x0] =	wrdreg $0x0  }
0xa8: {  	s5 =	sshll.u32 s28, $0x1;
	[dreg:$0x2] =	wrdreg s3  }
0xa9: {  	[dreg:$0x3] =	wrdreg s5  }
0xaa: {  	[dreg:$0x4] =	wrdreg $0xC0  }
0xab: {  	_ =	task [dreg:s7], $0x5FFFF  }
0xac: {  	[dreg:$0x1] =	wrdreg $0xFFFFFFFF  }
0xad: {  	[dreg:$0x0] =	wrdreg $0x60  }
0xae: {  	[dreg:$0x2] =	wrdreg s2  }
0xaf: {  	[dreg:$0x3] =	wrdreg s24  }
0xb0: {  	[dreg:$0x4] =	wrdreg $0xA8000  }
0xb1: {  	[dreg:$0x5] =	wrdreg $0x9  }
0xb2: {  	_ =	task.clear_ibuf [dreg:s7], $0x6FFFF;
	_ =	strace $0x90000052  }
0xb3: {  	s29 =	simm.s32 $0x9;
	_ =	strace $0x80000054  }
0xb4: {  	_ =	swait.ge [sflag:s29], $0x1  }
0xb5: {  	[sflag:s29] =	ssyncadd.s32 $0xFFFFFFFF  }
0xb6: {  	_ =	strace $0x90000054  }
0xb7: {  	_ =	sfence  }
0xb8: {  	s30 =	sld [smem:$0x0];
	_ =	sdelay $0x2  }
0xb9: {  	s31 =	sshll.u32 s1, $0xD;
	s1 =	sshrl.u32 s1, $0x2  }
0xba: {  	s3 =	sand.u32 $0x4000, s31;
	s1 =	sadd.s32 s1, s30  }
0xbb: {  	s0 =	sor.u32 s3, s0;
	s1 =	sshll.u32 s1, $0x11  }
0xbc: {  	s0 =	sor.u32 s1, s0  }
0xbd: {  	s0 =	sadd.s32 $0x8F2B, s0  }
0xbe: {  	[sflag:s0] =	ssyncadd.remote.s32 $0x1  }
0xbf: {  	_ =	sfence.sel $0xFFFF  }
0xc0: {  	[dreg:$0x0] =	wrdreg $0xFFFFFFFF;
	(pc) =	sbr.abs _section_cstart, $3  }
0xc1: {  	[dreg:$0x1] =	wrdreg $0xFFFFFFFF  }
0xc2: {  	_ =	task.clear_ibuf [dreg:s7], $0x2FFFF;
	_ =	strace $0x9FFFFFFF  }
0xc3: {  	(tm) =	ssettm $0x7FFFFFFF  }
tec
execute0_lowered:
.L_overlay_start_1:
0x0: {  	(tag) =	ssettag $0x1  }
0x1: {  	s1 =	rddreg [dreg:$0x0]  }
0x2: {  	s0 =	rddreg [dreg:$0x1]  }
0x3: {  	s3 =	rddreg [dreg:$0x2];
	s2 =	srdreg.scid;
	s4 =	simm.s32 $0x0  }
0x4: {  	s17 =	stileid.u32;
	s14 =	simm.s32 $0x5;
	s15 =	simm.s32 $0x1400  }
0x5: {  	s16 =	simm.s32 $0x80;
	s21 =	simm.s32 $0x1;
	s22 =	simm.s32 $0x6800  }
0x6: {  	s23 =	simm.s32 $0x2;
	s24 =	simm.s32 $0x3;
	s25 =	simm.s32 $0x100  }
0x7: {  	s28 =	simm.s32 $0x4;
	s30 =	simm.s32 $0x2700;
	s2 =	sand.u32 $0x1, s2  }
0x8: {  	[smem:$0x7FF] =	sst s4;
	s5 =	smul.u32 $0x2700, s17;
	s10 =	sadd.s32 $0xF400, s0  }
0x9: {  	s11 =	sadd.s32 $0x5400, s0;
	s9 =	smul.u32 $0x4E000, s17;
	s20 =	sadd.s32 $0x138000, s3  }
0xa: {  	p0 =	sne.s32 s17, $0xF;
	s31 =	sshll.u32 s17, $0x6;
	s6 =	sshll.u32 s2, $0x4  }
0xb: {  	_ =	strace $0x80000053;
	s7 =	smul.u32 $0x27200, s2;
	s2 =	ssub.s32 $0x2, s2  }
0xc: {  	s18 =	sor.u32 $0x1C05, s31;
	s20 =	sshrl.u32 @!p0 s20, $0x3;
	s6 =	sor.u32 s17, s6  }
0xd: {  	s8 =	sadd.s32 s5, s0;
	s26 =	sshrl.u32 s2, $0x1;
	s9 =	sshrl.u32 s9, $0x2  }
0xe: {  	s17 =	simm.s32 $0x2800;
	s6 =	smul.u32 $0x2800, s6;
	s12 =	sadd.s32 s7, s0  }
0xf: {  	s2 =	ssub.s32 s2, s26;
	s19 =	sadd.s32 s9, s3;
	s8 =	sadd.s32 $0x19400, s8  }
0x10: {  	s9 =	sadd.s32 $0x40400, s0;
	s26 =	simm.s32 $0x1480;
	s0 =	simm.s32 $0x0  }
0x11: {  	s12 =	sadd.s32 $0x40600, s12;
	s19 =	sshrl.u32 s19, $0x3;
	s13 =	sshrl.u32 s6, $0x3  }
0x12: {  	s6 =	sadd.s32 s10, s13;
	s7 =	sadd.s32 s11, s13;
	s29 =	sadd.s32 $0x280, s13  }
0x13: {  	s13 =	smax.u32 s2, $0x1;
	s10 =	sadd.s32 s10, s29;
	s11 =	sadd.s32 s11, s29  }
.LBB2_1:
0x14: {  	[tilespmem:s4], [sflag:$0x5] =	stream.linear.gather [hbm4b:s6+s4], $0x1400, $0x38;
	[tilespmem:$0x1E100] =	vst v63  }
0x15: {  	_ =	swait.ge [sflag:s14], $0x1400  }
0x16: {  	[sflag:s14] =	ssyncset.done $0x0  }
0x17: {  	[sflag:s14] =	ssyncadd.s32 $0xFFFFEC00  }
0x18: {  	[tilespmem:s15], [sflag:$0x5] =	stream.linear.gather [hbm4b:s7+s4], $0x1400, $0x38;
	[tilespmem:$0x1E100] =	vst v63  }
0x19: {  	_ =	swait.ge [sflag:s14], $0x1400  }
0x1a: {  	[sflag:s14] =	ssyncset.done $0x0  }
0x1b: {  	[sflag:s14] =	ssyncadd.s32 $0xFFFFEC00  }
0x1c: {  	[tilespmem:s17], [sflag:$0x1] =	stream.indirect.gather [hbm4b:s1+s16], $0x80, s4, s16, $0xb8;
	[tilespmem:$0x1E100] =	vst v63  }
0x1d: {  	[spmem:s19], [sflag:s18] =	dma.local [hbm:s8], $0x2700  }
0x1e: {  	_ =	swait.ge [sflag:s14], $0x2700  }
0x1f: {  	[sflag:s14] =	ssyncset.done $0x0  }
0x20: {  	s2 =	simm.s32 @!p0 $0x5;
	[sflag:s14] =	ssyncadd.s32 $0xFFFFD900  }
0x21: {  	[spmem:s20], [sflag:s18] =	dma.local @!p0 [hbm:s9], $0x200  }
0x22: {  	_ =	swait.ge @!p0 [sflag:s2], $0x200  }
0x23: {  	[sflag:s2] =	ssyncset.done @!p0 $0x0  }
0x24: {  	[sflag:s2] =	ssyncadd.s32 @!p0 $0xFFFFFE00  }
0x25: {  	[bflag:$0x0] =	sbarrier.arrive $0xFFFF  }
0x26: {  	_ =	swait.ge [sflag:s21], $0x4000  }
0x27: {  	[sflag:s21] =	ssyncset.done $0x0  }
0x28: {  	[sflag:s21] =	ssyncadd.s32 $0xFFFFC000  }
0x29: {  	[tilespmem:s22], [sflag:$0x2] =	stream.indirect.gather [hbm4b:s1+s16], $0x80, s16, s16, $0xb8;
	[tilespmem:$0x1E100] =	vst v63  }
0x2a: {  	_ = 	snop  }
0x2b: {  	[spmem:s3] =	stream.indirect.scatter.add.f32 [tilespmem:s17], [sflag:$0x3], $0x80, s15, s16, $0xb8;
	[tilespmem:$0x1E100] =	vst v63  }
0x2c: {  	_ =	swait.ge [sflag:s23], $0x4000  }
0x2d: {  	[sflag:s23] =	ssyncset.done $0x0  }
0x2e: {  	[sflag:s23] =	ssyncadd.s32 $0xFFFFC000  }
0x2f: {  	_ =	swait.ge [sflag:s24], $0x4000  }
0x30: {  	[sflag:s24] =	ssyncset.done $0x0  }
0x31: {  	[sflag:s24] =	ssyncadd.s32 $0xFFFFC000  }
0x32: {  	[tilespmem:s17], [sflag:$0x1] =	stream.indirect.gather [hbm4b:s1+s16], $0x80, s25, s16, $0xb8;
	[tilespmem:$0x1E100] =	vst v63  }
0x33: {  	_ = 	snop  }
0x34: {  	[spmem:s3] =	stream.indirect.scatter.add.f32 [tilespmem:s22], [sflag:$0x4], $0x80, s26, s16, $0xb8;
	[tilespmem:$0x1E100] =	vst v63  }
0x35: {  	_ =	swait.ge [sflag:s21], $0x4000  }
0x36: {  	[sflag:s21] =	ssyncset.done $0x0  }
0x37: {  	[sflag:s21] =	ssyncadd.s32 $0xFFFFC000  }
0x38: {  	_ =	swait.ge [sflag:s28], $0x4000  }
0x39: {  	[sflag:s28] =	ssyncset.done $0x0  }
0x3a: {  	s31 =	simm.s32 $0x180;
	[sflag:s28] =	ssyncadd.s32 $0xFFFFC000  }
0x3b: {  	[tilespmem:s22], [sflag:$0x2] =	stream.indirect.gather [hbm4b:s1+s16], $0x80, s31, s16, $0xb8;
	[tilespmem:$0x1E100] =	vst v63  }
0x3c: {  	s31 =	simm.s32 $0x1500  }
0x3d: {  	[spmem:s3] =	stream.indirect.scatter.add.f32 [tilespmem:s17], [sflag:$0x3], $0x80, s31, s16, $0xb8;
	[tilespmem:$0x1E100] =	vst v63  }
0x3e: {  	_ =	swait.ge [sflag:s23], $0x4000  }
0x3f: {  	[sflag:s23] =	ssyncset.done $0x0  }
0x40: {  	[sflag:s23] =	ssyncadd.s32 $0xFFFFC000  }
0x41: {  	_ =	swait.ge [sflag:s24], $0x4000  }
0x42: {  	s29 =	simm.s32 $0x1580;
	[sflag:s24] =	ssyncset.done $0x0  }
0x43: {  	s2 =	simm.s32 $0xFFFFBC00;
	s31 =	simm.s32 $0x200;
	[sflag:s24] =	ssyncadd.s32 $0xFFFFC000  }
0x44: {  	[tilespmem:s17], [sflag:$0x1] =	stream.indirect.gather [hbm4b:s1+s16], $0x80, s31, s16, $0xb8;
	[tilespmem:$0x1E100] =	vst v63  }
.LBB2_2:
0x45: {  	[spmem:s3] =	stream.indirect.scatter.add.f32 [tilespmem:s22], [sflag:$0x4], $0x80, s29, s16, $0xb8;
	[tilespmem:$0x1E100] =	vst v63  }
0x46: {  	s29 =	smov.u32 s2  }
0x47: {  	p1 =	sne.s32 s2, $0xFFFFFC00;
	s2 =	sadd.s32 $0x400, s2;
	_ =	swait.ge [sflag:s21], $0x4000  }
0x48: {  	[sflag:s21] =	ssyncset.done $0x0  }
0x49: {  	[sflag:s21] =	ssyncadd.s32 $0xFFFFC000  }
0x4a: {  	_ =	swait.ge [sflag:s28], $0x4000  }
0x4b: {  	s29 =	sshra.s32 s29, $0x2;
	[sflag:s28] =	ssyncset.done $0x0  }
0x4c: {  	s31 =	sadd.s32 $0x1380, s29;
	[sflag:s28] =	ssyncadd.s32 $0xFFFFC000  }
0x4d: {  	[tilespmem:s22], [sflag:$0x2] =	stream.indirect.gather [hbm4b:s1+s16], $0x80, s31, s16, $0xb8;
	[tilespmem:$0x1E100] =	vst v63  }
0x4e: {  	s31 =	sadd.s32 $0x2700, s29  }
0x4f: {  	[spmem:s3] =	stream.indirect.scatter.add.f32 [tilespmem:s17], [sflag:$0x3], $0x80, s31, s16, $0xb8;
	[tilespmem:$0x1E100] =	vst v63  }
0x50: {  	_ =	swait.ge [sflag:s23], $0x4000  }
0x51: {  	[sflag:s23] =	ssyncset.done $0x0  }
0x52: {  	[sflag:s23] =	ssyncadd.s32 $0xFFFFC000  }
.Ltmp0:
0x53: {  	_ =	swait.ge [sflag:s24], $0x4000;
	(pc) =	sbr.rel @p1 .LBB2_2-.Ltmp0, $4  }
0x54: {  	[sflag:s24] =	ssyncset.done $0x0  }
0x55: {  	s31 =	sadd.s32 $0x1400, s29;
	[sflag:s24] =	ssyncadd.s32 $0xFFFFC000  }
0x56: {  	[tilespmem:s17], [sflag:$0x1] =	stream.indirect.gather [hbm4b:s1+s16], $0x80, s31, s16, $0xb8;
	[tilespmem:$0x1E100] =	vst v63  }
0x57: {  	s29 =	sadd.s32 $0x2780, s29  }
0x58: {  	[spmem:s3] =	stream.indirect.scatter.add.f32 [tilespmem:s22], [sflag:$0x4], $0x80, s29, s16, $0xb8;
	[tilespmem:$0x1E100] =	vst v63  }
0x59: {  	_ =	swait.ge [sflag:s28], $0x4000  }
0x5a: {  	[sflag:s28] =	ssyncset.done $0x0  }
0x5b: {  	[sflag:s28] =	ssyncadd.s32 $0xFFFFC000  }
0x5c: {  	_ =	swait.ge [sflag:s21], $0x4000  }
0x5d: {  	[sflag:s21] =	ssyncset.done $0x0  }
0x5e: {  	s2 =	simm.s32 $0x1380;
	[sflag:s21] =	ssyncadd.s32 $0xFFFFC000  }
0x5f: {  	[tilespmem:s22], [sflag:$0x2] =	stream.indirect.gather [hbm4b:s1+s16], $0x80, s2, s16, $0xb8;
	[tilespmem:$0x1E100] =	vst v63  }
0x60: {  	_ = 	snop  }
0x61: {  	[spmem:s3] =	stream.indirect.scatter.add.f32 [tilespmem:s17], [sflag:$0x3], $0x80, s30, s16, $0xb8;
	[tilespmem:$0x1E100] =	vst v63  }
0x62: {  	_ =	swait.ge [sflag:s23], $0x4000  }
0x63: {  	[sflag:s23] =	ssyncset.done $0x0  }
0x64: {  	[sflag:s23] =	ssyncadd.s32 $0xFFFFC000  }
0x65: {  	_ =	swait.ge [sflag:s24], $0x4000  }
0x66: {  	[sflag:s24] =	ssyncset.done $0x0  }
0x67: {  	s31 =	simm.s32 $0x2780;
	[sflag:s24] =	ssyncadd.s32 $0xFFFFC000  }
0x68: {  	[spmem:s3] =	stream.indirect.scatter.add.f32 [tilespmem:s22], [sflag:$0x4], $0x80, s31, s16, $0xb8;
	[tilespmem:$0x1E100] =	vst v63  }
0x69: {  	_ =	swait.ge [sflag:s28], $0x4000  }
0x6a: {  	[sflag:s28] =	ssyncset.done $0x0  }
0x6b: {  	[sflag:s28] =	ssyncadd.s32 $0xFFFFC000  }
0x6c: {  	[tilespmem:s4], [sflag:$0x5] =	stream.linear.gather [hbm4b:s10+s4], $0x1380, $0x38;
	[tilespmem:$0x1E100] =	vst v63  }
0x6d: {  	_ =	swait.ge [sflag:s14], $0x1380  }
0x6e: {  	[sflag:s14] =	ssyncset.done $0x0  }
0x6f: {  	[sflag:s14] =	ssyncadd.s32 $0xFFFFEC80  }
0x70: {  	[tilespmem:s15], [sflag:$0x5] =	stream.linear.gather [hbm4b:s11+s4], $0x1380, $0x38;
	[tilespmem:$0x1E100] =	vst v63  }
0x71: {  	_ =	swait.ge [sflag:s14], $0x1380  }
0x72: {  	[sflag:s14] =	ssyncset.done $0x0  }
0x73: {  	[sflag:s14] =	ssyncadd.s32 $0xFFFFEC80  }
0x74: {  	[tilespmem:s17], [sflag:$0x1] =	stream.indirect.gather [hbm4b:s1+s16], $0x80, s4, s16, $0xb8;
	[tilespmem:$0x1E100] =	vst v63  }
0x75: {  	_ =	swait.ge [sflag:s21], $0x4000  }
0x76: {  	[sflag:s21] =	ssyncset.done $0x0  }
0x77: {  	[sflag:s21] =	ssyncadd.s32 $0xFFFFC000  }
0x78: {  	[tilespmem:s22], [sflag:$0x2] =	stream.indirect.gather [hbm4b:s1+s16], $0x80, s16, s16, $0xb8;
	[tilespmem:$0x1E100] =	vst v63  }
0x79: {  	_ = 	snop  }
0x7a: {  	[spmem:s3] =	stream.indirect.scatter.add.f32 [tilespmem:s17], [sflag:$0x3], $0x80, s15, s16, $0xb8;
	[tilespmem:$0x1E100] =	vst v63  }
0x7b: {  	_ =	swait.ge [sflag:s23], $0x4000  }
0x7c: {  	[sflag:s23] =	ssyncset.done $0x0  }
0x7d: {  	[sflag:s23] =	ssyncadd.s32 $0xFFFFC000  }
0x7e: {  	_ =	swait.ge [sflag:s24], $0x4000  }
0x7f: {  	[sflag:s24] =	ssyncset.done $0x0  }
0x80: {  	[sflag:s24] =	ssyncadd.s32 $0xFFFFC000  }
0x81: {  	[tilespmem:s17], [sflag:$0x1] =	stream.indirect.gather [hbm4b:s1+s16], $0x80, s25, s16, $0xb8;
	[tilespmem:$0x1E100] =	vst v63  }
0x82: {  	_ = 	snop  }
0x83: {  	[spmem:s3] =	stream.indirect.scatter.add.f32 [tilespmem:s22], [sflag:$0x4], $0x80, s26, s16, $0xb8;
	[tilespmem:$0x1E100] =	vst v63  }
0x84: {  	_ =	swait.ge [sflag:s21], $0x4000  }
0x85: {  	[sflag:s21] =	ssyncset.done $0x0  }
0x86: {  	[sflag:s21] =	ssyncadd.s32 $0xFFFFC000  }
0x87: {  	_ =	swait.ge [sflag:s28], $0x4000  }
0x88: {  	[sflag:s28] =	ssyncset.done $0x0  }
0x89: {  	s31 =	simm.s32 $0x180;
	[sflag:s28] =	ssyncadd.s32 $0xFFFFC000  }
0x8a: {  	[tilespmem:s22], [sflag:$0x2] =	stream.indirect.gather [hbm4b:s1+s16], $0x80, s31, s16, $0xb8;
	[tilespmem:$0x1E100] =	vst v63  }
0x8b: {  	s31 =	simm.s32 $0x1500  }
0x8c: {  	[spmem:s3] =	stream.indirect.scatter.add.f32 [tilespmem:s17], [sflag:$0x3], $0x80, s31, s16, $0xb8;
	[tilespmem:$0x1E100] =	vst v63  }
0x8d: {  	_ =	swait.ge [sflag:s23], $0x4000  }
0x8e: {  	[sflag:s23] =	ssyncset.done $0x0  }
0x8f: {  	[sflag:s23] =	ssyncadd.s32 $0xFFFFC000  }
0x90: {  	_ =	swait.ge [sflag:s24], $0x4000  }
0x91: {  	s29 =	simm.s32 $0x1580;
	[sflag:s24] =	ssyncset.done $0x0  }
0x92: {  	s2 =	simm.s32 $0xFFFFBC00;
	s31 =	simm.s32 $0x200;
	[sflag:s24] =	ssyncadd.s32 $0xFFFFC000  }
0x93: {  	[tilespmem:s17], [sflag:$0x1] =	stream.indirect.gather [hbm4b:s1+s16], $0x80, s31, s16, $0xb8;
	[tilespmem:$0x1E100] =	vst v63  }
.LBB2_4:
0x94: {  	[spmem:s3] =	stream.indirect.scatter.add.f32 [tilespmem:s22], [sflag:$0x4], $0x80, s29, s16, $0xb8;
	[tilespmem:$0x1E100] =	vst v63  }
0x95: {  	s29 =	smov.u32 s2  }
0x96: {  	p1 =	sne.s32 s2, $0xFFFFFC00;
	s2 =	sadd.s32 $0x400, s2;
	_ =	swait.ge [sflag:s21], $0x4000  }
0x97: {  	[sflag:s21] =	ssyncset.done $0x0  }
0x98: {  	[sflag:s21] =	ssyncadd.s32 $0xFFFFC000  }
0x99: {  	_ =	swait.ge [sflag:s28], $0x4000  }
0x9a: {  	s29 =	sshra.s32 s29, $0x2;
	[sflag:s28] =	ssyncset.done $0x0  }
0x9b: {  	s31 =	sadd.s32 $0x1380, s29;
	[sflag:s28] =	ssyncadd.s32 $0xFFFFC000  }
0x9c: {  	[tilespmem:s22], [sflag:$0x2] =	stream.indirect.gather [hbm4b:s1+s16], $0x80, s31, s16, $0xb8;
	[tilespmem:$0x1E100] =	vst v63  }
0x9d: {  	s31 =	sadd.s32 $0x2700, s29  }
0x9e: {  	[spmem:s3] =	stream.indirect.scatter.add.f32 [tilespmem:s17], [sflag:$0x3], $0x80, s31, s16, $0xb8;
	[tilespmem:$0x1E100] =	vst v63  }
0x9f: {  	_ =	swait.ge [sflag:s23], $0x4000  }
0xa0: {  	[sflag:s23] =	ssyncset.done $0x0  }
0xa1: {  	[sflag:s23] =	ssyncadd.s32 $0xFFFFC000  }
.Ltmp1:
0xa2: {  	_ =	swait.ge [sflag:s24], $0x4000;
	(pc) =	sbr.rel @p1 .LBB2_4-.Ltmp1, $4  }
0xa3: {  	[sflag:s24] =	ssyncset.done $0x0  }
0xa4: {  	s31 =	sadd.s32 $0x1400, s29;
	[sflag:s24] =	ssyncadd.s32 $0xFFFFC000  }
0xa5: {  	[tilespmem:s17], [sflag:$0x1] =	stream.indirect.gather [hbm4b:s1+s16], $0x80, s31, s16, $0xb8;
	[tilespmem:$0x1E100] =	vst v63  }
0xa6: {  	s29 =	sadd.s32 $0x2780, s29  }
0xa7: {  	[spmem:s3] =	stream.indirect.scatter.add.f32 [tilespmem:s22], [sflag:$0x4], $0x80, s29, s16, $0xb8;
	[tilespmem:$0x1E100] =	vst v63  }
0xa8: {  	_ =	swait.ge [sflag:s28], $0x4000  }
0xa9: {  	[sflag:s28] =	ssyncset.done $0x0  }
0xaa: {  	[sflag:s28] =	ssyncadd.s32 $0xFFFFC000  }
0xab: {  	_ =	swait.ge [sflag:s21], $0x4000  }
0xac: {  	[sflag:s21] =	ssyncset.done $0x0  }
0xad: {  	[sflag:s21] =	ssyncadd.s32 $0xFFFFC000  }
0xae: {  	[spmem:s3] =	stream.indirect.scatter.add.f32 [tilespmem:s17], [sflag:$0x3], $0x80, s30, s16, $0xb8;
	[tilespmem:$0x1E100] =	vst v63  }
0xaf: {  	_ =	swait.ge [sflag:s24], $0x4000  }
0xb0: {  	[sflag:s24] =	ssyncset.done $0x0  }
0xb1: {  	[sflag:s24] =	ssyncadd.s32 $0xFFFFC000  }
0xb2: {  	s2 =	sadd.s32 s5, s12;
	[bflag:$0x0] =	sbarrier.arrive $0xFFFF  }
0xb3: {  	[hbm:s2], [sflag:s18] =	dma.local [spmem:s19], $0x2700  }
0xb4: {  	_ =	swait.ge [sflag:s14], $0x2700  }
0xb5: {  	s0 =	sadd.s32 $0x1, s0;
	[sflag:s14] =	ssyncset.done $0x0  }
0xb6: {  	p1 =	sne.s32 s0, s13;
	s2 =	sadd.s32 @!p0 $0x27000, s12;
	[sflag:s14] =	ssyncadd.s32 $0xFFFFD900  }
0xb7: {  	[hbm:s2], [sflag:s18] =	dma.local @!p0 [spmem:s20], $0x200  }
.Ltmp2:
0xb8: {  	_ = 	snop;
	(pc) =	sbr.rel @p1 .LBB2_1-.Ltmp2, $4  }
0xb9: {  	s2 =	simm.s32 @!p0 $0x5  }
0xba: {  	_ =	swait.ge @!p0 [sflag:s2], $0x200  }
0xbb: {  	[sflag:s2] =	ssyncset.done @!p0 $0x0  }
0xbc: {  	[sflag:s2] =	ssyncadd.s32 @!p0 $0xFFFFFE00  }
0xbd: {  	_ =	sfence.sel $0x180000  }
0xbe: {  	[bflag:$0x0] =	sbarrier.arrive $0xFFFF  }
0xbf: {  	_ =	strace $0x90000053  }
0xc0: {  	s0 =	stileid.u32;
	[bflag:$0x2] =	sbarrier.arrive $0xFFFF  }
0xc1: {  	p0 =	sne.s32 s0, $0x0;
	s0 =	rddreg [dreg:$0x3]  }
0xc2: {  	s0 =	sadd.s32 @!p0 $0x100000, s0  }
0xc3: {  	[sflag:s0] =	ssyncadd.tile.s32 @!p0 $0x1;
	_ =	shalt  }
.Lfunc_end2:
_tile_overlayer_lowered:
.L_overlay_start_2:
0xc4: {  	(tag) =	ssettag $0x2  }
0xc5: {  	s0 =	rddreg [dreg:$0x0];
	s2 =	stileid.u32  }
0xc6: {  	s1 =	rddreg [dreg:$0x1];
	p0 =	sne.s32 s2, $0x0  }
0xc7: {  	s3 =	rddreg [dreg:$0x2];
	[bflag:$0x3] =	sbarrier.arrive $0xFFFF;
	s2 =	simm.s32 @!p0 $0x1C05  }
0xc8: {  	[timem:s3], [sflag:s2] =	dma.local @!p0 [hbm:s0], s1  }
0xc9: {  	s0 =	simm.s32 @!p0 $0x5  }
0xca: {  	_ =	swait.ge @!p0 [sflag:s0], s1  }
0xcb: {  	s1 =	ssub.s32 @!p0 $0x0, s1;
	[sflag:s0] =	ssyncset.done @!p0 $0x0  }
0xcc: {  	[sflag:s0] =	ssyncadd.s32 @!p0 s1  }
0xcd: {  	[bflag:$0x3] =	sbarrier.arrive $0xFFFF  }
0xce: {  	_ =	shalt  }

</sc_bundles>
